<compile_context>
chip_gen: v7x
topology: tpu7x:2x2x1
jax: 0.10.2.dev20260603
libtpu: 0.0.44.dev20260713+nightly
codegen_flags: <defaults>
</compile_context>

<pallas_src>
import functools

import jax
import jax.numpy as jnp
from jax import lax
from jax.experimental import pallas as pl
from jax.experimental.pallas import tpu as pltpu
from jax.experimental.pallas import tpu_sc as plsc

BATCH = 16384
EMB = 32
ROWS = 1000000
LANES = 16
NUM_WORKERS = 32
BPW = BATCH // NUM_WORKERS
NCHUNK = 4
CHUNK = BPW // NCHUNK
GROUPS = BPW // LANES
GPC = CHUNK // LANES
NB = 7
BPITCH = 129
SPITCH = 513


def _mf_body(user_hbm, item_hbm, pt_hbm, qt_hbm, out_hbm,
             uidx, iidx, ublk, iblk, stage, outv, sems):
    wid = lax.axis_index("s") * 2 + lax.axis_index("c")
    base = wid * BPW

    for j in range(NCHUNK):
        pltpu.sync_copy(user_hbm.at[pl.ds(base + j * CHUNK, CHUNK)], uidx.at[j])
        pltpu.sync_copy(item_hbm.at[pl.ds(base + j * CHUNK, CHUNK)], iidx.at[j])

    dvec0 = lax.iota(jnp.int32, LANES)
    dvec1 = dvec0 + LANES

    def _load_group(g):
        j = g // GPC
        o = (g % GPC) * LANES
        return uidx[j, pl.ds(o, LANES)], iidx[j, pl.ds(o, LANES)]

    def _fire(ru, ri, b):
        cu = pl.multiple_of((ru >> 7) << 7, 128)
        ci = pl.multiple_of((ri >> 7) << 7, 128)
        pltpu.async_copy(pt_hbm.at[:, pl.ds(cu, 128)],
                         ublk.at[b, :, pl.ds(0, 128)], sems.at[b])
        pltpu.async_copy(qt_hbm.at[:, pl.ds(ci, 128)],
                         iblk.at[b, :, pl.ds(0, 128)], sems.at[b])

    def _drain(b):
        pltpu.make_async_copy(pt_hbm.at[:, pl.ds(0, 128)],
                              ublk.at[b, :, pl.ds(0, 128)], sems.at[b]).wait()
        pltpu.make_async_copy(qt_hbm.at[:, pl.ds(0, 128)],
                              iblk.at[b, :, pl.ds(0, 128)], sems.at[b]).wait()

    def _consume(ru, ri, col, b):
        lu = jnp.full((LANES,), ru & 127, jnp.int32)
        li = jnp.full((LANES,), ri & 127, jnp.int32)
        bvec = jnp.full((LANES,), b, jnp.int32)
        u0 = plsc.load_gather(ublk, [bvec, dvec0, lu])
        u1 = plsc.load_gather(ublk, [bvec, dvec1, lu])
        i0 = plsc.load_gather(iblk, [bvec, dvec0, li])
        i1 = plsc.load_gather(iblk, [bvec, dvec1, li])
        part = u0 * i0 + u1 * i1
        plsc.store_scatter(stage, [dvec0, jnp.full((LANES,), col, jnp.int32)],
                           part)

    u16_0, w16_0 = _load_group(0)
    for b in range(NB):
        _fire(u16_0[b], w16_0[b], b)

    def loop_body(g, carry):
        cur_u, cur_w = carry
        gn = jnp.minimum(g + 1, GROUPS - 1)
        nxt_u, nxt_w = _load_group(gn)
        for l in range(LANES):
            b = lax.rem((LANES % NB) * g + l, NB)
            _drain(b)
            _consume(cur_u[l], cur_w[l], g * LANES + l, b)
            if l + NB < LANES:
                _fire(cur_u[l + NB], cur_w[l + NB], b)
            else:
                ln = l + NB - LANES

                @pl.when(g < GROUPS - 1)
                def _():
                    _fire(nxt_u[ln], nxt_w[ln], b)
        return nxt_u, nxt_w

    lax.fori_loop(0, GROUPS, loop_body, (u16_0, w16_0))

    def out_body(g, carry):
        s0 = g * LANES
        acc = stage[0, pl.ds(s0, LANES)]
        for j in range(1, LANES):
            acc = acc + stage[j, pl.ds(s0, LANES)]
        outv[pl.ds(s0, LANES)] = 1.0 / (1.0 + jnp.exp(-acc))
        return carry

    lax.fori_loop(0, GROUPS, out_body, 0)

    pltpu.sync_copy(outv, out_hbm.at[pl.ds(base, BPW)])


_mf_kernel = functools.partial(
    pl.kernel,
    mesh=plsc.VectorSubcoreMesh(core_axis_name="c", subcore_axis_name="s"),
    out_type=jax.ShapeDtypeStruct((BATCH,), jnp.float32),
    compiler_params=pltpu.CompilerParams(
        needs_layout_passes=False, use_tc_tiling_on_sc=True),
    scratch_types=[
        pltpu.VMEM((NCHUNK, CHUNK), jnp.int32),
        pltpu.VMEM((NCHUNK, CHUNK), jnp.int32),
        pltpu.VMEM((NB, EMB, BPITCH), jnp.float32),
        pltpu.VMEM((NB, EMB, BPITCH), jnp.float32),
        pltpu.VMEM((LANES, SPITCH), jnp.float32),
        pltpu.VMEM((BPW,), jnp.float32),
        pltpu.SemaphoreType.DMA((NB,)),
    ],
)(_mf_body)


@jax.jit
def kernel(x, P, Q):
    x = x.astype(jnp.int32)
    user = x[:, 0]
    item = x[:, 1]
    return _mf_kernel(user, item, P.T, Q.T)

# --- scband reference (transcript-rebuilt; emitter-appended) ---
"""Pipeline reference for scband-mfmodel-57226144252506 (READ-ONLY COPY).

The authoritative reference and input builder live on the scoring server;
editing this copy changes nothing except your own understanding.
"""

import jax, jax.numpy as jnp
import numpy as np

USER_CNT = 1000000
ITEM_CNT = 1000000
EMB_DIM = 32
BATCH = 16384

def setup_inputs(seed: int = 0) -> dict:
    key = jax.random.key(seed)
    k1, k2, k3 = jax.random.split(key, 3)
    x = jax.random.randint(k1, (BATCH, 2), 0, min(USER_CNT, ITEM_CNT), dtype=jnp.int64 if jax.config.jax_enable_x64 else jnp.int32).astype(jnp.int32)
    # xavier_uniform bound = sqrt(6/(fan_in+fan_out))
    bound = float(np.sqrt(6.0 / (USER_CNT + EMB_DIM)))
    P = jax.random.uniform(k2, (USER_CNT, EMB_DIM), dtype=jnp.float32, minval=-bound, maxval=bound)
    Q = jax.random.uniform(k3, (ITEM_CNT, EMB_DIM), dtype=jnp.float32, minval=-bound, maxval=bound)
    return {"x": x, "P": P, "Q": Q}

def reference(x, P, Q):
    x = x.astype(jnp.int32)
    user = x[:, 0]
    item = x[:, 1]
    u_emb = jnp.take(P, user, axis=0)
    i_emb = jnp.take(Q, item, axis=0)
    y = jnp.sum(u_emb * i_emb, axis=1)
    return jax.nn.sigmoid(y)

if __name__ == "__main__":
    import jax
    _d = setup_inputs()
    print(jax.jit(kernel)(*tuple(_d.values())))

</pallas_src>

<mosaic_0001>
#map = affine_map<(d0, d1) -> (0)>
#map1 = affine_map<(d0, d1) -> (0, 0)>
module attributes {stable_mosaic.version = 14 : i64} {
  func.func @_mf_body(%arg0: i32, %arg1: i32, %arg2: memref<16384xi32, #tpu.memory_space<hbm>>, %arg3: memref<16384xi32, #tpu.memory_space<hbm>>, %arg4: memref<32x1000000xf32, #tpu.memory_space<hbm>>, %arg5: memref<32x1000000xf32, #tpu.memory_space<hbm>>, %arg6: memref<16384xf32, #tpu.memory_space<hbm>>, %arg7: memref<4x128xi32, #tpu.memory_space<vmem>>, %arg8: memref<4x128xi32, #tpu.memory_space<vmem>>, %arg9: memref<7x32x129xf32, #tpu.memory_space<vmem>>, %arg10: memref<7x32x129xf32, #tpu.memory_space<vmem>>, %arg11: memref<16x513xf32, #tpu.memory_space<vmem>>, %arg12: memref<512xf32, #tpu.memory_space<vmem>>, %arg13: memref<7x!tpu.dma_semaphore, #tpu.memory_space<semaphore_mem>>) attributes {dimension_semantics = [#tpu.dimension_semantics<core_parallel>, #tpu.dimension_semantics<subcore_parallel>], iteration_bounds = array<i64: 2, 16>, scalar_prefetch = 0 : i64, scratch_operands = 7 : i64, tpu.core_type = #tpu.core_type<sc_vector_subcore>, window_params = [{transform_indices = #map}, {transform_indices = #map}, {transform_indices = #map1}, {transform_indices = #map1}, {transform_indices = #map}]} {
    %mul3A = arith.constant 2 : i32
    %mul3A_0 = arith.muli %arg1, %mul3A : i32
    %add3A = arith.addi %mul3A_0, %arg0 : i32
    %mul3A_1 = arith.constant 512 : i32
    %mul3A_2 = arith.muli %add3A, %mul3A_1 : i32
    %add3A_3 = arith.constant 0 : i32
    %add3A_4 = arith.addi %mul3A_2, %add3A_3 : i32
    %run_scoped3A = arith.constant 0 : i32
    "tpu.region"() ({
      %run_scoped3A_363 = tpu.sem_alloc : memref<!tpu.dma_semaphore, #tpu.memory_space<semaphore_mem>>
      %dma_start3A_364 = arith.constant 0 : i32
      %dma_start3A_365 = tpu.memref_slice %arg7[%run_scoped3A, %dma_start3A_364] : memref<4x128xi32, #tpu.memory_space<vmem>> -> memref<1x128xi32, #tpu.memory_space<vmem>>
      %dma_start3A_366 = tpu.memref_squeeze %dma_start3A_365 : memref<1x128xi32, #tpu.memory_space<vmem>> -> memref<128xi32, #tpu.memory_space<vmem>>
      %dma_start3A_367 = tpu.memref_slice %arg2[%add3A_4] : memref<16384xi32, #tpu.memory_space<hbm>> -> memref<128xi32, #tpu.memory_space<hbm>>
      %dma_start3A_368 = arith.constant 0 : i32
      %dma_start3A_369 = tpu.memref_slice %arg7[%run_scoped3A, %dma_start3A_368] : memref<4x128xi32, #tpu.memory_space<vmem>> -> memref<1x128xi32, #tpu.memory_space<vmem>>
      %dma_start3A_370 = tpu.memref_squeeze %dma_start3A_369 : memref<1x128xi32, #tpu.memory_space<vmem>> -> memref<128xi32, #tpu.memory_space<vmem>>
      %dma_start3A_371 = tpu.memref_slice %arg2[%add3A_4] : memref<16384xi32, #tpu.memory_space<hbm>> -> memref<128xi32, #tpu.memory_space<hbm>>
      tpu.enqueue_dma source(%dma_start3A_371 : memref<128xi32, #tpu.memory_space<hbm>>) target(%dma_start3A_370 : memref<128xi32, #tpu.memory_space<vmem>>) target_semaphore(%run_scoped3A_363 : memref<!tpu.dma_semaphore, #tpu.memory_space<semaphore_mem>>)
      %dma_wait3A = arith.constant 0 : i32
      %dma_wait3A_372 = tpu.memref_slice %arg7[%run_scoped3A, %dma_wait3A] : memref<4x128xi32, #tpu.memory_space<vmem>> -> memref<1x128xi32, #tpu.memory_space<vmem>>
      %dma_wait3A_373 = tpu.memref_squeeze %dma_wait3A_372 : memref<1x128xi32, #tpu.memory_space<vmem>> -> memref<128xi32, #tpu.memory_space<vmem>>
      %dma_wait3A_374 = tpu.memref_slice %arg2[%add3A_4] : memref<16384xi32, #tpu.memory_space<hbm>> -> memref<128xi32, #tpu.memory_space<hbm>>
      %dma_wait3A_375 = arith.constant 0 : i32
      %dma_wait3A_376 = tpu.memref_slice %arg7[%run_scoped3A, %dma_wait3A_375] : memref<4x128xi32, #tpu.memory_space<vmem>> -> memref<1x128xi32, #tpu.memory_space<vmem>>
      %dma_wait3A_377 = tpu.memref_squeeze %dma_wait3A_376 : memref<1x128xi32, #tpu.memory_space<vmem>> -> memref<128xi32, #tpu.memory_space<vmem>>
      %dma_wait3A_378 = tpu.memref_slice %arg2[%add3A_4] : memref<16384xi32, #tpu.memory_space<hbm>> -> memref<128xi32, #tpu.memory_space<hbm>>
      tpu.wait_dma2 semaphore(%run_scoped3A_363 : memref<!tpu.dma_semaphore, #tpu.memory_space<semaphore_mem>>) src(%dma_wait3A_378 : memref<128xi32, #tpu.memory_space<hbm>>) dst(%dma_wait3A_377 : memref<128xi32, #tpu.memory_space<vmem>>)
      tpu.yield
    }) : () -> ()
    %add3A_5 = arith.constant 0 : i32
    %add3A_6 = arith.addi %mul3A_2, %add3A_5 : i32
    %run_scoped3A_7 = arith.constant 0 : i32
    "tpu.region"() ({
      %run_scoped3A_363 = tpu.sem_alloc : memref<!tpu.dma_semaphore, #tpu.memory_space<semaphore_mem>>
      %dma_start3A_364 = arith.constant 0 : i32
      %dma_start3A_365 = tpu.memref_slice %arg8[%run_scoped3A_7, %dma_start3A_364] : memref<4x128xi32, #tpu.memory_space<vmem>> -> memref<1x128xi32, #tpu.memory_space<vmem>>
      %dma_start3A_366 = tpu.memref_squeeze %dma_start3A_365 : memref<1x128xi32, #tpu.memory_space<vmem>> -> memref<128xi32, #tpu.memory_space<vmem>>
      %dma_start3A_367 = tpu.memref_slice %arg3[%add3A_6] : memref<16384xi32, #tpu.memory_space<hbm>> -> memref<128xi32, #tpu.memory_space<hbm>>
      %dma_start3A_368 = arith.constant 0 : i32
      %dma_start3A_369 = tpu.memref_slice %arg8[%run_scoped3A_7, %dma_start3A_368] : memref<4x128xi32, #tpu.memory_space<vmem>> -> memref<1x128xi32, #tpu.memory_space<vmem>>
      %dma_start3A_370 = tpu.memref_squeeze %dma_start3A_369 : memref<1x128xi32, #tpu.memory_space<vmem>> -> memref<128xi32, #tpu.memory_space<vmem>>
      %dma_start3A_371 = tpu.memref_slice %arg3[%add3A_6] : memref<16384xi32, #tpu.memory_space<hbm>> -> memref<128xi32, #tpu.memory_space<hbm>>
      tpu.enqueue_dma source(%dma_start3A_371 : memref<128xi32, #tpu.memory_space<hbm>>) target(%dma_start3A_370 : memref<128xi32, #tpu.memory_space<vmem>>) target_semaphore(%run_scoped3A_363 : memref<!tpu.dma_semaphore, #tpu.memory_space<semaphore_mem>>)
      %dma_wait3A = arith.constant 0 : i32
      %dma_wait3A_372 = tpu.memref_slice %arg8[%run_scoped3A_7, %dma_wait3A] : memref<4x128xi32, #tpu.memory_space<vmem>> -> memref<1x128xi32, #tpu.memory_space<vmem>>
      %dma_wait3A_373 = tpu.memref_squeeze %dma_wait3A_372 : memref<1x128xi32, #tpu.memory_space<vmem>> -> memref<128xi32, #tpu.memory_space<vmem>>
      %dma_wait3A_374 = tpu.memref_slice %arg3[%add3A_6] : memref<16384xi32, #tpu.memory_space<hbm>> -> memref<128xi32, #tpu.memory_space<hbm>>
      %dma_wait3A_375 = arith.constant 0 : i32
      %dma_wait3A_376 = tpu.memref_slice %arg8[%run_scoped3A_7, %dma_wait3A_375] : memref<4x128xi32, #tpu.memory_space<vmem>> -> memref<1x128xi32, #tpu.memory_space<vmem>>
      %dma_wait3A_377 = tpu.memref_squeeze %dma_wait3A_376 : memref<1x128xi32, #tpu.memory_space<vmem>> -> memref<128xi32, #tpu.memory_space<vmem>>
      %dma_wait3A_378 = tpu.memref_slice %arg3[%add3A_6] : memref<16384xi32, #tpu.memory_space<hbm>> -> memref<128xi32, #tpu.memory_space<hbm>>
      tpu.wait_dma2 semaphore(%run_scoped3A_363 : memref<!tpu.dma_semaphore, #tpu.memory_space<semaphore_mem>>) src(%dma_wait3A_378 : memref<128xi32, #tpu.memory_space<hbm>>) dst(%dma_wait3A_377 : memref<128xi32, #tpu.memory_space<vmem>>)
      tpu.yield
    }) : () -> ()
    %add3A_8 = arith.constant 128 : i32
    %add3A_9 = arith.addi %mul3A_2, %add3A_8 : i32
    %run_scoped3A_10 = arith.constant 1 : i32
    "tpu.region"() ({
      %run_scoped3A_363 = tpu.sem_alloc : memref<!tpu.dma_semaphore, #tpu.memory_space<semaphore_mem>>
      %dma_start3A_364 = arith.constant 0 : i32
      %dma_start3A_365 = tpu.memref_slice %arg7[%run_scoped3A_10, %dma_start3A_364] : memref<4x128xi32, #tpu.memory_space<vmem>> -> memref<1x128xi32, #tpu.memory_space<vmem>>
      %dma_start3A_366 = tpu.memref_squeeze %dma_start3A_365 : memref<1x128xi32, #tpu.memory_space<vmem>> -> memref<128xi32, #tpu.memory_space<vmem>>
      %dma_start3A_367 = tpu.memref_slice %arg2[%add3A_9] : memref<16384xi32, #tpu.memory_space<hbm>> -> memref<128xi32, #tpu.memory_space<hbm>>
      %dma_start3A_368 = arith.constant 0 : i32
      %dma_start3A_369 = tpu.memref_slice %arg7[%run_scoped3A_10, %dma_start3A_368] : memref<4x128xi32, #tpu.memory_space<vmem>> -> memref<1x128xi32, #tpu.memory_space<vmem>>
      %dma_start3A_370 = tpu.memref_squeeze %dma_start3A_369 : memref<1x128xi32, #tpu.memory_space<vmem>> -> memref<128xi32, #tpu.memory_space<vmem>>
      %dma_start3A_371 = tpu.memref_slice %arg2[%add3A_9] : memref<16384xi32, #tpu.memory_space<hbm>> -> memref<128xi32, #tpu.memory_space<hbm>>
      tpu.enqueue_dma source(%dma_start3A_371 : memref<128xi32, #tpu.memory_space<hbm>>) target(%dma_start3A_370 : memref<128xi32, #tpu.memory_space<vmem>>) target_semaphore(%run_scoped3A_363 : memref<!tpu.dma_semaphore, #tpu.memory_space<semaphore_mem>>)
      %dma_wait3A = arith.constant 0 : i32
      %dma_wait3A_372 = tpu.memref_slice %arg7[%run_scoped3A_10, %dma_wait3A] : memref<4x128xi32, #tpu.memory_space<vmem>> -> memref<1x128xi32, #tpu.memory_space<vmem>>
      %dma_wait3A_373 = tpu.memref_squeeze %dma_wait3A_372 : memref<1x128xi32, #tpu.memory_space<vmem>> -> memref<128xi32, #tpu.memory_space<vmem>>
      %dma_wait3A_374 = tpu.memref_slice %arg2[%add3A_9] : memref<16384xi32, #tpu.memory_space<hbm>> -> memref<128xi32, #tpu.memory_space<hbm>>
      %dma_wait3A_375 = arith.constant 0 : i32
      %dma_wait3A_376 = tpu.memref_slice %arg7[%run_scoped3A_10, %dma_wait3A_375] : memref<4x128xi32, #tpu.memory_space<vmem>> -> memref<1x128xi32, #tpu.memory_space<vmem>>
      %dma_wait3A_377 = tpu.memref_squeeze %dma_wait3A_376 : memref<1x128xi32, #tpu.memory_space<vmem>> -> memref<128xi32, #tpu.memory_space<vmem>>
      %dma_wait3A_378 = tpu.memref_slice %arg2[%add3A_9] : memref<16384xi32, #tpu.memory_space<hbm>> -> memref<128xi32, #tpu.memory_space<hbm>>
      tpu.wait_dma2 semaphore(%run_scoped3A_363 : memref<!tpu.dma_semaphore, #tpu.memory_space<semaphore_mem>>) src(%dma_wait3A_378 : memref<128xi32, #tpu.memory_space<hbm>>) dst(%dma_wait3A_377 : memref<128xi32, #tpu.memory_space<vmem>>)
      tpu.yield
    }) : () -> ()
    %add3A_11 = arith.constant 128 : i32
    %add3A_12 = arith.addi %mul3A_2, %add3A_11 : i32
    %run_scoped3A_13 = arith.constant 1 : i32
    "tpu.region"() ({
      %run_scoped3A_363 = tpu.sem_alloc : memref<!tpu.dma_semaphore, #tpu.memory_space<semaphore_mem>>
      %dma_start3A_364 = arith.constant 0 : i32
      %dma_start3A_365 = tpu.memref_slice %arg8[%run_scoped3A_13, %dma_start3A_364] : memref<4x128xi32, #tpu.memory_space<vmem>> -> memref<1x128xi32, #tpu.memory_space<vmem>>
      %dma_start3A_366 = tpu.memref_squeeze %dma_start3A_365 : memref<1x128xi32, #tpu.memory_space<vmem>> -> memref<128xi32, #tpu.memory_space<vmem>>
      %dma_start3A_367 = tpu.memref_slice %arg3[%add3A_12] : memref<16384xi32, #tpu.memory_space<hbm>> -> memref<128xi32, #tpu.memory_space<hbm>>
      %dma_start3A_368 = arith.constant 0 : i32
      %dma_start3A_369 = tpu.memref_slice %arg8[%run_scoped3A_13, %dma_start3A_368] : memref<4x128xi32, #tpu.memory_space<vmem>> -> memref<1x128xi32, #tpu.memory_space<vmem>>
      %dma_start3A_370 = tpu.memref_squeeze %dma_start3A_369 : memref<1x128xi32, #tpu.memory_space<vmem>> -> memref<128xi32, #tpu.memory_space<vmem>>
      %dma_start3A_371 = tpu.memref_slice %arg3[%add3A_12] : memref<16384xi32, #tpu.memory_space<hbm>> -> memref<128xi32, #tpu.memory_space<hbm>>
      tpu.enqueue_dma source(%dma_start3A_371 : memref<128xi32, #tpu.memory_space<hbm>>) target(%dma_start3A_370 : memref<128xi32, #tpu.memory_space<vmem>>) target_semaphore(%run_scoped3A_363 : memref<!tpu.dma_semaphore, #tpu.memory_space<semaphore_mem>>)
      %dma_wait3A = arith.constant 0 : i32
      %dma_wait3A_372 = tpu.memref_slice %arg8[%run_scoped3A_13, %dma_wait3A] : memref<4x128xi32, #tpu.memory_space<vmem>> -> memref<1x128xi32, #tpu.memory_space<vmem>>
      %dma_wait3A_373 = tpu.memref_squeeze %dma_wait3A_372 : memref<1x128xi32, #tpu.memory_space<vmem>> -> memref<128xi32, #tpu.memory_space<vmem>>
      %dma_wait3A_374 = tpu.memref_slice %arg3[%add3A_12] : memref<16384xi32, #tpu.memory_space<hbm>> -> memref<128xi32, #tpu.memory_space<hbm>>
      %dma_wait3A_375 = arith.constant 0 : i32
      %dma_wait3A_376 = tpu.memref_slice %arg8[%run_scoped3A_13, %dma_wait3A_375] : memref<4x128xi32, #tpu.memory_space<vmem>> -> memref<1x128xi32, #tpu.memory_space<vmem>>
      %dma_wait3A_377 = tpu.memref_squeeze %dma_wait3A_376 : memref<1x128xi32, #tpu.memory_space<vmem>> -> memref<128xi32, #tpu.memory_space<vmem>>
      %dma_wait3A_378 = tpu.memref_slice %arg3[%add3A_12] : memref<16384xi32, #tpu.memory_space<hbm>> -> memref<128xi32, #tpu.memory_space<hbm>>
      tpu.wait_dma2 semaphore(%run_scoped3A_363 : memref<!tpu.dma_semaphore, #tpu.memory_space<semaphore_mem>>) src(%dma_wait3A_378 : memref<128xi32, #tpu.memory_space<hbm>>) dst(%dma_wait3A_377 : memref<128xi32, #tpu.memory_space<vmem>>)
      tpu.yield
    }) : () -> ()
    %add3A_14 = arith.constant 256 : i32
    %add3A_15 = arith.addi %mul3A_2, %add3A_14 : i32
    %run_scoped3A_16 = arith.constant 2 : i32
    "tpu.region"() ({
      %run_scoped3A_363 = tpu.sem_alloc : memref<!tpu.dma_semaphore, #tpu.memory_space<semaphore_mem>>
      %dma_start3A_364 = arith.constant 0 : i32
      %dma_start3A_365 = tpu.memref_slice %arg7[%run_scoped3A_16, %dma_start3A_364] : memref<4x128xi32, #tpu.memory_space<vmem>> -> memref<1x128xi32, #tpu.memory_space<vmem>>
      %dma_start3A_366 = tpu.memref_squeeze %dma_start3A_365 : memref<1x128xi32, #tpu.memory_space<vmem>> -> memref<128xi32, #tpu.memory_space<vmem>>
      %dma_start3A_367 = tpu.memref_slice %arg2[%add3A_15] : memref<16384xi32, #tpu.memory_space<hbm>> -> memref<128xi32, #tpu.memory_space<hbm>>
      %dma_start3A_368 = arith.constant 0 : i32
      %dma_start3A_369 = tpu.memref_slice %arg7[%run_scoped3A_16, %dma_start3A_368] : memref<4x128xi32, #tpu.memory_space<vmem>> -> memref<1x128xi32, #tpu.memory_space<vmem>>
      %dma_start3A_370 = tpu.memref_squeeze %dma_start3A_369 : memref<1x128xi32, #tpu.memory_space<vmem>> -> memref<128xi32, #tpu.memory_space<vmem>>
      %dma_start3A_371 = tpu.memref_slice %arg2[%add3A_15] : memref<16384xi32, #tpu.memory_space<hbm>> -> memref<128xi32, #tpu.memory_space<hbm>>
      tpu.enqueue_dma source(%dma_start3A_371 : memref<128xi32, #tpu.memory_space<hbm>>) target(%dma_start3A_370 : memref<128xi32, #tpu.memory_space<vmem>>) target_semaphore(%run_scoped3A_363 : memref<!tpu.dma_semaphore, #tpu.memory_space<semaphore_mem>>)
      %dma_wait3A = arith.constant 0 : i32
      %dma_wait3A_372 = tpu.memref_slice %arg7[%run_scoped3A_16, %dma_wait3A] : memref<4x128xi32, #tpu.memory_space<vmem>> -> memref<1x128xi32, #tpu.memory_space<vmem>>
      %dma_wait3A_373 = tpu.memref_squeeze %dma_wait3A_372 : memref<1x128xi32, #tpu.memory_space<vmem>> -> memref<128xi32, #tpu.memory_space<vmem>>
      %dma_wait3A_374 = tpu.memref_slice %arg2[%add3A_15] : memref<16384xi32, #tpu.memory_space<hbm>> -> memref<128xi32, #tpu.memory_space<hbm>>
      %dma_wait3A_375 = arith.constant 0 : i32
      %dma_wait3A_376 = tpu.memref_slice %arg7[%run_scoped3A_16, %dma_wait3A_375] : memref<4x128xi32, #tpu.memory_space<vmem>> -> memref<1x128xi32, #tpu.memory_space<vmem>>
      %dma_wait3A_377 = tpu.memref_squeeze %dma_wait3A_376 : memref<1x128xi32, #tpu.memory_space<vmem>> -> memref<128xi32, #tpu.memory_space<vmem>>
      %dma_wait3A_378 = tpu.memref_slice %arg2[%add3A_15] : memref<16384xi32, #tpu.memory_space<hbm>> -> memref<128xi32, #tpu.memory_space<hbm>>
      tpu.wait_dma2 semaphore(%run_scoped3A_363 : memref<!tpu.dma_semaphore, #tpu.memory_space<semaphore_mem>>) src(%dma_wait3A_378 : memref<128xi32, #tpu.memory_space<hbm>>) dst(%dma_wait3A_377 : memref<128xi32, #tpu.memory_space<vmem>>)
      tpu.yield
    }) : () -> ()
    %add3A_17 = arith.constant 256 : i32
    %add3A_18 = arith.addi %mul3A_2, %add3A_17 : i32
    %run_scoped3A_19 = arith.constant 2 : i32
    "tpu.region"() ({
      %run_scoped3A_363 = tpu.sem_alloc : memref<!tpu.dma_semaphore, #tpu.memory_space<semaphore_mem>>
      %dma_start3A_364 = arith.constant 0 : i32
      %dma_start3A_365 = tpu.memref_slice %arg8[%run_scoped3A_19, %dma_start3A_364] : memref<4x128xi32, #tpu.memory_space<vmem>> -> memref<1x128xi32, #tpu.memory_space<vmem>>
      %dma_start3A_366 = tpu.memref_squeeze %dma_start3A_365 : memref<1x128xi32, #tpu.memory_space<vmem>> -> memref<128xi32, #tpu.memory_space<vmem>>
      %dma_start3A_367 = tpu.memref_slice %arg3[%add3A_18] : memref<16384xi32, #tpu.memory_space<hbm>> -> memref<128xi32, #tpu.memory_space<hbm>>
      %dma_start3A_368 = arith.constant 0 : i32
      %dma_start3A_369 = tpu.memref_slice %arg8[%run_scoped3A_19, %dma_start3A_368] : memref<4x128xi32, #tpu.memory_space<vmem>> -> memref<1x128xi32, #tpu.memory_space<vmem>>
      %dma_start3A_370 = tpu.memref_squeeze %dma_start3A_369 : memref<1x128xi32, #tpu.memory_space<vmem>> -> memref<128xi32, #tpu.memory_space<vmem>>
      %dma_start3A_371 = tpu.memref_slice %arg3[%add3A_18] : memref<16384xi32, #tpu.memory_space<hbm>> -> memref<128xi32, #tpu.memory_space<hbm>>
      tpu.enqueue_dma source(%dma_start3A_371 : memref<128xi32, #tpu.memory_space<hbm>>) target(%dma_start3A_370 : memref<128xi32, #tpu.memory_space<vmem>>) target_semaphore(%run_scoped3A_363 : memref<!tpu.dma_semaphore, #tpu.memory_space<semaphore_mem>>)
      %dma_wait3A = arith.constant 0 : i32
      %dma_wait3A_372 = tpu.memref_slice %arg8[%run_scoped3A_19, %dma_wait3A] : memref<4x128xi32, #tpu.memory_space<vmem>> -> memref<1x128xi32, #tpu.memory_space<vmem>>
      %dma_wait3A_373 = tpu.memref_squeeze %dma_wait3A_372 : memref<1x128xi32, #tpu.memory_space<vmem>> -> memref<128xi32, #tpu.memory_space<vmem>>
      %dma_wait3A_374 = tpu.memref_slice %arg3[%add3A_18] : memref<16384xi32, #tpu.memory_space<hbm>> -> memref<128xi32, #tpu.memory_space<hbm>>
      %dma_wait3A_375 = arith.constant 0 : i32
      %dma_wait3A_376 = tpu.memref_slice %arg8[%run_scoped3A_19, %dma_wait3A_375] : memref<4x128xi32, #tpu.memory_space<vmem>> -> memref<1x128xi32, #tpu.memory_space<vmem>>
      %dma_wait3A_377 = tpu.memref_squeeze %dma_wait3A_376 : memref<1x128xi32, #tpu.memory_space<vmem>> -> memref<128xi32, #tpu.memory_space<vmem>>
      %dma_wait3A_378 = tpu.memref_slice %arg3[%add3A_18] : memref<16384xi32, #tpu.memory_space<hbm>> -> memref<128xi32, #tpu.memory_space<hbm>>
      tpu.wait_dma2 semaphore(%run_scoped3A_363 : memref<!tpu.dma_semaphore, #tpu.memory_space<semaphore_mem>>) src(%dma_wait3A_378 : memref<128xi32, #tpu.memory_space<hbm>>) dst(%dma_wait3A_377 : memref<128xi32, #tpu.memory_space<vmem>>)
      tpu.yield
    }) : () -> ()
    %add3A_20 = arith.constant 384 : i32
    %add3A_21 = arith.addi %mul3A_2, %add3A_20 : i32
    %run_scoped3A_22 = arith.constant 3 : i32
    "tpu.region"() ({
      %run_scoped3A_363 = tpu.sem_alloc : memref<!tpu.dma_semaphore, #tpu.memory_space<semaphore_mem>>
      %dma_start3A_364 = arith.constant 0 : i32
      %dma_start3A_365 = tpu.memref_slice %arg7[%run_scoped3A_22, %dma_start3A_364] : memref<4x128xi32, #tpu.memory_space<vmem>> -> memref<1x128xi32, #tpu.memory_space<vmem>>
      %dma_start3A_366 = tpu.memref_squeeze %dma_start3A_365 : memref<1x128xi32, #tpu.memory_space<vmem>> -> memref<128xi32, #tpu.memory_space<vmem>>
      %dma_start3A_367 = tpu.memref_slice %arg2[%add3A_21] : memref<16384xi32, #tpu.memory_space<hbm>> -> memref<128xi32, #tpu.memory_space<hbm>>
      %dma_start3A_368 = arith.constant 0 : i32
      %dma_start3A_369 = tpu.memref_slice %arg7[%run_scoped3A_22, %dma_start3A_368] : memref<4x128xi32, #tpu.memory_space<vmem>> -> memref<1x128xi32, #tpu.memory_space<vmem>>
      %dma_start3A_370 = tpu.memref_squeeze %dma_start3A_369 : memref<1x128xi32, #tpu.memory_space<vmem>> -> memref<128xi32, #tpu.memory_space<vmem>>
      %dma_start3A_371 = tpu.memref_slice %arg2[%add3A_21] : memref<16384xi32, #tpu.memory_space<hbm>> -> memref<128xi32, #tpu.memory_space<hbm>>
      tpu.enqueue_dma source(%dma_start3A_371 : memref<128xi32, #tpu.memory_space<hbm>>) target(%dma_start3A_370 : memref<128xi32, #tpu.memory_space<vmem>>) target_semaphore(%run_scoped3A_363 : memref<!tpu.dma_semaphore, #tpu.memory_space<semaphore_mem>>)
      %dma_wait3A = arith.constant 0 : i32
      %dma_wait3A_372 = tpu.memref_slice %arg7[%run_scoped3A_22, %dma_wait3A] : memref<4x128xi32, #tpu.memory_space<vmem>> -> memref<1x128xi32, #tpu.memory_space<vmem>>
      %dma_wait3A_373 = tpu.memref_squeeze %dma_wait3A_372 : memref<1x128xi32, #tpu.memory_space<vmem>> -> memref<128xi32, #tpu.memory_space<vmem>>
      %dma_wait3A_374 = tpu.memref_slice %arg2[%add3A_21] : memref<16384xi32, #tpu.memory_space<hbm>> -> memref<128xi32, #tpu.memory_space<hbm>>
      %dma_wait3A_375 = arith.constant 0 : i32
      %dma_wait3A_376 = tpu.memref_slice %arg7[%run_scoped3A_22, %dma_wait3A_375] : memref<4x128xi32, #tpu.memory_space<vmem>> -> memref<1x128xi32, #tpu.memory_space<vmem>>
      %dma_wait3A_377 = tpu.memref_squeeze %dma_wait3A_376 : memref<1x128xi32, #tpu.memory_space<vmem>> -> memref<128xi32, #tpu.memory_space<vmem>>
      %dma_wait3A_378 = tpu.memref_slice %arg2[%add3A_21] : memref<16384xi32, #tpu.memory_space<hbm>> -> memref<128xi32, #tpu.memory_space<hbm>>
      tpu.wait_dma2 semaphore(%run_scoped3A_363 : memref<!tpu.dma_semaphore, #tpu.memory_space<semaphore_mem>>) src(%dma_wait3A_378 : memref<128xi32, #tpu.memory_space<hbm>>) dst(%dma_wait3A_377 : memref<128xi32, #tpu.memory_space<vmem>>)
      tpu.yield
    }) : () -> ()
    %add3A_23 = arith.constant 384 : i32
    %add3A_24 = arith.addi %mul3A_2, %add3A_23 : i32
    %run_scoped3A_25 = arith.constant 3 : i32
    "tpu.region"() ({
      %run_scoped3A_363 = tpu.sem_alloc : memref<!tpu.dma_semaphore, #tpu.memory_space<semaphore_mem>>
      %dma_start3A_364 = arith.constant 0 : i32
      %dma_start3A_365 = tpu.memref_slice %arg8[%run_scoped3A_25, %dma_start3A_364] : memref<4x128xi32, #tpu.memory_space<vmem>> -> memref<1x128xi32, #tpu.memory_space<vmem>>
      %dma_start3A_366 = tpu.memref_squeeze %dma_start3A_365 : memref<1x128xi32, #tpu.memory_space<vmem>> -> memref<128xi32, #tpu.memory_space<vmem>>
      %dma_start3A_367 = tpu.memref_slice %arg3[%add3A_24] : memref<16384xi32, #tpu.memory_space<hbm>> -> memref<128xi32, #tpu.memory_space<hbm>>
      %dma_start3A_368 = arith.constant 0 : i32
      %dma_start3A_369 = tpu.memref_slice %arg8[%run_scoped3A_25, %dma_start3A_368] : memref<4x128xi32, #tpu.memory_space<vmem>> -> memref<1x128xi32, #tpu.memory_space<vmem>>
      %dma_start3A_370 = tpu.memref_squeeze %dma_start3A_369 : memref<1x128xi32, #tpu.memory_space<vmem>> -> memref<128xi32, #tpu.memory_space<vmem>>
      %dma_start3A_371 = tpu.memref_slice %arg3[%add3A_24] : memref<16384xi32, #tpu.memory_space<hbm>> -> memref<128xi32, #tpu.memory_space<hbm>>
      tpu.enqueue_dma source(%dma_start3A_371 : memref<128xi32, #tpu.memory_space<hbm>>) target(%dma_start3A_370 : memref<128xi32, #tpu.memory_space<vmem>>) target_semaphore(%run_scoped3A_363 : memref<!tpu.dma_semaphore, #tpu.memory_space<semaphore_mem>>)
      %dma_wait3A = arith.constant 0 : i32
      %dma_wait3A_372 = tpu.memref_slice %arg8[%run_scoped3A_25, %dma_wait3A] : memref<4x128xi32, #tpu.memory_space<vmem>> -> memref<1x128xi32, #tpu.memory_space<vmem>>
      %dma_wait3A_373 = tpu.memref_squeeze %dma_wait3A_372 : memref<1x128xi32, #tpu.memory_space<vmem>> -> memref<128xi32, #tpu.memory_space<vmem>>
      %dma_wait3A_374 = tpu.memref_slice %arg3[%add3A_24] : memref<16384xi32, #tpu.memory_space<hbm>> -> memref<128xi32, #tpu.memory_space<hbm>>
      %dma_wait3A_375 = arith.constant 0 : i32
      %dma_wait3A_376 = tpu.memref_slice %arg8[%run_scoped3A_25, %dma_wait3A_375] : memref<4x128xi32, #tpu.memory_space<vmem>> -> memref<1x128xi32, #tpu.memory_space<vmem>>
      %dma_wait3A_377 = tpu.memref_squeeze %dma_wait3A_376 : memref<1x128xi32, #tpu.memory_space<vmem>> -> memref<128xi32, #tpu.memory_space<vmem>>
      %dma_wait3A_378 = tpu.memref_slice %arg3[%add3A_24] : memref<16384xi32, #tpu.memory_space<hbm>> -> memref<128xi32, #tpu.memory_space<hbm>>
      tpu.wait_dma2 semaphore(%run_scoped3A_363 : memref<!tpu.dma_semaphore, #tpu.memory_space<semaphore_mem>>) src(%dma_wait3A_378 : memref<128xi32, #tpu.memory_space<hbm>>) dst(%dma_wait3A_377 : memref<128xi32, #tpu.memory_space<vmem>>)
      tpu.yield
    }) : () -> ()
    %iota3A = tpu.iota {dimensions = array<i32: 0>} : vector<16xi32>
    %add3A_26 = arith.constant 16 : i32
    %add3A_27 = vector.broadcast %add3A_26 : i32 to vector<16xi32>
    %add3A_28 = arith.addi %iota3A, %add3A_27 : vector<16xi32>
    %get3A = arith.constant 0 : i32
    %get3A_29 = arith.index_cast %get3A : i32 to index
    %get3A_30 = arith.constant 0 : index
    %get3A_31 = tpu.vector_load %arg7[%get3A_29, %get3A_30] {strides = array<i32>} : memref<4x128xi32, #tpu.memory_space<vmem>>, vector<16xi32>,
    %get3A_32 = arith.constant 0 : i32
    %get3A_33 = arith.index_cast %get3A_32 : i32 to index
    %get3A_34 = arith.constant 0 : index
    %get3A_35 = tpu.vector_load %arg8[%get3A_33, %get3A_34] {strides = array<i32>} : memref<4x128xi32, #tpu.memory_space<vmem>>, vector<16xi32>,
    %slice3A = vector.extract_strided_slice %get3A_31 {offsets = [0], sizes = [1], strides = [1]} : vector<16xi32> to vector<1xi32>
    %squeeze3A = vector.extract %slice3A[0] : i32 from vector<1xi32>
    %slice3A_36 = vector.extract_strided_slice %get3A_35 {offsets = [0], sizes = [1], strides = [1]} : vector<16xi32> to vector<1xi32>
    %squeeze3A_37 = vector.extract %slice3A_36[0] : i32 from vector<1xi32>
    %shift_right_arithmetic3A = arith.constant 7 : i32
    %shift_right_arithmetic3A_38 = arith.shrsi %squeeze3A, %shift_right_arithmetic3A : i32
    %shift_left3A = arith.constant 7 : i32
    %shift_left3A_39 = arith.shli %shift_right_arithmetic3A_38, %shift_left3A : i32
    %multiple_of3A = tpu.assume_multiple %shift_left3A_39, 128 : i32
    %shift_right_arithmetic3A_40 = arith.constant 7 : i32
    %shift_right_arithmetic3A_41 = arith.shrsi %squeeze3A_37, %shift_right_arithmetic3A_40 : i32
    %shift_left3A_42 = arith.constant 7 : i32
    %shift_left3A_43 = arith.shli %shift_right_arithmetic3A_41, %shift_left3A_42 : i32
    %multiple_of3A_44 = tpu.assume_multiple %shift_left3A_43, 128 : i32
    %dma_start3A = arith.constant 0 : i32
    %dma_start3A_45 = arith.constant 0 : i32
    %dma_start3A_46 = arith.constant 0 : i32
    %dma_start3A_47 = arith.constant 0 : i32
    %dma_start3A_48 = tpu.memref_slice %arg9[%dma_start3A, %dma_start3A_46, %dma_start3A_47] : memref<7x32x129xf32, #tpu.memory_space<vmem>> -> memref<1x32x128xf32, #tpu.memory_space<vmem>>
    %dma_start3A_49 = tpu.memref_squeeze %dma_start3A_48 : memref<1x32x128xf32, #tpu.memory_space<vmem>> -> memref<32x128xf32, #tpu.memory_space<vmem>>
    %dma_start3A_50 = arith.constant 0 : i32
    %dma_start3A_51 = tpu.memref_slice %arg4[%dma_start3A_50, %multiple_of3A] : memref<32x1000000xf32, #tpu.memory_space<hbm>> -> memref<32x128xf32, #tpu.memory_space<hbm>>
    %dma_start3A_52 = tpu.memref_slice %arg13[%dma_start3A_45] : memref<7x!tpu.dma_semaphore, #tpu.memory_space<semaphore_mem>> -> memref<1x!tpu.dma_semaphore, #tpu.memory_space<semaphore_mem>>
    %dma_start3A_53 = tpu.memref_squeeze %dma_start3A_52 : memref<1x!tpu.dma_semaphore, #tpu.memory_space<semaphore_mem>> -> memref<!tpu.dma_semaphore, #tpu.memory_space<semaphore_mem>>
    %dma_start3A_54 = arith.constant 0 : i32
    %dma_start3A_55 = arith.constant 0 : i32
    %dma_start3A_56 = tpu.memref_slice %arg9[%dma_start3A, %dma_start3A_54, %dma_start3A_55] : memref<7x32x129xf32, #tpu.memory_space<vmem>> -> memref<1x32x128xf32, #tpu.memory_space<vmem>>
    %dma_start3A_57 = tpu.memref_squeeze %dma_start3A_56 : memref<1x32x128xf32, #tpu.memory_space<vmem>> -> memref<32x128xf32, #tpu.memory_space<vmem>>
    %dma_start3A_58 = arith.constant 0 : i32
    %dma_start3A_59 = tpu.memref_slice %arg4[%dma_start3A_58, %multiple_of3A] : memref<32x1000000xf32, #tpu.memory_space<hbm>> -> memref<32x128xf32, #tpu.memory_space<hbm>>
    tpu.enqueue_dma source(%dma_start3A_59 : memref<32x128xf32, #tpu.memory_space<hbm>>) target(%dma_start3A_57 : memref<32x128xf32, #tpu.memory_space<vmem>>) target_semaphore(%dma_start3A_53 : memref<!tpu.dma_semaphore, #tpu.memory_space<semaphore_mem>>)
    %dma_start3A_60 = arith.constant 0 : i32
    %dma_start3A_61 = arith.constant 0 : i32
    %dma_start3A_62 = arith.constant 0 : i32
    %dma_start3A_63 = arith.constant 0 : i32
    %dma_start3A_64 = tpu.memref_slice %arg10[%dma_start3A_60, %dma_start3A_62, %dma_start3A_63] : memref<7x32x129xf32, #tpu.memory_space<vmem>> -> memref<1x32x128xf32, #tpu.memory_space<vmem>>
    %dma_start3A_65 = tpu.memref_squeeze %dma_start3A_64 : memref<1x32x128xf32, #tpu.memory_space<vmem>> -> memref<32x128xf32, #tpu.memory_space<vmem>>
    %dma_start3A_66 = arith.constant 0 : i32
    %dma_start3A_67 = tpu.memref_slice %arg5[%dma_start3A_66, %multiple_of3A_44] : memref<32x1000000xf32, #tpu.memory_space<hbm>> -> memref<32x128xf32, #tpu.memory_space<hbm>>
    %dma_start3A_68 = tpu.memref_slice %arg13[%dma_start3A_61] : memref<7x!tpu.dma_semaphore, #tpu.memory_space<semaphore_mem>> -> memref<1x!tpu.dma_semaphore, #tpu.memory_space<semaphore_mem>>
    %dma_start3A_69 = tpu.memref_squeeze %dma_start3A_68 : memref<1x!tpu.dma_semaphore, #tpu.memory_space<semaphore_mem>> -> memref<!tpu.dma_semaphore, #tpu.memory_space<semaphore_mem>>
    %dma_start3A_70 = arith.constant 0 : i32
    %dma_start3A_71 = arith.constant 0 : i32
    %dma_start3A_72 = tpu.memref_slice %arg10[%dma_start3A_60, %dma_start3A_70, %dma_start3A_71] : memref<7x32x129xf32, #tpu.memory_space<vmem>> -> memref<1x32x128xf32, #tpu.memory_space<vmem>>
    %dma_start3A_73 = tpu.memref_squeeze %dma_start3A_72 : memref<1x32x128xf32, #tpu.memory_space<vmem>> -> memref<32x128xf32, #tpu.memory_space<vmem>>
    %dma_start3A_74 = arith.constant 0 : i32
    %dma_start3A_75 = tpu.memref_slice %arg5[%dma_start3A_74, %multiple_of3A_44] : memref<32x1000000xf32, #tpu.memory_space<hbm>> -> memref<32x128xf32, #tpu.memory_space<hbm>>
    tpu.enqueue_dma source(%dma_start3A_75 : memref<32x128xf32, #tpu.memory_space<hbm>>) target(%dma_start3A_73 : memref<32x128xf32, #tpu.memory_space<vmem>>) target_semaphore(%dma_start3A_69 : memref<!tpu.dma_semaphore, #tpu.memory_space<semaphore_mem>>)
    %slice3A_76 = vector.extract_strided_slice %get3A_31 {offsets = [1], sizes = [1], strides = [1]} : vector<16xi32> to vector<1xi32>
    %squeeze3A_77 = vector.extract %slice3A_76[0] : i32 from vector<1xi32>
    %slice3A_78 = vector.extract_strided_slice %get3A_35 {offsets = [1], sizes = [1], strides = [1]} : vector<16xi32> to vector<1xi32>
    %squeeze3A_79 = vector.extract %slice3A_78[0] : i32 from vector<1xi32>
    %shift_right_arithmetic3A_80 = arith.constant 7 : i32
    %shift_right_arithmetic3A_81 = arith.shrsi %squeeze3A_77, %shift_right_arithmetic3A_80 : i32
    %shift_left3A_82 = arith.constant 7 : i32
    %shift_left3A_83 = arith.shli %shift_right_arithmetic3A_81, %shift_left3A_82 : i32
    %multiple_of3A_84 = tpu.assume_multiple %shift_left3A_83, 128 : i32
    %shift_right_arithmetic3A_85 = arith.constant 7 : i32
    %shift_right_arithmetic3A_86 = arith.shrsi %squeeze3A_79, %shift_right_arithmetic3A_85 : i32
    %shift_left3A_87 = arith.constant 7 : i32
    %shift_left3A_88 = arith.shli %shift_right_arithmetic3A_86, %shift_left3A_87 : i32
    %multiple_of3A_89 = tpu.assume_multiple %shift_left3A_88, 128 : i32
    %dma_start3A_90 = arith.constant 1 : i32
    %dma_start3A_91 = arith.constant 1 : i32
    %dma_start3A_92 = arith.constant 0 : i32
    %dma_start3A_93 = arith.constant 0 : i32
    %dma_start3A_94 = tpu.memref_slice %arg9[%dma_start3A_90, %dma_start3A_92, %dma_start3A_93] : memref<7x32x129xf32, #tpu.memory_space<vmem>> -> memref<1x32x128xf32, #tpu.memory_space<vmem>>
    %dma_start3A_95 = tpu.memref_squeeze %dma_start3A_94 : memref<1x32x128xf32, #tpu.memory_space<vmem>> -> memref<32x128xf32, #tpu.memory_space<vmem>>
    %dma_start3A_96 = arith.constant 0 : i32
    %dma_start3A_97 = tpu.memref_slice %arg4[%dma_start3A_96, %multiple_of3A_84] : memref<32x1000000xf32, #tpu.memory_space<hbm>> -> memref<32x128xf32, #tpu.memory_space<hbm>>
    %dma_start3A_98 = tpu.memref_slice %arg13[%dma_start3A_91] : memref<7x!tpu.dma_semaphore, #tpu.memory_space<semaphore_mem>> -> memref<1x!tpu.dma_semaphore, #tpu.memory_space<semaphore_mem>>
    %dma_start3A_99 = tpu.memref_squeeze %dma_start3A_98 : memref<1x!tpu.dma_semaphore, #tpu.memory_space<semaphore_mem>> -> memref<!tpu.dma_semaphore, #tpu.memory_space<semaphore_mem>>
    %dma_start3A_100 = arith.constant 0 : i32
    %dma_start3A_101 = arith.constant 0 : i32
    %dma_start3A_102 = tpu.memref_slice %arg9[%dma_start3A_90, %dma_start3A_100, %dma_start3A_101] : memref<7x32x129xf32, #tpu.memory_space<vmem>> -> memref<1x32x128xf32, #tpu.memory_space<vmem>>
    %dma_start3A_103 = tpu.memref_squeeze %dma_start3A_102 : memref<1x32x128xf32, #tpu.memory_space<vmem>> -> memref<32x128xf32, #tpu.memory_space<vmem>>
    %dma_start3A_104 = arith.constant 0 : i32
    %dma_start3A_105 = tpu.memref_slice %arg4[%dma_start3A_104, %multiple_of3A_84] : memref<32x1000000xf32, #tpu.memory_space<hbm>> -> memref<32x128xf32, #tpu.memory_space<hbm>>
    tpu.enqueue_dma source(%dma_start3A_105 : memref<32x128xf32, #tpu.memory_space<hbm>>) target(%dma_start3A_103 : memref<32x128xf32, #tpu.memory_space<vmem>>) target_semaphore(%dma_start3A_99 : memref<!tpu.dma_semaphore, #tpu.memory_space<semaphore_mem>>)
    %dma_start3A_106 = arith.constant 1 : i32
    %dma_start3A_107 = arith.constant 1 : i32
    %dma_start3A_108 = arith.constant 0 : i32
    %dma_start3A_109 = arith.constant 0 : i32
    %dma_start3A_110 = tpu.memref_slice %arg10[%dma_start3A_106, %dma_start3A_108, %dma_start3A_109] : memref<7x32x129xf32, #tpu.memory_space<vmem>> -> memref<1x32x128xf32, #tpu.memory_space<vmem>>
    %dma_start3A_111 = tpu.memref_squeeze %dma_start3A_110 : memref<1x32x128xf32, #tpu.memory_space<vmem>> -> memref<32x128xf32, #tpu.memory_space<vmem>>
    %dma_start3A_112 = arith.constant 0 : i32
    %dma_start3A_113 = tpu.memref_slice %arg5[%dma_start3A_112, %multiple_of3A_89] : memref<32x1000000xf32, #tpu.memory_space<hbm>> -> memref<32x128xf32, #tpu.memory_space<hbm>>
    %dma_start3A_114 = tpu.memref_slice %arg13[%dma_start3A_107] : memref<7x!tpu.dma_semaphore, #tpu.memory_space<semaphore_mem>> -> memref<1x!tpu.dma_semaphore, #tpu.memory_space<semaphore_mem>>
    %dma_start3A_115 = tpu.memref_squeeze %dma_start3A_114 : memref<1x!tpu.dma_semaphore, #tpu.memory_space<semaphore_mem>> -> memref<!tpu.dma_semaphore, #tpu.memory_space<semaphore_mem>>
    %dma_start3A_116 = arith.constant 0 : i32
    %dma_start3A_117 = arith.constant 0 : i32
    %dma_start3A_118 = tpu.memref_slice %arg10[%dma_start3A_106, %dma_start3A_116, %dma_start3A_117] : memref<7x32x129xf32, #tpu.memory_space<vmem>> -> memref<1x32x128xf32, #tpu.memory_space<vmem>>
    %dma_start3A_119 = tpu.memref_squeeze %dma_start3A_118 : memref<1x32x128xf32, #tpu.memory_space<vmem>> -> memref<32x128xf32, #tpu.memory_space<vmem>>
    %dma_start3A_120 = arith.constant 0 : i32
    %dma_start3A_121 = tpu.memref_slice %arg5[%dma_start3A_120, %multiple_of3A_89] : memref<32x1000000xf32, #tpu.memory_space<hbm>> -> memref<32x128xf32, #tpu.memory_space<hbm>>
    tpu.enqueue_dma source(%dma_start3A_121 : memref<32x128xf32, #tpu.memory_space<hbm>>) target(%dma_start3A_119 : memref<32x128xf32, #tpu.memory_space<vmem>>) target_semaphore(%dma_start3A_115 : memref<!tpu.dma_semaphore, #tpu.memory_space<semaphore_mem>>)
    %slice3A_122 = vector.extract_strided_slice %get3A_31 {offsets = [2], sizes = [1], strides = [1]} : vector<16xi32> to vector<1xi32>
    %squeeze3A_123 = vector.extract %slice3A_122[0] : i32 from vector<1xi32>
    %slice3A_124 = vector.extract_strided_slice %get3A_35 {offsets = [2], sizes = [1], strides = [1]} : vector<16xi32> to vector<1xi32>
    %squeeze3A_125 = vector.extract %slice3A_124[0] : i32 from vector<1xi32>
    %shift_right_arithmetic3A_126 = arith.constant 7 : i32
    %shift_right_arithmetic3A_127 = arith.shrsi %squeeze3A_123, %shift_right_arithmetic3A_126 : i32
    %shift_left3A_128 = arith.constant 7 : i32
    %shift_left3A_129 = arith.shli %shift_right_arithmetic3A_127, %shift_left3A_128 : i32
    %multiple_of3A_130 = tpu.assume_multiple %shift_left3A_129, 128 : i32
    %shift_right_arithmetic3A_131 = arith.constant 7 : i32
    %shift_right_arithmetic3A_132 = arith.shrsi %squeeze3A_125, %shift_right_arithmetic3A_131 : i32
    %shift_left3A_133 = arith.constant 7 : i32
    %shift_left3A_134 = arith.shli %shift_right_arithmetic3A_132, %shift_left3A_133 : i32
    %multiple_of3A_135 = tpu.assume_multiple %shift_left3A_134, 128 : i32
    %dma_start3A_136 = arith.constant 2 : i32
    %dma_start3A_137 = arith.constant 2 : i32
    %dma_start3A_138 = arith.constant 0 : i32
    %dma_start3A_139 = arith.constant 0 : i32
    %dma_start3A_140 = tpu.memref_slice %arg9[%dma_start3A_136, %dma_start3A_138, %dma_start3A_139] : memref<7x32x129xf32, #tpu.memory_space<vmem>> -> memref<1x32x128xf32, #tpu.memory_space<vmem>>
    %dma_start3A_141 = tpu.memref_squeeze %dma_start3A_140 : memref<1x32x128xf32, #tpu.memory_space<vmem>> -> memref<32x128xf32, #tpu.memory_space<vmem>>
    %dma_start3A_142 = arith.constant 0 : i32
    %dma_start3A_143 = tpu.memref_slice %arg4[%dma_start3A_142, %multiple_of3A_130] : memref<32x1000000xf32, #tpu.memory_space<hbm>> -> memref<32x128xf32, #tpu.memory_space<hbm>>
    %dma_start3A_144 = tpu.memref_slice %arg13[%dma_start3A_137] : memref<7x!tpu.dma_semaphore, #tpu.memory_space<semaphore_mem>> -> memref<1x!tpu.dma_semaphore, #tpu.memory_space<semaphore_mem>>
    %dma_start3A_145 = tpu.memref_squeeze %dma_start3A_144 : memref<1x!tpu.dma_semaphore, #tpu.memory_space<semaphore_mem>> -> memref<!tpu.dma_semaphore, #tpu.memory_space<semaphore_mem>>
    %dma_start3A_146 = arith.constant 0 : i32
    %dma_start3A_147 = arith.constant 0 : i32
    %dma_start3A_148 = tpu.memref_slice %arg9[%dma_start3A_136, %dma_start3A_146, %dma_start3A_147] : memref<7x32x129xf32, #tpu.memory_space<vmem>> -> memref<1x32x128xf32, #tpu.memory_space<vmem>>
    %dma_start3A_149 = tpu.memref_squeeze %dma_start3A_148 : memref<1x32x128xf32, #tpu.memory_space<vmem>> -> memref<32x128xf32, #tpu.memory_space<vmem>>
    %dma_start3A_150 = arith.constant 0 : i32
    %dma_start3A_151 = tpu.memref_slice %arg4[%dma_start3A_150, %multiple_of3A_130] : memref<32x1000000xf32, #tpu.memory_space<hbm>> -> memref<32x128xf32, #tpu.memory_space<hbm>>
    tpu.enqueue_dma source(%dma_start3A_151 : memref<32x128xf32, #tpu.memory_space<hbm>>) target(%dma_start3A_149 : memref<32x128xf32, #tpu.memory_space<vmem>>) target_semaphore(%dma_start3A_145 : memref<!tpu.dma_semaphore, #tpu.memory_space<semaphore_mem>>)
    %dma_start3A_152 = arith.constant 2 : i32
    %dma_start3A_153 = arith.constant 2 : i32
    %dma_start3A_154 = arith.constant 0 : i32
    %dma_start3A_155 = arith.constant 0 : i32
    %dma_start3A_156 = tpu.memref_slice %arg10[%dma_start3A_152, %dma_start3A_154, %dma_start3A_155] : memref<7x32x129xf32, #tpu.memory_space<vmem>> -> memref<1x32x128xf32, #tpu.memory_space<vmem>>
    %dma_start3A_157 = tpu.memref_squeeze %dma_start3A_156 : memref<1x32x128xf32, #tpu.memory_space<vmem>> -> memref<32x128xf32, #tpu.memory_space<vmem>>
    %dma_start3A_158 = arith.constant 0 : i32
    %dma_start3A_159 = tpu.memref_slice %arg5[%dma_start3A_158, %multiple_of3A_135] : memref<32x1000000xf32, #tpu.memory_space<hbm>> -> memref<32x128xf32, #tpu.memory_space<hbm>>
    %dma_start3A_160 = tpu.memref_slice %arg13[%dma_start3A_153] : memref<7x!tpu.dma_semaphore, #tpu.memory_space<semaphore_mem>> -> memref<1x!tpu.dma_semaphore, #tpu.memory_space<semaphore_mem>>
    %dma_start3A_161 = tpu.memref_squeeze %dma_start3A_160 : memref<1x!tpu.dma_semaphore, #tpu.memory_space<semaphore_mem>> -> memref<!tpu.dma_semaphore, #tpu.memory_space<semaphore_mem>>
    %dma_start3A_162 = arith.constant 0 : i32
    %dma_start3A_163 = arith.constant 0 : i32
    %dma_start3A_164 = tpu.memref_slice %arg10[%dma_start3A_152, %dma_start3A_162, %dma_start3A_163] : memref<7x32x129xf32, #tpu.memory_space<vmem>> -> memref<1x32x128xf32, #tpu.memory_space<vmem>>
    %dma_start3A_165 = tpu.memref_squeeze %dma_start3A_164 : memref<1x32x128xf32, #tpu.memory_space<vmem>> -> memref<32x128xf32, #tpu.memory_space<vmem>>
    %dma_start3A_166 = arith.constant 0 : i32
    %dma_start3A_167 = tpu.memref_slice %arg5[%dma_start3A_166, %multiple_of3A_135] : memref<32x1000000xf32, #tpu.memory_space<hbm>> -> memref<32x128xf32, #tpu.memory_space<hbm>>
    tpu.enqueue_dma source(%dma_start3A_167 : memref<32x128xf32, #tpu.memory_space<hbm>>) target(%dma_start3A_165 : memref<32x128xf32, #tpu.memory_space<vmem>>) target_semaphore(%dma_start3A_161 : memref<!tpu.dma_semaphore, #tpu.memory_space<semaphore_mem>>)
    %slice3A_168 = vector.extract_strided_slice %get3A_31 {offsets = [3], sizes = [1], strides = [1]} : vector<16xi32> to vector<1xi32>
    %squeeze3A_169 = vector.extract %slice3A_168[0] : i32 from vector<1xi32>
    %slice3A_170 = vector.extract_strided_slice %get3A_35 {offsets = [3], sizes = [1], strides = [1]} : vector<16xi32> to vector<1xi32>
    %squeeze3A_171 = vector.extract %slice3A_170[0] : i32 from vector<1xi32>
    %shift_right_arithmetic3A_172 = arith.constant 7 : i32
    %shift_right_arithmetic3A_173 = arith.shrsi %squeeze3A_169, %shift_right_arithmetic3A_172 : i32
    %shift_left3A_174 = arith.constant 7 : i32
    %shift_left3A_175 = arith.shli %shift_right_arithmetic3A_173, %shift_left3A_174 : i32
    %multiple_of3A_176 = tpu.assume_multiple %shift_left3A_175, 128 : i32
    %shift_right_arithmetic3A_177 = arith.constant 7 : i32
    %shift_right_arithmetic3A_178 = arith.shrsi %squeeze3A_171, %shift_right_arithmetic3A_177 : i32
    %shift_left3A_179 = arith.constant 7 : i32
    %shift_left3A_180 = arith.shli %shift_right_arithmetic3A_178, %shift_left3A_179 : i32
    %multiple_of3A_181 = tpu.assume_multiple %shift_left3A_180, 128 : i32
    %dma_start3A_182 = arith.constant 3 : i32
    %dma_start3A_183 = arith.constant 3 : i32
    %dma_start3A_184 = arith.constant 0 : i32
    %dma_start3A_185 = arith.constant 0 : i32
    %dma_start3A_186 = tpu.memref_slice %arg9[%dma_start3A_182, %dma_start3A_184, %dma_start3A_185] : memref<7x32x129xf32, #tpu.memory_space<vmem>> -> memref<1x32x128xf32, #tpu.memory_space<vmem>>
    %dma_start3A_187 = tpu.memref_squeeze %dma_start3A_186 : memref<1x32x128xf32, #tpu.memory_space<vmem>> -> memref<32x128xf32, #tpu.memory_space<vmem>>
    %dma_start3A_188 = arith.constant 0 : i32
    %dma_start3A_189 = tpu.memref_slice %arg4[%dma_start3A_188, %multiple_of3A_176] : memref<32x1000000xf32, #tpu.memory_space<hbm>> -> memref<32x128xf32, #tpu.memory_space<hbm>>
    %dma_start3A_190 = tpu.memref_slice %arg13[%dma_start3A_183] : memref<7x!tpu.dma_semaphore, #tpu.memory_space<semaphore_mem>> -> memref<1x!tpu.dma_semaphore, #tpu.memory_space<semaphore_mem>>
    %dma_start3A_191 = tpu.memref_squeeze %dma_start3A_190 : memref<1x!tpu.dma_semaphore, #tpu.memory_space<semaphore_mem>> -> memref<!tpu.dma_semaphore, #tpu.memory_space<semaphore_mem>>
    %dma_start3A_192 = arith.constant 0 : i32
    %dma_start3A_193 = arith.constant 0 : i32
    %dma_start3A_194 = tpu.memref_slice %arg9[%dma_start3A_182, %dma_start3A_192, %dma_start3A_193] : memref<7x32x129xf32, #tpu.memory_space<vmem>> -> memref<1x32x128xf32, #tpu.memory_space<vmem>>
    %dma_start3A_195 = tpu.memref_squeeze %dma_start3A_194 : memref<1x32x128xf32, #tpu.memory_space<vmem>> -> memref<32x128xf32, #tpu.memory_space<vmem>>
    %dma_start3A_196 = arith.constant 0 : i32
    %dma_start3A_197 = tpu.memref_slice %arg4[%dma_start3A_196, %multiple_of3A_176] : memref<32x1000000xf32, #tpu.memory_space<hbm>> -> memref<32x128xf32, #tpu.memory_space<hbm>>
    tpu.enqueue_dma source(%dma_start3A_197 : memref<32x128xf32, #tpu.memory_space<hbm>>) target(%dma_start3A_195 : memref<32x128xf32, #tpu.memory_space<vmem>>) target_semaphore(%dma_start3A_191 : memref<!tpu.dma_semaphore, #tpu.memory_space<semaphore_mem>>)
    %dma_start3A_198 = arith.constant 3 : i32
    %dma_start3A_199 = arith.constant 3 : i32
    %dma_start3A_200 = arith.constant 0 : i32
    %dma_start3A_201 = arith.constant 0 : i32
    %dma_start3A_202 = tpu.memref_slice %arg10[%dma_start3A_198, %dma_start3A_200, %dma_start3A_201] : memref<7x32x129xf32, #tpu.memory_space<vmem>> -> memref<1x32x128xf32, #tpu.memory_space<vmem>>
    %dma_start3A_203 = tpu.memref_squeeze %dma_start3A_202 : memref<1x32x128xf32, #tpu.memory_space<vmem>> -> memref<32x128xf32, #tpu.memory_space<vmem>>
    %dma_start3A_204 = arith.constant 0 : i32
    %dma_start3A_205 = tpu.memref_slice %arg5[%dma_start3A_204, %multiple_of3A_181] : memref<32x1000000xf32, #tpu.memory_space<hbm>> -> memref<32x128xf32, #tpu.memory_space<hbm>>
    %dma_start3A_206 = tpu.memref_slice %arg13[%dma_start3A_199] : memref<7x!tpu.dma_semaphore, #tpu.memory_space<semaphore_mem>> -> memref<1x!tpu.dma_semaphore, #tpu.memory_space<semaphore_mem>>
    %dma_start3A_207 = tpu.memref_squeeze %dma_start3A_206 : memref<1x!tpu.dma_semaphore, #tpu.memory_space<semaphore_mem>> -> memref<!tpu.dma_semaphore, #tpu.memory_space<semaphore_mem>>
    %dma_start3A_208 = arith.constant 0 : i32
    %dma_start3A_209 = arith.constant 0 : i32
    %dma_start3A_210 = tpu.memref_slice %arg10[%dma_start3A_198, %dma_start3A_208, %dma_start3A_209] : memref<7x32x129xf32, #tpu.memory_space<vmem>> -> memref<1x32x128xf32, #tpu.memory_space<vmem>>
    %dma_start3A_211 = tpu.memref_squeeze %dma_start3A_210 : memref<1x32x128xf32, #tpu.memory_space<vmem>> -> memref<32x128xf32, #tpu.memory_space<vmem>>
    %dma_start3A_212 = arith.constant 0 : i32
    %dma_start3A_213 = tpu.memref_slice %arg5[%dma_start3A_212, %multiple_of3A_181] : memref<32x1000000xf32, #tpu.memory_space<hbm>> -> memref<32x128xf32, #tpu.memory_space<hbm>>
    tpu.enqueue_dma source(%dma_start3A_213 : memref<32x128xf32, #tpu.memory_space<hbm>>) target(%dma_start3A_211 : memref<32x128xf32, #tpu.memory_space<vmem>>) target_semaphore(%dma_start3A_207 : memref<!tpu.dma_semaphore, #tpu.memory_space<semaphore_mem>>)
    %slice3A_214 = vector.extract_strided_slice %get3A_31 {offsets = [4], sizes = [1], strides = [1]} : vector<16xi32> to vector<1xi32>
    %squeeze3A_215 = vector.extract %slice3A_214[0] : i32 from vector<1xi32>
    %slice3A_216 = vector.extract_strided_slice %get3A_35 {offsets = [4], sizes = [1], strides = [1]} : vector<16xi32> to vector<1xi32>
    %squeeze3A_217 = vector.extract %slice3A_216[0] : i32 from vector<1xi32>
    %shift_right_arithmetic3A_218 = arith.constant 7 : i32
    %shift_right_arithmetic3A_219 = arith.shrsi %squeeze3A_215, %shift_right_arithmetic3A_218 : i32
    %shift_left3A_220 = arith.constant 7 : i32
    %shift_left3A_221 = arith.shli %shift_right_arithmetic3A_219, %shift_left3A_220 : i32
    %multiple_of3A_222 = tpu.assume_multiple %shift_left3A_221, 128 : i32
    %shift_right_arithmetic3A_223 = arith.constant 7 : i32
    %shift_right_arithmetic3A_224 = arith.shrsi %squeeze3A_217, %shift_right_arithmetic3A_223 : i32
    %shift_left3A_225 = arith.constant 7 : i32
    %shift_left3A_226 = arith.shli %shift_right_arithmetic3A_224, %shift_left3A_225 : i32
    %multiple_of3A_227 = tpu.assume_multiple %shift_left3A_226, 128 : i32
    %dma_start3A_228 = arith.constant 4 : i32
    %dma_start3A_229 = arith.constant 4 : i32
    %dma_start3A_230 = arith.constant 0 : i32
    %dma_start3A_231 = arith.constant 0 : i32
    %dma_start3A_232 = tpu.memref_slice %arg9[%dma_start3A_228, %dma_start3A_230, %dma_start3A_231] : memref<7x32x129xf32, #tpu.memory_space<vmem>> -> memref<1x32x128xf32, #tpu.memory_space<vmem>>
    %dma_start3A_233 = tpu.memref_squeeze %dma_start3A_232 : memref<1x32x128xf32, #tpu.memory_space<vmem>> -> memref<32x128xf32, #tpu.memory_space<vmem>>
    %dma_start3A_234 = arith.constant 0 : i32
    %dma_start3A_235 = tpu.memref_slice %arg4[%dma_start3A_234, %multiple_of3A_222] : memref<32x1000000xf32, #tpu.memory_space<hbm>> -> memref<32x128xf32, #tpu.memory_space<hbm>>
    %dma_start3A_236 = tpu.memref_slice %arg13[%dma_start3A_229] : memref<7x!tpu.dma_semaphore, #tpu.memory_space<semaphore_mem>> -> memref<1x!tpu.dma_semaphore, #tpu.memory_space<semaphore_mem>>
    %dma_start3A_237 = tpu.memref_squeeze %dma_start3A_236 : memref<1x!tpu.dma_semaphore, #tpu.memory_space<semaphore_mem>> -> memref<!tpu.dma_semaphore, #tpu.memory_space<semaphore_mem>>
    %dma_start3A_238 = arith.constant 0 : i32
    %dma_start3A_239 = arith.constant 0 : i32
    %dma_start3A_240 = tpu.memref_slice %arg9[%dma_start3A_228, %dma_start3A_238, %dma_start3A_239] : memref<7x32x129xf32, #tpu.memory_space<vmem>> -> memref<1x32x128xf32, #tpu.memory_space<vmem>>
    %dma_start3A_241 = tpu.memref_squeeze %dma_start3A_240 : memref<1x32x128xf32, #tpu.memory_space<vmem>> -> memref<32x128xf32, #tpu.memory_space<vmem>>
    %dma_start3A_242 = arith.constant 0 : i32
    %dma_start3A_243 = tpu.memref_slice %arg4[%dma_start3A_242, %multiple_of3A_222] : memref<32x1000000xf32, #tpu.memory_space<hbm>> -> memref<32x128xf32, #tpu.memory_space<hbm>>
    tpu.enqueue_dma source(%dma_start3A_243 : memref<32x128xf32, #tpu.memory_space<hbm>>) target(%dma_start3A_241 : memref<32x128xf32, #tpu.memory_space<vmem>>) target_semaphore(%dma_start3A_237 : memref<!tpu.dma_semaphore, #tpu.memory_space<semaphore_mem>>)
    %dma_start3A_244 = arith.constant 4 : i32
    %dma_start3A_245 = arith.constant 4 : i32
    %dma_start3A_246 = arith.constant 0 : i32
    %dma_start3A_247 = arith.constant 0 : i32
    %dma_start3A_248 = tpu.memref_slice %arg10[%dma_start3A_244, %dma_start3A_246, %dma_start3A_247] : memref<7x32x129xf32, #tpu.memory_space<vmem>> -> memref<1x32x128xf32, #tpu.memory_space<vmem>>
    %dma_start3A_249 = tpu.memref_squeeze %dma_start3A_248 : memref<1x32x128xf32, #tpu.memory_space<vmem>> -> memref<32x128xf32, #tpu.memory_space<vmem>>
    %dma_start3A_250 = arith.constant 0 : i32
    %dma_start3A_251 = tpu.memref_slice %arg5[%dma_start3A_250, %multiple_of3A_227] : memref<32x1000000xf32, #tpu.memory_space<hbm>> -> memref<32x128xf32, #tpu.memory_space<hbm>>
    %dma_start3A_252 = tpu.memref_slice %arg13[%dma_start3A_245] : memref<7x!tpu.dma_semaphore, #tpu.memory_space<semaphore_mem>> -> memref<1x!tpu.dma_semaphore, #tpu.memory_space<semaphore_mem>>
    %dma_start3A_253 = tpu.memref_squeeze %dma_start3A_252 : memref<1x!tpu.dma_semaphore, #tpu.memory_space<semaphore_mem>> -> memref<!tpu.dma_semaphore, #tpu.memory_space<semaphore_mem>>
    %dma_start3A_254 = arith.constant 0 : i32
    %dma_start3A_255 = arith.constant 0 : i32
    %dma_start3A_256 = tpu.memref_slice %arg10[%dma_start3A_244, %dma_start3A_254, %dma_start3A_255] : memref<7x32x129xf32, #tpu.memory_space<vmem>> -> memref<1x32x128xf32, #tpu.memory_space<vmem>>
    %dma_start3A_257 = tpu.memref_squeeze %dma_start3A_256 : memref<1x32x128xf32, #tpu.memory_space<vmem>> -> memref<32x128xf32, #tpu.memory_space<vmem>>
    %dma_start3A_258 = arith.constant 0 : i32
    %dma_start3A_259 = tpu.memref_slice %arg5[%dma_start3A_258, %multiple_of3A_227] : memref<32x1000000xf32, #tpu.memory_space<hbm>> -> memref<32x128xf32, #tpu.memory_space<hbm>>
    tpu.enqueue_dma source(%dma_start3A_259 : memref<32x128xf32, #tpu.memory_space<hbm>>) target(%dma_start3A_257 : memref<32x128xf32, #tpu.memory_space<vmem>>) target_semaphore(%dma_start3A_253 : memref<!tpu.dma_semaphore, #tpu.memory_space<semaphore_mem>>)
    %slice3A_260 = vector.extract_strided_slice %get3A_31 {offsets = [5], sizes = [1], strides = [1]} : vector<16xi32> to vector<1xi32>
    %squeeze3A_261 = vector.extract %slice3A_260[0] : i32 from vector<1xi32>
    %slice3A_262 = vector.extract_strided_slice %get3A_35 {offsets = [5], sizes = [1], strides = [1]} : vector<16xi32> to vector<1xi32>
    %squeeze3A_263 = vector.extract %slice3A_262[0] : i32 from vector<1xi32>
    %shift_right_arithmetic3A_264 = arith.constant 7 : i32
    %shift_right_arithmetic3A_265 = arith.shrsi %squeeze3A_261, %shift_right_arithmetic3A_264 : i32
    %shift_left3A_266 = arith.constant 7 : i32
    %shift_left3A_267 = arith.shli %shift_right_arithmetic3A_265, %shift_left3A_266 : i32
    %multiple_of3A_268 = tpu.assume_multiple %shift_left3A_267, 128 : i32
    %shift_right_arithmetic3A_269 = arith.constant 7 : i32
    %shift_right_arithmetic3A_270 = arith.shrsi %squeeze3A_263, %shift_right_arithmetic3A_269 : i32
    %shift_left3A_271 = arith.constant 7 : i32
    %shift_left3A_272 = arith.shli %shift_right_arithmetic3A_270, %shift_left3A_271 : i32
    %multiple_of3A_273 = tpu.assume_multiple %shift_left3A_272, 128 : i32
    %dma_start3A_274 = arith.constant 5 : i32
    %dma_start3A_275 = arith.constant 5 : i32
    %dma_start3A_276 = arith.constant 0 : i32
    %dma_start3A_277 = arith.constant 0 : i32
    %dma_start3A_278 = tpu.memref_slice %arg9[%dma_start3A_274, %dma_start3A_276, %dma_start3A_277] : memref<7x32x129xf32, #tpu.memory_space<vmem>> -> memref<1x32x128xf32, #tpu.memory_space<vmem>>
    %dma_start3A_279 = tpu.memref_squeeze %dma_start3A_278 : memref<1x32x128xf32, #tpu.memory_space<vmem>> -> memref<32x128xf32, #tpu.memory_space<vmem>>
    %dma_start3A_280 = arith.constant 0 : i32
    %dma_start3A_281 = tpu.memref_slice %arg4[%dma_start3A_280, %multiple_of3A_268] : memref<32x1000000xf32, #tpu.memory_space<hbm>> -> memref<32x128xf32, #tpu.memory_space<hbm>>
    %dma_start3A_282 = tpu.memref_slice %arg13[%dma_start3A_275] : memref<7x!tpu.dma_semaphore, #tpu.memory_space<semaphore_mem>> -> memref<1x!tpu.dma_semaphore, #tpu.memory_space<semaphore_mem>>
    %dma_start3A_283 = tpu.memref_squeeze %dma_start3A_282 : memref<1x!tpu.dma_semaphore, #tpu.memory_space<semaphore_mem>> -> memref<!tpu.dma_semaphore, #tpu.memory_space<semaphore_mem>>
    %dma_start3A_284 = arith.constant 0 : i32
    %dma_start3A_285 = arith.constant 0 : i32
    %dma_start3A_286 = tpu.memref_slice %arg9[%dma_start3A_274, %dma_start3A_284, %dma_start3A_285] : memref<7x32x129xf32, #tpu.memory_space<vmem>> -> memref<1x32x128xf32, #tpu.memory_space<vmem>>
    %dma_start3A_287 = tpu.memref_squeeze %dma_start3A_286 : memref<1x32x128xf32, #tpu.memory_space<vmem>> -> memref<32x128xf32, #tpu.memory_space<vmem>>
    %dma_start3A_288 = arith.constant 0 : i32
    %dma_start3A_289 = tpu.memref_slice %arg4[%dma_start3A_288, %multiple_of3A_268] : memref<32x1000000xf32, #tpu.memory_space<hbm>> -> memref<32x128xf32, #tpu.memory_space<hbm>>
    tpu.enqueue_dma source(%dma_start3A_289 : memref<32x128xf32, #tpu.memory_space<hbm>>) target(%dma_start3A_287 : memref<32x128xf32, #tpu.memory_space<vmem>>) target_semaphore(%dma_start3A_283 : memref<!tpu.dma_semaphore, #tpu.memory_space<semaphore_mem>>)
    %dma_start3A_290 = arith.constant 5 : i32
    %dma_start3A_291 = arith.constant 5 : i32
    %dma_start3A_292 = arith.constant 0 : i32
    %dma_start3A_293 = arith.constant 0 : i32
    %dma_start3A_294 = tpu.memref_slice %arg10[%dma_start3A_290, %dma_start3A_292, %dma_start3A_293] : memref<7x32x129xf32, #tpu.memory_space<vmem>> -> memref<1x32x128xf32, #tpu.memory_space<vmem>>
    %dma_start3A_295 = tpu.memref_squeeze %dma_start3A_294 : memref<1x32x128xf32, #tpu.memory_space<vmem>> -> memref<32x128xf32, #tpu.memory_space<vmem>>
    %dma_start3A_296 = arith.constant 0 : i32
    %dma_start3A_297 = tpu.memref_slice %arg5[%dma_start3A_296, %multiple_of3A_273] : memref<32x1000000xf32, #tpu.memory_space<hbm>> -> memref<32x128xf32, #tpu.memory_space<hbm>>
    %dma_start3A_298 = tpu.memref_slice %arg13[%dma_start3A_291] : memref<7x!tpu.dma_semaphore, #tpu.memory_space<semaphore_mem>> -> memref<1x!tpu.dma_semaphore, #tpu.memory_space<semaphore_mem>>
    %dma_start3A_299 = tpu.memref_squeeze %dma_start3A_298 : memref<1x!tpu.dma_semaphore, #tpu.memory_space<semaphore_mem>> -> memref<!tpu.dma_semaphore, #tpu.memory_space<semaphore_mem>>
    %dma_start3A_300 = arith.constant 0 : i32
    %dma_start3A_301 = arith.constant 0 : i32
    %dma_start3A_302 = tpu.memref_slice %arg10[%dma_start3A_290, %dma_start3A_300, %dma_start3A_301] : memref<7x32x129xf32, #tpu.memory_space<vmem>> -> memref<1x32x128xf32, #tpu.memory_space<vmem>>
    %dma_start3A_303 = tpu.memref_squeeze %dma_start3A_302 : memref<1x32x128xf32, #tpu.memory_space<vmem>> -> memref<32x128xf32, #tpu.memory_space<vmem>>
    %dma_start3A_304 = arith.constant 0 : i32
    %dma_start3A_305 = tpu.memref_slice %arg5[%dma_start3A_304, %multiple_of3A_273] : memref<32x1000000xf32, #tpu.memory_space<hbm>> -> memref<32x128xf32, #tpu.memory_space<hbm>>
    tpu.enqueue_dma source(%dma_start3A_305 : memref<32x128xf32, #tpu.memory_space<hbm>>) target(%dma_start3A_303 : memref<32x128xf32, #tpu.memory_space<vmem>>) target_semaphore(%dma_start3A_299 : memref<!tpu.dma_semaphore, #tpu.memory_space<semaphore_mem>>)
    %slice3A_306 = vector.extract_strided_slice %get3A_31 {offsets = [6], sizes = [1], strides = [1]} : vector<16xi32> to vector<1xi32>
    %squeeze3A_307 = vector.extract %slice3A_306[0] : i32 from vector<1xi32>
    %slice3A_308 = vector.extract_strided_slice %get3A_35 {offsets = [6], sizes = [1], strides = [1]} : vector<16xi32> to vector<1xi32>
    %squeeze3A_309 = vector.extract %slice3A_308[0] : i32 from vector<1xi32>
    %shift_right_arithmetic3A_310 = arith.constant 7 : i32
    %shift_right_arithmetic3A_311 = arith.shrsi %squeeze3A_307, %shift_right_arithmetic3A_310 : i32
    %shift_left3A_312 = arith.constant 7 : i32
    %shift_left3A_313 = arith.shli %shift_right_arithmetic3A_311, %shift_left3A_312 : i32
    %multiple_of3A_314 = tpu.assume_multiple %shift_left3A_313, 128 : i32
    %shift_right_arithmetic3A_315 = arith.constant 7 : i32
    %shift_right_arithmetic3A_316 = arith.shrsi %squeeze3A_309, %shift_right_arithmetic3A_315 : i32
    %shift_left3A_317 = arith.constant 7 : i32
    %shift_left3A_318 = arith.shli %shift_right_arithmetic3A_316, %shift_left3A_317 : i32
    %multiple_of3A_319 = tpu.assume_multiple %shift_left3A_318, 128 : i32
    %dma_start3A_320 = arith.constant 6 : i32
    %dma_start3A_321 = arith.constant 6 : i32
    %dma_start3A_322 = arith.constant 0 : i32
    %dma_start3A_323 = arith.constant 0 : i32
    %dma_start3A_324 = tpu.memref_slice %arg9[%dma_start3A_320, %dma_start3A_322, %dma_start3A_323] : memref<7x32x129xf32, #tpu.memory_space<vmem>> -> memref<1x32x128xf32, #tpu.memory_space<vmem>>
    %dma_start3A_325 = tpu.memref_squeeze %dma_start3A_324 : memref<1x32x128xf32, #tpu.memory_space<vmem>> -> memref<32x128xf32, #tpu.memory_space<vmem>>
    %dma_start3A_326 = arith.constant 0 : i32
    %dma_start3A_327 = tpu.memref_slice %arg4[%dma_start3A_326, %multiple_of3A_314] : memref<32x1000000xf32, #tpu.memory_space<hbm>> -> memref<32x128xf32, #tpu.memory_space<hbm>>
    %dma_start3A_328 = tpu.memref_slice %arg13[%dma_start3A_321] : memref<7x!tpu.dma_semaphore, #tpu.memory_space<semaphore_mem>> -> memref<1x!tpu.dma_semaphore, #tpu.memory_space<semaphore_mem>>
    %dma_start3A_329 = tpu.memref_squeeze %dma_start3A_328 : memref<1x!tpu.dma_semaphore, #tpu.memory_space<semaphore_mem>> -> memref<!tpu.dma_semaphore, #tpu.memory_space<semaphore_mem>>
    %dma_start3A_330 = arith.constant 0 : i32
    %dma_start3A_331 = arith.constant 0 : i32
    %dma_start3A_332 = tpu.memref_slice %arg9[%dma_start3A_320, %dma_start3A_330, %dma_start3A_331] : memref<7x32x129xf32, #tpu.memory_space<vmem>> -> memref<1x32x128xf32, #tpu.memory_space<vmem>>
    %dma_start3A_333 = tpu.memref_squeeze %dma_start3A_332 : memref<1x32x128xf32, #tpu.memory_space<vmem>> -> memref<32x128xf32, #tpu.memory_space<vmem>>
    %dma_start3A_334 = arith.constant 0 : i32
    %dma_start3A_335 = tpu.memref_slice %arg4[%dma_start3A_334, %multiple_of3A_314] : memref<32x1000000xf32, #tpu.memory_space<hbm>> -> memref<32x128xf32, #tpu.memory_space<hbm>>
    tpu.enqueue_dma source(%dma_start3A_335 : memref<32x128xf32, #tpu.memory_space<hbm>>) target(%dma_start3A_333 : memref<32x128xf32, #tpu.memory_space<vmem>>) target_semaphore(%dma_start3A_329 : memref<!tpu.dma_semaphore, #tpu.memory_space<semaphore_mem>>)
    %dma_start3A_336 = arith.constant 6 : i32
    %dma_start3A_337 = arith.constant 6 : i32
    %dma_start3A_338 = arith.constant 0 : i32
    %dma_start3A_339 = arith.constant 0 : i32
    %dma_start3A_340 = tpu.memref_slice %arg10[%dma_start3A_336, %dma_start3A_338, %dma_start3A_339] : memref<7x32x129xf32, #tpu.memory_space<vmem>> -> memref<1x32x128xf32, #tpu.memory_space<vmem>>
    %dma_start3A_341 = tpu.memref_squeeze %dma_start3A_340 : memref<1x32x128xf32, #tpu.memory_space<vmem>> -> memref<32x128xf32, #tpu.memory_space<vmem>>
    %dma_start3A_342 = arith.constant 0 : i32
    %dma_start3A_343 = tpu.memref_slice %arg5[%dma_start3A_342, %multiple_of3A_319] : memref<32x1000000xf32, #tpu.memory_space<hbm>> -> memref<32x128xf32, #tpu.memory_space<hbm>>
    %dma_start3A_344 = tpu.memref_slice %arg13[%dma_start3A_337] : memref<7x!tpu.dma_semaphore, #tpu.memory_space<semaphore_mem>> -> memref<1x!tpu.dma_semaphore, #tpu.memory_space<semaphore_mem>>
    %dma_start3A_345 = tpu.memref_squeeze %dma_start3A_344 : memref<1x!tpu.dma_semaphore, #tpu.memory_space<semaphore_mem>> -> memref<!tpu.dma_semaphore, #tpu.memory_space<semaphore_mem>>
    %dma_start3A_346 = arith.constant 0 : i32
    %dma_start3A_347 = arith.constant 0 : i32
    %dma_start3A_348 = tpu.memref_slice %arg10[%dma_start3A_336, %dma_start3A_346, %dma_start3A_347] : memref<7x32x129xf32, #tpu.memory_space<vmem>> -> memref<1x32x128xf32, #tpu.memory_space<vmem>>
    %dma_start3A_349 = tpu.memref_squeeze %dma_start3A_348 : memref<1x32x128xf32, #tpu.memory_space<vmem>> -> memref<32x128xf32, #tpu.memory_space<vmem>>
    %dma_start3A_350 = arith.constant 0 : i32
    %dma_start3A_351 = tpu.memref_slice %arg5[%dma_start3A_350, %multiple_of3A_319] : memref<32x1000000xf32, #tpu.memory_space<hbm>> -> memref<32x128xf32, #tpu.memory_space<hbm>>
    tpu.enqueue_dma source(%dma_start3A_351 : memref<32x128xf32, #tpu.memory_space<hbm>>) target(%dma_start3A_349 : memref<32x128xf32, #tpu.memory_space<vmem>>) target_semaphore(%dma_start3A_345 : memref<!tpu.dma_semaphore, #tpu.memory_space<semaphore_mem>>)
    %scan3A = arith.constant 0 : i32
    %scan3A_352 = arith.constant 32 : i32
    %scan3A_353 = arith.addi %scan3A, %scan3A_352 : i32
    %scan3A_354 = arith.constant 1 : i32
    %scan3A_355:2 = scf.for %scan3A_363 = %scan3A to %scan3A_353 step %scan3A_354 iter_args(%scan3A_364 = %get3A_31, %scan3A_365 = %get3A_35) -> (vector<16xi32>, vector<16xi32>)  : i32 {
      %add3A_366 = arith.constant 1 : i32
      %add3A_367 = arith.addi %scan3A_363, %add3A_366 : i32
      %min3A = arith.constant 31 : i32
      %min3A_368 = arith.minsi %add3A_367, %min3A : i32
      %jit3A = arith.constant 8 : i32
      %div3A = arith.divsi %min3A_368, %jit3A : i32
      %sign3A = arith.constant 0 : i32
      %sign3A_369 = arith.cmpi sgt, %min3A_368, %sign3A : i32
      %sign3A_370 = arith.extui %sign3A_369 : i1 to i32
      %sign3A_371 = arith.constant 0 : i32
      %sign3A_372 = arith.cmpi slt, %min3A_368, %sign3A_371 : i32
      %sign3A_373 = arith.extui %sign3A_372 : i1 to i32
      %sign3A_374 = arith.subi %sign3A_370, %sign3A_373 : i32
      %sign3A_375 = arith.constant 0 : i32
      %sign3A_376 = arith.cmpi sgt, %jit3A, %sign3A_375 : i32
      %sign3A_377 = arith.extui %sign3A_376 : i1 to i32
      %sign3A_378 = arith.constant 0 : i32
      %sign3A_379 = arith.cmpi slt, %jit3A, %sign3A_378 : i32
      %sign3A_380 = arith.extui %sign3A_379 : i1 to i32
      %sign3A_381 = arith.subi %sign3A_377, %sign3A_380 : i32
      %ne3A = arith.cmpi ne, %sign3A_374, %sign3A_381 : i32
      %rem3A = arith.remsi %min3A_368, %jit3A : i32
      %ne3A_382 = arith.constant 0 : i32
      %ne3A_383 = arith.cmpi ne, %rem3A, %ne3A_382 : i32
      %and3A = arith.andi %ne3A, %ne3A_383 : i1
      %sub3A = arith.constant 1 : i32
      %sub3A_384 = arith.subi %div3A, %sub3A : i32
      %select_n3A = arith.select %and3A, %sub3A_384, %div3A : i32
      %jit3A_385 = arith.constant 8 : i32
      %eq3A = arith.constant 0 : i32
      %eq3A_386 = arith.cmpi eq, %jit3A_385, %eq3A : i32
      %jit3A_387 = arith.constant 1 : i32
      %select_n3A_388 = arith.select %eq3A_386, %jit3A_387, %jit3A_385 : i32
      %rem3A_389 = arith.remsi %min3A_368, %select_n3A_388 : i32
      %ne3A_390 = arith.constant 0 : i32
      %ne3A_391 = arith.cmpi ne, %rem3A_389, %ne3A_390 : i32
      %lt3A = arith.constant 0 : i32
      %lt3A_392 = arith.cmpi slt, %rem3A_389, %lt3A : i32
      %lt3A_393 = arith.constant 0 : i32
      %lt3A_394 = arith.cmpi slt, %select_n3A_388, %lt3A_393 : i32
      %ne3A_395 = arith.xori %lt3A_392, %lt3A_394 : i1
      %and3A_396 = arith.andi %ne3A_395, %ne3A_391 : i1
      %add3A_397 = arith.addi %rem3A_389, %select_n3A_388 : i32
      %select_n3A_398 = arith.select %and3A_396, %add3A_397, %rem3A_389 : i32
      %mul3A_399 = arith.constant 16 : i32
      %mul3A_400 = arith.muli %select_n3A_398, %mul3A_399 : i32
      %get3A_401 = arith.index_cast %select_n3A : i32 to index
      %get3A_402 = arith.index_cast %mul3A_400 : i32 to index
      %get3A_403 = tpu.vector_load %arg7[%get3A_401, %get3A_402] {strides = array<i32>} : memref<4x128xi32, #tpu.memory_space<vmem>>, vector<16xi32>,
      %get3A_404 = arith.index_cast %select_n3A : i32 to index
      %get3A_405 = arith.index_cast %mul3A_400 : i32 to index
      %get3A_406 = tpu.vector_load %arg8[%get3A_404, %get3A_405] {strides = array<i32>} : memref<4x128xi32, #tpu.memory_space<vmem>>, vector<16xi32>,
      %mul3A_407 = arith.constant 2 : i32
      %mul3A_408 = arith.muli %mul3A_407, %scan3A_363 : i32
      %add3A_409 = arith.constant 0 : i32
      %add3A_410 = arith.addi %mul3A_408, %add3A_409 : i32
      %rem3A_411 = arith.constant 7 : i32
      %rem3A_412 = arith.remsi %add3A_410, %rem3A_411 : i32
      %dma_wait3A = arith.constant 0 : i32
      %dma_wait3A_413 = arith.constant 0 : i32
      %dma_wait3A_414 = tpu.memref_slice %arg9[%rem3A_412, %dma_wait3A, %dma_wait3A_413] : memref<7x32x129xf32, #tpu.memory_space<vmem>> -> memref<1x32x128xf32, #tpu.memory_space<vmem>>
      %dma_wait3A_415 = tpu.memref_squeeze %dma_wait3A_414 : memref<1x32x128xf32, #tpu.memory_space<vmem>> -> memref<32x128xf32, #tpu.memory_space<vmem>>
      %dma_wait3A_416 = arith.constant 0 : i32
      %dma_wait3A_417 = arith.constant 0 : i32
      %dma_wait3A_418 = tpu.memref_slice %arg4[%dma_wait3A_416, %dma_wait3A_417] : memref<32x1000000xf32, #tpu.memory_space<hbm>> -> memref<32x128xf32, #tpu.memory_space<hbm>>
      %dma_wait3A_419 = tpu.memref_slice %arg13[%rem3A_412] : memref<7x!tpu.dma_semaphore, #tpu.memory_space<semaphore_mem>> -> memref<1x!tpu.dma_semaphore, #tpu.memory_space<semaphore_mem>>
      %dma_wait3A_420 = tpu.memref_squeeze %dma_wait3A_419 : memref<1x!tpu.dma_semaphore, #tpu.memory_space<semaphore_mem>> -> memref<!tpu.dma_semaphore, #tpu.memory_space<semaphore_mem>>
      %dma_wait3A_421 = arith.constant 0 : i32
      %dma_wait3A_422 = arith.constant 0 : i32
      %dma_wait3A_423 = tpu.memref_slice %arg9[%rem3A_412, %dma_wait3A_421, %dma_wait3A_422] : memref<7x32x129xf32, #tpu.memory_space<vmem>> -> memref<1x32x128xf32, #tpu.memory_space<vmem>>
      %dma_wait3A_424 = tpu.memref_squeeze %dma_wait3A_423 : memref<1x32x128xf32, #tpu.memory_space<vmem>> -> memref<32x128xf32, #tpu.memory_space<vmem>>
      %dma_wait3A_425 = arith.constant 0 : i32
      %dma_wait3A_426 = arith.constant 0 : i32
      %dma_wait3A_427 = tpu.memref_slice %arg4[%dma_wait3A_425, %dma_wait3A_426] : memref<32x1000000xf32, #tpu.memory_space<hbm>> -> memref<32x128xf32, #tpu.memory_space<hbm>>
      tpu.wait_dma2 semaphore(%dma_wait3A_420 : memref<!tpu.dma_semaphore, #tpu.memory_space<semaphore_mem>>) src(%dma_wait3A_427 : memref<32x128xf32, #tpu.memory_space<hbm>>) dst(%dma_wait3A_424 : memref<32x128xf32, #tpu.memory_space<vmem>>)
      %dma_wait3A_428 = arith.constant 0 : i32
      %dma_wait3A_429 = arith.constant 0 : i32
      %dma_wait3A_430 = tpu.memref_slice %arg10[%rem3A_412, %dma_wait3A_428, %dma_wait3A_429] : memref<7x32x129xf32, #tpu.memory_space<vmem>> -> memref<1x32x128xf32, #tpu.memory_space<vmem>>
      %dma_wait3A_431 = tpu.memref_squeeze %dma_wait3A_430 : memref<1x32x128xf32, #tpu.memory_space<vmem>> -> memref<32x128xf32, #tpu.memory_space<vmem>>
      %dma_wait3A_432 = arith.constant 0 : i32
      %dma_wait3A_433 = arith.constant 0 : i32
      %dma_wait3A_434 = tpu.memref_slice %arg5[%dma_wait3A_432, %dma_wait3A_433] : memref<32x1000000xf32, #tpu.memory_space<hbm>> -> memref<32x128xf32, #tpu.memory_space<hbm>>
      %dma_wait3A_435 = tpu.memref_slice %arg13[%rem3A_412] : memref<7x!tpu.dma_semaphore, #tpu.memory_space<semaphore_mem>> -> memref<1x!tpu.dma_semaphore, #tpu.memory_space<semaphore_mem>>
      %dma_wait3A_436 = tpu.memref_squeeze %dma_wait3A_435 : memref<1x!tpu.dma_semaphore, #tpu.memory_space<semaphore_mem>> -> memref<!tpu.dma_semaphore, #tpu.memory_space<semaphore_mem>>
      %dma_wait3A_437 = arith.constant 0 : i32
      %dma_wait3A_438 = arith.constant 0 : i32
      %dma_wait3A_439 = tpu.memref_slice %arg10[%rem3A_412, %dma_wait3A_437, %dma_wait3A_438] : memref<7x32x129xf32, #tpu.memory_space<vmem>> -> memref<1x32x128xf32, #tpu.memory_space<vmem>>
      %dma_wait3A_440 = tpu.memref_squeeze %dma_wait3A_439 : memref<1x32x128xf32, #tpu.memory_space<vmem>> -> memref<32x128xf32, #tpu.memory_space<vmem>>
      %dma_wait3A_441 = arith.constant 0 : i32
      %dma_wait3A_442 = arith.constant 0 : i32
      %dma_wait3A_443 = tpu.memref_slice %arg5[%dma_wait3A_441, %dma_wait3A_442] : memref<32x1000000xf32, #tpu.memory_space<hbm>> -> memref<32x128xf32, #tpu.memory_space<hbm>>
      tpu.wait_dma2 semaphore(%dma_wait3A_436 : memref<!tpu.dma_semaphore, #tpu.memory_space<semaphore_mem>>) src(%dma_wait3A_443 : memref<32x128xf32, #tpu.memory_space<hbm>>) dst(%dma_wait3A_440 : memref<32x128xf32, #tpu.memory_space<vmem>>)
      %slice3A_444 = vector.extract_strided_slice %scan3A_364 {offsets = [0], sizes = [1], strides = [1]} : vector<16xi32> to vector<1xi32>
      %squeeze3A_445 = vector.extract %slice3A_444[0] : i32 from vector<1xi32>
      %slice3A_446 = vector.extract_strided_slice %scan3A_365 {offsets = [0], sizes = [1], strides = [1]} : vector<16xi32> to vector<1xi32>
      %squeeze3A_447 = vector.extract %slice3A_446[0] : i32 from vector<1xi32>
      %mul3A_448 = arith.constant 16 : i32
      %mul3A_449 = arith.muli %scan3A_363, %mul3A_448 : i32
      %add3A_450 = arith.constant 0 : i32
      %add3A_451 = arith.addi %mul3A_449, %add3A_450 : i32
      %and3A_452 = arith.constant 127 : i32
      %and3A_453 = arith.andi %squeeze3A_445, %and3A_452 : i32
      %broadcast_in_dim3A = vector.broadcast %and3A_453 : i32 to vector<16xi32>
      %and3A_454 = arith.constant 127 : i32
      %and3A_455 = arith.andi %squeeze3A_447, %and3A_454 : i32
      %broadcast_in_dim3A_456 = vector.broadcast %and3A_455 : i32 to vector<16xi32>
      %broadcast_in_dim3A_457 = vector.broadcast %rem3A_412 : i32 to vector<16xi32>
      %gather3A = tpu.vector_load_idx %arg9[%broadcast_in_dim3A_457, %iota3A, %broadcast_in_dim3A] : memref<7x32x129xf32, #tpu.memory_space<vmem>>[vector<16xi32>, vector<16xi32>, vector<16xi32>], vector<16xf32>,
      %gather3A_458 = tpu.vector_load_idx %arg9[%broadcast_in_dim3A_457, %add3A_28, %broadcast_in_dim3A] : memref<7x32x129xf32, #tpu.memory_space<vmem>>[vector<16xi32>, vector<16xi32>, vector<16xi32>], vector<16xf32>,
      %gather3A_459 = tpu.vector_load_idx %arg10[%broadcast_in_dim3A_457, %iota3A, %broadcast_in_dim3A_456] : memref<7x32x129xf32, #tpu.memory_space<vmem>>[vector<16xi32>, vector<16xi32>, vector<16xi32>], vector<16xf32>,
      %gather3A_460 = tpu.vector_load_idx %arg10[%broadcast_in_dim3A_457, %add3A_28, %broadcast_in_dim3A_456] : memref<7x32x129xf32, #tpu.memory_space<vmem>>[vector<16xi32>, vector<16xi32>, vector<16xi32>], vector<16xf32>,
      %mul3A_461 = arith.mulf %gather3A, %gather3A_459 : vector<16xf32>
      %mul3A_462 = arith.mulf %gather3A_458, %gather3A_460 : vector<16xf32>
      %add3A_463 = arith.addf %mul3A_461, %mul3A_462 : vector<16xf32>
      %broadcast_in_dim3A_464 = vector.broadcast %add3A_451 : i32 to vector<16xi32>
      tpu.vector_store_idx %arg11[%iota3A, %broadcast_in_dim3A_464], %add3A_463 : memref<16x513xf32, #tpu.memory_space<vmem>>[vector<16xi32>, vector<16xi32>], vector<16xf32>,
      %slice3A_465 = vector.extract_strided_slice %scan3A_364 {offsets = [7], sizes = [1], strides = [1]} : vector<16xi32> to vector<1xi32>
      %squeeze3A_466 = vector.extract %slice3A_465[0] : i32 from vector<1xi32>
      %slice3A_467 = vector.extract_strided_slice %scan3A_365 {offsets = [7], sizes = [1], strides = [1]} : vector<16xi32> to vector<1xi32>
      %squeeze3A_468 = vector.extract %slice3A_467[0] : i32 from vector<1xi32>
      %shift_right_arithmetic3A_469 = arith.constant 7 : i32
      %shift_right_arithmetic3A_470 = arith.shrsi %squeeze3A_466, %shift_right_arithmetic3A_469 : i32
      %shift_left3A_471 = arith.constant 7 : i32
      %shift_left3A_472 = arith.shli %shift_right_arithmetic3A_470, %shift_left3A_471 : i32
      %multiple_of3A_473 = tpu.assume_multiple %shift_left3A_472, 128 : i32
      %shift_right_arithmetic3A_474 = arith.constant 7 : i32
      %shift_right_arithmetic3A_475 = arith.shrsi %squeeze3A_468, %shift_right_arithmetic3A_474 : i32
      %shift_left3A_476 = arith.constant 7 : i32
      %shift_left3A_477 = arith.shli %shift_right_arithmetic3A_475, %shift_left3A_476 : i32
      %multiple_of3A_478 = tpu.assume_multiple %shift_left3A_477, 128 : i32
      %dma_start3A_479 = arith.constant 0 : i32
      %dma_start3A_480 = arith.constant 0 : i32
      %dma_start3A_481 = tpu.memref_slice %arg9[%rem3A_412, %dma_start3A_479, %dma_start3A_480] : memref<7x32x129xf32, #tpu.memory_space<vmem>> -> memref<1x32x128xf32, #tpu.memory_space<vmem>>
      %dma_start3A_482 = tpu.memref_squeeze %dma_start3A_481 : memref<1x32x128xf32, #tpu.memory_space<vmem>> -> memref<32x128xf32, #tpu.memory_space<vmem>>
      %dma_start3A_483 = arith.constant 0 : i32
      %dma_start3A_484 = tpu.memref_slice %arg4[%dma_start3A_483, %multiple_of3A_473] : memref<32x1000000xf32, #tpu.memory_space<hbm>> -> memref<32x128xf32, #tpu.memory_space<hbm>>
      %dma_start3A_485 = tpu.memref_slice %arg13[%rem3A_412] : memref<7x!tpu.dma_semaphore, #tpu.memory_space<semaphore_mem>> -> memref<1x!tpu.dma_semaphore, #tpu.memory_space<semaphore_mem>>
      %dma_start3A_486 = tpu.memref_squeeze %dma_start3A_485 : memref<1x!tpu.dma_semaphore, #tpu.memory_space<semaphore_mem>> -> memref<!tpu.dma_semaphore, #tpu.memory_space<semaphore_mem>>
      %dma_start3A_487 = arith.constant 0 : i32
      %dma_start3A_488 = arith.constant 0 : i32
      %dma_start3A_489 = tpu.memref_slice %arg9[%rem3A_412, %dma_start3A_487, %dma_start3A_488] : memref<7x32x129xf32, #tpu.memory_space<vmem>> -> memref<1x32x128xf32, #tpu.memory_space<vmem>>
      %dma_start3A_490 = tpu.memref_squeeze %dma_start3A_489 : memref<1x32x128xf32, #tpu.memory_space<vmem>> -> memref<32x128xf32, #tpu.memory_space<vmem>>
      %dma_start3A_491 = arith.constant 0 : i32
      %dma_start3A_492 = tpu.memref_slice %arg4[%dma_start3A_491, %multiple_of3A_473] : memref<32x1000000xf32, #tpu.memory_space<hbm>> -> memref<32x128xf32, #tpu.memory_space<hbm>>
      tpu.enqueue_dma source(%dma_start3A_492 : memref<32x128xf32, #tpu.memory_space<hbm>>) target(%dma_start3A_490 : memref<32x128xf32, #tpu.memory_space<vmem>>) target_semaphore(%dma_start3A_486 : memref<!tpu.dma_semaphore, #tpu.memory_space<semaphore_mem>>)
      %dma_start3A_493 = arith.constant 0 : i32
      %dma_start3A_494 = arith.constant 0 : i32
      %dma_start3A_495 = tpu.memref_slice %arg10[%rem3A_412, %dma_start3A_493, %dma_start3A_494] : memref<7x32x129xf32, #tpu.memory_space<vmem>> -> memref<1x32x128xf32, #tpu.memory_space<vmem>>
      %dma_start3A_496 = tpu.memref_squeeze %dma_start3A_495 : memref<1x32x128xf32, #tpu.memory_space<vmem>> -> memref<32x128xf32, #tpu.memory_space<vmem>>
      %dma_start3A_497 = arith.constant 0 : i32
      %dma_start3A_498 = tpu.memref_slice %arg5[%dma_start3A_497, %multiple_of3A_478] : memref<32x1000000xf32, #tpu.memory_space<hbm>> -> memref<32x128xf32, #tpu.memory_space<hbm>>
      %dma_start3A_499 = tpu.memref_slice %arg13[%rem3A_412] : memref<7x!tpu.dma_semaphore, #tpu.memory_space<semaphore_mem>> -> memref<1x!tpu.dma_semaphore, #tpu.memory_space<semaphore_mem>>
      %dma_start3A_500 = tpu.memref_squeeze %dma_start3A_499 : memref<1x!tpu.dma_semaphore, #tpu.memory_space<semaphore_mem>> -> memref<!tpu.dma_semaphore, #tpu.memory_space<semaphore_mem>>
      %dma_start3A_501 = arith.constant 0 : i32
      %dma_start3A_502 = arith.constant 0 : i32
      %dma_start3A_503 = tpu.memref_slice %arg10[%rem3A_412, %dma_start3A_501, %dma_start3A_502] : memref<7x32x129xf32, #tpu.memory_space<vmem>> -> memref<1x32x128xf32, #tpu.memory_space<vmem>>
      %dma_start3A_504 = tpu.memref_squeeze %dma_start3A_503 : memref<1x32x128xf32, #tpu.memory_space<vmem>> -> memref<32x128xf32, #tpu.memory_space<vmem>>
      %dma_start3A_505 = arith.constant 0 : i32
      %dma_start3A_506 = tpu.memref_slice %arg5[%dma_start3A_505, %multiple_of3A_478] : memref<32x1000000xf32, #tpu.memory_space<hbm>> -> memref<32x128xf32, #tpu.memory_space<hbm>>
      tpu.enqueue_dma source(%dma_start3A_506 : memref<32x128xf32, #tpu.memory_space<hbm>>) target(%dma_start3A_504 : memref<32x128xf32, #tpu.memory_space<vmem>>) target_semaphore(%dma_start3A_500 : memref<!tpu.dma_semaphore, #tpu.memory_space<semaphore_mem>>)
      %mul3A_507 = arith.constant 2 : i32
      %mul3A_508 = arith.muli %mul3A_507, %scan3A_363 : i32
      %add3A_509 = arith.constant 1 : i32
      %add3A_510 = arith.addi %mul3A_508, %add3A_509 : i32
      %rem3A_511 = arith.constant 7 : i32
      %rem3A_512 = arith.remsi %add3A_510, %rem3A_511 : i32
      %dma_wait3A_513 = arith.constant 0 : i32
      %dma_wait3A_514 = arith.constant 0 : i32
      %dma_wait3A_515 = tpu.memref_slice %arg9[%rem3A_512, %dma_wait3A_513, %dma_wait3A_514] : memref<7x32x129xf32, #tpu.memory_space<vmem>> -> memref<1x32x128xf32, #tpu.memory_space<vmem>>
      %dma_wait3A_516 = tpu.memref_squeeze %dma_wait3A_515 : memref<1x32x128xf32, #tpu.memory_space<vmem>> -> memref<32x128xf32, #tpu.memory_space<vmem>>
      %dma_wait3A_517 = arith.constant 0 : i32
      %dma_wait3A_518 = arith.constant 0 : i32
      %dma_wait3A_519 = tpu.memref_slice %arg4[%dma_wait3A_517, %dma_wait3A_518] : memref<32x1000000xf32, #tpu.memory_space<hbm>> -> memref<32x128xf32, #tpu.memory_space<hbm>>
      %dma_wait3A_520 = tpu.memref_slice %arg13[%rem3A_512] : memref<7x!tpu.dma_semaphore, #tpu.memory_space<semaphore_mem>> -> memref<1x!tpu.dma_semaphore, #tpu.memory_space<semaphore_mem>>
      %dma_wait3A_521 = tpu.memref_squeeze %dma_wait3A_520 : memref<1x!tpu.dma_semaphore, #tpu.memory_space<semaphore_mem>> -> memref<!tpu.dma_semaphore, #tpu.memory_space<semaphore_mem>>
      %dma_wait3A_522 = arith.constant 0 : i32
      %dma_wait3A_523 = arith.constant 0 : i32
      %dma_wait3A_524 = tpu.memref_slice %arg9[%rem3A_512, %dma_wait3A_522, %dma_wait3A_523] : memref<7x32x129xf32, #tpu.memory_space<vmem>> -> memref<1x32x128xf32, #tpu.memory_space<vmem>>
      %dma_wait3A_525 = tpu.memref_squeeze %dma_wait3A_524 : memref<1x32x128xf32, #tpu.memory_space<vmem>> -> memref<32x128xf32, #tpu.memory_space<vmem>>
      %dma_wait3A_526 = arith.constant 0 : i32
      %dma_wait3A_527 = arith.constant 0 : i32
      %dma_wait3A_528 = tpu.memref_slice %arg4[%dma_wait3A_526, %dma_wait3A_527] : memref<32x1000000xf32, #tpu.memory_space<hbm>> -> memref<32x128xf32, #tpu.memory_space<hbm>>
      tpu.wait_dma2 semaphore(%dma_wait3A_521 : memref<!tpu.dma_semaphore, #tpu.memory_space<semaphore_mem>>) src(%dma_wait3A_528 : memref<32x128xf32, #tpu.memory_space<hbm>>) dst(%dma_wait3A_525 : memref<32x128xf32, #tpu.memory_space<vmem>>)
      %dma_wait3A_529 = arith.constant 0 : i32
      %dma_wait3A_530 = arith.constant 0 : i32
      %dma_wait3A_531 = tpu.memref_slice %arg10[%rem3A_512, %dma_wait3A_529, %dma_wait3A_530] : memref<7x32x129xf32, #tpu.memory_space<vmem>> -> memref<1x32x128xf32, #tpu.memory_space<vmem>>
      %dma_wait3A_532 = tpu.memref_squeeze %dma_wait3A_531 : memref<1x32x128xf32, #tpu.memory_space<vmem>> -> memref<32x128xf32, #tpu.memory_space<vmem>>
      %dma_wait3A_533 = arith.constant 0 : i32
      %dma_wait3A_534 = arith.constant 0 : i32
      %dma_wait3A_535 = tpu.memref_slice %arg5[%dma_wait3A_533, %dma_wait3A_534] : memref<32x1000000xf32, #tpu.memory_space<hbm>> -> memref<32x128xf32, #tpu.memory_space<hbm>>
      %dma_wait3A_536 = tpu.memref_slice %arg13[%rem3A_512] : memref<7x!tpu.dma_semaphore, #tpu.memory_space<semaphore_mem>> -> memref<1x!tpu.dma_semaphore, #tpu.memory_space<semaphore_mem>>
      %dma_wait3A_537 = tpu.memref_squeeze %dma_wait3A_536 : memref<1x!tpu.dma_semaphore, #tpu.memory_space<semaphore_mem>> -> memref<!tpu.dma_semaphore, #tpu.memory_space<semaphore_mem>>
      %dma_wait3A_538 = arith.constant 0 : i32
      %dma_wait3A_539 = arith.constant 0 : i32
      %dma_wait3A_540 = tpu.memref_slice %arg10[%rem3A_512, %dma_wait3A_538, %dma_wait3A_539] : memref<7x32x129xf32, #tpu.memory_space<vmem>> -> memref<1x32x128xf32, #tpu.memory_space<vmem>>
      %dma_wait3A_541 = tpu.memref_squeeze %dma_wait3A_540 : memref<1x32x128xf32, #tpu.memory_space<vmem>> -> memref<32x128xf32, #tpu.memory_space<vmem>>
      %dma_wait3A_542 = arith.constant 0 : i32
      %dma_wait3A_543 = arith.constant 0 : i32
      %dma_wait3A_544 = tpu.memref_slice %arg5[%dma_wait3A_542, %dma_wait3A_543] : memref<32x1000000xf32, #tpu.memory_space<hbm>> -> memref<32x128xf32, #tpu.memory_space<hbm>>
      tpu.wait_dma2 semaphore(%dma_wait3A_537 : memref<!tpu.dma_semaphore, #tpu.memory_space<semaphore_mem>>) src(%dma_wait3A_544 : memref<32x128xf32, #tpu.memory_space<hbm>>) dst(%dma_wait3A_541 : memref<32x128xf32, #tpu.memory_space<vmem>>)
      %slice3A_545 = vector.extract_strided_slice %scan3A_364 {offsets = [1], sizes = [1], strides = [1]} : vector<16xi32> to vector<1xi32>
      %squeeze3A_546 = vector.extract %slice3A_545[0] : i32 from vector<1xi32>
      %slice3A_547 = vector.extract_strided_slice %scan3A_365 {offsets = [1], sizes = [1], strides = [1]} : vector<16xi32> to vector<1xi32>
      %squeeze3A_548 = vector.extract %slice3A_547[0] : i32 from vector<1xi32>
      %mul3A_549 = arith.constant 16 : i32
      %mul3A_550 = arith.muli %scan3A_363, %mul3A_549 : i32
      %add3A_551 = arith.constant 1 : i32
      %add3A_552 = arith.addi %mul3A_550, %add3A_551 : i32
      %and3A_553 = arith.constant 127 : i32
      %and3A_554 = arith.andi %squeeze3A_546, %and3A_553 : i32
      %broadcast_in_dim3A_555 = vector.broadcast %and3A_554 : i32 to vector<16xi32>
      %and3A_556 = arith.constant 127 : i32
      %and3A_557 = arith.andi %squeeze3A_548, %and3A_556 : i32
      %broadcast_in_dim3A_558 = vector.broadcast %and3A_557 : i32 to vector<16xi32>
      %broadcast_in_dim3A_559 = vector.broadcast %rem3A_512 : i32 to vector<16xi32>
      %gather3A_560 = tpu.vector_load_idx %arg9[%broadcast_in_dim3A_559, %iota3A, %broadcast_in_dim3A_555] : memref<7x32x129xf32, #tpu.memory_space<vmem>>[vector<16xi32>, vector<16xi32>, vector<16xi32>], vector<16xf32>,
      %gather3A_561 = tpu.vector_load_idx %arg9[%broadcast_in_dim3A_559, %add3A_28, %broadcast_in_dim3A_555] : memref<7x32x129xf32, #tpu.memory_space<vmem>>[vector<16xi32>, vector<16xi32>, vector<16xi32>], vector<16xf32>,
      %gather3A_562 = tpu.vector_load_idx %arg10[%broadcast_in_dim3A_559, %iota3A, %broadcast_in_dim3A_558] : memref<7x32x129xf32, #tpu.memory_space<vmem>>[vector<16xi32>, vector<16xi32>, vector<16xi32>], vector<16xf32>,
      %gather3A_563 = tpu.vector_load_idx %arg10[%broadcast_in_dim3A_559, %add3A_28, %broadcast_in_dim3A_558] : memref<7x32x129xf32, #tpu.memory_space<vmem>>[vector<16xi32>, vector<16xi32>, vector<16xi32>], vector<16xf32>,
      %mul3A_564 = arith.mulf %gather3A_560, %gather3A_562 : vector<16xf32>
      %mul3A_565 = arith.mulf %gather3A_561, %gather3A_563 : vector<16xf32>
      %add3A_566 = arith.addf %mul3A_564, %mul3A_565 : vector<16xf32>
      %broadcast_in_dim3A_567 = vector.broadcast %add3A_552 : i32 to vector<16xi32>
      tpu.vector_store_idx %arg11[%iota3A, %broadcast_in_dim3A_567], %add3A_566 : memref<16x513xf32, #tpu.memory_space<vmem>>[vector<16xi32>, vector<16xi32>], vector<16xf32>,
      %slice3A_568 = vector.extract_strided_slice %scan3A_364 {offsets = [8], sizes = [1], strides = [1]} : vector<16xi32> to vector<1xi32>
      %squeeze3A_569 = vector.extract %slice3A_568[0] : i32 from vector<1xi32>
      %slice3A_570 = vector.extract_strided_slice %scan3A_365 {offsets = [8], sizes = [1], strides = [1]} : vector<16xi32> to vector<1xi32>
      %squeeze3A_571 = vector.extract %slice3A_570[0] : i32 from vector<1xi32>
      %shift_right_arithmetic3A_572 = arith.constant 7 : i32
      %shift_right_arithmetic3A_573 = arith.shrsi %squeeze3A_569, %shift_right_arithmetic3A_572 : i32
      %shift_left3A_574 = arith.constant 7 : i32
      %shift_left3A_575 = arith.shli %shift_right_arithmetic3A_573, %shift_left3A_574 : i32
      %multiple_of3A_576 = tpu.assume_multiple %shift_left3A_575, 128 : i32
      %shift_right_arithmetic3A_577 = arith.constant 7 : i32
      %shift_right_arithmetic3A_578 = arith.shrsi %squeeze3A_571, %shift_right_arithmetic3A_577 : i32
      %shift_left3A_579 = arith.constant 7 : i32
      %shift_left3A_580 = arith.shli %shift_right_arithmetic3A_578, %shift_left3A_579 : i32
      %multiple_of3A_581 = tpu.assume_multiple %shift_left3A_580, 128 : i32
      %dma_start3A_582 = arith.constant 0 : i32
      %dma_start3A_583 = arith.constant 0 : i32
      %dma_start3A_584 = tpu.memref_slice %arg9[%rem3A_512, %dma_start3A_582, %dma_start3A_583] : memref<7x32x129xf32, #tpu.memory_space<vmem>> -> memref<1x32x128xf32, #tpu.memory_space<vmem>>
      %dma_start3A_585 = tpu.memref_squeeze %dma_start3A_584 : memref<1x32x128xf32, #tpu.memory_space<vmem>> -> memref<32x128xf32, #tpu.memory_space<vmem>>
      %dma_start3A_586 = arith.constant 0 : i32
      %dma_start3A_587 = tpu.memref_slice %arg4[%dma_start3A_586, %multiple_of3A_576] : memref<32x1000000xf32, #tpu.memory_space<hbm>> -> memref<32x128xf32, #tpu.memory_space<hbm>>
      %dma_start3A_588 = tpu.memref_slice %arg13[%rem3A_512] : memref<7x!tpu.dma_semaphore, #tpu.memory_space<semaphore_mem>> -> memref<1x!tpu.dma_semaphore, #tpu.memory_space<semaphore_mem>>
      %dma_start3A_589 = tpu.memref_squeeze %dma_start3A_588 : memref<1x!tpu.dma_semaphore, #tpu.memory_space<semaphore_mem>> -> memref<!tpu.dma_semaphore, #tpu.memory_space<semaphore_mem>>
      %dma_start3A_590 = arith.constant 0 : i32
      %dma_start3A_591 = arith.constant 0 : i32
      %dma_start3A_592 = tpu.memref_slice %arg9[%rem3A_512, %dma_start3A_590, %dma_start3A_591] : memref<7x32x129xf32, #tpu.memory_space<vmem>> -> memref<1x32x128xf32, #tpu.memory_space<vmem>>
      %dma_start3A_593 = tpu.memref_squeeze %dma_start3A_592 : memref<1x32x128xf32, #tpu.memory_space<vmem>> -> memref<32x128xf32, #tpu.memory_space<vmem>>
      %dma_start3A_594 = arith.constant 0 : i32
      %dma_start3A_595 = tpu.memref_slice %arg4[%dma_start3A_594, %multiple_of3A_576] : memref<32x1000000xf32, #tpu.memory_space<hbm>> -> memref<32x128xf32, #tpu.memory_space<hbm>>
      tpu.enqueue_dma source(%dma_start3A_595 : memref<32x128xf32, #tpu.memory_space<hbm>>) target(%dma_start3A_593 : memref<32x128xf32, #tpu.memory_space<vmem>>) target_semaphore(%dma_start3A_589 : memref<!tpu.dma_semaphore, #tpu.memory_space<semaphore_mem>>)
      %dma_start3A_596 = arith.constant 0 : i32
      %dma_start3A_597 = arith.constant 0 : i32
      %dma_start3A_598 = tpu.memref_slice %arg10[%rem3A_512, %dma_start3A_596, %dma_start3A_597] : memref<7x32x129xf32, #tpu.memory_space<vmem>> -> memref<1x32x128xf32, #tpu.memory_space<vmem>>
      %dma_start3A_599 = tpu.memref_squeeze %dma_start3A_598 : memref<1x32x128xf32, #tpu.memory_space<vmem>> -> memref<32x128xf32, #tpu.memory_space<vmem>>
      %dma_start3A_600 = arith.constant 0 : i32
      %dma_start3A_601 = tpu.memref_slice %arg5[%dma_start3A_600, %multiple_of3A_581] : memref<32x1000000xf32, #tpu.memory_space<hbm>> -> memref<32x128xf32, #tpu.memory_space<hbm>>
      %dma_start3A_602 = tpu.memref_slice %arg13[%rem3A_512] : memref<7x!tpu.dma_semaphore, #tpu.memory_space<semaphore_mem>> -> memref<1x!tpu.dma_semaphore, #tpu.memory_space<semaphore_mem>>
      %dma_start3A_603 = tpu.memref_squeeze %dma_start3A_602 : memref<1x!tpu.dma_semaphore, #tpu.memory_space<semaphore_mem>> -> memref<!tpu.dma_semaphore, #tpu.memory_space<semaphore_mem>>
      %dma_start3A_604 = arith.constant 0 : i32
      %dma_start3A_605 = arith.constant 0 : i32
      %dma_start3A_606 = tpu.memref_slice %arg10[%rem3A_512, %dma_start3A_604, %dma_start3A_605] : memref<7x32x129xf32, #tpu.memory_space<vmem>> -> memref<1x32x128xf32, #tpu.memory_space<vmem>>
      %dma_start3A_607 = tpu.memref_squeeze %dma_start3A_606 : memref<1x32x128xf32, #tpu.memory_space<vmem>> -> memref<32x128xf32, #tpu.memory_space<vmem>>
      %dma_start3A_608 = arith.constant 0 : i32
      %dma_start3A_609 = tpu.memref_slice %arg5[%dma_start3A_608, %multiple_of3A_581] : memref<32x1000000xf32, #tpu.memory_space<hbm>> -> memref<32x128xf32, #tpu.memory_space<hbm>>
      tpu.enqueue_dma source(%dma_start3A_609 : memref<32x128xf32, #tpu.memory_space<hbm>>) target(%dma_start3A_607 : memref<32x128xf32, #tpu.memory_space<vmem>>) target_semaphore(%dma_start3A_603 : memref<!tpu.dma_semaphore, #tpu.memory_space<semaphore_mem>>)
      %mul3A_610 = arith.constant 2 : i32
      %mul3A_611 = arith.muli %mul3A_610, %scan3A_363 : i32
      %add3A_612 = arith.constant 2 : i32
      %add3A_613 = arith.addi %mul3A_611, %add3A_612 : i32
      %rem3A_614 = arith.constant 7 : i32
      %rem3A_615 = arith.remsi %add3A_613, %rem3A_614 : i32
      %dma_wait3A_616 = arith.constant 0 : i32
      %dma_wait3A_617 = arith.constant 0 : i32
      %dma_wait3A_618 = tpu.memref_slice %arg9[%rem3A_615, %dma_wait3A_616, %dma_wait3A_617] : memref<7x32x129xf32, #tpu.memory_space<vmem>> -> memref<1x32x128xf32, #tpu.memory_space<vmem>>
      %dma_wait3A_619 = tpu.memref_squeeze %dma_wait3A_618 : memref<1x32x128xf32, #tpu.memory_space<vmem>> -> memref<32x128xf32, #tpu.memory_space<vmem>>
      %dma_wait3A_620 = arith.constant 0 : i32
      %dma_wait3A_621 = arith.constant 0 : i32
      %dma_wait3A_622 = tpu.memref_slice %arg4[%dma_wait3A_620, %dma_wait3A_621] : memref<32x1000000xf32, #tpu.memory_space<hbm>> -> memref<32x128xf32, #tpu.memory_space<hbm>>
      %dma_wait3A_623 = tpu.memref_slice %arg13[%rem3A_615] : memref<7x!tpu.dma_semaphore, #tpu.memory_space<semaphore_mem>> -> memref<1x!tpu.dma_semaphore, #tpu.memory_space<semaphore_mem>>
      %dma_wait3A_624 = tpu.memref_squeeze %dma_wait3A_623 : memref<1x!tpu.dma_semaphore, #tpu.memory_space<semaphore_mem>> -> memref<!tpu.dma_semaphore, #tpu.memory_space<semaphore_mem>>
      %dma_wait3A_625 = arith.constant 0 : i32
      %dma_wait3A_626 = arith.constant 0 : i32
      %dma_wait3A_627 = tpu.memref_slice %arg9[%rem3A_615, %dma_wait3A_625, %dma_wait3A_626] : memref<7x32x129xf32, #tpu.memory_space<vmem>> -> memref<1x32x128xf32, #tpu.memory_space<vmem>>
      %dma_wait3A_628 = tpu.memref_squeeze %dma_wait3A_627 : memref<1x32x128xf32, #tpu.memory_space<vmem>> -> memref<32x128xf32, #tpu.memory_space<vmem>>
      %dma_wait3A_629 = arith.constant 0 : i32
      %dma_wait3A_630 = arith.constant 0 : i32
      %dma_wait3A_631 = tpu.memref_slice %arg4[%dma_wait3A_629, %dma_wait3A_630] : memref<32x1000000xf32, #tpu.memory_space<hbm>> -> memref<32x128xf32, #tpu.memory_space<hbm>>
      tpu.wait_dma2 semaphore(%dma_wait3A_624 : memref<!tpu.dma_semaphore, #tpu.memory_space<semaphore_mem>>) src(%dma_wait3A_631 : memref<32x128xf32, #tpu.memory_space<hbm>>) dst(%dma_wait3A_628 : memref<32x128xf32, #tpu.memory_space<vmem>>)
      %dma_wait3A_632 = arith.constant 0 : i32
      %dma_wait3A_633 = arith.constant 0 : i32
      %dma_wait3A_634 = tpu.memref_slice %arg10[%rem3A_615, %dma_wait3A_632, %dma_wait3A_633] : memref<7x32x129xf32, #tpu.memory_space<vmem>> -> memref<1x32x128xf32, #tpu.memory_space<vmem>>
      %dma_wait3A_635 = tpu.memref_squeeze %dma_wait3A_634 : memref<1x32x128xf32, #tpu.memory_space<vmem>> -> memref<32x128xf32, #tpu.memory_space<vmem>>
      %dma_wait3A_636 = arith.constant 0 : i32
      %dma_wait3A_637 = arith.constant 0 : i32
      %dma_wait3A_638 = tpu.memref_slice %arg5[%dma_wait3A_636, %dma_wait3A_637] : memref<32x1000000xf32, #tpu.memory_space<hbm>> -> memref<32x128xf32, #tpu.memory_space<hbm>>
      %dma_wait3A_639 = tpu.memref_slice %arg13[%rem3A_615] : memref<7x!tpu.dma_semaphore, #tpu.memory_space<semaphore_mem>> -> memref<1x!tpu.dma_semaphore, #tpu.memory_space<semaphore_mem>>
      %dma_wait3A_640 = tpu.memref_squeeze %dma_wait3A_639 : memref<1x!tpu.dma_semaphore, #tpu.memory_space<semaphore_mem>> -> memref<!tpu.dma_semaphore, #tpu.memory_space<semaphore_mem>>
      %dma_wait3A_641 = arith.constant 0 : i32
      %dma_wait3A_642 = arith.constant 0 : i32
      %dma_wait3A_643 = tpu.memref_slice %arg10[%rem3A_615, %dma_wait3A_641, %dma_wait3A_642] : memref<7x32x129xf32, #tpu.memory_space<vmem>> -> memref<1x32x128xf32, #tpu.memory_space<vmem>>
      %dma_wait3A_644 = tpu.memref_squeeze %dma_wait3A_643 : memref<1x32x128xf32, #tpu.memory_space<vmem>> -> memref<32x128xf32, #tpu.memory_space<vmem>>
      %dma_wait3A_645 = arith.constant 0 : i32
      %dma_wait3A_646 = arith.constant 0 : i32
      %dma_wait3A_647 = tpu.memref_slice %arg5[%dma_wait3A_645, %dma_wait3A_646] : memref<32x1000000xf32, #tpu.memory_space<hbm>> -> memref<32x128xf32, #tpu.memory_space<hbm>>
      tpu.wait_dma2 semaphore(%dma_wait3A_640 : memref<!tpu.dma_semaphore, #tpu.memory_space<semaphore_mem>>) src(%dma_wait3A_647 : memref<32x128xf32, #tpu.memory_space<hbm>>) dst(%dma_wait3A_644 : memref<32x128xf32, #tpu.memory_space<vmem>>)
      %slice3A_648 = vector.extract_strided_slice %scan3A_364 {offsets = [2], sizes = [1], strides = [1]} : vector<16xi32> to vector<1xi32>
      %squeeze3A_649 = vector.extract %slice3A_648[0] : i32 from vector<1xi32>
      %slice3A_650 = vector.extract_strided_slice %scan3A_365 {offsets = [2], sizes = [1], strides = [1]} : vector<16xi32> to vector<1xi32>
      %squeeze3A_651 = vector.extract %slice3A_650[0] : i32 from vector<1xi32>
      %mul3A_652 = arith.constant 16 : i32
      %mul3A_653 = arith.muli %scan3A_363, %mul3A_652 : i32
      %add3A_654 = arith.constant 2 : i32
      %add3A_655 = arith.addi %mul3A_653, %add3A_654 : i32
      %and3A_656 = arith.constant 127 : i32
      %and3A_657 = arith.andi %squeeze3A_649, %and3A_656 : i32
      %broadcast_in_dim3A_658 = vector.broadcast %and3A_657 : i32 to vector<16xi32>
      %and3A_659 = arith.constant 127 : i32
      %and3A_660 = arith.andi %squeeze3A_651, %and3A_659 : i32
      %broadcast_in_dim3A_661 = vector.broadcast %and3A_660 : i32 to vector<16xi32>
      %broadcast_in_dim3A_662 = vector.broadcast %rem3A_615 : i32 to vector<16xi32>
      %gather3A_663 = tpu.vector_load_idx %arg9[%broadcast_in_dim3A_662, %iota3A, %broadcast_in_dim3A_658] : memref<7x32x129xf32, #tpu.memory_space<vmem>>[vector<16xi32>, vector<16xi32>, vector<16xi32>], vector<16xf32>,
      %gather3A_664 = tpu.vector_load_idx %arg9[%broadcast_in_dim3A_662, %add3A_28, %broadcast_in_dim3A_658] : memref<7x32x129xf32, #tpu.memory_space<vmem>>[vector<16xi32>, vector<16xi32>, vector<16xi32>], vector<16xf32>,
      %gather3A_665 = tpu.vector_load_idx %arg10[%broadcast_in_dim3A_662, %iota3A, %broadcast_in_dim3A_661] : memref<7x32x129xf32, #tpu.memory_space<vmem>>[vector<16xi32>, vector<16xi32>, vector<16xi32>], vector<16xf32>,
      %gather3A_666 = tpu.vector_load_idx %arg10[%broadcast_in_dim3A_662, %add3A_28, %broadcast_in_dim3A_661] : memref<7x32x129xf32, #tpu.memory_space<vmem>>[vector<16xi32>, vector<16xi32>, vector<16xi32>], vector<16xf32>,
      %mul3A_667 = arith.mulf %gather3A_663, %gather3A_665 : vector<16xf32>
      %mul3A_668 = arith.mulf %gather3A_664, %gather3A_666 : vector<16xf32>
      %add3A_669 = arith.addf %mul3A_667, %mul3A_668 : vector<16xf32>
      %broadcast_in_dim3A_670 = vector.broadcast %add3A_655 : i32 to vector<16xi32>
      tpu.vector_store_idx %arg11[%iota3A, %broadcast_in_dim3A_670], %add3A_669 : memref<16x513xf32, #tpu.memory_space<vmem>>[vector<16xi32>, vector<16xi32>], vector<16xf32>,
      %slice3A_671 = vector.extract_strided_slice %scan3A_364 {offsets = [9], sizes = [1], strides = [1]} : vector<16xi32> to vector<1xi32>
      %squeeze3A_672 = vector.extract %slice3A_671[0] : i32 from vector<1xi32>
      %slice3A_673 = vector.extract_strided_slice %scan3A_365 {offsets = [9], sizes = [1], strides = [1]} : vector<16xi32> to vector<1xi32>
      %squeeze3A_674 = vector.extract %slice3A_673[0] : i32 from vector<1xi32>
      %shift_right_arithmetic3A_675 = arith.constant 7 : i32
      %shift_right_arithmetic3A_676 = arith.shrsi %squeeze3A_672, %shift_right_arithmetic3A_675 : i32
      %shift_left3A_677 = arith.constant 7 : i32
      %shift_left3A_678 = arith.shli %shift_right_arithmetic3A_676, %shift_left3A_677 : i32
      %multiple_of3A_679 = tpu.assume_multiple %shift_left3A_678, 128 : i32
      %shift_right_arithmetic3A_680 = arith.constant 7 : i32
      %shift_right_arithmetic3A_681 = arith.shrsi %squeeze3A_674, %shift_right_arithmetic3A_680 : i32
      %shift_left3A_682 = arith.constant 7 : i32
      %shift_left3A_683 = arith.shli %shift_right_arithmetic3A_681, %shift_left3A_682 : i32
      %multiple_of3A_684 = tpu.assume_multiple %shift_left3A_683, 128 : i32
      %dma_start3A_685 = arith.constant 0 : i32
      %dma_start3A_686 = arith.constant 0 : i32
      %dma_start3A_687 = tpu.memref_slice %arg9[%rem3A_615, %dma_start3A_685, %dma_start3A_686] : memref<7x32x129xf32, #tpu.memory_space<vmem>> -> memref<1x32x128xf32, #tpu.memory_space<vmem>>
      %dma_start3A_688 = tpu.memref_squeeze %dma_start3A_687 : memref<1x32x128xf32, #tpu.memory_space<vmem>> -> memref<32x128xf32, #tpu.memory_space<vmem>>
      %dma_start3A_689 = arith.constant 0 : i32
      %dma_start3A_690 = tpu.memref_slice %arg4[%dma_start3A_689, %multiple_of3A_679] : memref<32x1000000xf32, #tpu.memory_space<hbm>> -> memref<32x128xf32, #tpu.memory_space<hbm>>
      %dma_start3A_691 = tpu.memref_slice %arg13[%rem3A_615] : memref<7x!tpu.dma_semaphore, #tpu.memory_space<semaphore_mem>> -> memref<1x!tpu.dma_semaphore, #tpu.memory_space<semaphore_mem>>
      %dma_start3A_692 = tpu.memref_squeeze %dma_start3A_691 : memref<1x!tpu.dma_semaphore, #tpu.memory_space<semaphore_mem>> -> memref<!tpu.dma_semaphore, #tpu.memory_space<semaphore_mem>>
      %dma_start3A_693 = arith.constant 0 : i32
      %dma_start3A_694 = arith.constant 0 : i32
      %dma_start3A_695 = tpu.memref_slice %arg9[%rem3A_615, %dma_start3A_693, %dma_start3A_694] : memref<7x32x129xf32, #tpu.memory_space<vmem>> -> memref<1x32x128xf32, #tpu.memory_space<vmem>>
      %dma_start3A_696 = tpu.memref_squeeze %dma_start3A_695 : memref<1x32x128xf32, #tpu.memory_space<vmem>> -> memref<32x128xf32, #tpu.memory_space<vmem>>
      %dma_start3A_697 = arith.constant 0 : i32
      %dma_start3A_698 = tpu.memref_slice %arg4[%dma_start3A_697, %multiple_of3A_679] : memref<32x1000000xf32, #tpu.memory_space<hbm>> -> memref<32x128xf32, #tpu.memory_space<hbm>>
      tpu.enqueue_dma source(%dma_start3A_698 : memref<32x128xf32, #tpu.memory_space<hbm>>) target(%dma_start3A_696 : memref<32x128xf32, #tpu.memory_space<vmem>>) target_semaphore(%dma_start3A_692 : memref<!tpu.dma_semaphore, #tpu.memory_space<semaphore_mem>>)
      %dma_start3A_699 = arith.constant 0 : i32
      %dma_start3A_700 = arith.constant 0 : i32
      %dma_start3A_701 = tpu.memref_slice %arg10[%rem3A_615, %dma_start3A_699, %dma_start3A_700] : memref<7x32x129xf32, #tpu.memory_space<vmem>> -> memref<1x32x128xf32, #tpu.memory_space<vmem>>
      %dma_start3A_702 = tpu.memref_squeeze %dma_start3A_701 : memref<1x32x128xf32, #tpu.memory_space<vmem>> -> memref<32x128xf32, #tpu.memory_space<vmem>>
      %dma_start3A_703 = arith.constant 0 : i32
      %dma_start3A_704 = tpu.memref_slice %arg5[%dma_start3A_703, %multiple_of3A_684] : memref<32x1000000xf32, #tpu.memory_space<hbm>> -> memref<32x128xf32, #tpu.memory_space<hbm>>
      %dma_start3A_705 = tpu.memref_slice %arg13[%rem3A_615] : memref<7x!tpu.dma_semaphore, #tpu.memory_space<semaphore_mem>> -> memref<1x!tpu.dma_semaphore, #tpu.memory_space<semaphore_mem>>
      %dma_start3A_706 = tpu.memref_squeeze %dma_start3A_705 : memref<1x!tpu.dma_semaphore, #tpu.memory_space<semaphore_mem>> -> memref<!tpu.dma_semaphore, #tpu.memory_space<semaphore_mem>>
      %dma_start3A_707 = arith.constant 0 : i32
      %dma_start3A_708 = arith.constant 0 : i32
      %dma_start3A_709 = tpu.memref_slice %arg10[%rem3A_615, %dma_start3A_707, %dma_start3A_708] : memref<7x32x129xf32, #tpu.memory_space<vmem>> -> memref<1x32x128xf32, #tpu.memory_space<vmem>>
      %dma_start3A_710 = tpu.memref_squeeze %dma_start3A_709 : memref<1x32x128xf32, #tpu.memory_space<vmem>> -> memref<32x128xf32, #tpu.memory_space<vmem>>
      %dma_start3A_711 = arith.constant 0 : i32
      %dma_start3A_712 = tpu.memref_slice %arg5[%dma_start3A_711, %multiple_of3A_684] : memref<32x1000000xf32, #tpu.memory_space<hbm>> -> memref<32x128xf32, #tpu.memory_space<hbm>>
      tpu.enqueue_dma source(%dma_start3A_712 : memref<32x128xf32, #tpu.memory_space<hbm>>) target(%dma_start3A_710 : memref<32x128xf32, #tpu.memory_space<vmem>>) target_semaphore(%dma_start3A_706 : memref<!tpu.dma_semaphore, #tpu.memory_space<semaphore_mem>>)
      %mul3A_713 = arith.constant 2 : i32
      %mul3A_714 = arith.muli %mul3A_713, %scan3A_363 : i32
      %add3A_715 = arith.constant 3 : i32
      %add3A_716 = arith.addi %mul3A_714, %add3A_715 : i32
      %rem3A_717 = arith.constant 7 : i32
      %rem3A_718 = arith.remsi %add3A_716, %rem3A_717 : i32
      %dma_wait3A_719 = arith.constant 0 : i32
      %dma_wait3A_720 = arith.constant 0 : i32
      %dma_wait3A_721 = tpu.memref_slice %arg9[%rem3A_718, %dma_wait3A_719, %dma_wait3A_720] : memref<7x32x129xf32, #tpu.memory_space<vmem>> -> memref<1x32x128xf32, #tpu.memory_space<vmem>>
      %dma_wait3A_722 = tpu.memref_squeeze %dma_wait3A_721 : memref<1x32x128xf32, #tpu.memory_space<vmem>> -> memref<32x128xf32, #tpu.memory_space<vmem>>
      %dma_wait3A_723 = arith.constant 0 : i32
      %dma_wait3A_724 = arith.constant 0 : i32
      %dma_wait3A_725 = tpu.memref_slice %arg4[%dma_wait3A_723, %dma_wait3A_724] : memref<32x1000000xf32, #tpu.memory_space<hbm>> -> memref<32x128xf32, #tpu.memory_space<hbm>>
      %dma_wait3A_726 = tpu.memref_slice %arg13[%rem3A_718] : memref<7x!tpu.dma_semaphore, #tpu.memory_space<semaphore_mem>> -> memref<1x!tpu.dma_semaphore, #tpu.memory_space<semaphore_mem>>
      %dma_wait3A_727 = tpu.memref_squeeze %dma_wait3A_726 : memref<1x!tpu.dma_semaphore, #tpu.memory_space<semaphore_mem>> -> memref<!tpu.dma_semaphore, #tpu.memory_space<semaphore_mem>>
      %dma_wait3A_728 = arith.constant 0 : i32
      %dma_wait3A_729 = arith.constant 0 : i32
      %dma_wait3A_730 = tpu.memref_slice %arg9[%rem3A_718, %dma_wait3A_728, %dma_wait3A_729] : memref<7x32x129xf32, #tpu.memory_space<vmem>> -> memref<1x32x128xf32, #tpu.memory_space<vmem>>
      %dma_wait3A_731 = tpu.memref_squeeze %dma_wait3A_730 : memref<1x32x128xf32, #tpu.memory_space<vmem>> -> memref<32x128xf32, #tpu.memory_space<vmem>>
      %dma_wait3A_732 = arith.constant 0 : i32
      %dma_wait3A_733 = arith.constant 0 : i32
      %dma_wait3A_734 = tpu.memref_slice %arg4[%dma_wait3A_732, %dma_wait3A_733] : memref<32x1000000xf32, #tpu.memory_space<hbm>> -> memref<32x128xf32, #tpu.memory_space<hbm>>
      tpu.wait_dma2 semaphore(%dma_wait3A_727 : memref<!tpu.dma_semaphore, #tpu.memory_space<semaphore_mem>>) src(%dma_wait3A_734 : memref<32x128xf32, #tpu.memory_space<hbm>>) dst(%dma_wait3A_731 : memref<32x128xf32, #tpu.memory_space<vmem>>)
      %dma_wait3A_735 = arith.constant 0 : i32
      %dma_wait3A_736 = arith.constant 0 : i32
      %dma_wait3A_737 = tpu.memref_slice %arg10[%rem3A_718, %dma_wait3A_735, %dma_wait3A_736] : memref<7x32x129xf32, #tpu.memory_space<vmem>> -> memref<1x32x128xf32, #tpu.memory_space<vmem>>
      %dma_wait3A_738 = tpu.memref_squeeze %dma_wait3A_737 : memref<1x32x128xf32, #tpu.memory_space<vmem>> -> memref<32x128xf32, #tpu.memory_space<vmem>>
      %dma_wait3A_739 = arith.constant 0 : i32
      %dma_wait3A_740 = arith.constant 0 : i32
      %dma_wait3A_741 = tpu.memref_slice %arg5[%dma_wait3A_739, %dma_wait3A_740] : memref<32x1000000xf32, #tpu.memory_space<hbm>> -> memref<32x128xf32, #tpu.memory_space<hbm>>
      %dma_wait3A_742 = tpu.memref_slice %arg13[%rem3A_718] : memref<7x!tpu.dma_semaphore, #tpu.memory_space<semaphore_mem>> -> memref<1x!tpu.dma_semaphore, #tpu.memory_space<semaphore_mem>>
      %dma_wait3A_743 = tpu.memref_squeeze %dma_wait3A_742 : memref<1x!tpu.dma_semaphore, #tpu.memory_space<semaphore_mem>> -> memref<!tpu.dma_semaphore, #tpu.memory_space<semaphore_mem>>
      %dma_wait3A_744 = arith.constant 0 : i32
      %dma_wait3A_745 = arith.constant 0 : i32
      %dma_wait3A_746 = tpu.memref_slice %arg10[%rem3A_718, %dma_wait3A_744, %dma_wait3A_745] : memref<7x32x129xf32, #tpu.memory_space<vmem>> -> memref<1x32x128xf32, #tpu.memory_space<vmem>>
      %dma_wait3A_747 = tpu.memref_squeeze %dma_wait3A_746 : memref<1x32x128xf32, #tpu.memory_space<vmem>> -> memref<32x128xf32, #tpu.memory_space<vmem>>
      %dma_wait3A_748 = arith.constant 0 : i32
      %dma_wait3A_749 = arith.constant 0 : i32
      %dma_wait3A_750 = tpu.memref_slice %arg5[%dma_wait3A_748, %dma_wait3A_749] : memref<32x1000000xf32, #tpu.memory_space<hbm>> -> memref<32x128xf32, #tpu.memory_space<hbm>>
      tpu.wait_dma2 semaphore(%dma_wait3A_743 : memref<!tpu.dma_semaphore, #tpu.memory_space<semaphore_mem>>) src(%dma_wait3A_750 : memref<32x128xf32, #tpu.memory_space<hbm>>) dst(%dma_wait3A_747 : memref<32x128xf32, #tpu.memory_space<vmem>>)
      %slice3A_751 = vector.extract_strided_slice %scan3A_364 {offsets = [3], sizes = [1], strides = [1]} : vector<16xi32> to vector<1xi32>
      %squeeze3A_752 = vector.extract %slice3A_751[0] : i32 from vector<1xi32>
      %slice3A_753 = vector.extract_strided_slice %scan3A_365 {offsets = [3], sizes = [1], strides = [1]} : vector<16xi32> to vector<1xi32>
      %squeeze3A_754 = vector.extract %slice3A_753[0] : i32 from vector<1xi32>
      %mul3A_755 = arith.constant 16 : i32
      %mul3A_756 = arith.muli %scan3A_363, %mul3A_755 : i32
      %add3A_757 = arith.constant 3 : i32
      %add3A_758 = arith.addi %mul3A_756, %add3A_757 : i32
      %and3A_759 = arith.constant 127 : i32
      %and3A_760 = arith.andi %squeeze3A_752, %and3A_759 : i32
      %broadcast_in_dim3A_761 = vector.broadcast %and3A_760 : i32 to vector<16xi32>
      %and3A_762 = arith.constant 127 : i32
      %and3A_763 = arith.andi %squeeze3A_754, %and3A_762 : i32
      %broadcast_in_dim3A_764 = vector.broadcast %and3A_763 : i32 to vector<16xi32>
      %broadcast_in_dim3A_765 = vector.broadcast %rem3A_718 : i32 to vector<16xi32>
      %gather3A_766 = tpu.vector_load_idx %arg9[%broadcast_in_dim3A_765, %iota3A, %broadcast_in_dim3A_761] : memref<7x32x129xf32, #tpu.memory_space<vmem>>[vector<16xi32>, vector<16xi32>, vector<16xi32>], vector<16xf32>,
      %gather3A_767 = tpu.vector_load_idx %arg9[%broadcast_in_dim3A_765, %add3A_28, %broadcast_in_dim3A_761] : memref<7x32x129xf32, #tpu.memory_space<vmem>>[vector<16xi32>, vector<16xi32>, vector<16xi32>], vector<16xf32>,
      %gather3A_768 = tpu.vector_load_idx %arg10[%broadcast_in_dim3A_765, %iota3A, %broadcast_in_dim3A_764] : memref<7x32x129xf32, #tpu.memory_space<vmem>>[vector<16xi32>, vector<16xi32>, vector<16xi32>], vector<16xf32>,
      %gather3A_769 = tpu.vector_load_idx %arg10[%broadcast_in_dim3A_765, %add3A_28, %broadcast_in_dim3A_764] : memref<7x32x129xf32, #tpu.memory_space<vmem>>[vector<16xi32>, vector<16xi32>, vector<16xi32>], vector<16xf32>,
      %mul3A_770 = arith.mulf %gather3A_766, %gather3A_768 : vector<16xf32>
      %mul3A_771 = arith.mulf %gather3A_767, %gather3A_769 : vector<16xf32>
      %add3A_772 = arith.addf %mul3A_770, %mul3A_771 : vector<16xf32>
      %broadcast_in_dim3A_773 = vector.broadcast %add3A_758 : i32 to vector<16xi32>
      tpu.vector_store_idx %arg11[%iota3A, %broadcast_in_dim3A_773], %add3A_772 : memref<16x513xf32, #tpu.memory_space<vmem>>[vector<16xi32>, vector<16xi32>], vector<16xf32>,
      %slice3A_774 = vector.extract_strided_slice %scan3A_364 {offsets = [10], sizes = [1], strides = [1]} : vector<16xi32> to vector<1xi32>
      %squeeze3A_775 = vector.extract %slice3A_774[0] : i32 from vector<1xi32>
      %slice3A_776 = vector.extract_strided_slice %scan3A_365 {offsets = [10], sizes = [1], strides = [1]} : vector<16xi32> to vector<1xi32>
      %squeeze3A_777 = vector.extract %slice3A_776[0] : i32 from vector<1xi32>
      %shift_right_arithmetic3A_778 = arith.constant 7 : i32
      %shift_right_arithmetic3A_779 = arith.shrsi %squeeze3A_775, %shift_right_arithmetic3A_778 : i32
      %shift_left3A_780 = arith.constant 7 : i32
      %shift_left3A_781 = arith.shli %shift_right_arithmetic3A_779, %shift_left3A_780 : i32
      %multiple_of3A_782 = tpu.assume_multiple %shift_left3A_781, 128 : i32
      %shift_right_arithmetic3A_783 = arith.constant 7 : i32
      %shift_right_arithmetic3A_784 = arith.shrsi %squeeze3A_777, %shift_right_arithmetic3A_783 : i32
      %shift_left3A_785 = arith.constant 7 : i32
      %shift_left3A_786 = arith.shli %shift_right_arithmetic3A_784, %shift_left3A_785 : i32
      %multiple_of3A_787 = tpu.assume_multiple %shift_left3A_786, 128 : i32
      %dma_start3A_788 = arith.constant 0 : i32
      %dma_start3A_789 = arith.constant 0 : i32
      %dma_start3A_790 = tpu.memref_slice %arg9[%rem3A_718, %dma_start3A_788, %dma_start3A_789] : memref<7x32x129xf32, #tpu.memory_space<vmem>> -> memref<1x32x128xf32, #tpu.memory_space<vmem>>
      %dma_start3A_791 = tpu.memref_squeeze %dma_start3A_790 : memref<1x32x128xf32, #tpu.memory_space<vmem>> -> memref<32x128xf32, #tpu.memory_space<vmem>>
      %dma_start3A_792 = arith.constant 0 : i32
      %dma_start3A_793 = tpu.memref_slice %arg4[%dma_start3A_792, %multiple_of3A_782] : memref<32x1000000xf32, #tpu.memory_space<hbm>> -> memref<32x128xf32, #tpu.memory_space<hbm>>
      %dma_start3A_794 = tpu.memref_slice %arg13[%rem3A_718] : memref<7x!tpu.dma_semaphore, #tpu.memory_space<semaphore_mem>> -> memref<1x!tpu.dma_semaphore, #tpu.memory_space<semaphore_mem>>
      %dma_start3A_795 = tpu.memref_squeeze %dma_start3A_794 : memref<1x!tpu.dma_semaphore, #tpu.memory_space<semaphore_mem>> -> memref<!tpu.dma_semaphore, #tpu.memory_space<semaphore_mem>>
      %dma_start3A_796 = arith.constant 0 : i32
      %dma_start3A_797 = arith.constant 0 : i32
      %dma_start3A_798 = tpu.memref_slice %arg9[%rem3A_718, %dma_start3A_796, %dma_start3A_797] : memref<7x32x129xf32, #tpu.memory_space<vmem>> -> memref<1x32x128xf32, #tpu.memory_space<vmem>>
      %dma_start3A_799 = tpu.memref_squeeze %dma_start3A_798 : memref<1x32x128xf32, #tpu.memory_space<vmem>> -> memref<32x128xf32, #tpu.memory_space<vmem>>
      %dma_start3A_800 = arith.constant 0 : i32
      %dma_start3A_801 = tpu.memref_slice %arg4[%dma_start3A_800, %multiple_of3A_782] : memref<32x1000000xf32, #tpu.memory_space<hbm>> -> memref<32x128xf32, #tpu.memory_space<hbm>>
      tpu.enqueue_dma source(%dma_start3A_801 : memref<32x128xf32, #tpu.memory_space<hbm>>) target(%dma_start3A_799 : memref<32x128xf32, #tpu.memory_space<vmem>>) target_semaphore(%dma_start3A_795 : memref<!tpu.dma_semaphore, #tpu.memory_space<semaphore_mem>>)
      %dma_start3A_802 = arith.constant 0 : i32
      %dma_start3A_803 = arith.constant 0 : i32
      %dma_start3A_804 = tpu.memref_slice %arg10[%rem3A_718, %dma_start3A_802, %dma_start3A_803] : memref<7x32x129xf32, #tpu.memory_space<vmem>> -> memref<1x32x128xf32, #tpu.memory_space<vmem>>
      %dma_start3A_805 = tpu.memref_squeeze %dma_start3A_804 : memref<1x32x128xf32, #tpu.memory_space<vmem>> -> memref<32x128xf32, #tpu.memory_space<vmem>>
      %dma_start3A_806 = arith.constant 0 : i32
      %dma_start3A_807 = tpu.memref_slice %arg5[%dma_start3A_806, %multiple_of3A_787] : memref<32x1000000xf32, #tpu.memory_space<hbm>> -> memref<32x128xf32, #tpu.memory_space<hbm>>
      %dma_start3A_808 = tpu.memref_slice %arg13[%rem3A_718] : memref<7x!tpu.dma_semaphore, #tpu.memory_space<semaphore_mem>> -> memref<1x!tpu.dma_semaphore, #tpu.memory_space<semaphore_mem>>
      %dma_start3A_809 = tpu.memref_squeeze %dma_start3A_808 : memref<1x!tpu.dma_semaphore, #tpu.memory_space<semaphore_mem>> -> memref<!tpu.dma_semaphore, #tpu.memory_space<semaphore_mem>>
      %dma_start3A_810 = arith.constant 0 : i32
      %dma_start3A_811 = arith.constant 0 : i32
      %dma_start3A_812 = tpu.memref_slice %arg10[%rem3A_718, %dma_start3A_810, %dma_start3A_811] : memref<7x32x129xf32, #tpu.memory_space<vmem>> -> memref<1x32x128xf32, #tpu.memory_space<vmem>>
      %dma_start3A_813 = tpu.memref_squeeze %dma_start3A_812 : memref<1x32x128xf32, #tpu.memory_space<vmem>> -> memref<32x128xf32, #tpu.memory_space<vmem>>
      %dma_start3A_814 = arith.constant 0 : i32
      %dma_start3A_815 = tpu.memref_slice %arg5[%dma_start3A_814, %multiple_of3A_787] : memref<32x1000000xf32, #tpu.memory_space<hbm>> -> memref<32x128xf32, #tpu.memory_space<hbm>>
      tpu.enqueue_dma source(%dma_start3A_815 : memref<32x128xf32, #tpu.memory_space<hbm>>) target(%dma_start3A_813 : memref<32x128xf32, #tpu.memory_space<vmem>>) target_semaphore(%dma_start3A_809 : memref<!tpu.dma_semaphore, #tpu.memory_space<semaphore_mem>>)
      %mul3A_816 = arith.constant 2 : i32
      %mul3A_817 = arith.muli %mul3A_816, %scan3A_363 : i32
      %add3A_818 = arith.constant 4 : i32
      %add3A_819 = arith.addi %mul3A_817, %add3A_818 : i32
      %rem3A_820 = arith.constant 7 : i32
      %rem3A_821 = arith.remsi %add3A_819, %rem3A_820 : i32
      %dma_wait3A_822 = arith.constant 0 : i32
      %dma_wait3A_823 = arith.constant 0 : i32
      %dma_wait3A_824 = tpu.memref_slice %arg9[%rem3A_821, %dma_wait3A_822, %dma_wait3A_823] : memref<7x32x129xf32, #tpu.memory_space<vmem>> -> memref<1x32x128xf32, #tpu.memory_space<vmem>>
      %dma_wait3A_825 = tpu.memref_squeeze %dma_wait3A_824 : memref<1x32x128xf32, #tpu.memory_space<vmem>> -> memref<32x128xf32, #tpu.memory_space<vmem>>
      %dma_wait3A_826 = arith.constant 0 : i32
      %dma_wait3A_827 = arith.constant 0 : i32
      %dma_wait3A_828 = tpu.memref_slice %arg4[%dma_wait3A_826, %dma_wait3A_827] : memref<32x1000000xf32, #tpu.memory_space<hbm>> -> memref<32x128xf32, #tpu.memory_space<hbm>>
      %dma_wait3A_829 = tpu.memref_slice %arg13[%rem3A_821] : memref<7x!tpu.dma_semaphore, #tpu.memory_space<semaphore_mem>> -> memref<1x!tpu.dma_semaphore, #tpu.memory_space<semaphore_mem>>
      %dma_wait3A_830 = tpu.memref_squeeze %dma_wait3A_829 : memref<1x!tpu.dma_semaphore, #tpu.memory_space<semaphore_mem>> -> memref<!tpu.dma_semaphore, #tpu.memory_space<semaphore_mem>>
      %dma_wait3A_831 = arith.constant 0 : i32
      %dma_wait3A_832 = arith.constant 0 : i32
      %dma_wait3A_833 = tpu.memref_slice %arg9[%rem3A_821, %dma_wait3A_831, %dma_wait3A_832] : memref<7x32x129xf32, #tpu.memory_space<vmem>> -> memref<1x32x128xf32, #tpu.memory_space<vmem>>
      %dma_wait3A_834 = tpu.memref_squeeze %dma_wait3A_833 : memref<1x32x128xf32, #tpu.memory_space<vmem>> -> memref<32x128xf32, #tpu.memory_space<vmem>>
      %dma_wait3A_835 = arith.constant 0 : i32
      %dma_wait3A_836 = arith.constant 0 : i32
      %dma_wait3A_837 = tpu.memref_slice %arg4[%dma_wait3A_835, %dma_wait3A_836] : memref<32x1000000xf32, #tpu.memory_space<hbm>> -> memref<32x128xf32, #tpu.memory_space<hbm>>
      tpu.wait_dma2 semaphore(%dma_wait3A_830 : memref<!tpu.dma_semaphore, #tpu.memory_space<semaphore_mem>>) src(%dma_wait3A_837 : memref<32x128xf32, #tpu.memory_space<hbm>>) dst(%dma_wait3A_834 : memref<32x128xf32, #tpu.memory_space<vmem>>)
      %dma_wait3A_838 = arith.constant 0 : i32
      %dma_wait3A_839 = arith.constant 0 : i32
      %dma_wait3A_840 = tpu.memref_slice %arg10[%rem3A_821, %dma_wait3A_838, %dma_wait3A_839] : memref<7x32x129xf32, #tpu.memory_space<vmem>> -> memref<1x32x128xf32, #tpu.memory_space<vmem>>
      %dma_wait3A_841 = tpu.memref_squeeze %dma_wait3A_840 : memref<1x32x128xf32, #tpu.memory_space<vmem>> -> memref<32x128xf32, #tpu.memory_space<vmem>>
      %dma_wait3A_842 = arith.constant 0 : i32
      %dma_wait3A_843 = arith.constant 0 : i32
      %dma_wait3A_844 = tpu.memref_slice %arg5[%dma_wait3A_842, %dma_wait3A_843] : memref<32x1000000xf32, #tpu.memory_space<hbm>> -> memref<32x128xf32, #tpu.memory_space<hbm>>
      %dma_wait3A_845 = tpu.memref_slice %arg13[%rem3A_821] : memref<7x!tpu.dma_semaphore, #tpu.memory_space<semaphore_mem>> -> memref<1x!tpu.dma_semaphore, #tpu.memory_space<semaphore_mem>>
      %dma_wait3A_846 = tpu.memref_squeeze %dma_wait3A_845 : memref<1x!tpu.dma_semaphore, #tpu.memory_space<semaphore_mem>> -> memref<!tpu.dma_semaphore, #tpu.memory_space<semaphore_mem>>
      %dma_wait3A_847 = arith.constant 0 : i32
      %dma_wait3A_848 = arith.constant 0 : i32
      %dma_wait3A_849 = tpu.memref_slice %arg10[%rem3A_821, %dma_wait3A_847, %dma_wait3A_848] : memref<7x32x129xf32, #tpu.memory_space<vmem>> -> memref<1x32x128xf32, #tpu.memory_space<vmem>>
      %dma_wait3A_850 = tpu.memref_squeeze %dma_wait3A_849 : memref<1x32x128xf32, #tpu.memory_space<vmem>> -> memref<32x128xf32, #tpu.memory_space<vmem>>
      %dma_wait3A_851 = arith.constant 0 : i32
      %dma_wait3A_852 = arith.constant 0 : i32
      %dma_wait3A_853 = tpu.memref_slice %arg5[%dma_wait3A_851, %dma_wait3A_852] : memref<32x1000000xf32, #tpu.memory_space<hbm>> -> memref<32x128xf32, #tpu.memory_space<hbm>>
      tpu.wait_dma2 semaphore(%dma_wait3A_846 : memref<!tpu.dma_semaphore, #tpu.memory_space<semaphore_mem>>) src(%dma_wait3A_853 : memref<32x128xf32, #tpu.memory_space<hbm>>) dst(%dma_wait3A_850 : memref<32x128xf32, #tpu.memory_space<vmem>>)
      %slice3A_854 = vector.extract_strided_slice %scan3A_364 {offsets = [4], sizes = [1], strides = [1]} : vector<16xi32> to vector<1xi32>
      %squeeze3A_855 = vector.extract %slice3A_854[0] : i32 from vector<1xi32>
      %slice3A_856 = vector.extract_strided_slice %scan3A_365 {offsets = [4], sizes = [1], strides = [1]} : vector<16xi32> to vector<1xi32>
      %squeeze3A_857 = vector.extract %slice3A_856[0] : i32 from vector<1xi32>
      %mul3A_858 = arith.constant 16 : i32
      %mul3A_859 = arith.muli %scan3A_363, %mul3A_858 : i32
      %add3A_860 = arith.constant 4 : i32
      %add3A_861 = arith.addi %mul3A_859, %add3A_860 : i32
      %and3A_862 = arith.constant 127 : i32
      %and3A_863 = arith.andi %squeeze3A_855, %and3A_862 : i32
      %broadcast_in_dim3A_864 = vector.broadcast %and3A_863 : i32 to vector<16xi32>
      %and3A_865 = arith.constant 127 : i32
      %and3A_866 = arith.andi %squeeze3A_857, %and3A_865 : i32
      %broadcast_in_dim3A_867 = vector.broadcast %and3A_866 : i32 to vector<16xi32>
      %broadcast_in_dim3A_868 = vector.broadcast %rem3A_821 : i32 to vector<16xi32>
      %gather3A_869 = tpu.vector_load_idx %arg9[%broadcast_in_dim3A_868, %iota3A, %broadcast_in_dim3A_864] : memref<7x32x129xf32, #tpu.memory_space<vmem>>[vector<16xi32>, vector<16xi32>, vector<16xi32>], vector<16xf32>,
      %gather3A_870 = tpu.vector_load_idx %arg9[%broadcast_in_dim3A_868, %add3A_28, %broadcast_in_dim3A_864] : memref<7x32x129xf32, #tpu.memory_space<vmem>>[vector<16xi32>, vector<16xi32>, vector<16xi32>], vector<16xf32>,
      %gather3A_871 = tpu.vector_load_idx %arg10[%broadcast_in_dim3A_868, %iota3A, %broadcast_in_dim3A_867] : memref<7x32x129xf32, #tpu.memory_space<vmem>>[vector<16xi32>, vector<16xi32>, vector<16xi32>], vector<16xf32>,
      %gather3A_872 = tpu.vector_load_idx %arg10[%broadcast_in_dim3A_868, %add3A_28, %broadcast_in_dim3A_867] : memref<7x32x129xf32, #tpu.memory_space<vmem>>[vector<16xi32>, vector<16xi32>, vector<16xi32>], vector<16xf32>,
      %mul3A_873 = arith.mulf %gather3A_869, %gather3A_871 : vector<16xf32>
      %mul3A_874 = arith.mulf %gather3A_870, %gather3A_872 : vector<16xf32>
      %add3A_875 = arith.addf %mul3A_873, %mul3A_874 : vector<16xf32>
      %broadcast_in_dim3A_876 = vector.broadcast %add3A_861 : i32 to vector<16xi32>
      tpu.vector_store_idx %arg11[%iota3A, %broadcast_in_dim3A_876], %add3A_875 : memref<16x513xf32, #tpu.memory_space<vmem>>[vector<16xi32>, vector<16xi32>], vector<16xf32>,
      %slice3A_877 = vector.extract_strided_slice %scan3A_364 {offsets = [11], sizes = [1], strides = [1]} : vector<16xi32> to vector<1xi32>
      %squeeze3A_878 = vector.extract %slice3A_877[0] : i32 from vector<1xi32>
      %slice3A_879 = vector.extract_strided_slice %scan3A_365 {offsets = [11], sizes = [1], strides = [1]} : vector<16xi32> to vector<1xi32>
      %squeeze3A_880 = vector.extract %slice3A_879[0] : i32 from vector<1xi32>
      %shift_right_arithmetic3A_881 = arith.constant 7 : i32
      %shift_right_arithmetic3A_882 = arith.shrsi %squeeze3A_878, %shift_right_arithmetic3A_881 : i32
      %shift_left3A_883 = arith.constant 7 : i32
      %shift_left3A_884 = arith.shli %shift_right_arithmetic3A_882, %shift_left3A_883 : i32
      %multiple_of3A_885 = tpu.assume_multiple %shift_left3A_884, 128 : i32
      %shift_right_arithmetic3A_886 = arith.constant 7 : i32
      %shift_right_arithmetic3A_887 = arith.shrsi %squeeze3A_880, %shift_right_arithmetic3A_886 : i32
      %shift_left3A_888 = arith.constant 7 : i32
      %shift_left3A_889 = arith.shli %shift_right_arithmetic3A_887, %shift_left3A_888 : i32
      %multiple_of3A_890 = tpu.assume_multiple %shift_left3A_889, 128 : i32
      %dma_start3A_891 = arith.constant 0 : i32
      %dma_start3A_892 = arith.constant 0 : i32
      %dma_start3A_893 = tpu.memref_slice %arg9[%rem3A_821, %dma_start3A_891, %dma_start3A_892] : memref<7x32x129xf32, #tpu.memory_space<vmem>> -> memref<1x32x128xf32, #tpu.memory_space<vmem>>
      %dma_start3A_894 = tpu.memref_squeeze %dma_start3A_893 : memref<1x32x128xf32, #tpu.memory_space<vmem>> -> memref<32x128xf32, #tpu.memory_space<vmem>>
      %dma_start3A_895 = arith.constant 0 : i32
      %dma_start3A_896 = tpu.memref_slice %arg4[%dma_start3A_895, %multiple_of3A_885] : memref<32x1000000xf32, #tpu.memory_space<hbm>> -> memref<32x128xf32, #tpu.memory_space<hbm>>
      %dma_start3A_897 = tpu.memref_slice %arg13[%rem3A_821] : memref<7x!tpu.dma_semaphore, #tpu.memory_space<semaphore_mem>> -> memref<1x!tpu.dma_semaphore, #tpu.memory_space<semaphore_mem>>
      %dma_start3A_898 = tpu.memref_squeeze %dma_start3A_897 : memref<1x!tpu.dma_semaphore, #tpu.memory_space<semaphore_mem>> -> memref<!tpu.dma_semaphore, #tpu.memory_space<semaphore_mem>>
      %dma_start3A_899 = arith.constant 0 : i32
      %dma_start3A_900 = arith.constant 0 : i32
      %dma_start3A_901 = tpu.memref_slice %arg9[%rem3A_821, %dma_start3A_899, %dma_start3A_900] : memref<7x32x129xf32, #tpu.memory_space<vmem>> -> memref<1x32x128xf32, #tpu.memory_space<vmem>>
      %dma_start3A_902 = tpu.memref_squeeze %dma_start3A_901 : memref<1x32x128xf32, #tpu.memory_space<vmem>> -> memref<32x128xf32, #tpu.memory_space<vmem>>
      %dma_start3A_903 = arith.constant 0 : i32
      %dma_start3A_904 = tpu.memref_slice %arg4[%dma_start3A_903, %multiple_of3A_885] : memref<32x1000000xf32, #tpu.memory_space<hbm>> -> memref<32x128xf32, #tpu.memory_space<hbm>>
      tpu.enqueue_dma source(%dma_start3A_904 : memref<32x128xf32, #tpu.memory_space<hbm>>) target(%dma_start3A_902 : memref<32x128xf32, #tpu.memory_space<vmem>>) target_semaphore(%dma_start3A_898 : memref<!tpu.dma_semaphore, #tpu.memory_space<semaphore_mem>>)
      %dma_start3A_905 = arith.constant 0 : i32
      %dma_start3A_906 = arith.constant 0 : i32
      %dma_start3A_907 = tpu.memref_slice %arg10[%rem3A_821, %dma_start3A_905, %dma_start3A_906] : memref<7x32x129xf32, #tpu.memory_space<vmem>> -> memref<1x32x128xf32, #tpu.memory_space<vmem>>
      %dma_start3A_908 = tpu.memref_squeeze %dma_start3A_907 : memref<1x32x128xf32, #tpu.memory_space<vmem>> -> memref<32x128xf32, #tpu.memory_space<vmem>>
      %dma_start3A_909 = arith.constant 0 : i32
      %dma_start3A_910 = tpu.memref_slice %arg5[%dma_start3A_909, %multiple_of3A_890] : memref<32x1000000xf32, #tpu.memory_space<hbm>> -> memref<32x128xf32, #tpu.memory_space<hbm>>
      %dma_start3A_911 = tpu.memref_slice %arg13[%rem3A_821] : memref<7x!tpu.dma_semaphore, #tpu.memory_space<semaphore_mem>> -> memref<1x!tpu.dma_semaphore, #tpu.memory_space<semaphore_mem>>
      %dma_start3A_912 = tpu.memref_squeeze %dma_start3A_911 : memref<1x!tpu.dma_semaphore, #tpu.memory_space<semaphore_mem>> -> memref<!tpu.dma_semaphore, #tpu.memory_space<semaphore_mem>>
      %dma_start3A_913 = arith.constant 0 : i32
      %dma_start3A_914 = arith.constant 0 : i32
      %dma_start3A_915 = tpu.memref_slice %arg10[%rem3A_821, %dma_start3A_913, %dma_start3A_914] : memref<7x32x129xf32, #tpu.memory_space<vmem>> -> memref<1x32x128xf32, #tpu.memory_space<vmem>>
      %dma_start3A_916 = tpu.memref_squeeze %dma_start3A_915 : memref<1x32x128xf32, #tpu.memory_space<vmem>> -> memref<32x128xf32, #tpu.memory_space<vmem>>
      %dma_start3A_917 = arith.constant 0 : i32
      %dma_start3A_918 = tpu.memref_slice %arg5[%dma_start3A_917, %multiple_of3A_890] : memref<32x1000000xf32, #tpu.memory_space<hbm>> -> memref<32x128xf32, #tpu.memory_space<hbm>>
      tpu.enqueue_dma source(%dma_start3A_918 : memref<32x128xf32, #tpu.memory_space<hbm>>) target(%dma_start3A_916 : memref<32x128xf32, #tpu.memory_space<vmem>>) target_semaphore(%dma_start3A_912 : memref<!tpu.dma_semaphore, #tpu.memory_space<semaphore_mem>>)
      %mul3A_919 = arith.constant 2 : i32
      %mul3A_920 = arith.muli %mul3A_919, %scan3A_363 : i32
      %add3A_921 = arith.constant 5 : i32
      %add3A_922 = arith.addi %mul3A_920, %add3A_921 : i32
      %rem3A_923 = arith.constant 7 : i32
      %rem3A_924 = arith.remsi %add3A_922, %rem3A_923 : i32
      %dma_wait3A_925 = arith.constant 0 : i32
      %dma_wait3A_926 = arith.constant 0 : i32
      %dma_wait3A_927 = tpu.memref_slice %arg9[%rem3A_924, %dma_wait3A_925, %dma_wait3A_926] : memref<7x32x129xf32, #tpu.memory_space<vmem>> -> memref<1x32x128xf32, #tpu.memory_space<vmem>>
      %dma_wait3A_928 = tpu.memref_squeeze %dma_wait3A_927 : memref<1x32x128xf32, #tpu.memory_space<vmem>> -> memref<32x128xf32, #tpu.memory_space<vmem>>
      %dma_wait3A_929 = arith.constant 0 : i32
      %dma_wait3A_930 = arith.constant 0 : i32
      %dma_wait3A_931 = tpu.memref_slice %arg4[%dma_wait3A_929, %dma_wait3A_930] : memref<32x1000000xf32, #tpu.memory_space<hbm>> -> memref<32x128xf32, #tpu.memory_space<hbm>>
      %dma_wait3A_932 = tpu.memref_slice %arg13[%rem3A_924] : memref<7x!tpu.dma_semaphore, #tpu.memory_space<semaphore_mem>> -> memref<1x!tpu.dma_semaphore, #tpu.memory_space<semaphore_mem>>
      %dma_wait3A_933 = tpu.memref_squeeze %dma_wait3A_932 : memref<1x!tpu.dma_semaphore, #tpu.memory_space<semaphore_mem>> -> memref<!tpu.dma_semaphore, #tpu.memory_space<semaphore_mem>>
      %dma_wait3A_934 = arith.constant 0 : i32
      %dma_wait3A_935 = arith.constant 0 : i32
      %dma_wait3A_936 = tpu.memref_slice %arg9[%rem3A_924, %dma_wait3A_934, %dma_wait3A_935] : memref<7x32x129xf32, #tpu.memory_space<vmem>> -> memref<1x32x128xf32, #tpu.memory_space<vmem>>
      %dma_wait3A_937 = tpu.memref_squeeze %dma_wait3A_936 : memref<1x32x128xf32, #tpu.memory_space<vmem>> -> memref<32x128xf32, #tpu.memory_space<vmem>>
      %dma_wait3A_938 = arith.constant 0 : i32
      %dma_wait3A_939 = arith.constant 0 : i32
      %dma_wait3A_940 = tpu.memref_slice %arg4[%dma_wait3A_938, %dma_wait3A_939] : memref<32x1000000xf32, #tpu.memory_space<hbm>> -> memref<32x128xf32, #tpu.memory_space<hbm>>
      tpu.wait_dma2 semaphore(%dma_wait3A_933 : memref<!tpu.dma_semaphore, #tpu.memory_space<semaphore_mem>>) src(%dma_wait3A_940 : memref<32x128xf32, #tpu.memory_space<hbm>>) dst(%dma_wait3A_937 : memref<32x128xf32, #tpu.memory_space<vmem>>)
      %dma_wait3A_941 = arith.constant 0 : i32
      %dma_wait3A_942 = arith.constant 0 : i32
      %dma_wait3A_943 = tpu.memref_slice %arg10[%rem3A_924, %dma_wait3A_941, %dma_wait3A_942] : memref<7x32x129xf32, #tpu.memory_space<vmem>> -> memref<1x32x128xf32, #tpu.memory_space<vmem>>
      %dma_wait3A_944 = tpu.memref_squeeze %dma_wait3A_943 : memref<1x32x128xf32, #tpu.memory_space<vmem>> -> memref<32x128xf32, #tpu.memory_space<vmem>>
      %dma_wait3A_945 = arith.constant 0 : i32
      %dma_wait3A_946 = arith.constant 0 : i32
      %dma_wait3A_947 = tpu.memref_slice %arg5[%dma_wait3A_945, %dma_wait3A_946] : memref<32x1000000xf32, #tpu.memory_space<hbm>> -> memref<32x128xf32, #tpu.memory_space<hbm>>
      %dma_wait3A_948 = tpu.memref_slice %arg13[%rem3A_924] : memref<7x!tpu.dma_semaphore, #tpu.memory_space<semaphore_mem>> -> memref<1x!tpu.dma_semaphore, #tpu.memory_space<semaphore_mem>>
      %dma_wait3A_949 = tpu.memref_squeeze %dma_wait3A_948 : memref<1x!tpu.dma_semaphore, #tpu.memory_space<semaphore_mem>> -> memref<!tpu.dma_semaphore, #tpu.memory_space<semaphore_mem>>
      %dma_wait3A_950 = arith.constant 0 : i32
      %dma_wait3A_951 = arith.constant 0 : i32
      %dma_wait3A_952 = tpu.memref_slice %arg10[%rem3A_924, %dma_wait3A_950, %dma_wait3A_951] : memref<7x32x129xf32, #tpu.memory_space<vmem>> -> memref<1x32x128xf32, #tpu.memory_space<vmem>>
      %dma_wait3A_953 = tpu.memref_squeeze %dma_wait3A_952 : memref<1x32x128xf32, #tpu.memory_space<vmem>> -> memref<32x128xf32, #tpu.memory_space<vmem>>
      %dma_wait3A_954 = arith.constant 0 : i32
      %dma_wait3A_955 = arith.constant 0 : i32
      %dma_wait3A_956 = tpu.memref_slice %arg5[%dma_wait3A_954, %dma_wait3A_955] : memref<32x1000000xf32, #tpu.memory_space<hbm>> -> memref<32x128xf32, #tpu.memory_space<hbm>>
      tpu.wait_dma2 semaphore(%dma_wait3A_949 : memref<!tpu.dma_semaphore, #tpu.memory_space<semaphore_mem>>) src(%dma_wait3A_956 : memref<32x128xf32, #tpu.memory_space<hbm>>) dst(%dma_wait3A_953 : memref<32x128xf32, #tpu.memory_space<vmem>>)
      %slice3A_957 = vector.extract_strided_slice %scan3A_364 {offsets = [5], sizes = [1], strides = [1]} : vector<16xi32> to vector<1xi32>
      %squeeze3A_958 = vector.extract %slice3A_957[0] : i32 from vector<1xi32>
      %slice3A_959 = vector.extract_strided_slice %scan3A_365 {offsets = [5], sizes = [1], strides = [1]} : vector<16xi32> to vector<1xi32>
      %squeeze3A_960 = vector.extract %slice3A_959[0] : i32 from vector<1xi32>
      %mul3A_961 = arith.constant 16 : i32
      %mul3A_962 = arith.muli %scan3A_363, %mul3A_961 : i32
      %add3A_963 = arith.constant 5 : i32
      %add3A_964 = arith.addi %mul3A_962, %add3A_963 : i32
      %and3A_965 = arith.constant 127 : i32
      %and3A_966 = arith.andi %squeeze3A_958, %and3A_965 : i32
      %broadcast_in_dim3A_967 = vector.broadcast %and3A_966 : i32 to vector<16xi32>
      %and3A_968 = arith.constant 127 : i32
      %and3A_969 = arith.andi %squeeze3A_960, %and3A_968 : i32
      %broadcast_in_dim3A_970 = vector.broadcast %and3A_969 : i32 to vector<16xi32>
      %broadcast_in_dim3A_971 = vector.broadcast %rem3A_924 : i32 to vector<16xi32>
      %gather3A_972 = tpu.vector_load_idx %arg9[%broadcast_in_dim3A_971, %iota3A, %broadcast_in_dim3A_967] : memref<7x32x129xf32, #tpu.memory_space<vmem>>[vector<16xi32>, vector<16xi32>, vector<16xi32>], vector<16xf32>,
      %gather3A_973 = tpu.vector_load_idx %arg9[%broadcast_in_dim3A_971, %add3A_28, %broadcast_in_dim3A_967] : memref<7x32x129xf32, #tpu.memory_space<vmem>>[vector<16xi32>, vector<16xi32>, vector<16xi32>], vector<16xf32>,
      %gather3A_974 = tpu.vector_load_idx %arg10[%broadcast_in_dim3A_971, %iota3A, %broadcast_in_dim3A_970] : memref<7x32x129xf32, #tpu.memory_space<vmem>>[vector<16xi32>, vector<16xi32>, vector<16xi32>], vector<16xf32>,
      %gather3A_975 = tpu.vector_load_idx %arg10[%broadcast_in_dim3A_971, %add3A_28, %broadcast_in_dim3A_970] : memref<7x32x129xf32, #tpu.memory_space<vmem>>[vector<16xi32>, vector<16xi32>, vector<16xi32>], vector<16xf32>,
      %mul3A_976 = arith.mulf %gather3A_972, %gather3A_974 : vector<16xf32>
      %mul3A_977 = arith.mulf %gather3A_973, %gather3A_975 : vector<16xf32>
      %add3A_978 = arith.addf %mul3A_976, %mul3A_977 : vector<16xf32>
      %broadcast_in_dim3A_979 = vector.broadcast %add3A_964 : i32 to vector<16xi32>
      tpu.vector_store_idx %arg11[%iota3A, %broadcast_in_dim3A_979], %add3A_978 : memref<16x513xf32, #tpu.memory_space<vmem>>[vector<16xi32>, vector<16xi32>], vector<16xf32>,
      %slice3A_980 = vector.extract_strided_slice %scan3A_364 {offsets = [12], sizes = [1], strides = [1]} : vector<16xi32> to vector<1xi32>
      %squeeze3A_981 = vector.extract %slice3A_980[0] : i32 from vector<1xi32>
      %slice3A_982 = vector.extract_strided_slice %scan3A_365 {offsets = [12], sizes = [1], strides = [1]} : vector<16xi32> to vector<1xi32>
      %squeeze3A_983 = vector.extract %slice3A_982[0] : i32 from vector<1xi32>
      %shift_right_arithmetic3A_984 = arith.constant 7 : i32
      %shift_right_arithmetic3A_985 = arith.shrsi %squeeze3A_981, %shift_right_arithmetic3A_984 : i32
      %shift_left3A_986 = arith.constant 7 : i32
      %shift_left3A_987 = arith.shli %shift_right_arithmetic3A_985, %shift_left3A_986 : i32
      %multiple_of3A_988 = tpu.assume_multiple %shift_left3A_987, 128 : i32
      %shift_right_arithmetic3A_989 = arith.constant 7 : i32
      %shift_right_arithmetic3A_990 = arith.shrsi %squeeze3A_983, %shift_right_arithmetic3A_989 : i32
      %shift_left3A_991 = arith.constant 7 : i32
      %shift_left3A_992 = arith.shli %shift_right_arithmetic3A_990, %shift_left3A_991 : i32
      %multiple_of3A_993 = tpu.assume_multiple %shift_left3A_992, 128 : i32
      %dma_start3A_994 = arith.constant 0 : i32
      %dma_start3A_995 = arith.constant 0 : i32
      %dma_start3A_996 = tpu.memref_slice %arg9[%rem3A_924, %dma_start3A_994, %dma_start3A_995] : memref<7x32x129xf32, #tpu.memory_space<vmem>> -> memref<1x32x128xf32, #tpu.memory_space<vmem>>
      %dma_start3A_997 = tpu.memref_squeeze %dma_start3A_996 : memref<1x32x128xf32, #tpu.memory_space<vmem>> -> memref<32x128xf32, #tpu.memory_space<vmem>>
      %dma_start3A_998 = arith.constant 0 : i32
      %dma_start3A_999 = tpu.memref_slice %arg4[%dma_start3A_998, %multiple_of3A_988] : memref<32x1000000xf32, #tpu.memory_space<hbm>> -> memref<32x128xf32, #tpu.memory_space<hbm>>
      %dma_start3A_1000 = tpu.memref_slice %arg13[%rem3A_924] : memref<7x!tpu.dma_semaphore, #tpu.memory_space<semaphore_mem>> -> memref<1x!tpu.dma_semaphore, #tpu.memory_space<semaphore_mem>>
      %dma_start3A_1001 = tpu.memref_squeeze %dma_start3A_1000 : memref<1x!tpu.dma_semaphore, #tpu.memory_space<semaphore_mem>> -> memref<!tpu.dma_semaphore, #tpu.memory_space<semaphore_mem>>
      %dma_start3A_1002 = arith.constant 0 : i32
      %dma_start3A_1003 = arith.constant 0 : i32
      %dma_start3A_1004 = tpu.memref_slice %arg9[%rem3A_924, %dma_start3A_1002, %dma_start3A_1003] : memref<7x32x129xf32, #tpu.memory_space<vmem>> -> memref<1x32x128xf32, #tpu.memory_space<vmem>>
      %dma_start3A_1005 = tpu.memref_squeeze %dma_start3A_1004 : memref<1x32x128xf32, #tpu.memory_space<vmem>> -> memref<32x128xf32, #tpu.memory_space<vmem>>
      %dma_start3A_1006 = arith.constant 0 : i32
      %dma_start3A_1007 = tpu.memref_slice %arg4[%dma_start3A_1006, %multiple_of3A_988] : memref<32x1000000xf32, #tpu.memory_space<hbm>> -> memref<32x128xf32, #tpu.memory_space<hbm>>
      tpu.enqueue_dma source(%dma_start3A_1007 : memref<32x128xf32, #tpu.memory_space<hbm>>) target(%dma_start3A_1005 : memref<32x128xf32, #tpu.memory_space<vmem>>) target_semaphore(%dma_start3A_1001 : memref<!tpu.dma_semaphore, #tpu.memory_space<semaphore_mem>>)
      %dma_start3A_1008 = arith.constant 0 : i32
      %dma_start3A_1009 = arith.constant 0 : i32
      %dma_start3A_1010 = tpu.memref_slice %arg10[%rem3A_924, %dma_start3A_1008, %dma_start3A_1009] : memref<7x32x129xf32, #tpu.memory_space<vmem>> -> memref<1x32x128xf32, #tpu.memory_space<vmem>>
      %dma_start3A_1011 = tpu.memref_squeeze %dma_start3A_1010 : memref<1x32x128xf32, #tpu.memory_space<vmem>> -> memref<32x128xf32, #tpu.memory_space<vmem>>
      %dma_start3A_1012 = arith.constant 0 : i32
      %dma_start3A_1013 = tpu.memref_slice %arg5[%dma_start3A_1012, %multiple_of3A_993] : memref<32x1000000xf32, #tpu.memory_space<hbm>> -> memref<32x128xf32, #tpu.memory_space<hbm>>
      %dma_start3A_1014 = tpu.memref_slice %arg13[%rem3A_924] : memref<7x!tpu.dma_semaphore, #tpu.memory_space<semaphore_mem>> -> memref<1x!tpu.dma_semaphore, #tpu.memory_space<semaphore_mem>>
      %dma_start3A_1015 = tpu.memref_squeeze %dma_start3A_1014 : memref<1x!tpu.dma_semaphore, #tpu.memory_space<semaphore_mem>> -> memref<!tpu.dma_semaphore, #tpu.memory_space<semaphore_mem>>
      %dma_start3A_1016 = arith.constant 0 : i32
      %dma_start3A_1017 = arith.constant 0 : i32
      %dma_start3A_1018 = tpu.memref_slice %arg10[%rem3A_924, %dma_start3A_1016, %dma_start3A_1017] : memref<7x32x129xf32, #tpu.memory_space<vmem>> -> memref<1x32x128xf32, #tpu.memory_space<vmem>>
      %dma_start3A_1019 = tpu.memref_squeeze %dma_start3A_1018 : memref<1x32x128xf32, #tpu.memory_space<vmem>> -> memref<32x128xf32, #tpu.memory_space<vmem>>
      %dma_start3A_1020 = arith.constant 0 : i32
      %dma_start3A_1021 = tpu.memref_slice %arg5[%dma_start3A_1020, %multiple_of3A_993] : memref<32x1000000xf32, #tpu.memory_space<hbm>> -> memref<32x128xf32, #tpu.memory_space<hbm>>
      tpu.enqueue_dma source(%dma_start3A_1021 : memref<32x128xf32, #tpu.memory_space<hbm>>) target(%dma_start3A_1019 : memref<32x128xf32, #tpu.memory_space<vmem>>) target_semaphore(%dma_start3A_1015 : memref<!tpu.dma_semaphore, #tpu.memory_space<semaphore_mem>>)
      %mul3A_1022 = arith.constant 2 : i32
      %mul3A_1023 = arith.muli %mul3A_1022, %scan3A_363 : i32
      %add3A_1024 = arith.constant 6 : i32
      %add3A_1025 = arith.addi %mul3A_1023, %add3A_1024 : i32
      %rem3A_1026 = arith.constant 7 : i32
      %rem3A_1027 = arith.remsi %add3A_1025, %rem3A_1026 : i32
      %dma_wait3A_1028 = arith.constant 0 : i32
      %dma_wait3A_1029 = arith.constant 0 : i32
      %dma_wait3A_1030 = tpu.memref_slice %arg9[%rem3A_1027, %dma_wait3A_1028, %dma_wait3A_1029] : memref<7x32x129xf32, #tpu.memory_space<vmem>> -> memref<1x32x128xf32, #tpu.memory_space<vmem>>
      %dma_wait3A_1031 = tpu.memref_squeeze %dma_wait3A_1030 : memref<1x32x128xf32, #tpu.memory_space<vmem>> -> memref<32x128xf32, #tpu.memory_space<vmem>>
      %dma_wait3A_1032 = arith.constant 0 : i32
      %dma_wait3A_1033 = arith.constant 0 : i32
      %dma_wait3A_1034 = tpu.memref_slice %arg4[%dma_wait3A_1032, %dma_wait3A_1033] : memref<32x1000000xf32, #tpu.memory_space<hbm>> -> memref<32x128xf32, #tpu.memory_space<hbm>>
      %dma_wait3A_1035 = tpu.memref_slice %arg13[%rem3A_1027] : memref<7x!tpu.dma_semaphore, #tpu.memory_space<semaphore_mem>> -> memref<1x!tpu.dma_semaphore, #tpu.memory_space<semaphore_mem>>
      %dma_wait3A_1036 = tpu.memref_squeeze %dma_wait3A_1035 : memref<1x!tpu.dma_semaphore, #tpu.memory_space<semaphore_mem>> -> memref<!tpu.dma_semaphore, #tpu.memory_space<semaphore_mem>>
      %dma_wait3A_1037 = arith.constant 0 : i32
      %dma_wait3A_1038 = arith.constant 0 : i32
      %dma_wait3A_1039 = tpu.memref_slice %arg9[%rem3A_1027, %dma_wait3A_1037, %dma_wait3A_1038] : memref<7x32x129xf32, #tpu.memory_space<vmem>> -> memref<1x32x128xf32, #tpu.memory_space<vmem>>
      %dma_wait3A_1040 = tpu.memref_squeeze %dma_wait3A_1039 : memref<1x32x128xf32, #tpu.memory_space<vmem>> -> memref<32x128xf32, #tpu.memory_space<vmem>>
      %dma_wait3A_1041 = arith.constant 0 : i32
      %dma_wait3A_1042 = arith.constant 0 : i32
      %dma_wait3A_1043 = tpu.memref_slice %arg4[%dma_wait3A_1041, %dma_wait3A_1042] : memref<32x1000000xf32, #tpu.memory_space<hbm>> -> memref<32x128xf32, #tpu.memory_space<hbm>>
      tpu.wait_dma2 semaphore(%dma_wait3A_1036 : memref<!tpu.dma_semaphore, #tpu.memory_space<semaphore_mem>>) src(%dma_wait3A_1043 : memref<32x128xf32, #tpu.memory_space<hbm>>) dst(%dma_wait3A_1040 : memref<32x128xf32, #tpu.memory_space<vmem>>)
      %dma_wait3A_1044 = arith.constant 0 : i32
      %dma_wait3A_1045 = arith.constant 0 : i32
      %dma_wait3A_1046 = tpu.memref_slice %arg10[%rem3A_1027, %dma_wait3A_1044, %dma_wait3A_1045] : memref<7x32x129xf32, #tpu.memory_space<vmem>> -> memref<1x32x128xf32, #tpu.memory_space<vmem>>
      %dma_wait3A_1047 = tpu.memref_squeeze %dma_wait3A_1046 : memref<1x32x128xf32, #tpu.memory_space<vmem>> -> memref<32x128xf32, #tpu.memory_space<vmem>>
      %dma_wait3A_1048 = arith.constant 0 : i32
      %dma_wait3A_1049 = arith.constant 0 : i32
      %dma_wait3A_1050 = tpu.memref_slice %arg5[%dma_wait3A_1048, %dma_wait3A_1049] : memref<32x1000000xf32, #tpu.memory_space<hbm>> -> memref<32x128xf32, #tpu.memory_space<hbm>>
      %dma_wait3A_1051 = tpu.memref_slice %arg13[%rem3A_1027] : memref<7x!tpu.dma_semaphore, #tpu.memory_space<semaphore_mem>> -> memref<1x!tpu.dma_semaphore, #tpu.memory_space<semaphore_mem>>
      %dma_wait3A_1052 = tpu.memref_squeeze %dma_wait3A_1051 : memref<1x!tpu.dma_semaphore, #tpu.memory_space<semaphore_mem>> -> memref<!tpu.dma_semaphore, #tpu.memory_space<semaphore_mem>>
      %dma_wait3A_1053 = arith.constant 0 : i32
      %dma_wait3A_1054 = arith.constant 0 : i32
      %dma_wait3A_1055 = tpu.memref_slice %arg10[%rem3A_1027, %dma_wait3A_1053, %dma_wait3A_1054] : memref<7x32x129xf32, #tpu.memory_space<vmem>> -> memref<1x32x128xf32, #tpu.memory_space<vmem>>
      %dma_wait3A_1056 = tpu.memref_squeeze %dma_wait3A_1055 : memref<1x32x128xf32, #tpu.memory_space<vmem>> -> memref<32x128xf32, #tpu.memory_space<vmem>>
      %dma_wait3A_1057 = arith.constant 0 : i32
      %dma_wait3A_1058 = arith.constant 0 : i32
      %dma_wait3A_1059 = tpu.memref_slice %arg5[%dma_wait3A_1057, %dma_wait3A_1058] : memref<32x1000000xf32, #tpu.memory_space<hbm>> -> memref<32x128xf32, #tpu.memory_space<hbm>>
      tpu.wait_dma2 semaphore(%dma_wait3A_1052 : memref<!tpu.dma_semaphore, #tpu.memory_space<semaphore_mem>>) src(%dma_wait3A_1059 : memref<32x128xf32, #tpu.memory_space<hbm>>) dst(%dma_wait3A_1056 : memref<32x128xf32, #tpu.memory_space<vmem>>)
      %slice3A_1060 = vector.extract_strided_slice %scan3A_364 {offsets = [6], sizes = [1], strides = [1]} : vector<16xi32> to vector<1xi32>
      %squeeze3A_1061 = vector.extract %slice3A_1060[0] : i32 from vector<1xi32>
      %slice3A_1062 = vector.extract_strided_slice %scan3A_365 {offsets = [6], sizes = [1], strides = [1]} : vector<16xi32> to vector<1xi32>
      %squeeze3A_1063 = vector.extract %slice3A_1062[0] : i32 from vector<1xi32>
      %mul3A_1064 = arith.constant 16 : i32
      %mul3A_1065 = arith.muli %scan3A_363, %mul3A_1064 : i32
      %add3A_1066 = arith.constant 6 : i32
      %add3A_1067 = arith.addi %mul3A_1065, %add3A_1066 : i32
      %and3A_1068 = arith.constant 127 : i32
      %and3A_1069 = arith.andi %squeeze3A_1061, %and3A_1068 : i32
      %broadcast_in_dim3A_1070 = vector.broadcast %and3A_1069 : i32 to vector<16xi32>
      %and3A_1071 = arith.constant 127 : i32
      %and3A_1072 = arith.andi %squeeze3A_1063, %and3A_1071 : i32
      %broadcast_in_dim3A_1073 = vector.broadcast %and3A_1072 : i32 to vector<16xi32>
      %broadcast_in_dim3A_1074 = vector.broadcast %rem3A_1027 : i32 to vector<16xi32>
      %gather3A_1075 = tpu.vector_load_idx %arg9[%broadcast_in_dim3A_1074, %iota3A, %broadcast_in_dim3A_1070] : memref<7x32x129xf32, #tpu.memory_space<vmem>>[vector<16xi32>, vector<16xi32>, vector<16xi32>], vector<16xf32>,
      %gather3A_1076 = tpu.vector_load_idx %arg9[%broadcast_in_dim3A_1074, %add3A_28, %broadcast_in_dim3A_1070] : memref<7x32x129xf32, #tpu.memory_space<vmem>>[vector<16xi32>, vector<16xi32>, vector<16xi32>], vector<16xf32>,
      %gather3A_1077 = tpu.vector_load_idx %arg10[%broadcast_in_dim3A_1074, %iota3A, %broadcast_in_dim3A_1073] : memref<7x32x129xf32, #tpu.memory_space<vmem>>[vector<16xi32>, vector<16xi32>, vector<16xi32>], vector<16xf32>,
      %gather3A_1078 = tpu.vector_load_idx %arg10[%broadcast_in_dim3A_1074, %add3A_28, %broadcast_in_dim3A_1073] : memref<7x32x129xf32, #tpu.memory_space<vmem>>[vector<16xi32>, vector<16xi32>, vector<16xi32>], vector<16xf32>,
      %mul3A_1079 = arith.mulf %gather3A_1075, %gather3A_1077 : vector<16xf32>
      %mul3A_1080 = arith.mulf %gather3A_1076, %gather3A_1078 : vector<16xf32>
      %add3A_1081 = arith.addf %mul3A_1079, %mul3A_1080 : vector<16xf32>
      %broadcast_in_dim3A_1082 = vector.broadcast %add3A_1067 : i32 to vector<16xi32>
      tpu.vector_store_idx %arg11[%iota3A, %broadcast_in_dim3A_1082], %add3A_1081 : memref<16x513xf32, #tpu.memory_space<vmem>>[vector<16xi32>, vector<16xi32>], vector<16xf32>,
      %slice3A_1083 = vector.extract_strided_slice %scan3A_364 {offsets = [13], sizes = [1], strides = [1]} : vector<16xi32> to vector<1xi32>
      %squeeze3A_1084 = vector.extract %slice3A_1083[0] : i32 from vector<1xi32>
      %slice3A_1085 = vector.extract_strided_slice %scan3A_365 {offsets = [13], sizes = [1], strides = [1]} : vector<16xi32> to vector<1xi32>
      %squeeze3A_1086 = vector.extract %slice3A_1085[0] : i32 from vector<1xi32>
      %shift_right_arithmetic3A_1087 = arith.constant 7 : i32
      %shift_right_arithmetic3A_1088 = arith.shrsi %squeeze3A_1084, %shift_right_arithmetic3A_1087 : i32
      %shift_left3A_1089 = arith.constant 7 : i32
      %shift_left3A_1090 = arith.shli %shift_right_arithmetic3A_1088, %shift_left3A_1089 : i32
      %multiple_of3A_1091 = tpu.assume_multiple %shift_left3A_1090, 128 : i32
      %shift_right_arithmetic3A_1092 = arith.constant 7 : i32
      %shift_right_arithmetic3A_1093 = arith.shrsi %squeeze3A_1086, %shift_right_arithmetic3A_1092 : i32
      %shift_left3A_1094 = arith.constant 7 : i32
      %shift_left3A_1095 = arith.shli %shift_right_arithmetic3A_1093, %shift_left3A_1094 : i32
      %multiple_of3A_1096 = tpu.assume_multiple %shift_left3A_1095, 128 : i32
      %dma_start3A_1097 = arith.constant 0 : i32
      %dma_start3A_1098 = arith.constant 0 : i32
      %dma_start3A_1099 = tpu.memref_slice %arg9[%rem3A_1027, %dma_start3A_1097, %dma_start3A_1098] : memref<7x32x129xf32, #tpu.memory_space<vmem>> -> memref<1x32x128xf32, #tpu.memory_space<vmem>>
      %dma_start3A_1100 = tpu.memref_squeeze %dma_start3A_1099 : memref<1x32x128xf32, #tpu.memory_space<vmem>> -> memref<32x128xf32, #tpu.memory_space<vmem>>
      %dma_start3A_1101 = arith.constant 0 : i32
      %dma_start3A_1102 = tpu.memref_slice %arg4[%dma_start3A_1101, %multiple_of3A_1091] : memref<32x1000000xf32, #tpu.memory_space<hbm>> -> memref<32x128xf32, #tpu.memory_space<hbm>>
      %dma_start3A_1103 = tpu.memref_slice %arg13[%rem3A_1027] : memref<7x!tpu.dma_semaphore, #tpu.memory_space<semaphore_mem>> -> memref<1x!tpu.dma_semaphore, #tpu.memory_space<semaphore_mem>>
      %dma_start3A_1104 = tpu.memref_squeeze %dma_start3A_1103 : memref<1x!tpu.dma_semaphore, #tpu.memory_space<semaphore_mem>> -> memref<!tpu.dma_semaphore, #tpu.memory_space<semaphore_mem>>
      %dma_start3A_1105 = arith.constant 0 : i32
      %dma_start3A_1106 = arith.constant 0 : i32
      %dma_start3A_1107 = tpu.memref_slice %arg9[%rem3A_1027, %dma_start3A_1105, %dma_start3A_1106] : memref<7x32x129xf32, #tpu.memory_space<vmem>> -> memref<1x32x128xf32, #tpu.memory_space<vmem>>
      %dma_start3A_1108 = tpu.memref_squeeze %dma_start3A_1107 : memref<1x32x128xf32, #tpu.memory_space<vmem>> -> memref<32x128xf32, #tpu.memory_space<vmem>>
      %dma_start3A_1109 = arith.constant 0 : i32
      %dma_start3A_1110 = tpu.memref_slice %arg4[%dma_start3A_1109, %multiple_of3A_1091] : memref<32x1000000xf32, #tpu.memory_space<hbm>> -> memref<32x128xf32, #tpu.memory_space<hbm>>
      tpu.enqueue_dma source(%dma_start3A_1110 : memref<32x128xf32, #tpu.memory_space<hbm>>) target(%dma_start3A_1108 : memref<32x128xf32, #tpu.memory_space<vmem>>) target_semaphore(%dma_start3A_1104 : memref<!tpu.dma_semaphore, #tpu.memory_space<semaphore_mem>>)
      %dma_start3A_1111 = arith.constant 0 : i32
      %dma_start3A_1112 = arith.constant 0 : i32
      %dma_start3A_1113 = tpu.memref_slice %arg10[%rem3A_1027, %dma_start3A_1111, %dma_start3A_1112] : memref<7x32x129xf32, #tpu.memory_space<vmem>> -> memref<1x32x128xf32, #tpu.memory_space<vmem>>
      %dma_start3A_1114 = tpu.memref_squeeze %dma_start3A_1113 : memref<1x32x128xf32, #tpu.memory_space<vmem>> -> memref<32x128xf32, #tpu.memory_space<vmem>>
      %dma_start3A_1115 = arith.constant 0 : i32
      %dma_start3A_1116 = tpu.memref_slice %arg5[%dma_start3A_1115, %multiple_of3A_1096] : memref<32x1000000xf32, #tpu.memory_space<hbm>> -> memref<32x128xf32, #tpu.memory_space<hbm>>
      %dma_start3A_1117 = tpu.memref_slice %arg13[%rem3A_1027] : memref<7x!tpu.dma_semaphore, #tpu.memory_space<semaphore_mem>> -> memref<1x!tpu.dma_semaphore, #tpu.memory_space<semaphore_mem>>
      %dma_start3A_1118 = tpu.memref_squeeze %dma_start3A_1117 : memref<1x!tpu.dma_semaphore, #tpu.memory_space<semaphore_mem>> -> memref<!tpu.dma_semaphore, #tpu.memory_space<semaphore_mem>>
      %dma_start3A_1119 = arith.constant 0 : i32
      %dma_start3A_1120 = arith.constant 0 : i32
      %dma_start3A_1121 = tpu.memref_slice %arg10[%rem3A_1027, %dma_start3A_1119, %dma_start3A_1120] : memref<7x32x129xf32, #tpu.memory_space<vmem>> -> memref<1x32x128xf32, #tpu.memory_space<vmem>>
      %dma_start3A_1122 = tpu.memref_squeeze %dma_start3A_1121 : memref<1x32x128xf32, #tpu.memory_space<vmem>> -> memref<32x128xf32, #tpu.memory_space<vmem>>
      %dma_start3A_1123 = arith.constant 0 : i32
      %dma_start3A_1124 = tpu.memref_slice %arg5[%dma_start3A_1123, %multiple_of3A_1096] : memref<32x1000000xf32, #tpu.memory_space<hbm>> -> memref<32x128xf32, #tpu.memory_space<hbm>>
      tpu.enqueue_dma source(%dma_start3A_1124 : memref<32x128xf32, #tpu.memory_space<hbm>>) target(%dma_start3A_1122 : memref<32x128xf32, #tpu.memory_space<vmem>>) target_semaphore(%dma_start3A_1118 : memref<!tpu.dma_semaphore, #tpu.memory_space<semaphore_mem>>)
      %mul3A_1125 = arith.constant 2 : i32
      %mul3A_1126 = arith.muli %mul3A_1125, %scan3A_363 : i32
      %add3A_1127 = arith.constant 7 : i32
      %add3A_1128 = arith.addi %mul3A_1126, %add3A_1127 : i32
      %rem3A_1129 = arith.constant 7 : i32
      %rem3A_1130 = arith.remsi %add3A_1128, %rem3A_1129 : i32
      %dma_wait3A_1131 = arith.constant 0 : i32
      %dma_wait3A_1132 = arith.constant 0 : i32
      %dma_wait3A_1133 = tpu.memref_slice %arg9[%rem3A_1130, %dma_wait3A_1131, %dma_wait3A_1132] : memref<7x32x129xf32, #tpu.memory_space<vmem>> -> memref<1x32x128xf32, #tpu.memory_space<vmem>>
      %dma_wait3A_1134 = tpu.memref_squeeze %dma_wait3A_1133 : memref<1x32x128xf32, #tpu.memory_space<vmem>> -> memref<32x128xf32, #tpu.memory_space<vmem>>
      %dma_wait3A_1135 = arith.constant 0 : i32
      %dma_wait3A_1136 = arith.constant 0 : i32
      %dma_wait3A_1137 = tpu.memref_slice %arg4[%dma_wait3A_1135, %dma_wait3A_1136] : memref<32x1000000xf32, #tpu.memory_space<hbm>> -> memref<32x128xf32, #tpu.memory_space<hbm>>
      %dma_wait3A_1138 = tpu.memref_slice %arg13[%rem3A_1130] : memref<7x!tpu.dma_semaphore, #tpu.memory_space<semaphore_mem>> -> memref<1x!tpu.dma_semaphore, #tpu.memory_space<semaphore_mem>>
      %dma_wait3A_1139 = tpu.memref_squeeze %dma_wait3A_1138 : memref<1x!tpu.dma_semaphore, #tpu.memory_space<semaphore_mem>> -> memref<!tpu.dma_semaphore, #tpu.memory_space<semaphore_mem>>
      %dma_wait3A_1140 = arith.constant 0 : i32
      %dma_wait3A_1141 = arith.constant 0 : i32
      %dma_wait3A_1142 = tpu.memref_slice %arg9[%rem3A_1130, %dma_wait3A_1140, %dma_wait3A_1141] : memref<7x32x129xf32, #tpu.memory_space<vmem>> -> memref<1x32x128xf32, #tpu.memory_space<vmem>>
      %dma_wait3A_1143 = tpu.memref_squeeze %dma_wait3A_1142 : memref<1x32x128xf32, #tpu.memory_space<vmem>> -> memref<32x128xf32, #tpu.memory_space<vmem>>
      %dma_wait3A_1144 = arith.constant 0 : i32
      %dma_wait3A_1145 = arith.constant 0 : i32
      %dma_wait3A_1146 = tpu.memref_slice %arg4[%dma_wait3A_1144, %dma_wait3A_1145] : memref<32x1000000xf32, #tpu.memory_space<hbm>> -> memref<32x128xf32, #tpu.memory_space<hbm>>
      tpu.wait_dma2 semaphore(%dma_wait3A_1139 : memref<!tpu.dma_semaphore, #tpu.memory_space<semaphore_mem>>) src(%dma_wait3A_1146 : memref<32x128xf32, #tpu.memory_space<hbm>>) dst(%dma_wait3A_1143 : memref<32x128xf32, #tpu.memory_space<vmem>>)
      %dma_wait3A_1147 = arith.constant 0 : i32
      %dma_wait3A_1148 = arith.constant 0 : i32
      %dma_wait3A_1149 = tpu.memref_slice %arg10[%rem3A_1130, %dma_wait3A_1147, %dma_wait3A_1148] : memref<7x32x129xf32, #tpu.memory_space<vmem>> -> memref<1x32x128xf32, #tpu.memory_space<vmem>>
      %dma_wait3A_1150 = tpu.memref_squeeze %dma_wait3A_1149 : memref<1x32x128xf32, #tpu.memory_space<vmem>> -> memref<32x128xf32, #tpu.memory_space<vmem>>
      %dma_wait3A_1151 = arith.constant 0 : i32
      %dma_wait3A_1152 = arith.constant 0 : i32
      %dma_wait3A_1153 = tpu.memref_slice %arg5[%dma_wait3A_1151, %dma_wait3A_1152] : memref<32x1000000xf32, #tpu.memory_space<hbm>> -> memref<32x128xf32, #tpu.memory_space<hbm>>
      %dma_wait3A_1154 = tpu.memref_slice %arg13[%rem3A_1130] : memref<7x!tpu.dma_semaphore, #tpu.memory_space<semaphore_mem>> -> memref<1x!tpu.dma_semaphore, #tpu.memory_space<semaphore_mem>>
      %dma_wait3A_1155 = tpu.memref_squeeze %dma_wait3A_1154 : memref<1x!tpu.dma_semaphore, #tpu.memory_space<semaphore_mem>> -> memref<!tpu.dma_semaphore, #tpu.memory_space<semaphore_mem>>
      %dma_wait3A_1156 = arith.constant 0 : i32
      %dma_wait3A_1157 = arith.constant 0 : i32
      %dma_wait3A_1158 = tpu.memref_slice %arg10[%rem3A_1130, %dma_wait3A_1156, %dma_wait3A_1157] : memref<7x32x129xf32, #tpu.memory_space<vmem>> -> memref<1x32x128xf32, #tpu.memory_space<vmem>>
      %dma_wait3A_1159 = tpu.memref_squeeze %dma_wait3A_1158 : memref<1x32x128xf32, #tpu.memory_space<vmem>> -> memref<32x128xf32, #tpu.memory_space<vmem>>
      %dma_wait3A_1160 = arith.constant 0 : i32
      %dma_wait3A_1161 = arith.constant 0 : i32
      %dma_wait3A_1162 = tpu.memref_slice %arg5[%dma_wait3A_1160, %dma_wait3A_1161] : memref<32x1000000xf32, #tpu.memory_space<hbm>> -> memref<32x128xf32, #tpu.memory_space<hbm>>
      tpu.wait_dma2 semaphore(%dma_wait3A_1155 : memref<!tpu.dma_semaphore, #tpu.memory_space<semaphore_mem>>) src(%dma_wait3A_1162 : memref<32x128xf32, #tpu.memory_space<hbm>>) dst(%dma_wait3A_1159 : memref<32x128xf32, #tpu.memory_space<vmem>>)
      %slice3A_1163 = vector.extract_strided_slice %scan3A_364 {offsets = [7], sizes = [1], strides = [1]} : vector<16xi32> to vector<1xi32>
      %squeeze3A_1164 = vector.extract %slice3A_1163[0] : i32 from vector<1xi32>
      %slice3A_1165 = vector.extract_strided_slice %scan3A_365 {offsets = [7], sizes = [1], strides = [1]} : vector<16xi32> to vector<1xi32>
      %squeeze3A_1166 = vector.extract %slice3A_1165[0] : i32 from vector<1xi32>
      %mul3A_1167 = arith.constant 16 : i32
      %mul3A_1168 = arith.muli %scan3A_363, %mul3A_1167 : i32
      %add3A_1169 = arith.constant 7 : i32
      %add3A_1170 = arith.addi %mul3A_1168, %add3A_1169 : i32
      %and3A_1171 = arith.constant 127 : i32
      %and3A_1172 = arith.andi %squeeze3A_1164, %and3A_1171 : i32
      %broadcast_in_dim3A_1173 = vector.broadcast %and3A_1172 : i32 to vector<16xi32>
      %and3A_1174 = arith.constant 127 : i32
      %and3A_1175 = arith.andi %squeeze3A_1166, %and3A_1174 : i32
      %broadcast_in_dim3A_1176 = vector.broadcast %and3A_1175 : i32 to vector<16xi32>
      %broadcast_in_dim3A_1177 = vector.broadcast %rem3A_1130 : i32 to vector<16xi32>
      %gather3A_1178 = tpu.vector_load_idx %arg9[%broadcast_in_dim3A_1177, %iota3A, %broadcast_in_dim3A_1173] : memref<7x32x129xf32, #tpu.memory_space<vmem>>[vector<16xi32>, vector<16xi32>, vector<16xi32>], vector<16xf32>,
      %gather3A_1179 = tpu.vector_load_idx %arg9[%broadcast_in_dim3A_1177, %add3A_28, %broadcast_in_dim3A_1173] : memref<7x32x129xf32, #tpu.memory_space<vmem>>[vector<16xi32>, vector<16xi32>, vector<16xi32>], vector<16xf32>,
      %gather3A_1180 = tpu.vector_load_idx %arg10[%broadcast_in_dim3A_1177, %iota3A, %broadcast_in_dim3A_1176] : memref<7x32x129xf32, #tpu.memory_space<vmem>>[vector<16xi32>, vector<16xi32>, vector<16xi32>], vector<16xf32>,
      %gather3A_1181 = tpu.vector_load_idx %arg10[%broadcast_in_dim3A_1177, %add3A_28, %broadcast_in_dim3A_1176] : memref<7x32x129xf32, #tpu.memory_space<vmem>>[vector<16xi32>, vector<16xi32>, vector<16xi32>], vector<16xf32>,
      %mul3A_1182 = arith.mulf %gather3A_1178, %gather3A_1180 : vector<16xf32>
      %mul3A_1183 = arith.mulf %gather3A_1179, %gather3A_1181 : vector<16xf32>
      %add3A_1184 = arith.addf %mul3A_1182, %mul3A_1183 : vector<16xf32>
      %broadcast_in_dim3A_1185 = vector.broadcast %add3A_1170 : i32 to vector<16xi32>
      tpu.vector_store_idx %arg11[%iota3A, %broadcast_in_dim3A_1185], %add3A_1184 : memref<16x513xf32, #tpu.memory_space<vmem>>[vector<16xi32>, vector<16xi32>], vector<16xf32>,
      %slice3A_1186 = vector.extract_strided_slice %scan3A_364 {offsets = [14], sizes = [1], strides = [1]} : vector<16xi32> to vector<1xi32>
      %squeeze3A_1187 = vector.extract %slice3A_1186[0] : i32 from vector<1xi32>
      %slice3A_1188 = vector.extract_strided_slice %scan3A_365 {offsets = [14], sizes = [1], strides = [1]} : vector<16xi32> to vector<1xi32>
      %squeeze3A_1189 = vector.extract %slice3A_1188[0] : i32 from vector<1xi32>
      %shift_right_arithmetic3A_1190 = arith.constant 7 : i32
      %shift_right_arithmetic3A_1191 = arith.shrsi %squeeze3A_1187, %shift_right_arithmetic3A_1190 : i32
      %shift_left3A_1192 = arith.constant 7 : i32
      %shift_left3A_1193 = arith.shli %shift_right_arithmetic3A_1191, %shift_left3A_1192 : i32
      %multiple_of3A_1194 = tpu.assume_multiple %shift_left3A_1193, 128 : i32
      %shift_right_arithmetic3A_1195 = arith.constant 7 : i32
      %shift_right_arithmetic3A_1196 = arith.shrsi %squeeze3A_1189, %shift_right_arithmetic3A_1195 : i32
      %shift_left3A_1197 = arith.constant 7 : i32
      %shift_left3A_1198 = arith.shli %shift_right_arithmetic3A_1196, %shift_left3A_1197 : i32
      %multiple_of3A_1199 = tpu.assume_multiple %shift_left3A_1198, 128 : i32
      %dma_start3A_1200 = arith.constant 0 : i32
      %dma_start3A_1201 = arith.constant 0 : i32
      %dma_start3A_1202 = tpu.memref_slice %arg9[%rem3A_1130, %dma_start3A_1200, %dma_start3A_1201] : memref<7x32x129xf32, #tpu.memory_space<vmem>> -> memref<1x32x128xf32, #tpu.memory_space<vmem>>
      %dma_start3A_1203 = tpu.memref_squeeze %dma_start3A_1202 : memref<1x32x128xf32, #tpu.memory_space<vmem>> -> memref<32x128xf32, #tpu.memory_space<vmem>>
      %dma_start3A_1204 = arith.constant 0 : i32
      %dma_start3A_1205 = tpu.memref_slice %arg4[%dma_start3A_1204, %multiple_of3A_1194] : memref<32x1000000xf32, #tpu.memory_space<hbm>> -> memref<32x128xf32, #tpu.memory_space<hbm>>
      %dma_start3A_1206 = tpu.memref_slice %arg13[%rem3A_1130] : memref<7x!tpu.dma_semaphore, #tpu.memory_space<semaphore_mem>> -> memref<1x!tpu.dma_semaphore, #tpu.memory_space<semaphore_mem>>
      %dma_start3A_1207 = tpu.memref_squeeze %dma_start3A_1206 : memref<1x!tpu.dma_semaphore, #tpu.memory_space<semaphore_mem>> -> memref<!tpu.dma_semaphore, #tpu.memory_space<semaphore_mem>>
      %dma_start3A_1208 = arith.constant 0 : i32
      %dma_start3A_1209 = arith.constant 0 : i32
      %dma_start3A_1210 = tpu.memref_slice %arg9[%rem3A_1130, %dma_start3A_1208, %dma_start3A_1209] : memref<7x32x129xf32, #tpu.memory_space<vmem>> -> memref<1x32x128xf32, #tpu.memory_space<vmem>>
      %dma_start3A_1211 = tpu.memref_squeeze %dma_start3A_1210 : memref<1x32x128xf32, #tpu.memory_space<vmem>> -> memref<32x128xf32, #tpu.memory_space<vmem>>
      %dma_start3A_1212 = arith.constant 0 : i32
      %dma_start3A_1213 = tpu.memref_slice %arg4[%dma_start3A_1212, %multiple_of3A_1194] : memref<32x1000000xf32, #tpu.memory_space<hbm>> -> memref<32x128xf32, #tpu.memory_space<hbm>>
      tpu.enqueue_dma source(%dma_start3A_1213 : memref<32x128xf32, #tpu.memory_space<hbm>>) target(%dma_start3A_1211 : memref<32x128xf32, #tpu.memory_space<vmem>>) target_semaphore(%dma_start3A_1207 : memref<!tpu.dma_semaphore, #tpu.memory_space<semaphore_mem>>)
      %dma_start3A_1214 = arith.constant 0 : i32
      %dma_start3A_1215 = arith.constant 0 : i32
      %dma_start3A_1216 = tpu.memref_slice %arg10[%rem3A_1130, %dma_start3A_1214, %dma_start3A_1215] : memref<7x32x129xf32, #tpu.memory_space<vmem>> -> memref<1x32x128xf32, #tpu.memory_space<vmem>>
      %dma_start3A_1217 = tpu.memref_squeeze %dma_start3A_1216 : memref<1x32x128xf32, #tpu.memory_space<vmem>> -> memref<32x128xf32, #tpu.memory_space<vmem>>
      %dma_start3A_1218 = arith.constant 0 : i32
      %dma_start3A_1219 = tpu.memref_slice %arg5[%dma_start3A_1218, %multiple_of3A_1199] : memref<32x1000000xf32, #tpu.memory_space<hbm>> -> memref<32x128xf32, #tpu.memory_space<hbm>>
      %dma_start3A_1220 = tpu.memref_slice %arg13[%rem3A_1130] : memref<7x!tpu.dma_semaphore, #tpu.memory_space<semaphore_mem>> -> memref<1x!tpu.dma_semaphore, #tpu.memory_space<semaphore_mem>>
      %dma_start3A_1221 = tpu.memref_squeeze %dma_start3A_1220 : memref<1x!tpu.dma_semaphore, #tpu.memory_space<semaphore_mem>> -> memref<!tpu.dma_semaphore, #tpu.memory_space<semaphore_mem>>
      %dma_start3A_1222 = arith.constant 0 : i32
      %dma_start3A_1223 = arith.constant 0 : i32
      %dma_start3A_1224 = tpu.memref_slice %arg10[%rem3A_1130, %dma_start3A_1222, %dma_start3A_1223] : memref<7x32x129xf32, #tpu.memory_space<vmem>> -> memref<1x32x128xf32, #tpu.memory_space<vmem>>
      %dma_start3A_1225 = tpu.memref_squeeze %dma_start3A_1224 : memref<1x32x128xf32, #tpu.memory_space<vmem>> -> memref<32x128xf32, #tpu.memory_space<vmem>>
      %dma_start3A_1226 = arith.constant 0 : i32
      %dma_start3A_1227 = tpu.memref_slice %arg5[%dma_start3A_1226, %multiple_of3A_1199] : memref<32x1000000xf32, #tpu.memory_space<hbm>> -> memref<32x128xf32, #tpu.memory_space<hbm>>
      tpu.enqueue_dma source(%dma_start3A_1227 : memref<32x128xf32, #tpu.memory_space<hbm>>) target(%dma_start3A_1225 : memref<32x128xf32, #tpu.memory_space<vmem>>) target_semaphore(%dma_start3A_1221 : memref<!tpu.dma_semaphore, #tpu.memory_space<semaphore_mem>>)
      %mul3A_1228 = arith.constant 2 : i32
      %mul3A_1229 = arith.muli %mul3A_1228, %scan3A_363 : i32
      %add3A_1230 = arith.constant 8 : i32
      %add3A_1231 = arith.addi %mul3A_1229, %add3A_1230 : i32
      %rem3A_1232 = arith.constant 7 : i32
      %rem3A_1233 = arith.remsi %add3A_1231, %rem3A_1232 : i32
      %dma_wait3A_1234 = arith.constant 0 : i32
      %dma_wait3A_1235 = arith.constant 0 : i32
      %dma_wait3A_1236 = tpu.memref_slice %arg9[%rem3A_1233, %dma_wait3A_1234, %dma_wait3A_1235] : memref<7x32x129xf32, #tpu.memory_space<vmem>> -> memref<1x32x128xf32, #tpu.memory_space<vmem>>
      %dma_wait3A_1237 = tpu.memref_squeeze %dma_wait3A_1236 : memref<1x32x128xf32, #tpu.memory_space<vmem>> -> memref<32x128xf32, #tpu.memory_space<vmem>>
      %dma_wait3A_1238 = arith.constant 0 : i32
      %dma_wait3A_1239 = arith.constant 0 : i32
      %dma_wait3A_1240 = tpu.memref_slice %arg4[%dma_wait3A_1238, %dma_wait3A_1239] : memref<32x1000000xf32, #tpu.memory_space<hbm>> -> memref<32x128xf32, #tpu.memory_space<hbm>>
      %dma_wait3A_1241 = tpu.memref_slice %arg13[%rem3A_1233] : memref<7x!tpu.dma_semaphore, #tpu.memory_space<semaphore_mem>> -> memref<1x!tpu.dma_semaphore, #tpu.memory_space<semaphore_mem>>
      %dma_wait3A_1242 = tpu.memref_squeeze %dma_wait3A_1241 : memref<1x!tpu.dma_semaphore, #tpu.memory_space<semaphore_mem>> -> memref<!tpu.dma_semaphore, #tpu.memory_space<semaphore_mem>>
      %dma_wait3A_1243 = arith.constant 0 : i32
      %dma_wait3A_1244 = arith.constant 0 : i32
      %dma_wait3A_1245 = tpu.memref_slice %arg9[%rem3A_1233, %dma_wait3A_1243, %dma_wait3A_1244] : memref<7x32x129xf32, #tpu.memory_space<vmem>> -> memref<1x32x128xf32, #tpu.memory_space<vmem>>
      %dma_wait3A_1246 = tpu.memref_squeeze %dma_wait3A_1245 : memref<1x32x128xf32, #tpu.memory_space<vmem>> -> memref<32x128xf32, #tpu.memory_space<vmem>>
      %dma_wait3A_1247 = arith.constant 0 : i32
      %dma_wait3A_1248 = arith.constant 0 : i32
      %dma_wait3A_1249 = tpu.memref_slice %arg4[%dma_wait3A_1247, %dma_wait3A_1248] : memref<32x1000000xf32, #tpu.memory_space<hbm>> -> memref<32x128xf32, #tpu.memory_space<hbm>>
      tpu.wait_dma2 semaphore(%dma_wait3A_1242 : memref<!tpu.dma_semaphore, #tpu.memory_space<semaphore_mem>>) src(%dma_wait3A_1249 : memref<32x128xf32, #tpu.memory_space<hbm>>) dst(%dma_wait3A_1246 : memref<32x128xf32, #tpu.memory_space<vmem>>)
      %dma_wait3A_1250 = arith.constant 0 : i32
      %dma_wait3A_1251 = arith.constant 0 : i32
      %dma_wait3A_1252 = tpu.memref_slice %arg10[%rem3A_1233, %dma_wait3A_1250, %dma_wait3A_1251] : memref<7x32x129xf32, #tpu.memory_space<vmem>> -> memref<1x32x128xf32, #tpu.memory_space<vmem>>
      %dma_wait3A_1253 = tpu.memref_squeeze %dma_wait3A_1252 : memref<1x32x128xf32, #tpu.memory_space<vmem>> -> memref<32x128xf32, #tpu.memory_space<vmem>>
      %dma_wait3A_1254 = arith.constant 0 : i32
      %dma_wait3A_1255 = arith.constant 0 : i32
      %dma_wait3A_1256 = tpu.memref_slice %arg5[%dma_wait3A_1254, %dma_wait3A_1255] : memref<32x1000000xf32, #tpu.memory_space<hbm>> -> memref<32x128xf32, #tpu.memory_space<hbm>>
      %dma_wait3A_1257 = tpu.memref_slice %arg13[%rem3A_1233] : memref<7x!tpu.dma_semaphore, #tpu.memory_space<semaphore_mem>> -> memref<1x!tpu.dma_semaphore, #tpu.memory_space<semaphore_mem>>
      %dma_wait3A_1258 = tpu.memref_squeeze %dma_wait3A_1257 : memref<1x!tpu.dma_semaphore, #tpu.memory_space<semaphore_mem>> -> memref<!tpu.dma_semaphore, #tpu.memory_space<semaphore_mem>>
      %dma_wait3A_1259 = arith.constant 0 : i32
      %dma_wait3A_1260 = arith.constant 0 : i32
      %dma_wait3A_1261 = tpu.memref_slice %arg10[%rem3A_1233, %dma_wait3A_1259, %dma_wait3A_1260] : memref<7x32x129xf32, #tpu.memory_space<vmem>> -> memref<1x32x128xf32, #tpu.memory_space<vmem>>
      %dma_wait3A_1262 = tpu.memref_squeeze %dma_wait3A_1261 : memref<1x32x128xf32, #tpu.memory_space<vmem>> -> memref<32x128xf32, #tpu.memory_space<vmem>>
      %dma_wait3A_1263 = arith.constant 0 : i32
      %dma_wait3A_1264 = arith.constant 0 : i32
      %dma_wait3A_1265 = tpu.memref_slice %arg5[%dma_wait3A_1263, %dma_wait3A_1264] : memref<32x1000000xf32, #tpu.memory_space<hbm>> -> memref<32x128xf32, #tpu.memory_space<hbm>>
      tpu.wait_dma2 semaphore(%dma_wait3A_1258 : memref<!tpu.dma_semaphore, #tpu.memory_space<semaphore_mem>>) src(%dma_wait3A_1265 : memref<32x128xf32, #tpu.memory_space<hbm>>) dst(%dma_wait3A_1262 : memref<32x128xf32, #tpu.memory_space<vmem>>)
      %slice3A_1266 = vector.extract_strided_slice %scan3A_364 {offsets = [8], sizes = [1], strides = [1]} : vector<16xi32> to vector<1xi32>
      %squeeze3A_1267 = vector.extract %slice3A_1266[0] : i32 from vector<1xi32>
      %slice3A_1268 = vector.extract_strided_slice %scan3A_365 {offsets = [8], sizes = [1], strides = [1]} : vector<16xi32> to vector<1xi32>
      %squeeze3A_1269 = vector.extract %slice3A_1268[0] : i32 from vector<1xi32>
      %mul3A_1270 = arith.constant 16 : i32
      %mul3A_1271 = arith.muli %scan3A_363, %mul3A_1270 : i32
      %add3A_1272 = arith.constant 8 : i32
      %add3A_1273 = arith.addi %mul3A_1271, %add3A_1272 : i32
      %and3A_1274 = arith.constant 127 : i32
      %and3A_1275 = arith.andi %squeeze3A_1267, %and3A_1274 : i32
      %broadcast_in_dim3A_1276 = vector.broadcast %and3A_1275 : i32 to vector<16xi32>
      %and3A_1277 = arith.constant 127 : i32
      %and3A_1278 = arith.andi %squeeze3A_1269, %and3A_1277 : i32
      %broadcast_in_dim3A_1279 = vector.broadcast %and3A_1278 : i32 to vector<16xi32>
      %broadcast_in_dim3A_1280 = vector.broadcast %rem3A_1233 : i32 to vector<16xi32>
      %gather3A_1281 = tpu.vector_load_idx %arg9[%broadcast_in_dim3A_1280, %iota3A, %broadcast_in_dim3A_1276] : memref<7x32x129xf32, #tpu.memory_space<vmem>>[vector<16xi32>, vector<16xi32>, vector<16xi32>], vector<16xf32>,
      %gather3A_1282 = tpu.vector_load_idx %arg9[%broadcast_in_dim3A_1280, %add3A_28, %broadcast_in_dim3A_1276] : memref<7x32x129xf32, #tpu.memory_space<vmem>>[vector<16xi32>, vector<16xi32>, vector<16xi32>], vector<16xf32>,
      %gather3A_1283 = tpu.vector_load_idx %arg10[%broadcast_in_dim3A_1280, %iota3A, %broadcast_in_dim3A_1279] : memref<7x32x129xf32, #tpu.memory_space<vmem>>[vector<16xi32>, vector<16xi32>, vector<16xi32>], vector<16xf32>,
      %gather3A_1284 = tpu.vector_load_idx %arg10[%broadcast_in_dim3A_1280, %add3A_28, %broadcast_in_dim3A_1279] : memref<7x32x129xf32, #tpu.memory_space<vmem>>[vector<16xi32>, vector<16xi32>, vector<16xi32>], vector<16xf32>,
      %mul3A_1285 = arith.mulf %gather3A_1281, %gather3A_1283 : vector<16xf32>
      %mul3A_1286 = arith.mulf %gather3A_1282, %gather3A_1284 : vector<16xf32>
      %add3A_1287 = arith.addf %mul3A_1285, %mul3A_1286 : vector<16xf32>
      %broadcast_in_dim3A_1288 = vector.broadcast %add3A_1273 : i32 to vector<16xi32>
      tpu.vector_store_idx %arg11[%iota3A, %broadcast_in_dim3A_1288], %add3A_1287 : memref<16x513xf32, #tpu.memory_space<vmem>>[vector<16xi32>, vector<16xi32>], vector<16xf32>,
      %slice3A_1289 = vector.extract_strided_slice %scan3A_364 {offsets = [15], sizes = [1], strides = [1]} : vector<16xi32> to vector<1xi32>
      %squeeze3A_1290 = vector.extract %slice3A_1289[0] : i32 from vector<1xi32>
      %slice3A_1291 = vector.extract_strided_slice %scan3A_365 {offsets = [15], sizes = [1], strides = [1]} : vector<16xi32> to vector<1xi32>
      %squeeze3A_1292 = vector.extract %slice3A_1291[0] : i32 from vector<1xi32>
      %shift_right_arithmetic3A_1293 = arith.constant 7 : i32
      %shift_right_arithmetic3A_1294 = arith.shrsi %squeeze3A_1290, %shift_right_arithmetic3A_1293 : i32
      %shift_left3A_1295 = arith.constant 7 : i32
      %shift_left3A_1296 = arith.shli %shift_right_arithmetic3A_1294, %shift_left3A_1295 : i32
      %multiple_of3A_1297 = tpu.assume_multiple %shift_left3A_1296, 128 : i32
      %shift_right_arithmetic3A_1298 = arith.constant 7 : i32
      %shift_right_arithmetic3A_1299 = arith.shrsi %squeeze3A_1292, %shift_right_arithmetic3A_1298 : i32
      %shift_left3A_1300 = arith.constant 7 : i32
      %shift_left3A_1301 = arith.shli %shift_right_arithmetic3A_1299, %shift_left3A_1300 : i32
      %multiple_of3A_1302 = tpu.assume_multiple %shift_left3A_1301, 128 : i32
      %dma_start3A_1303 = arith.constant 0 : i32
      %dma_start3A_1304 = arith.constant 0 : i32
      %dma_start3A_1305 = tpu.memref_slice %arg9[%rem3A_1233, %dma_start3A_1303, %dma_start3A_1304] : memref<7x32x129xf32, #tpu.memory_space<vmem>> -> memref<1x32x128xf32, #tpu.memory_space<vmem>>
      %dma_start3A_1306 = tpu.memref_squeeze %dma_start3A_1305 : memref<1x32x128xf32, #tpu.memory_space<vmem>> -> memref<32x128xf32, #tpu.memory_space<vmem>>
      %dma_start3A_1307 = arith.constant 0 : i32
      %dma_start3A_1308 = tpu.memref_slice %arg4[%dma_start3A_1307, %multiple_of3A_1297] : memref<32x1000000xf32, #tpu.memory_space<hbm>> -> memref<32x128xf32, #tpu.memory_space<hbm>>
      %dma_start3A_1309 = tpu.memref_slice %arg13[%rem3A_1233] : memref<7x!tpu.dma_semaphore, #tpu.memory_space<semaphore_mem>> -> memref<1x!tpu.dma_semaphore, #tpu.memory_space<semaphore_mem>>
      %dma_start3A_1310 = tpu.memref_squeeze %dma_start3A_1309 : memref<1x!tpu.dma_semaphore, #tpu.memory_space<semaphore_mem>> -> memref<!tpu.dma_semaphore, #tpu.memory_space<semaphore_mem>>
      %dma_start3A_1311 = arith.constant 0 : i32
      %dma_start3A_1312 = arith.constant 0 : i32
      %dma_start3A_1313 = tpu.memref_slice %arg9[%rem3A_1233, %dma_start3A_1311, %dma_start3A_1312] : memref<7x32x129xf32, #tpu.memory_space<vmem>> -> memref<1x32x128xf32, #tpu.memory_space<vmem>>
      %dma_start3A_1314 = tpu.memref_squeeze %dma_start3A_1313 : memref<1x32x128xf32, #tpu.memory_space<vmem>> -> memref<32x128xf32, #tpu.memory_space<vmem>>
      %dma_start3A_1315 = arith.constant 0 : i32
      %dma_start3A_1316 = tpu.memref_slice %arg4[%dma_start3A_1315, %multiple_of3A_1297] : memref<32x1000000xf32, #tpu.memory_space<hbm>> -> memref<32x128xf32, #tpu.memory_space<hbm>>
      tpu.enqueue_dma source(%dma_start3A_1316 : memref<32x128xf32, #tpu.memory_space<hbm>>) target(%dma_start3A_1314 : memref<32x128xf32, #tpu.memory_space<vmem>>) target_semaphore(%dma_start3A_1310 : memref<!tpu.dma_semaphore, #tpu.memory_space<semaphore_mem>>)
      %dma_start3A_1317 = arith.constant 0 : i32
      %dma_start3A_1318 = arith.constant 0 : i32
      %dma_start3A_1319 = tpu.memref_slice %arg10[%rem3A_1233, %dma_start3A_1317, %dma_start3A_1318] : memref<7x32x129xf32, #tpu.memory_space<vmem>> -> memref<1x32x128xf32, #tpu.memory_space<vmem>>
      %dma_start3A_1320 = tpu.memref_squeeze %dma_start3A_1319 : memref<1x32x128xf32, #tpu.memory_space<vmem>> -> memref<32x128xf32, #tpu.memory_space<vmem>>
      %dma_start3A_1321 = arith.constant 0 : i32
      %dma_start3A_1322 = tpu.memref_slice %arg5[%dma_start3A_1321, %multiple_of3A_1302] : memref<32x1000000xf32, #tpu.memory_space<hbm>> -> memref<32x128xf32, #tpu.memory_space<hbm>>
      %dma_start3A_1323 = tpu.memref_slice %arg13[%rem3A_1233] : memref<7x!tpu.dma_semaphore, #tpu.memory_space<semaphore_mem>> -> memref<1x!tpu.dma_semaphore, #tpu.memory_space<semaphore_mem>>
      %dma_start3A_1324 = tpu.memref_squeeze %dma_start3A_1323 : memref<1x!tpu.dma_semaphore, #tpu.memory_space<semaphore_mem>> -> memref<!tpu.dma_semaphore, #tpu.memory_space<semaphore_mem>>
      %dma_start3A_1325 = arith.constant 0 : i32
      %dma_start3A_1326 = arith.constant 0 : i32
      %dma_start3A_1327 = tpu.memref_slice %arg10[%rem3A_1233, %dma_start3A_1325, %dma_start3A_1326] : memref<7x32x129xf32, #tpu.memory_space<vmem>> -> memref<1x32x128xf32, #tpu.memory_space<vmem>>
      %dma_start3A_1328 = tpu.memref_squeeze %dma_start3A_1327 : memref<1x32x128xf32, #tpu.memory_space<vmem>> -> memref<32x128xf32, #tpu.memory_space<vmem>>
      %dma_start3A_1329 = arith.constant 0 : i32
      %dma_start3A_1330 = tpu.memref_slice %arg5[%dma_start3A_1329, %multiple_of3A_1302] : memref<32x1000000xf32, #tpu.memory_space<hbm>> -> memref<32x128xf32, #tpu.memory_space<hbm>>
      tpu.enqueue_dma source(%dma_start3A_1330 : memref<32x128xf32, #tpu.memory_space<hbm>>) target(%dma_start3A_1328 : memref<32x128xf32, #tpu.memory_space<vmem>>) target_semaphore(%dma_start3A_1324 : memref<!tpu.dma_semaphore, #tpu.memory_space<semaphore_mem>>)
      %mul3A_1331 = arith.constant 2 : i32
      %mul3A_1332 = arith.muli %mul3A_1331, %scan3A_363 : i32
      %add3A_1333 = arith.constant 9 : i32
      %add3A_1334 = arith.addi %mul3A_1332, %add3A_1333 : i32
      %rem3A_1335 = arith.constant 7 : i32
      %rem3A_1336 = arith.remsi %add3A_1334, %rem3A_1335 : i32
      %dma_wait3A_1337 = arith.constant 0 : i32
      %dma_wait3A_1338 = arith.constant 0 : i32
      %dma_wait3A_1339 = tpu.memref_slice %arg9[%rem3A_1336, %dma_wait3A_1337, %dma_wait3A_1338] : memref<7x32x129xf32, #tpu.memory_space<vmem>> -> memref<1x32x128xf32, #tpu.memory_space<vmem>>
      %dma_wait3A_1340 = tpu.memref_squeeze %dma_wait3A_1339 : memref<1x32x128xf32, #tpu.memory_space<vmem>> -> memref<32x128xf32, #tpu.memory_space<vmem>>
      %dma_wait3A_1341 = arith.constant 0 : i32
      %dma_wait3A_1342 = arith.constant 0 : i32
      %dma_wait3A_1343 = tpu.memref_slice %arg4[%dma_wait3A_1341, %dma_wait3A_1342] : memref<32x1000000xf32, #tpu.memory_space<hbm>> -> memref<32x128xf32, #tpu.memory_space<hbm>>
      %dma_wait3A_1344 = tpu.memref_slice %arg13[%rem3A_1336] : memref<7x!tpu.dma_semaphore, #tpu.memory_space<semaphore_mem>> -> memref<1x!tpu.dma_semaphore, #tpu.memory_space<semaphore_mem>>
      %dma_wait3A_1345 = tpu.memref_squeeze %dma_wait3A_1344 : memref<1x!tpu.dma_semaphore, #tpu.memory_space<semaphore_mem>> -> memref<!tpu.dma_semaphore, #tpu.memory_space<semaphore_mem>>
      %dma_wait3A_1346 = arith.constant 0 : i32
      %dma_wait3A_1347 = arith.constant 0 : i32
      %dma_wait3A_1348 = tpu.memref_slice %arg9[%rem3A_1336, %dma_wait3A_1346, %dma_wait3A_1347] : memref<7x32x129xf32, #tpu.memory_space<vmem>> -> memref<1x32x128xf32, #tpu.memory_space<vmem>>
      %dma_wait3A_1349 = tpu.memref_squeeze %dma_wait3A_1348 : memref<1x32x128xf32, #tpu.memory_space<vmem>> -> memref<32x128xf32, #tpu.memory_space<vmem>>
      %dma_wait3A_1350 = arith.constant 0 : i32
      %dma_wait3A_1351 = arith.constant 0 : i32
      %dma_wait3A_1352 = tpu.memref_slice %arg4[%dma_wait3A_1350, %dma_wait3A_1351] : memref<32x1000000xf32, #tpu.memory_space<hbm>> -> memref<32x128xf32, #tpu.memory_space<hbm>>
      tpu.wait_dma2 semaphore(%dma_wait3A_1345 : memref<!tpu.dma_semaphore, #tpu.memory_space<semaphore_mem>>) src(%dma_wait3A_1352 : memref<32x128xf32, #tpu.memory_space<hbm>>) dst(%dma_wait3A_1349 : memref<32x128xf32, #tpu.memory_space<vmem>>)
      %dma_wait3A_1353 = arith.constant 0 : i32
      %dma_wait3A_1354 = arith.constant 0 : i32
      %dma_wait3A_1355 = tpu.memref_slice %arg10[%rem3A_1336, %dma_wait3A_1353, %dma_wait3A_1354] : memref<7x32x129xf32, #tpu.memory_space<vmem>> -> memref<1x32x128xf32, #tpu.memory_space<vmem>>
      %dma_wait3A_1356 = tpu.memref_squeeze %dma_wait3A_1355 : memref<1x32x128xf32, #tpu.memory_space<vmem>> -> memref<32x128xf32, #tpu.memory_space<vmem>>
      %dma_wait3A_1357 = arith.constant 0 : i32
      %dma_wait3A_1358 = arith.constant 0 : i32
      %dma_wait3A_1359 = tpu.memref_slice %arg5[%dma_wait3A_1357, %dma_wait3A_1358] : memref<32x1000000xf32, #tpu.memory_space<hbm>> -> memref<32x128xf32, #tpu.memory_space<hbm>>
      %dma_wait3A_1360 = tpu.memref_slice %arg13[%rem3A_1336] : memref<7x!tpu.dma_semaphore, #tpu.memory_space<semaphore_mem>> -> memref<1x!tpu.dma_semaphore, #tpu.memory_space<semaphore_mem>>
      %dma_wait3A_1361 = tpu.memref_squeeze %dma_wait3A_1360 : memref<1x!tpu.dma_semaphore, #tpu.memory_space<semaphore_mem>> -> memref<!tpu.dma_semaphore, #tpu.memory_space<semaphore_mem>>
      %dma_wait3A_1362 = arith.constant 0 : i32
      %dma_wait3A_1363 = arith.constant 0 : i32
      %dma_wait3A_1364 = tpu.memref_slice %arg10[%rem3A_1336, %dma_wait3A_1362, %dma_wait3A_1363] : memref<7x32x129xf32, #tpu.memory_space<vmem>> -> memref<1x32x128xf32, #tpu.memory_space<vmem>>
      %dma_wait3A_1365 = tpu.memref_squeeze %dma_wait3A_1364 : memref<1x32x128xf32, #tpu.memory_space<vmem>> -> memref<32x128xf32, #tpu.memory_space<vmem>>
      %dma_wait3A_1366 = arith.constant 0 : i32
      %dma_wait3A_1367 = arith.constant 0 : i32
      %dma_wait3A_1368 = tpu.memref_slice %arg5[%dma_wait3A_1366, %dma_wait3A_1367] : memref<32x1000000xf32, #tpu.memory_space<hbm>> -> memref<32x128xf32, #tpu.memory_space<hbm>>
      tpu.wait_dma2 semaphore(%dma_wait3A_1361 : memref<!tpu.dma_semaphore, #tpu.memory_space<semaphore_mem>>) src(%dma_wait3A_1368 : memref<32x128xf32, #tpu.memory_space<hbm>>) dst(%dma_wait3A_1365 : memref<32x128xf32, #tpu.memory_space<vmem>>)
      %slice3A_1369 = vector.extract_strided_slice %scan3A_364 {offsets = [9], sizes = [1], strides = [1]} : vector<16xi32> to vector<1xi32>
      %squeeze3A_1370 = vector.extract %slice3A_1369[0] : i32 from vector<1xi32>
      %slice3A_1371 = vector.extract_strided_slice %scan3A_365 {offsets = [9], sizes = [1], strides = [1]} : vector<16xi32> to vector<1xi32>
      %squeeze3A_1372 = vector.extract %slice3A_1371[0] : i32 from vector<1xi32>
      %mul3A_1373 = arith.constant 16 : i32
      %mul3A_1374 = arith.muli %scan3A_363, %mul3A_1373 : i32
      %add3A_1375 = arith.constant 9 : i32
      %add3A_1376 = arith.addi %mul3A_1374, %add3A_1375 : i32
      %and3A_1377 = arith.constant 127 : i32
      %and3A_1378 = arith.andi %squeeze3A_1370, %and3A_1377 : i32
      %broadcast_in_dim3A_1379 = vector.broadcast %and3A_1378 : i32 to vector<16xi32>
      %and3A_1380 = arith.constant 127 : i32
      %and3A_1381 = arith.andi %squeeze3A_1372, %and3A_1380 : i32
      %broadcast_in_dim3A_1382 = vector.broadcast %and3A_1381 : i32 to vector<16xi32>
      %broadcast_in_dim3A_1383 = vector.broadcast %rem3A_1336 : i32 to vector<16xi32>
      %gather3A_1384 = tpu.vector_load_idx %arg9[%broadcast_in_dim3A_1383, %iota3A, %broadcast_in_dim3A_1379] : memref<7x32x129xf32, #tpu.memory_space<vmem>>[vector<16xi32>, vector<16xi32>, vector<16xi32>], vector<16xf32>,
      %gather3A_1385 = tpu.vector_load_idx %arg9[%broadcast_in_dim3A_1383, %add3A_28, %broadcast_in_dim3A_1379] : memref<7x32x129xf32, #tpu.memory_space<vmem>>[vector<16xi32>, vector<16xi32>, vector<16xi32>], vector<16xf32>,
      %gather3A_1386 = tpu.vector_load_idx %arg10[%broadcast_in_dim3A_1383, %iota3A, %broadcast_in_dim3A_1382] : memref<7x32x129xf32, #tpu.memory_space<vmem>>[vector<16xi32>, vector<16xi32>, vector<16xi32>], vector<16xf32>,
      %gather3A_1387 = tpu.vector_load_idx %arg10[%broadcast_in_dim3A_1383, %add3A_28, %broadcast_in_dim3A_1382] : memref<7x32x129xf32, #tpu.memory_space<vmem>>[vector<16xi32>, vector<16xi32>, vector<16xi32>], vector<16xf32>,
      %mul3A_1388 = arith.mulf %gather3A_1384, %gather3A_1386 : vector<16xf32>
      %mul3A_1389 = arith.mulf %gather3A_1385, %gather3A_1387 : vector<16xf32>
      %add3A_1390 = arith.addf %mul3A_1388, %mul3A_1389 : vector<16xf32>
      %broadcast_in_dim3A_1391 = vector.broadcast %add3A_1376 : i32 to vector<16xi32>
      tpu.vector_store_idx %arg11[%iota3A, %broadcast_in_dim3A_1391], %add3A_1390 : memref<16x513xf32, #tpu.memory_space<vmem>>[vector<16xi32>, vector<16xi32>], vector<16xf32>,
      %lt3A_1392 = arith.constant 31 : i32
      %lt3A_1393 = arith.cmpi slt, %scan3A_363, %lt3A_1392 : i32
      %convert_element_type3A = arith.extui %lt3A_1393 : i1 to i32
      %cond3A = arith.constant 0 : i32
      %cond3A_1394 = arith.cmpi ne, %convert_element_type3A, %cond3A : i32
      scf.if %cond3A_1394 {
        %slice3A_1791 = vector.extract_strided_slice %get3A_403 {offsets = [0], sizes = [1], strides = [1]} : vector<16xi32> to vector<1xi32>
        %squeeze3A_1792 = vector.extract %slice3A_1791[0] : i32 from vector<1xi32>
        %slice3A_1793 = vector.extract_strided_slice %get3A_406 {offsets = [0], sizes = [1], strides = [1]} : vector<16xi32> to vector<1xi32>
        %squeeze3A_1794 = vector.extract %slice3A_1793[0] : i32 from vector<1xi32>
        %shift_right_arithmetic3A_1795 = arith.constant 7 : i32
        %shift_right_arithmetic3A_1796 = arith.shrsi %squeeze3A_1792, %shift_right_arithmetic3A_1795 : i32
        %shift_left3A_1797 = arith.constant 7 : i32
        %shift_left3A_1798 = arith.shli %shift_right_arithmetic3A_1796, %shift_left3A_1797 : i32
        %multiple_of3A_1799 = tpu.assume_multiple %shift_left3A_1798, 128 : i32
        %shift_right_arithmetic3A_1800 = arith.constant 7 : i32
        %shift_right_arithmetic3A_1801 = arith.shrsi %squeeze3A_1794, %shift_right_arithmetic3A_1800 : i32
        %shift_left3A_1802 = arith.constant 7 : i32
        %shift_left3A_1803 = arith.shli %shift_right_arithmetic3A_1801, %shift_left3A_1802 : i32
        %multiple_of3A_1804 = tpu.assume_multiple %shift_left3A_1803, 128 : i32
        %dma_start3A_1805 = arith.constant 0 : i32
        %dma_start3A_1806 = arith.constant 0 : i32
        %dma_start3A_1807 = tpu.memref_slice %arg9[%rem3A_1336, %dma_start3A_1805, %dma_start3A_1806] : memref<7x32x129xf32, #tpu.memory_space<vmem>> -> memref<1x32x128xf32, #tpu.memory_space<vmem>>
        %dma_start3A_1808 = tpu.memref_squeeze %dma_start3A_1807 : memref<1x32x128xf32, #tpu.memory_space<vmem>> -> memref<32x128xf32, #tpu.memory_space<vmem>>
        %dma_start3A_1809 = arith.constant 0 : i32
        %dma_start3A_1810 = tpu.memref_slice %arg4[%dma_start3A_1809, %multiple_of3A_1799] : memref<32x1000000xf32, #tpu.memory_space<hbm>> -> memref<32x128xf32, #tpu.memory_space<hbm>>
        %dma_start3A_1811 = tpu.memref_slice %arg13[%rem3A_1336] : memref<7x!tpu.dma_semaphore, #tpu.memory_space<semaphore_mem>> -> memref<1x!tpu.dma_semaphore, #tpu.memory_space<semaphore_mem>>
        %dma_start3A_1812 = tpu.memref_squeeze %dma_start3A_1811 : memref<1x!tpu.dma_semaphore, #tpu.memory_space<semaphore_mem>> -> memref<!tpu.dma_semaphore, #tpu.memory_space<semaphore_mem>>
        %dma_start3A_1813 = arith.constant 0 : i32
        %dma_start3A_1814 = arith.constant 0 : i32
        %dma_start3A_1815 = tpu.memref_slice %arg9[%rem3A_1336, %dma_start3A_1813, %dma_start3A_1814] : memref<7x32x129xf32, #tpu.memory_space<vmem>> -> memref<1x32x128xf32, #tpu.memory_space<vmem>>
        %dma_start3A_1816 = tpu.memref_squeeze %dma_start3A_1815 : memref<1x32x128xf32, #tpu.memory_space<vmem>> -> memref<32x128xf32, #tpu.memory_space<vmem>>
        %dma_start3A_1817 = arith.constant 0 : i32
        %dma_start3A_1818 = tpu.memref_slice %arg4[%dma_start3A_1817, %multiple_of3A_1799] : memref<32x1000000xf32, #tpu.memory_space<hbm>> -> memref<32x128xf32, #tpu.memory_space<hbm>>
        tpu.enqueue_dma source(%dma_start3A_1818 : memref<32x128xf32, #tpu.memory_space<hbm>>) target(%dma_start3A_1816 : memref<32x128xf32, #tpu.memory_space<vmem>>) target_semaphore(%dma_start3A_1812 : memref<!tpu.dma_semaphore, #tpu.memory_space<semaphore_mem>>)
        %dma_start3A_1819 = arith.constant 0 : i32
        %dma_start3A_1820 = arith.constant 0 : i32
        %dma_start3A_1821 = tpu.memref_slice %arg10[%rem3A_1336, %dma_start3A_1819, %dma_start3A_1820] : memref<7x32x129xf32, #tpu.memory_space<vmem>> -> memref<1x32x128xf32, #tpu.memory_space<vmem>>
        %dma_start3A_1822 = tpu.memref_squeeze %dma_start3A_1821 : memref<1x32x128xf32, #tpu.memory_space<vmem>> -> memref<32x128xf32, #tpu.memory_space<vmem>>
        %dma_start3A_1823 = arith.constant 0 : i32
        %dma_start3A_1824 = tpu.memref_slice %arg5[%dma_start3A_1823, %multiple_of3A_1804] : memref<32x1000000xf32, #tpu.memory_space<hbm>> -> memref<32x128xf32, #tpu.memory_space<hbm>>
        %dma_start3A_1825 = tpu.memref_slice %arg13[%rem3A_1336] : memref<7x!tpu.dma_semaphore, #tpu.memory_space<semaphore_mem>> -> memref<1x!tpu.dma_semaphore, #tpu.memory_space<semaphore_mem>>
        %dma_start3A_1826 = tpu.memref_squeeze %dma_start3A_1825 : memref<1x!tpu.dma_semaphore, #tpu.memory_space<semaphore_mem>> -> memref<!tpu.dma_semaphore, #tpu.memory_space<semaphore_mem>>
        %dma_start3A_1827 = arith.constant 0 : i32
        %dma_start3A_1828 = arith.constant 0 : i32
        %dma_start3A_1829 = tpu.memref_slice %arg10[%rem3A_1336, %dma_start3A_1827, %dma_start3A_1828] : memref<7x32x129xf32, #tpu.memory_space<vmem>> -> memref<1x32x128xf32, #tpu.memory_space<vmem>>
        %dma_start3A_1830 = tpu.memref_squeeze %dma_start3A_1829 : memref<1x32x128xf32, #tpu.memory_space<vmem>> -> memref<32x128xf32, #tpu.memory_space<vmem>>
        %dma_start3A_1831 = arith.constant 0 : i32
        %dma_start3A_1832 = tpu.memref_slice %arg5[%dma_start3A_1831, %multiple_of3A_1804] : memref<32x1000000xf32, #tpu.memory_space<hbm>> -> memref<32x128xf32, #tpu.memory_space<hbm>>
        tpu.enqueue_dma source(%dma_start3A_1832 : memref<32x128xf32, #tpu.memory_space<hbm>>) target(%dma_start3A_1830 : memref<32x128xf32, #tpu.memory_space<vmem>>) target_semaphore(%dma_start3A_1826 : memref<!tpu.dma_semaphore, #tpu.memory_space<semaphore_mem>>)
      } else {
      }
      %mul3A_1395 = arith.constant 2 : i32
      %mul3A_1396 = arith.muli %mul3A_1395, %scan3A_363 : i32
      %add3A_1397 = arith.constant 10 : i32
      %add3A_1398 = arith.addi %mul3A_1396, %add3A_1397 : i32
      %rem3A_1399 = arith.constant 7 : i32
      %rem3A_1400 = arith.remsi %add3A_1398, %rem3A_1399 : i32
      %dma_wait3A_1401 = arith.constant 0 : i32
      %dma_wait3A_1402 = arith.constant 0 : i32
      %dma_wait3A_1403 = tpu.memref_slice %arg9[%rem3A_1400, %dma_wait3A_1401, %dma_wait3A_1402] : memref<7x32x129xf32, #tpu.memory_space<vmem>> -> memref<1x32x128xf32, #tpu.memory_space<vmem>>
      %dma_wait3A_1404 = tpu.memref_squeeze %dma_wait3A_1403 : memref<1x32x128xf32, #tpu.memory_space<vmem>> -> memref<32x128xf32, #tpu.memory_space<vmem>>
      %dma_wait3A_1405 = arith.constant 0 : i32
      %dma_wait3A_1406 = arith.constant 0 : i32
      %dma_wait3A_1407 = tpu.memref_slice %arg4[%dma_wait3A_1405, %dma_wait3A_1406] : memref<32x1000000xf32, #tpu.memory_space<hbm>> -> memref<32x128xf32, #tpu.memory_space<hbm>>
      %dma_wait3A_1408 = tpu.memref_slice %arg13[%rem3A_1400] : memref<7x!tpu.dma_semaphore, #tpu.memory_space<semaphore_mem>> -> memref<1x!tpu.dma_semaphore, #tpu.memory_space<semaphore_mem>>
      %dma_wait3A_1409 = tpu.memref_squeeze %dma_wait3A_1408 : memref<1x!tpu.dma_semaphore, #tpu.memory_space<semaphore_mem>> -> memref<!tpu.dma_semaphore, #tpu.memory_space<semaphore_mem>>
      %dma_wait3A_1410 = arith.constant 0 : i32
      %dma_wait3A_1411 = arith.constant 0 : i32
      %dma_wait3A_1412 = tpu.memref_slice %arg9[%rem3A_1400, %dma_wait3A_1410, %dma_wait3A_1411] : memref<7x32x129xf32, #tpu.memory_space<vmem>> -> memref<1x32x128xf32, #tpu.memory_space<vmem>>
      %dma_wait3A_1413 = tpu.memref_squeeze %dma_wait3A_1412 : memref<1x32x128xf32, #tpu.memory_space<vmem>> -> memref<32x128xf32, #tpu.memory_space<vmem>>
      %dma_wait3A_1414 = arith.constant 0 : i32
      %dma_wait3A_1415 = arith.constant 0 : i32
      %dma_wait3A_1416 = tpu.memref_slice %arg4[%dma_wait3A_1414, %dma_wait3A_1415] : memref<32x1000000xf32, #tpu.memory_space<hbm>> -> memref<32x128xf32, #tpu.memory_space<hbm>>
      tpu.wait_dma2 semaphore(%dma_wait3A_1409 : memref<!tpu.dma_semaphore, #tpu.memory_space<semaphore_mem>>) src(%dma_wait3A_1416 : memref<32x128xf32, #tpu.memory_space<hbm>>) dst(%dma_wait3A_1413 : memref<32x128xf32, #tpu.memory_space<vmem>>)
      %dma_wait3A_1417 = arith.constant 0 : i32
      %dma_wait3A_1418 = arith.constant 0 : i32
      %dma_wait3A_1419 = tpu.memref_slice %arg10[%rem3A_1400, %dma_wait3A_1417, %dma_wait3A_1418] : memref<7x32x129xf32, #tpu.memory_space<vmem>> -> memref<1x32x128xf32, #tpu.memory_space<vmem>>
      %dma_wait3A_1420 = tpu.memref_squeeze %dma_wait3A_1419 : memref<1x32x128xf32, #tpu.memory_space<vmem>> -> memref<32x128xf32, #tpu.memory_space<vmem>>
      %dma_wait3A_1421 = arith.constant 0 : i32
      %dma_wait3A_1422 = arith.constant 0 : i32
      %dma_wait3A_1423 = tpu.memref_slice %arg5[%dma_wait3A_1421, %dma_wait3A_1422] : memref<32x1000000xf32, #tpu.memory_space<hbm>> -> memref<32x128xf32, #tpu.memory_space<hbm>>
      %dma_wait3A_1424 = tpu.memref_slice %arg13[%rem3A_1400] : memref<7x!tpu.dma_semaphore, #tpu.memory_space<semaphore_mem>> -> memref<1x!tpu.dma_semaphore, #tpu.memory_space<semaphore_mem>>
      %dma_wait3A_1425 = tpu.memref_squeeze %dma_wait3A_1424 : memref<1x!tpu.dma_semaphore, #tpu.memory_space<semaphore_mem>> -> memref<!tpu.dma_semaphore, #tpu.memory_space<semaphore_mem>>
      %dma_wait3A_1426 = arith.constant 0 : i32
      %dma_wait3A_1427 = arith.constant 0 : i32
      %dma_wait3A_1428 = tpu.memref_slice %arg10[%rem3A_1400, %dma_wait3A_1426, %dma_wait3A_1427] : memref<7x32x129xf32, #tpu.memory_space<vmem>> -> memref<1x32x128xf32, #tpu.memory_space<vmem>>
      %dma_wait3A_1429 = tpu.memref_squeeze %dma_wait3A_1428 : memref<1x32x128xf32, #tpu.memory_space<vmem>> -> memref<32x128xf32, #tpu.memory_space<vmem>>
      %dma_wait3A_1430 = arith.constant 0 : i32
      %dma_wait3A_1431 = arith.constant 0 : i32
      %dma_wait3A_1432 = tpu.memref_slice %arg5[%dma_wait3A_1430, %dma_wait3A_1431] : memref<32x1000000xf32, #tpu.memory_space<hbm>> -> memref<32x128xf32, #tpu.memory_space<hbm>>
      tpu.wait_dma2 semaphore(%dma_wait3A_1425 : memref<!tpu.dma_semaphore, #tpu.memory_space<semaphore_mem>>) src(%dma_wait3A_1432 : memref<32x128xf32, #tpu.memory_space<hbm>>) dst(%dma_wait3A_1429 : memref<32x128xf32, #tpu.memory_space<vmem>>)
      %slice3A_1433 = vector.extract_strided_slice %scan3A_364 {offsets = [10], sizes = [1], strides = [1]} : vector<16xi32> to vector<1xi32>
      %squeeze3A_1434 = vector.extract %slice3A_1433[0] : i32 from vector<1xi32>
      %slice3A_1435 = vector.extract_strided_slice %scan3A_365 {offsets = [10], sizes = [1], strides = [1]} : vector<16xi32> to vector<1xi32>
      %squeeze3A_1436 = vector.extract %slice3A_1435[0] : i32 from vector<1xi32>
      %mul3A_1437 = arith.constant 16 : i32
      %mul3A_1438 = arith.muli %scan3A_363, %mul3A_1437 : i32
      %add3A_1439 = arith.constant 10 : i32
      %add3A_1440 = arith.addi %mul3A_1438, %add3A_1439 : i32
      %and3A_1441 = arith.constant 127 : i32
      %and3A_1442 = arith.andi %squeeze3A_1434, %and3A_1441 : i32
      %broadcast_in_dim3A_1443 = vector.broadcast %and3A_1442 : i32 to vector<16xi32>
      %and3A_1444 = arith.constant 127 : i32
      %and3A_1445 = arith.andi %squeeze3A_1436, %and3A_1444 : i32
      %broadcast_in_dim3A_1446 = vector.broadcast %and3A_1445 : i32 to vector<16xi32>
      %broadcast_in_dim3A_1447 = vector.broadcast %rem3A_1400 : i32 to vector<16xi32>
      %gather3A_1448 = tpu.vector_load_idx %arg9[%broadcast_in_dim3A_1447, %iota3A, %broadcast_in_dim3A_1443] : memref<7x32x129xf32, #tpu.memory_space<vmem>>[vector<16xi32>, vector<16xi32>, vector<16xi32>], vector<16xf32>,
      %gather3A_1449 = tpu.vector_load_idx %arg9[%broadcast_in_dim3A_1447, %add3A_28, %broadcast_in_dim3A_1443] : memref<7x32x129xf32, #tpu.memory_space<vmem>>[vector<16xi32>, vector<16xi32>, vector<16xi32>], vector<16xf32>,
      %gather3A_1450 = tpu.vector_load_idx %arg10[%broadcast_in_dim3A_1447, %iota3A, %broadcast_in_dim3A_1446] : memref<7x32x129xf32, #tpu.memory_space<vmem>>[vector<16xi32>, vector<16xi32>, vector<16xi32>], vector<16xf32>,
      %gather3A_1451 = tpu.vector_load_idx %arg10[%broadcast_in_dim3A_1447, %add3A_28, %broadcast_in_dim3A_1446] : memref<7x32x129xf32, #tpu.memory_space<vmem>>[vector<16xi32>, vector<16xi32>, vector<16xi32>], vector<16xf32>,
      %mul3A_1452 = arith.mulf %gather3A_1448, %gather3A_1450 : vector<16xf32>
      %mul3A_1453 = arith.mulf %gather3A_1449, %gather3A_1451 : vector<16xf32>
      %add3A_1454 = arith.addf %mul3A_1452, %mul3A_1453 : vector<16xf32>
      %broadcast_in_dim3A_1455 = vector.broadcast %add3A_1440 : i32 to vector<16xi32>
      tpu.vector_store_idx %arg11[%iota3A, %broadcast_in_dim3A_1455], %add3A_1454 : memref<16x513xf32, #tpu.memory_space<vmem>>[vector<16xi32>, vector<16xi32>], vector<16xf32>,
      %lt3A_1456 = arith.constant 31 : i32
      %lt3A_1457 = arith.cmpi slt, %scan3A_363, %lt3A_1456 : i32
      %convert_element_type3A_1458 = arith.extui %lt3A_1457 : i1 to i32
      %cond3A_1459 = arith.constant 0 : i32
      %cond3A_1460 = arith.cmpi ne, %convert_element_type3A_1458, %cond3A_1459 : i32
      scf.if %cond3A_1460 {
        %slice3A_1791 = vector.extract_strided_slice %get3A_403 {offsets = [1], sizes = [1], strides = [1]} : vector<16xi32> to vector<1xi32>
        %squeeze3A_1792 = vector.extract %slice3A_1791[0] : i32 from vector<1xi32>
        %slice3A_1793 = vector.extract_strided_slice %get3A_406 {offsets = [1], sizes = [1], strides = [1]} : vector<16xi32> to vector<1xi32>
        %squeeze3A_1794 = vector.extract %slice3A_1793[0] : i32 from vector<1xi32>
        %shift_right_arithmetic3A_1795 = arith.constant 7 : i32
        %shift_right_arithmetic3A_1796 = arith.shrsi %squeeze3A_1792, %shift_right_arithmetic3A_1795 : i32
        %shift_left3A_1797 = arith.constant 7 : i32
        %shift_left3A_1798 = arith.shli %shift_right_arithmetic3A_1796, %shift_left3A_1797 : i32
        %multiple_of3A_1799 = tpu.assume_multiple %shift_left3A_1798, 128 : i32
        %shift_right_arithmetic3A_1800 = arith.constant 7 : i32
        %shift_right_arithmetic3A_1801 = arith.shrsi %squeeze3A_1794, %shift_right_arithmetic3A_1800 : i32
        %shift_left3A_1802 = arith.constant 7 : i32
        %shift_left3A_1803 = arith.shli %shift_right_arithmetic3A_1801, %shift_left3A_1802 : i32
        %multiple_of3A_1804 = tpu.assume_multiple %shift_left3A_1803, 128 : i32
        %dma_start3A_1805 = arith.constant 0 : i32
        %dma_start3A_1806 = arith.constant 0 : i32
        %dma_start3A_1807 = tpu.memref_slice %arg9[%rem3A_1400, %dma_start3A_1805, %dma_start3A_1806] : memref<7x32x129xf32, #tpu.memory_space<vmem>> -> memref<1x32x128xf32, #tpu.memory_space<vmem>>
        %dma_start3A_1808 = tpu.memref_squeeze %dma_start3A_1807 : memref<1x32x128xf32, #tpu.memory_space<vmem>> -> memref<32x128xf32, #tpu.memory_space<vmem>>
        %dma_start3A_1809 = arith.constant 0 : i32
        %dma_start3A_1810 = tpu.memref_slice %arg4[%dma_start3A_1809, %multiple_of3A_1799] : memref<32x1000000xf32, #tpu.memory_space<hbm>> -> memref<32x128xf32, #tpu.memory_space<hbm>>
        %dma_start3A_1811 = tpu.memref_slice %arg13[%rem3A_1400] : memref<7x!tpu.dma_semaphore, #tpu.memory_space<semaphore_mem>> -> memref<1x!tpu.dma_semaphore, #tpu.memory_space<semaphore_mem>>
        %dma_start3A_1812 = tpu.memref_squeeze %dma_start3A_1811 : memref<1x!tpu.dma_semaphore, #tpu.memory_space<semaphore_mem>> -> memref<!tpu.dma_semaphore, #tpu.memory_space<semaphore_mem>>
        %dma_start3A_1813 = arith.constant 0 : i32
        %dma_start3A_1814 = arith.constant 0 : i32
        %dma_start3A_1815 = tpu.memref_slice %arg9[%rem3A_1400, %dma_start3A_1813, %dma_start3A_1814] : memref<7x32x129xf32, #tpu.memory_space<vmem>> -> memref<1x32x128xf32, #tpu.memory_space<vmem>>
        %dma_start3A_1816 = tpu.memref_squeeze %dma_start3A_1815 : memref<1x32x128xf32, #tpu.memory_space<vmem>> -> memref<32x128xf32, #tpu.memory_space<vmem>>
        %dma_start3A_1817 = arith.constant 0 : i32
        %dma_start3A_1818 = tpu.memref_slice %arg4[%dma_start3A_1817, %multiple_of3A_1799] : memref<32x1000000xf32, #tpu.memory_space<hbm>> -> memref<32x128xf32, #tpu.memory_space<hbm>>
        tpu.enqueue_dma source(%dma_start3A_1818 : memref<32x128xf32, #tpu.memory_space<hbm>>) target(%dma_start3A_1816 : memref<32x128xf32, #tpu.memory_space<vmem>>) target_semaphore(%dma_start3A_1812 : memref<!tpu.dma_semaphore, #tpu.memory_space<semaphore_mem>>)
        %dma_start3A_1819 = arith.constant 0 : i32
        %dma_start3A_1820 = arith.constant 0 : i32
        %dma_start3A_1821 = tpu.memref_slice %arg10[%rem3A_1400, %dma_start3A_1819, %dma_start3A_1820] : memref<7x32x129xf32, #tpu.memory_space<vmem>> -> memref<1x32x128xf32, #tpu.memory_space<vmem>>
        %dma_start3A_1822 = tpu.memref_squeeze %dma_start3A_1821 : memref<1x32x128xf32, #tpu.memory_space<vmem>> -> memref<32x128xf32, #tpu.memory_space<vmem>>
        %dma_start3A_1823 = arith.constant 0 : i32
        %dma_start3A_1824 = tpu.memref_slice %arg5[%dma_start3A_1823, %multiple_of3A_1804] : memref<32x1000000xf32, #tpu.memory_space<hbm>> -> memref<32x128xf32, #tpu.memory_space<hbm>>
        %dma_start3A_1825 = tpu.memref_slice %arg13[%rem3A_1400] : memref<7x!tpu.dma_semaphore, #tpu.memory_space<semaphore_mem>> -> memref<1x!tpu.dma_semaphore, #tpu.memory_space<semaphore_mem>>
        %dma_start3A_1826 = tpu.memref_squeeze %dma_start3A_1825 : memref<1x!tpu.dma_semaphore, #tpu.memory_space<semaphore_mem>> -> memref<!tpu.dma_semaphore, #tpu.memory_space<semaphore_mem>>
        %dma_start3A_1827 = arith.constant 0 : i32
        %dma_start3A_1828 = arith.constant 0 : i32
        %dma_start3A_1829 = tpu.memref_slice %arg10[%rem3A_1400, %dma_start3A_1827, %dma_start3A_1828] : memref<7x32x129xf32, #tpu.memory_space<vmem>> -> memref<1x32x128xf32, #tpu.memory_space<vmem>>
        %dma_start3A_1830 = tpu.memref_squeeze %dma_start3A_1829 : memref<1x32x128xf32, #tpu.memory_space<vmem>> -> memref<32x128xf32, #tpu.memory_space<vmem>>
        %dma_start3A_1831 = arith.constant 0 : i32
        %dma_start3A_1832 = tpu.memref_slice %arg5[%dma_start3A_1831, %multiple_of3A_1804] : memref<32x1000000xf32, #tpu.memory_space<hbm>> -> memref<32x128xf32, #tpu.memory_space<hbm>>
        tpu.enqueue_dma source(%dma_start3A_1832 : memref<32x128xf32, #tpu.memory_space<hbm>>) target(%dma_start3A_1830 : memref<32x128xf32, #tpu.memory_space<vmem>>) target_semaphore(%dma_start3A_1826 : memref<!tpu.dma_semaphore, #tpu.memory_space<semaphore_mem>>)
      } else {
      }
      %mul3A_1461 = arith.constant 2 : i32
      %mul3A_1462 = arith.muli %mul3A_1461, %scan3A_363 : i32
      %add3A_1463 = arith.constant 11 : i32
      %add3A_1464 = arith.addi %mul3A_1462, %add3A_1463 : i32
      %rem3A_1465 = arith.constant 7 : i32
      %rem3A_1466 = arith.remsi %add3A_1464, %rem3A_1465 : i32
      %dma_wait3A_1467 = arith.constant 0 : i32
      %dma_wait3A_1468 = arith.constant 0 : i32
      %dma_wait3A_1469 = tpu.memref_slice %arg9[%rem3A_1466, %dma_wait3A_1467, %dma_wait3A_1468] : memref<7x32x129xf32, #tpu.memory_space<vmem>> -> memref<1x32x128xf32, #tpu.memory_space<vmem>>
      %dma_wait3A_1470 = tpu.memref_squeeze %dma_wait3A_1469 : memref<1x32x128xf32, #tpu.memory_space<vmem>> -> memref<32x128xf32, #tpu.memory_space<vmem>>
      %dma_wait3A_1471 = arith.constant 0 : i32
      %dma_wait3A_1472 = arith.constant 0 : i32
      %dma_wait3A_1473 = tpu.memref_slice %arg4[%dma_wait3A_1471, %dma_wait3A_1472] : memref<32x1000000xf32, #tpu.memory_space<hbm>> -> memref<32x128xf32, #tpu.memory_space<hbm>>
      %dma_wait3A_1474 = tpu.memref_slice %arg13[%rem3A_1466] : memref<7x!tpu.dma_semaphore, #tpu.memory_space<semaphore_mem>> -> memref<1x!tpu.dma_semaphore, #tpu.memory_space<semaphore_mem>>
      %dma_wait3A_1475 = tpu.memref_squeeze %dma_wait3A_1474 : memref<1x!tpu.dma_semaphore, #tpu.memory_space<semaphore_mem>> -> memref<!tpu.dma_semaphore, #tpu.memory_space<semaphore_mem>>
      %dma_wait3A_1476 = arith.constant 0 : i32
      %dma_wait3A_1477 = arith.constant 0 : i32
      %dma_wait3A_1478 = tpu.memref_slice %arg9[%rem3A_1466, %dma_wait3A_1476, %dma_wait3A_1477] : memref<7x32x129xf32, #tpu.memory_space<vmem>> -> memref<1x32x128xf32, #tpu.memory_space<vmem>>
      %dma_wait3A_1479 = tpu.memref_squeeze %dma_wait3A_1478 : memref<1x32x128xf32, #tpu.memory_space<vmem>> -> memref<32x128xf32, #tpu.memory_space<vmem>>
      %dma_wait3A_1480 = arith.constant 0 : i32
      %dma_wait3A_1481 = arith.constant 0 : i32
      %dma_wait3A_1482 = tpu.memref_slice %arg4[%dma_wait3A_1480, %dma_wait3A_1481] : memref<32x1000000xf32, #tpu.memory_space<hbm>> -> memref<32x128xf32, #tpu.memory_space<hbm>>
      tpu.wait_dma2 semaphore(%dma_wait3A_1475 : memref<!tpu.dma_semaphore, #tpu.memory_space<semaphore_mem>>) src(%dma_wait3A_1482 : memref<32x128xf32, #tpu.memory_space<hbm>>) dst(%dma_wait3A_1479 : memref<32x128xf32, #tpu.memory_space<vmem>>)
      %dma_wait3A_1483 = arith.constant 0 : i32
      %dma_wait3A_1484 = arith.constant 0 : i32
      %dma_wait3A_1485 = tpu.memref_slice %arg10[%rem3A_1466, %dma_wait3A_1483, %dma_wait3A_1484] : memref<7x32x129xf32, #tpu.memory_space<vmem>> -> memref<1x32x128xf32, #tpu.memory_space<vmem>>
      %dma_wait3A_1486 = tpu.memref_squeeze %dma_wait3A_1485 : memref<1x32x128xf32, #tpu.memory_space<vmem>> -> memref<32x128xf32, #tpu.memory_space<vmem>>
      %dma_wait3A_1487 = arith.constant 0 : i32
      %dma_wait3A_1488 = arith.constant 0 : i32
      %dma_wait3A_1489 = tpu.memref_slice %arg5[%dma_wait3A_1487, %dma_wait3A_1488] : memref<32x1000000xf32, #tpu.memory_space<hbm>> -> memref<32x128xf32, #tpu.memory_space<hbm>>
      %dma_wait3A_1490 = tpu.memref_slice %arg13[%rem3A_1466] : memref<7x!tpu.dma_semaphore, #tpu.memory_space<semaphore_mem>> -> memref<1x!tpu.dma_semaphore, #tpu.memory_space<semaphore_mem>>
      %dma_wait3A_1491 = tpu.memref_squeeze %dma_wait3A_1490 : memref<1x!tpu.dma_semaphore, #tpu.memory_space<semaphore_mem>> -> memref<!tpu.dma_semaphore, #tpu.memory_space<semaphore_mem>>
      %dma_wait3A_1492 = arith.constant 0 : i32
      %dma_wait3A_1493 = arith.constant 0 : i32
      %dma_wait3A_1494 = tpu.memref_slice %arg10[%rem3A_1466, %dma_wait3A_1492, %dma_wait3A_1493] : memref<7x32x129xf32, #tpu.memory_space<vmem>> -> memref<1x32x128xf32, #tpu.memory_space<vmem>>
      %dma_wait3A_1495 = tpu.memref_squeeze %dma_wait3A_1494 : memref<1x32x128xf32, #tpu.memory_space<vmem>> -> memref<32x128xf32, #tpu.memory_space<vmem>>
      %dma_wait3A_1496 = arith.constant 0 : i32
      %dma_wait3A_1497 = arith.constant 0 : i32
      %dma_wait3A_1498 = tpu.memref_slice %arg5[%dma_wait3A_1496, %dma_wait3A_1497] : memref<32x1000000xf32, #tpu.memory_space<hbm>> -> memref<32x128xf32, #tpu.memory_space<hbm>>
      tpu.wait_dma2 semaphore(%dma_wait3A_1491 : memref<!tpu.dma_semaphore, #tpu.memory_space<semaphore_mem>>) src(%dma_wait3A_1498 : memref<32x128xf32, #tpu.memory_space<hbm>>) dst(%dma_wait3A_1495 : memref<32x128xf32, #tpu.memory_space<vmem>>)
      %slice3A_1499 = vector.extract_strided_slice %scan3A_364 {offsets = [11], sizes = [1], strides = [1]} : vector<16xi32> to vector<1xi32>
      %squeeze3A_1500 = vector.extract %slice3A_1499[0] : i32 from vector<1xi32>
      %slice3A_1501 = vector.extract_strided_slice %scan3A_365 {offsets = [11], sizes = [1], strides = [1]} : vector<16xi32> to vector<1xi32>
      %squeeze3A_1502 = vector.extract %slice3A_1501[0] : i32 from vector<1xi32>
      %mul3A_1503 = arith.constant 16 : i32
      %mul3A_1504 = arith.muli %scan3A_363, %mul3A_1503 : i32
      %add3A_1505 = arith.constant 11 : i32
      %add3A_1506 = arith.addi %mul3A_1504, %add3A_1505 : i32
      %and3A_1507 = arith.constant 127 : i32
      %and3A_1508 = arith.andi %squeeze3A_1500, %and3A_1507 : i32
      %broadcast_in_dim3A_1509 = vector.broadcast %and3A_1508 : i32 to vector<16xi32>
      %and3A_1510 = arith.constant 127 : i32
      %and3A_1511 = arith.andi %squeeze3A_1502, %and3A_1510 : i32
      %broadcast_in_dim3A_1512 = vector.broadcast %and3A_1511 : i32 to vector<16xi32>
      %broadcast_in_dim3A_1513 = vector.broadcast %rem3A_1466 : i32 to vector<16xi32>
      %gather3A_1514 = tpu.vector_load_idx %arg9[%broadcast_in_dim3A_1513, %iota3A, %broadcast_in_dim3A_1509] : memref<7x32x129xf32, #tpu.memory_space<vmem>>[vector<16xi32>, vector<16xi32>, vector<16xi32>], vector<16xf32>,
      %gather3A_1515 = tpu.vector_load_idx %arg9[%broadcast_in_dim3A_1513, %add3A_28, %broadcast_in_dim3A_1509] : memref<7x32x129xf32, #tpu.memory_space<vmem>>[vector<16xi32>, vector<16xi32>, vector<16xi32>], vector<16xf32>,
      %gather3A_1516 = tpu.vector_load_idx %arg10[%broadcast_in_dim3A_1513, %iota3A, %broadcast_in_dim3A_1512] : memref<7x32x129xf32, #tpu.memory_space<vmem>>[vector<16xi32>, vector<16xi32>, vector<16xi32>], vector<16xf32>,
      %gather3A_1517 = tpu.vector_load_idx %arg10[%broadcast_in_dim3A_1513, %add3A_28, %broadcast_in_dim3A_1512] : memref<7x32x129xf32, #tpu.memory_space<vmem>>[vector<16xi32>, vector<16xi32>, vector<16xi32>], vector<16xf32>,
      %mul3A_1518 = arith.mulf %gather3A_1514, %gather3A_1516 : vector<16xf32>
      %mul3A_1519 = arith.mulf %gather3A_1515, %gather3A_1517 : vector<16xf32>
      %add3A_1520 = arith.addf %mul3A_1518, %mul3A_1519 : vector<16xf32>
      %broadcast_in_dim3A_1521 = vector.broadcast %add3A_1506 : i32 to vector<16xi32>
      tpu.vector_store_idx %arg11[%iota3A, %broadcast_in_dim3A_1521], %add3A_1520 : memref<16x513xf32, #tpu.memory_space<vmem>>[vector<16xi32>, vector<16xi32>], vector<16xf32>,
      %lt3A_1522 = arith.constant 31 : i32
      %lt3A_1523 = arith.cmpi slt, %scan3A_363, %lt3A_1522 : i32
      %convert_element_type3A_1524 = arith.extui %lt3A_1523 : i1 to i32
      %cond3A_1525 = arith.constant 0 : i32
      %cond3A_1526 = arith.cmpi ne, %convert_element_type3A_1524, %cond3A_1525 : i32
      scf.if %cond3A_1526 {
        %slice3A_1791 = vector.extract_strided_slice %get3A_403 {offsets = [2], sizes = [1], strides = [1]} : vector<16xi32> to vector<1xi32>
        %squeeze3A_1792 = vector.extract %slice3A_1791[0] : i32 from vector<1xi32>
        %slice3A_1793 = vector.extract_strided_slice %get3A_406 {offsets = [2], sizes = [1], strides = [1]} : vector<16xi32> to vector<1xi32>
        %squeeze3A_1794 = vector.extract %slice3A_1793[0] : i32 from vector<1xi32>
        %shift_right_arithmetic3A_1795 = arith.constant 7 : i32
        %shift_right_arithmetic3A_1796 = arith.shrsi %squeeze3A_1792, %shift_right_arithmetic3A_1795 : i32
        %shift_left3A_1797 = arith.constant 7 : i32
        %shift_left3A_1798 = arith.shli %shift_right_arithmetic3A_1796, %shift_left3A_1797 : i32
        %multiple_of3A_1799 = tpu.assume_multiple %shift_left3A_1798, 128 : i32
        %shift_right_arithmetic3A_1800 = arith.constant 7 : i32
        %shift_right_arithmetic3A_1801 = arith.shrsi %squeeze3A_1794, %shift_right_arithmetic3A_1800 : i32
        %shift_left3A_1802 = arith.constant 7 : i32
        %shift_left3A_1803 = arith.shli %shift_right_arithmetic3A_1801, %shift_left3A_1802 : i32
        %multiple_of3A_1804 = tpu.assume_multiple %shift_left3A_1803, 128 : i32
        %dma_start3A_1805 = arith.constant 0 : i32
        %dma_start3A_1806 = arith.constant 0 : i32
        %dma_start3A_1807 = tpu.memref_slice %arg9[%rem3A_1466, %dma_start3A_1805, %dma_start3A_1806] : memref<7x32x129xf32, #tpu.memory_space<vmem>> -> memref<1x32x128xf32, #tpu.memory_space<vmem>>
        %dma_start3A_1808 = tpu.memref_squeeze %dma_start3A_1807 : memref<1x32x128xf32, #tpu.memory_space<vmem>> -> memref<32x128xf32, #tpu.memory_space<vmem>>
        %dma_start3A_1809 = arith.constant 0 : i32
        %dma_start3A_1810 = tpu.memref_slice %arg4[%dma_start3A_1809, %multiple_of3A_1799] : memref<32x1000000xf32, #tpu.memory_space<hbm>> -> memref<32x128xf32, #tpu.memory_space<hbm>>
        %dma_start3A_1811 = tpu.memref_slice %arg13[%rem3A_1466] : memref<7x!tpu.dma_semaphore, #tpu.memory_space<semaphore_mem>> -> memref<1x!tpu.dma_semaphore, #tpu.memory_space<semaphore_mem>>
        %dma_start3A_1812 = tpu.memref_squeeze %dma_start3A_1811 : memref<1x!tpu.dma_semaphore, #tpu.memory_space<semaphore_mem>> -> memref<!tpu.dma_semaphore, #tpu.memory_space<semaphore_mem>>
        %dma_start3A_1813 = arith.constant 0 : i32
        %dma_start3A_1814 = arith.constant 0 : i32
        %dma_start3A_1815 = tpu.memref_slice %arg9[%rem3A_1466, %dma_start3A_1813, %dma_start3A_1814] : memref<7x32x129xf32, #tpu.memory_space<vmem>> -> memref<1x32x128xf32, #tpu.memory_space<vmem>>
        %dma_start3A_1816 = tpu.memref_squeeze %dma_start3A_1815 : memref<1x32x128xf32, #tpu.memory_space<vmem>> -> memref<32x128xf32, #tpu.memory_space<vmem>>
        %dma_start3A_1817 = arith.constant 0 : i32
        %dma_start3A_1818 = tpu.memref_slice %arg4[%dma_start3A_1817, %multiple_of3A_1799] : memref<32x1000000xf32, #tpu.memory_space<hbm>> -> memref<32x128xf32, #tpu.memory_space<hbm>>
        tpu.enqueue_dma source(%dma_start3A_1818 : memref<32x128xf32, #tpu.memory_space<hbm>>) target(%dma_start3A_1816 : memref<32x128xf32, #tpu.memory_space<vmem>>) target_semaphore(%dma_start3A_1812 : memref<!tpu.dma_semaphore, #tpu.memory_space<semaphore_mem>>)
        %dma_start3A_1819 = arith.constant 0 : i32
        %dma_start3A_1820 = arith.constant 0 : i32
        %dma_start3A_1821 = tpu.memref_slice %arg10[%rem3A_1466, %dma_start3A_1819, %dma_start3A_1820] : memref<7x32x129xf32, #tpu.memory_space<vmem>> -> memref<1x32x128xf32, #tpu.memory_space<vmem>>
        %dma_start3A_1822 = tpu.memref_squeeze %dma_start3A_1821 : memref<1x32x128xf32, #tpu.memory_space<vmem>> -> memref<32x128xf32, #tpu.memory_space<vmem>>
        %dma_start3A_1823 = arith.constant 0 : i32
        %dma_start3A_1824 = tpu.memref_slice %arg5[%dma_start3A_1823, %multiple_of3A_1804] : memref<32x1000000xf32, #tpu.memory_space<hbm>> -> memref<32x128xf32, #tpu.memory_space<hbm>>
        %dma_start3A_1825 = tpu.memref_slice %arg13[%rem3A_1466] : memref<7x!tpu.dma_semaphore, #tpu.memory_space<semaphore_mem>> -> memref<1x!tpu.dma_semaphore, #tpu.memory_space<semaphore_mem>>
        %dma_start3A_1826 = tpu.memref_squeeze %dma_start3A_1825 : memref<1x!tpu.dma_semaphore, #tpu.memory_space<semaphore_mem>> -> memref<!tpu.dma_semaphore, #tpu.memory_space<semaphore_mem>>
        %dma_start3A_1827 = arith.constant 0 : i32
        %dma_start3A_1828 = arith.constant 0 : i32
        %dma_start3A_1829 = tpu.memref_slice %arg10[%rem3A_1466, %dma_start3A_1827, %dma_start3A_1828] : memref<7x32x129xf32, #tpu.memory_space<vmem>> -> memref<1x32x128xf32, #tpu.memory_space<vmem>>
        %dma_start3A_1830 = tpu.memref_squeeze %dma_start3A_1829 : memref<1x32x128xf32, #tpu.memory_space<vmem>> -> memref<32x128xf32, #tpu.memory_space<vmem>>
        %dma_start3A_1831 = arith.constant 0 : i32
        %dma_start3A_1832 = tpu.memref_slice %arg5[%dma_start3A_1831, %multiple_of3A_1804] : memref<32x1000000xf32, #tpu.memory_space<hbm>> -> memref<32x128xf32, #tpu.memory_space<hbm>>
        tpu.enqueue_dma source(%dma_start3A_1832 : memref<32x128xf32, #tpu.memory_space<hbm>>) target(%dma_start3A_1830 : memref<32x128xf32, #tpu.memory_space<vmem>>) target_semaphore(%dma_start3A_1826 : memref<!tpu.dma_semaphore, #tpu.memory_space<semaphore_mem>>)
      } else {
      }
      %mul3A_1527 = arith.constant 2 : i32
      %mul3A_1528 = arith.muli %mul3A_1527, %scan3A_363 : i32
      %add3A_1529 = arith.constant 12 : i32
      %add3A_1530 = arith.addi %mul3A_1528, %add3A_1529 : i32
      %rem3A_1531 = arith.constant 7 : i32
      %rem3A_1532 = arith.remsi %add3A_1530, %rem3A_1531 : i32
      %dma_wait3A_1533 = arith.constant 0 : i32
      %dma_wait3A_1534 = arith.constant 0 : i32
      %dma_wait3A_1535 = tpu.memref_slice %arg9[%rem3A_1532, %dma_wait3A_1533, %dma_wait3A_1534] : memref<7x32x129xf32, #tpu.memory_space<vmem>> -> memref<1x32x128xf32, #tpu.memory_space<vmem>>
      %dma_wait3A_1536 = tpu.memref_squeeze %dma_wait3A_1535 : memref<1x32x128xf32, #tpu.memory_space<vmem>> -> memref<32x128xf32, #tpu.memory_space<vmem>>
      %dma_wait3A_1537 = arith.constant 0 : i32
      %dma_wait3A_1538 = arith.constant 0 : i32
      %dma_wait3A_1539 = tpu.memref_slice %arg4[%dma_wait3A_1537, %dma_wait3A_1538] : memref<32x1000000xf32, #tpu.memory_space<hbm>> -> memref<32x128xf32, #tpu.memory_space<hbm>>
      %dma_wait3A_1540 = tpu.memref_slice %arg13[%rem3A_1532] : memref<7x!tpu.dma_semaphore, #tpu.memory_space<semaphore_mem>> -> memref<1x!tpu.dma_semaphore, #tpu.memory_space<semaphore_mem>>
      %dma_wait3A_1541 = tpu.memref_squeeze %dma_wait3A_1540 : memref<1x!tpu.dma_semaphore, #tpu.memory_space<semaphore_mem>> -> memref<!tpu.dma_semaphore, #tpu.memory_space<semaphore_mem>>
      %dma_wait3A_1542 = arith.constant 0 : i32
      %dma_wait3A_1543 = arith.constant 0 : i32
      %dma_wait3A_1544 = tpu.memref_slice %arg9[%rem3A_1532, %dma_wait3A_1542, %dma_wait3A_1543] : memref<7x32x129xf32, #tpu.memory_space<vmem>> -> memref<1x32x128xf32, #tpu.memory_space<vmem>>
      %dma_wait3A_1545 = tpu.memref_squeeze %dma_wait3A_1544 : memref<1x32x128xf32, #tpu.memory_space<vmem>> -> memref<32x128xf32, #tpu.memory_space<vmem>>
      %dma_wait3A_1546 = arith.constant 0 : i32
      %dma_wait3A_1547 = arith.constant 0 : i32
      %dma_wait3A_1548 = tpu.memref_slice %arg4[%dma_wait3A_1546, %dma_wait3A_1547] : memref<32x1000000xf32, #tpu.memory_space<hbm>> -> memref<32x128xf32, #tpu.memory_space<hbm>>
      tpu.wait_dma2 semaphore(%dma_wait3A_1541 : memref<!tpu.dma_semaphore, #tpu.memory_space<semaphore_mem>>) src(%dma_wait3A_1548 : memref<32x128xf32, #tpu.memory_space<hbm>>) dst(%dma_wait3A_1545 : memref<32x128xf32, #tpu.memory_space<vmem>>)
      %dma_wait3A_1549 = arith.constant 0 : i32
      %dma_wait3A_1550 = arith.constant 0 : i32
      %dma_wait3A_1551 = tpu.memref_slice %arg10[%rem3A_1532, %dma_wait3A_1549, %dma_wait3A_1550] : memref<7x32x129xf32, #tpu.memory_space<vmem>> -> memref<1x32x128xf32, #tpu.memory_space<vmem>>
      %dma_wait3A_1552 = tpu.memref_squeeze %dma_wait3A_1551 : memref<1x32x128xf32, #tpu.memory_space<vmem>> -> memref<32x128xf32, #tpu.memory_space<vmem>>
      %dma_wait3A_1553 = arith.constant 0 : i32
      %dma_wait3A_1554 = arith.constant 0 : i32
      %dma_wait3A_1555 = tpu.memref_slice %arg5[%dma_wait3A_1553, %dma_wait3A_1554] : memref<32x1000000xf32, #tpu.memory_space<hbm>> -> memref<32x128xf32, #tpu.memory_space<hbm>>
      %dma_wait3A_1556 = tpu.memref_slice %arg13[%rem3A_1532] : memref<7x!tpu.dma_semaphore, #tpu.memory_space<semaphore_mem>> -> memref<1x!tpu.dma_semaphore, #tpu.memory_space<semaphore_mem>>
      %dma_wait3A_1557 = tpu.memref_squeeze %dma_wait3A_1556 : memref<1x!tpu.dma_semaphore, #tpu.memory_space<semaphore_mem>> -> memref<!tpu.dma_semaphore, #tpu.memory_space<semaphore_mem>>
      %dma_wait3A_1558 = arith.constant 0 : i32
      %dma_wait3A_1559 = arith.constant 0 : i32
      %dma_wait3A_1560 = tpu.memref_slice %arg10[%rem3A_1532, %dma_wait3A_1558, %dma_wait3A_1559] : memref<7x32x129xf32, #tpu.memory_space<vmem>> -> memref<1x32x128xf32, #tpu.memory_space<vmem>>
      %dma_wait3A_1561 = tpu.memref_squeeze %dma_wait3A_1560 : memref<1x32x128xf32, #tpu.memory_space<vmem>> -> memref<32x128xf32, #tpu.memory_space<vmem>>
      %dma_wait3A_1562 = arith.constant 0 : i32
      %dma_wait3A_1563 = arith.constant 0 : i32
      %dma_wait3A_1564 = tpu.memref_slice %arg5[%dma_wait3A_1562, %dma_wait3A_1563] : memref<32x1000000xf32, #tpu.memory_space<hbm>> -> memref<32x128xf32, #tpu.memory_space<hbm>>
      tpu.wait_dma2 semaphore(%dma_wait3A_1557 : memref<!tpu.dma_semaphore, #tpu.memory_space<semaphore_mem>>) src(%dma_wait3A_1564 : memref<32x128xf32, #tpu.memory_space<hbm>>) dst(%dma_wait3A_1561 : memref<32x128xf32, #tpu.memory_space<vmem>>)
      %slice3A_1565 = vector.extract_strided_slice %scan3A_364 {offsets = [12], sizes = [1], strides = [1]} : vector<16xi32> to vector<1xi32>
      %squeeze3A_1566 = vector.extract %slice3A_1565[0] : i32 from vector<1xi32>
      %slice3A_1567 = vector.extract_strided_slice %scan3A_365 {offsets = [12], sizes = [1], strides = [1]} : vector<16xi32> to vector<1xi32>
      %squeeze3A_1568 = vector.extract %slice3A_1567[0] : i32 from vector<1xi32>
      %mul3A_1569 = arith.constant 16 : i32
      %mul3A_1570 = arith.muli %scan3A_363, %mul3A_1569 : i32
      %add3A_1571 = arith.constant 12 : i32
      %add3A_1572 = arith.addi %mul3A_1570, %add3A_1571 : i32
      %and3A_1573 = arith.constant 127 : i32
      %and3A_1574 = arith.andi %squeeze3A_1566, %and3A_1573 : i32
      %broadcast_in_dim3A_1575 = vector.broadcast %and3A_1574 : i32 to vector<16xi32>
      %and3A_1576 = arith.constant 127 : i32
      %and3A_1577 = arith.andi %squeeze3A_1568, %and3A_1576 : i32
      %broadcast_in_dim3A_1578 = vector.broadcast %and3A_1577 : i32 to vector<16xi32>
      %broadcast_in_dim3A_1579 = vector.broadcast %rem3A_1532 : i32 to vector<16xi32>
      %gather3A_1580 = tpu.vector_load_idx %arg9[%broadcast_in_dim3A_1579, %iota3A, %broadcast_in_dim3A_1575] : memref<7x32x129xf32, #tpu.memory_space<vmem>>[vector<16xi32>, vector<16xi32>, vector<16xi32>], vector<16xf32>,
      %gather3A_1581 = tpu.vector_load_idx %arg9[%broadcast_in_dim3A_1579, %add3A_28, %broadcast_in_dim3A_1575] : memref<7x32x129xf32, #tpu.memory_space<vmem>>[vector<16xi32>, vector<16xi32>, vector<16xi32>], vector<16xf32>,
      %gather3A_1582 = tpu.vector_load_idx %arg10[%broadcast_in_dim3A_1579, %iota3A, %broadcast_in_dim3A_1578] : memref<7x32x129xf32, #tpu.memory_space<vmem>>[vector<16xi32>, vector<16xi32>, vector<16xi32>], vector<16xf32>,
      %gather3A_1583 = tpu.vector_load_idx %arg10[%broadcast_in_dim3A_1579, %add3A_28, %broadcast_in_dim3A_1578] : memref<7x32x129xf32, #tpu.memory_space<vmem>>[vector<16xi32>, vector<16xi32>, vector<16xi32>], vector<16xf32>,
      %mul3A_1584 = arith.mulf %gather3A_1580, %gather3A_1582 : vector<16xf32>
      %mul3A_1585 = arith.mulf %gather3A_1581, %gather3A_1583 : vector<16xf32>
      %add3A_1586 = arith.addf %mul3A_1584, %mul3A_1585 : vector<16xf32>
      %broadcast_in_dim3A_1587 = vector.broadcast %add3A_1572 : i32 to vector<16xi32>
      tpu.vector_store_idx %arg11[%iota3A, %broadcast_in_dim3A_1587], %add3A_1586 : memref<16x513xf32, #tpu.memory_space<vmem>>[vector<16xi32>, vector<16xi32>], vector<16xf32>,
      %lt3A_1588 = arith.constant 31 : i32
      %lt3A_1589 = arith.cmpi slt, %scan3A_363, %lt3A_1588 : i32
      %convert_element_type3A_1590 = arith.extui %lt3A_1589 : i1 to i32
      %cond3A_1591 = arith.constant 0 : i32
      %cond3A_1592 = arith.cmpi ne, %convert_element_type3A_1590, %cond3A_1591 : i32
      scf.if %cond3A_1592 {
        %slice3A_1791 = vector.extract_strided_slice %get3A_403 {offsets = [3], sizes = [1], strides = [1]} : vector<16xi32> to vector<1xi32>
        %squeeze3A_1792 = vector.extract %slice3A_1791[0] : i32 from vector<1xi32>
        %slice3A_1793 = vector.extract_strided_slice %get3A_406 {offsets = [3], sizes = [1], strides = [1]} : vector<16xi32> to vector<1xi32>
        %squeeze3A_1794 = vector.extract %slice3A_1793[0] : i32 from vector<1xi32>
        %shift_right_arithmetic3A_1795 = arith.constant 7 : i32
        %shift_right_arithmetic3A_1796 = arith.shrsi %squeeze3A_1792, %shift_right_arithmetic3A_1795 : i32
        %shift_left3A_1797 = arith.constant 7 : i32
        %shift_left3A_1798 = arith.shli %shift_right_arithmetic3A_1796, %shift_left3A_1797 : i32
        %multiple_of3A_1799 = tpu.assume_multiple %shift_left3A_1798, 128 : i32
        %shift_right_arithmetic3A_1800 = arith.constant 7 : i32
        %shift_right_arithmetic3A_1801 = arith.shrsi %squeeze3A_1794, %shift_right_arithmetic3A_1800 : i32
        %shift_left3A_1802 = arith.constant 7 : i32
        %shift_left3A_1803 = arith.shli %shift_right_arithmetic3A_1801, %shift_left3A_1802 : i32
        %multiple_of3A_1804 = tpu.assume_multiple %shift_left3A_1803, 128 : i32
        %dma_start3A_1805 = arith.constant 0 : i32
        %dma_start3A_1806 = arith.constant 0 : i32
        %dma_start3A_1807 = tpu.memref_slice %arg9[%rem3A_1532, %dma_start3A_1805, %dma_start3A_1806] : memref<7x32x129xf32, #tpu.memory_space<vmem>> -> memref<1x32x128xf32, #tpu.memory_space<vmem>>
        %dma_start3A_1808 = tpu.memref_squeeze %dma_start3A_1807 : memref<1x32x128xf32, #tpu.memory_space<vmem>> -> memref<32x128xf32, #tpu.memory_space<vmem>>
        %dma_start3A_1809 = arith.constant 0 : i32
        %dma_start3A_1810 = tpu.memref_slice %arg4[%dma_start3A_1809, %multiple_of3A_1799] : memref<32x1000000xf32, #tpu.memory_space<hbm>> -> memref<32x128xf32, #tpu.memory_space<hbm>>
        %dma_start3A_1811 = tpu.memref_slice %arg13[%rem3A_1532] : memref<7x!tpu.dma_semaphore, #tpu.memory_space<semaphore_mem>> -> memref<1x!tpu.dma_semaphore, #tpu.memory_space<semaphore_mem>>
        %dma_start3A_1812 = tpu.memref_squeeze %dma_start3A_1811 : memref<1x!tpu.dma_semaphore, #tpu.memory_space<semaphore_mem>> -> memref<!tpu.dma_semaphore, #tpu.memory_space<semaphore_mem>>
        %dma_start3A_1813 = arith.constant 0 : i32
        %dma_start3A_1814 = arith.constant 0 : i32
        %dma_start3A_1815 = tpu.memref_slice %arg9[%rem3A_1532, %dma_start3A_1813, %dma_start3A_1814] : memref<7x32x129xf32, #tpu.memory_space<vmem>> -> memref<1x32x128xf32, #tpu.memory_space<vmem>>
        %dma_start3A_1816 = tpu.memref_squeeze %dma_start3A_1815 : memref<1x32x128xf32, #tpu.memory_space<vmem>> -> memref<32x128xf32, #tpu.memory_space<vmem>>
        %dma_start3A_1817 = arith.constant 0 : i32
        %dma_start3A_1818 = tpu.memref_slice %arg4[%dma_start3A_1817, %multiple_of3A_1799] : memref<32x1000000xf32, #tpu.memory_space<hbm>> -> memref<32x128xf32, #tpu.memory_space<hbm>>
        tpu.enqueue_dma source(%dma_start3A_1818 : memref<32x128xf32, #tpu.memory_space<hbm>>) target(%dma_start3A_1816 : memref<32x128xf32, #tpu.memory_space<vmem>>) target_semaphore(%dma_start3A_1812 : memref<!tpu.dma_semaphore, #tpu.memory_space<semaphore_mem>>)
        %dma_start3A_1819 = arith.constant 0 : i32
        %dma_start3A_1820 = arith.constant 0 : i32
        %dma_start3A_1821 = tpu.memref_slice %arg10[%rem3A_1532, %dma_start3A_1819, %dma_start3A_1820] : memref<7x32x129xf32, #tpu.memory_space<vmem>> -> memref<1x32x128xf32, #tpu.memory_space<vmem>>
        %dma_start3A_1822 = tpu.memref_squeeze %dma_start3A_1821 : memref<1x32x128xf32, #tpu.memory_space<vmem>> -> memref<32x128xf32, #tpu.memory_space<vmem>>
        %dma_start3A_1823 = arith.constant 0 : i32
        %dma_start3A_1824 = tpu.memref_slice %arg5[%dma_start3A_1823, %multiple_of3A_1804] : memref<32x1000000xf32, #tpu.memory_space<hbm>> -> memref<32x128xf32, #tpu.memory_space<hbm>>
        %dma_start3A_1825 = tpu.memref_slice %arg13[%rem3A_1532] : memref<7x!tpu.dma_semaphore, #tpu.memory_space<semaphore_mem>> -> memref<1x!tpu.dma_semaphore, #tpu.memory_space<semaphore_mem>>
        %dma_start3A_1826 = tpu.memref_squeeze %dma_start3A_1825 : memref<1x!tpu.dma_semaphore, #tpu.memory_space<semaphore_mem>> -> memref<!tpu.dma_semaphore, #tpu.memory_space<semaphore_mem>>
        %dma_start3A_1827 = arith.constant 0 : i32
        %dma_start3A_1828 = arith.constant 0 : i32
        %dma_start3A_1829 = tpu.memref_slice %arg10[%rem3A_1532, %dma_start3A_1827, %dma_start3A_1828] : memref<7x32x129xf32, #tpu.memory_space<vmem>> -> memref<1x32x128xf32, #tpu.memory_space<vmem>>
        %dma_start3A_1830 = tpu.memref_squeeze %dma_start3A_1829 : memref<1x32x128xf32, #tpu.memory_space<vmem>> -> memref<32x128xf32, #tpu.memory_space<vmem>>
        %dma_start3A_1831 = arith.constant 0 : i32
        %dma_start3A_1832 = tpu.memref_slice %arg5[%dma_start3A_1831, %multiple_of3A_1804] : memref<32x1000000xf32, #tpu.memory_space<hbm>> -> memref<32x128xf32, #tpu.memory_space<hbm>>
        tpu.enqueue_dma source(%dma_start3A_1832 : memref<32x128xf32, #tpu.memory_space<hbm>>) target(%dma_start3A_1830 : memref<32x128xf32, #tpu.memory_space<vmem>>) target_semaphore(%dma_start3A_1826 : memref<!tpu.dma_semaphore, #tpu.memory_space<semaphore_mem>>)
      } else {
      }
      %mul3A_1593 = arith.constant 2 : i32
      %mul3A_1594 = arith.muli %mul3A_1593, %scan3A_363 : i32
      %add3A_1595 = arith.constant 13 : i32
      %add3A_1596 = arith.addi %mul3A_1594, %add3A_1595 : i32
      %rem3A_1597 = arith.constant 7 : i32
      %rem3A_1598 = arith.remsi %add3A_1596, %rem3A_1597 : i32
      %dma_wait3A_1599 = arith.constant 0 : i32
      %dma_wait3A_1600 = arith.constant 0 : i32
      %dma_wait3A_1601 = tpu.memref_slice %arg9[%rem3A_1598, %dma_wait3A_1599, %dma_wait3A_1600] : memref<7x32x129xf32, #tpu.memory_space<vmem>> -> memref<1x32x128xf32, #tpu.memory_space<vmem>>
      %dma_wait3A_1602 = tpu.memref_squeeze %dma_wait3A_1601 : memref<1x32x128xf32, #tpu.memory_space<vmem>> -> memref<32x128xf32, #tpu.memory_space<vmem>>
      %dma_wait3A_1603 = arith.constant 0 : i32
      %dma_wait3A_1604 = arith.constant 0 : i32
      %dma_wait3A_1605 = tpu.memref_slice %arg4[%dma_wait3A_1603, %dma_wait3A_1604] : memref<32x1000000xf32, #tpu.memory_space<hbm>> -> memref<32x128xf32, #tpu.memory_space<hbm>>
      %dma_wait3A_1606 = tpu.memref_slice %arg13[%rem3A_1598] : memref<7x!tpu.dma_semaphore, #tpu.memory_space<semaphore_mem>> -> memref<1x!tpu.dma_semaphore, #tpu.memory_space<semaphore_mem>>
      %dma_wait3A_1607 = tpu.memref_squeeze %dma_wait3A_1606 : memref<1x!tpu.dma_semaphore, #tpu.memory_space<semaphore_mem>> -> memref<!tpu.dma_semaphore, #tpu.memory_space<semaphore_mem>>
      %dma_wait3A_1608 = arith.constant 0 : i32
      %dma_wait3A_1609 = arith.constant 0 : i32
      %dma_wait3A_1610 = tpu.memref_slice %arg9[%rem3A_1598, %dma_wait3A_1608, %dma_wait3A_1609] : memref<7x32x129xf32, #tpu.memory_space<vmem>> -> memref<1x32x128xf32, #tpu.memory_space<vmem>>
      %dma_wait3A_1611 = tpu.memref_squeeze %dma_wait3A_1610 : memref<1x32x128xf32, #tpu.memory_space<vmem>> -> memref<32x128xf32, #tpu.memory_space<vmem>>
      %dma_wait3A_1612 = arith.constant 0 : i32
      %dma_wait3A_1613 = arith.constant 0 : i32
      %dma_wait3A_1614 = tpu.memref_slice %arg4[%dma_wait3A_1612, %dma_wait3A_1613] : memref<32x1000000xf32, #tpu.memory_space<hbm>> -> memref<32x128xf32, #tpu.memory_space<hbm>>
      tpu.wait_dma2 semaphore(%dma_wait3A_1607 : memref<!tpu.dma_semaphore, #tpu.memory_space<semaphore_mem>>) src(%dma_wait3A_1614 : memref<32x128xf32, #tpu.memory_space<hbm>>) dst(%dma_wait3A_1611 : memref<32x128xf32, #tpu.memory_space<vmem>>)
      %dma_wait3A_1615 = arith.constant 0 : i32
      %dma_wait3A_1616 = arith.constant 0 : i32
      %dma_wait3A_1617 = tpu.memref_slice %arg10[%rem3A_1598, %dma_wait3A_1615, %dma_wait3A_1616] : memref<7x32x129xf32, #tpu.memory_space<vmem>> -> memref<1x32x128xf32, #tpu.memory_space<vmem>>
      %dma_wait3A_1618 = tpu.memref_squeeze %dma_wait3A_1617 : memref<1x32x128xf32, #tpu.memory_space<vmem>> -> memref<32x128xf32, #tpu.memory_space<vmem>>
      %dma_wait3A_1619 = arith.constant 0 : i32
      %dma_wait3A_1620 = arith.constant 0 : i32
      %dma_wait3A_1621 = tpu.memref_slice %arg5[%dma_wait3A_1619, %dma_wait3A_1620] : memref<32x1000000xf32, #tpu.memory_space<hbm>> -> memref<32x128xf32, #tpu.memory_space<hbm>>
      %dma_wait3A_1622 = tpu.memref_slice %arg13[%rem3A_1598] : memref<7x!tpu.dma_semaphore, #tpu.memory_space<semaphore_mem>> -> memref<1x!tpu.dma_semaphore, #tpu.memory_space<semaphore_mem>>
      %dma_wait3A_1623 = tpu.memref_squeeze %dma_wait3A_1622 : memref<1x!tpu.dma_semaphore, #tpu.memory_space<semaphore_mem>> -> memref<!tpu.dma_semaphore, #tpu.memory_space<semaphore_mem>>
      %dma_wait3A_1624 = arith.constant 0 : i32
      %dma_wait3A_1625 = arith.constant 0 : i32
      %dma_wait3A_1626 = tpu.memref_slice %arg10[%rem3A_1598, %dma_wait3A_1624, %dma_wait3A_1625] : memref<7x32x129xf32, #tpu.memory_space<vmem>> -> memref<1x32x128xf32, #tpu.memory_space<vmem>>
      %dma_wait3A_1627 = tpu.memref_squeeze %dma_wait3A_1626 : memref<1x32x128xf32, #tpu.memory_space<vmem>> -> memref<32x128xf32, #tpu.memory_space<vmem>>
      %dma_wait3A_1628 = arith.constant 0 : i32
      %dma_wait3A_1629 = arith.constant 0 : i32
      %dma_wait3A_1630 = tpu.memref_slice %arg5[%dma_wait3A_1628, %dma_wait3A_1629] : memref<32x1000000xf32, #tpu.memory_space<hbm>> -> memref<32x128xf32, #tpu.memory_space<hbm>>
      tpu.wait_dma2 semaphore(%dma_wait3A_1623 : memref<!tpu.dma_semaphore, #tpu.memory_space<semaphore_mem>>) src(%dma_wait3A_1630 : memref<32x128xf32, #tpu.memory_space<hbm>>) dst(%dma_wait3A_1627 : memref<32x128xf32, #tpu.memory_space<vmem>>)
      %slice3A_1631 = vector.extract_strided_slice %scan3A_364 {offsets = [13], sizes = [1], strides = [1]} : vector<16xi32> to vector<1xi32>
      %squeeze3A_1632 = vector.extract %slice3A_1631[0] : i32 from vector<1xi32>
      %slice3A_1633 = vector.extract_strided_slice %scan3A_365 {offsets = [13], sizes = [1], strides = [1]} : vector<16xi32> to vector<1xi32>
      %squeeze3A_1634 = vector.extract %slice3A_1633[0] : i32 from vector<1xi32>
      %mul3A_1635 = arith.constant 16 : i32
      %mul3A_1636 = arith.muli %scan3A_363, %mul3A_1635 : i32
      %add3A_1637 = arith.constant 13 : i32
      %add3A_1638 = arith.addi %mul3A_1636, %add3A_1637 : i32
      %and3A_1639 = arith.constant 127 : i32
      %and3A_1640 = arith.andi %squeeze3A_1632, %and3A_1639 : i32
      %broadcast_in_dim3A_1641 = vector.broadcast %and3A_1640 : i32 to vector<16xi32>
      %and3A_1642 = arith.constant 127 : i32
      %and3A_1643 = arith.andi %squeeze3A_1634, %and3A_1642 : i32
      %broadcast_in_dim3A_1644 = vector.broadcast %and3A_1643 : i32 to vector<16xi32>
      %broadcast_in_dim3A_1645 = vector.broadcast %rem3A_1598 : i32 to vector<16xi32>
      %gather3A_1646 = tpu.vector_load_idx %arg9[%broadcast_in_dim3A_1645, %iota3A, %broadcast_in_dim3A_1641] : memref<7x32x129xf32, #tpu.memory_space<vmem>>[vector<16xi32>, vector<16xi32>, vector<16xi32>], vector<16xf32>,
      %gather3A_1647 = tpu.vector_load_idx %arg9[%broadcast_in_dim3A_1645, %add3A_28, %broadcast_in_dim3A_1641] : memref<7x32x129xf32, #tpu.memory_space<vmem>>[vector<16xi32>, vector<16xi32>, vector<16xi32>], vector<16xf32>,
      %gather3A_1648 = tpu.vector_load_idx %arg10[%broadcast_in_dim3A_1645, %iota3A, %broadcast_in_dim3A_1644] : memref<7x32x129xf32, #tpu.memory_space<vmem>>[vector<16xi32>, vector<16xi32>, vector<16xi32>], vector<16xf32>,
      %gather3A_1649 = tpu.vector_load_idx %arg10[%broadcast_in_dim3A_1645, %add3A_28, %broadcast_in_dim3A_1644] : memref<7x32x129xf32, #tpu.memory_space<vmem>>[vector<16xi32>, vector<16xi32>, vector<16xi32>], vector<16xf32>,
      %mul3A_1650 = arith.mulf %gather3A_1646, %gather3A_1648 : vector<16xf32>
      %mul3A_1651 = arith.mulf %gather3A_1647, %gather3A_1649 : vector<16xf32>
      %add3A_1652 = arith.addf %mul3A_1650, %mul3A_1651 : vector<16xf32>
      %broadcast_in_dim3A_1653 = vector.broadcast %add3A_1638 : i32 to vector<16xi32>
      tpu.vector_store_idx %arg11[%iota3A, %broadcast_in_dim3A_1653], %add3A_1652 : memref<16x513xf32, #tpu.memory_space<vmem>>[vector<16xi32>, vector<16xi32>], vector<16xf32>,
      %lt3A_1654 = arith.constant 31 : i32
      %lt3A_1655 = arith.cmpi slt, %scan3A_363, %lt3A_1654 : i32
      %convert_element_type3A_1656 = arith.extui %lt3A_1655 : i1 to i32
      %cond3A_1657 = arith.constant 0 : i32
      %cond3A_1658 = arith.cmpi ne, %convert_element_type3A_1656, %cond3A_1657 : i32
      scf.if %cond3A_1658 {
        %slice3A_1791 = vector.extract_strided_slice %get3A_403 {offsets = [4], sizes = [1], strides = [1]} : vector<16xi32> to vector<1xi32>
        %squeeze3A_1792 = vector.extract %slice3A_1791[0] : i32 from vector<1xi32>
        %slice3A_1793 = vector.extract_strided_slice %get3A_406 {offsets = [4], sizes = [1], strides = [1]} : vector<16xi32> to vector<1xi32>
        %squeeze3A_1794 = vector.extract %slice3A_1793[0] : i32 from vector<1xi32>
        %shift_right_arithmetic3A_1795 = arith.constant 7 : i32
        %shift_right_arithmetic3A_1796 = arith.shrsi %squeeze3A_1792, %shift_right_arithmetic3A_1795 : i32
        %shift_left3A_1797 = arith.constant 7 : i32
        %shift_left3A_1798 = arith.shli %shift_right_arithmetic3A_1796, %shift_left3A_1797 : i32
        %multiple_of3A_1799 = tpu.assume_multiple %shift_left3A_1798, 128 : i32
        %shift_right_arithmetic3A_1800 = arith.constant 7 : i32
        %shift_right_arithmetic3A_1801 = arith.shrsi %squeeze3A_1794, %shift_right_arithmetic3A_1800 : i32
        %shift_left3A_1802 = arith.constant 7 : i32
        %shift_left3A_1803 = arith.shli %shift_right_arithmetic3A_1801, %shift_left3A_1802 : i32
        %multiple_of3A_1804 = tpu.assume_multiple %shift_left3A_1803, 128 : i32
        %dma_start3A_1805 = arith.constant 0 : i32
        %dma_start3A_1806 = arith.constant 0 : i32
        %dma_start3A_1807 = tpu.memref_slice %arg9[%rem3A_1598, %dma_start3A_1805, %dma_start3A_1806] : memref<7x32x129xf32, #tpu.memory_space<vmem>> -> memref<1x32x128xf32, #tpu.memory_space<vmem>>
        %dma_start3A_1808 = tpu.memref_squeeze %dma_start3A_1807 : memref<1x32x128xf32, #tpu.memory_space<vmem>> -> memref<32x128xf32, #tpu.memory_space<vmem>>
        %dma_start3A_1809 = arith.constant 0 : i32
        %dma_start3A_1810 = tpu.memref_slice %arg4[%dma_start3A_1809, %multiple_of3A_1799] : memref<32x1000000xf32, #tpu.memory_space<hbm>> -> memref<32x128xf32, #tpu.memory_space<hbm>>
        %dma_start3A_1811 = tpu.memref_slice %arg13[%rem3A_1598] : memref<7x!tpu.dma_semaphore, #tpu.memory_space<semaphore_mem>> -> memref<1x!tpu.dma_semaphore, #tpu.memory_space<semaphore_mem>>
        %dma_start3A_1812 = tpu.memref_squeeze %dma_start3A_1811 : memref<1x!tpu.dma_semaphore, #tpu.memory_space<semaphore_mem>> -> memref<!tpu.dma_semaphore, #tpu.memory_space<semaphore_mem>>
        %dma_start3A_1813 = arith.constant 0 : i32
        %dma_start3A_1814 = arith.constant 0 : i32
        %dma_start3A_1815 = tpu.memref_slice %arg9[%rem3A_1598, %dma_start3A_1813, %dma_start3A_1814] : memref<7x32x129xf32, #tpu.memory_space<vmem>> -> memref<1x32x128xf32, #tpu.memory_space<vmem>>
        %dma_start3A_1816 = tpu.memref_squeeze %dma_start3A_1815 : memref<1x32x128xf32, #tpu.memory_space<vmem>> -> memref<32x128xf32, #tpu.memory_space<vmem>>
        %dma_start3A_1817 = arith.constant 0 : i32
        %dma_start3A_1818 = tpu.memref_slice %arg4[%dma_start3A_1817, %multiple_of3A_1799] : memref<32x1000000xf32, #tpu.memory_space<hbm>> -> memref<32x128xf32, #tpu.memory_space<hbm>>
        tpu.enqueue_dma source(%dma_start3A_1818 : memref<32x128xf32, #tpu.memory_space<hbm>>) target(%dma_start3A_1816 : memref<32x128xf32, #tpu.memory_space<vmem>>) target_semaphore(%dma_start3A_1812 : memref<!tpu.dma_semaphore, #tpu.memory_space<semaphore_mem>>)
        %dma_start3A_1819 = arith.constant 0 : i32
        %dma_start3A_1820 = arith.constant 0 : i32
        %dma_start3A_1821 = tpu.memref_slice %arg10[%rem3A_1598, %dma_start3A_1819, %dma_start3A_1820] : memref<7x32x129xf32, #tpu.memory_space<vmem>> -> memref<1x32x128xf32, #tpu.memory_space<vmem>>
        %dma_start3A_1822 = tpu.memref_squeeze %dma_start3A_1821 : memref<1x32x128xf32, #tpu.memory_space<vmem>> -> memref<32x128xf32, #tpu.memory_space<vmem>>
        %dma_start3A_1823 = arith.constant 0 : i32
        %dma_start3A_1824 = tpu.memref_slice %arg5[%dma_start3A_1823, %multiple_of3A_1804] : memref<32x1000000xf32, #tpu.memory_space<hbm>> -> memref<32x128xf32, #tpu.memory_space<hbm>>
        %dma_start3A_1825 = tpu.memref_slice %arg13[%rem3A_1598] : memref<7x!tpu.dma_semaphore, #tpu.memory_space<semaphore_mem>> -> memref<1x!tpu.dma_semaphore, #tpu.memory_space<semaphore_mem>>
        %dma_start3A_1826 = tpu.memref_squeeze %dma_start3A_1825 : memref<1x!tpu.dma_semaphore, #tpu.memory_space<semaphore_mem>> -> memref<!tpu.dma_semaphore, #tpu.memory_space<semaphore_mem>>
        %dma_start3A_1827 = arith.constant 0 : i32
        %dma_start3A_1828 = arith.constant 0 : i32
        %dma_start3A_1829 = tpu.memref_slice %arg10[%rem3A_1598, %dma_start3A_1827, %dma_start3A_1828] : memref<7x32x129xf32, #tpu.memory_space<vmem>> -> memref<1x32x128xf32, #tpu.memory_space<vmem>>
        %dma_start3A_1830 = tpu.memref_squeeze %dma_start3A_1829 : memref<1x32x128xf32, #tpu.memory_space<vmem>> -> memref<32x128xf32, #tpu.memory_space<vmem>>
        %dma_start3A_1831 = arith.constant 0 : i32
        %dma_start3A_1832 = tpu.memref_slice %arg5[%dma_start3A_1831, %multiple_of3A_1804] : memref<32x1000000xf32, #tpu.memory_space<hbm>> -> memref<32x128xf32, #tpu.memory_space<hbm>>
        tpu.enqueue_dma source(%dma_start3A_1832 : memref<32x128xf32, #tpu.memory_space<hbm>>) target(%dma_start3A_1830 : memref<32x128xf32, #tpu.memory_space<vmem>>) target_semaphore(%dma_start3A_1826 : memref<!tpu.dma_semaphore, #tpu.memory_space<semaphore_mem>>)
      } else {
      }
      %mul3A_1659 = arith.constant 2 : i32
      %mul3A_1660 = arith.muli %mul3A_1659, %scan3A_363 : i32
      %add3A_1661 = arith.constant 14 : i32
      %add3A_1662 = arith.addi %mul3A_1660, %add3A_1661 : i32
      %rem3A_1663 = arith.constant 7 : i32
      %rem3A_1664 = arith.remsi %add3A_1662, %rem3A_1663 : i32
      %dma_wait3A_1665 = arith.constant 0 : i32
      %dma_wait3A_1666 = arith.constant 0 : i32
      %dma_wait3A_1667 = tpu.memref_slice %arg9[%rem3A_1664, %dma_wait3A_1665, %dma_wait3A_1666] : memref<7x32x129xf32, #tpu.memory_space<vmem>> -> memref<1x32x128xf32, #tpu.memory_space<vmem>>
      %dma_wait3A_1668 = tpu.memref_squeeze %dma_wait3A_1667 : memref<1x32x128xf32, #tpu.memory_space<vmem>> -> memref<32x128xf32, #tpu.memory_space<vmem>>
      %dma_wait3A_1669 = arith.constant 0 : i32
      %dma_wait3A_1670 = arith.constant 0 : i32
      %dma_wait3A_1671 = tpu.memref_slice %arg4[%dma_wait3A_1669, %dma_wait3A_1670] : memref<32x1000000xf32, #tpu.memory_space<hbm>> -> memref<32x128xf32, #tpu.memory_space<hbm>>
      %dma_wait3A_1672 = tpu.memref_slice %arg13[%rem3A_1664] : memref<7x!tpu.dma_semaphore, #tpu.memory_space<semaphore_mem>> -> memref<1x!tpu.dma_semaphore, #tpu.memory_space<semaphore_mem>>
      %dma_wait3A_1673 = tpu.memref_squeeze %dma_wait3A_1672 : memref<1x!tpu.dma_semaphore, #tpu.memory_space<semaphore_mem>> -> memref<!tpu.dma_semaphore, #tpu.memory_space<semaphore_mem>>
      %dma_wait3A_1674 = arith.constant 0 : i32
      %dma_wait3A_1675 = arith.constant 0 : i32
      %dma_wait3A_1676 = tpu.memref_slice %arg9[%rem3A_1664, %dma_wait3A_1674, %dma_wait3A_1675] : memref<7x32x129xf32, #tpu.memory_space<vmem>> -> memref<1x32x128xf32, #tpu.memory_space<vmem>>
      %dma_wait3A_1677 = tpu.memref_squeeze %dma_wait3A_1676 : memref<1x32x128xf32, #tpu.memory_space<vmem>> -> memref<32x128xf32, #tpu.memory_space<vmem>>
      %dma_wait3A_1678 = arith.constant 0 : i32
      %dma_wait3A_1679 = arith.constant 0 : i32
      %dma_wait3A_1680 = tpu.memref_slice %arg4[%dma_wait3A_1678, %dma_wait3A_1679] : memref<32x1000000xf32, #tpu.memory_space<hbm>> -> memref<32x128xf32, #tpu.memory_space<hbm>>
      tpu.wait_dma2 semaphore(%dma_wait3A_1673 : memref<!tpu.dma_semaphore, #tpu.memory_space<semaphore_mem>>) src(%dma_wait3A_1680 : memref<32x128xf32, #tpu.memory_space<hbm>>) dst(%dma_wait3A_1677 : memref<32x128xf32, #tpu.memory_space<vmem>>)
      %dma_wait3A_1681 = arith.constant 0 : i32
      %dma_wait3A_1682 = arith.constant 0 : i32
      %dma_wait3A_1683 = tpu.memref_slice %arg10[%rem3A_1664, %dma_wait3A_1681, %dma_wait3A_1682] : memref<7x32x129xf32, #tpu.memory_space<vmem>> -> memref<1x32x128xf32, #tpu.memory_space<vmem>>
      %dma_wait3A_1684 = tpu.memref_squeeze %dma_wait3A_1683 : memref<1x32x128xf32, #tpu.memory_space<vmem>> -> memref<32x128xf32, #tpu.memory_space<vmem>>
      %dma_wait3A_1685 = arith.constant 0 : i32
      %dma_wait3A_1686 = arith.constant 0 : i32
      %dma_wait3A_1687 = tpu.memref_slice %arg5[%dma_wait3A_1685, %dma_wait3A_1686] : memref<32x1000000xf32, #tpu.memory_space<hbm>> -> memref<32x128xf32, #tpu.memory_space<hbm>>
      %dma_wait3A_1688 = tpu.memref_slice %arg13[%rem3A_1664] : memref<7x!tpu.dma_semaphore, #tpu.memory_space<semaphore_mem>> -> memref<1x!tpu.dma_semaphore, #tpu.memory_space<semaphore_mem>>
      %dma_wait3A_1689 = tpu.memref_squeeze %dma_wait3A_1688 : memref<1x!tpu.dma_semaphore, #tpu.memory_space<semaphore_mem>> -> memref<!tpu.dma_semaphore, #tpu.memory_space<semaphore_mem>>
      %dma_wait3A_1690 = arith.constant 0 : i32
      %dma_wait3A_1691 = arith.constant 0 : i32
      %dma_wait3A_1692 = tpu.memref_slice %arg10[%rem3A_1664, %dma_wait3A_1690, %dma_wait3A_1691] : memref<7x32x129xf32, #tpu.memory_space<vmem>> -> memref<1x32x128xf32, #tpu.memory_space<vmem>>
      %dma_wait3A_1693 = tpu.memref_squeeze %dma_wait3A_1692 : memref<1x32x128xf32, #tpu.memory_space<vmem>> -> memref<32x128xf32, #tpu.memory_space<vmem>>
      %dma_wait3A_1694 = arith.constant 0 : i32
      %dma_wait3A_1695 = arith.constant 0 : i32
      %dma_wait3A_1696 = tpu.memref_slice %arg5[%dma_wait3A_1694, %dma_wait3A_1695] : memref<32x1000000xf32, #tpu.memory_space<hbm>> -> memref<32x128xf32, #tpu.memory_space<hbm>>
      tpu.wait_dma2 semaphore(%dma_wait3A_1689 : memref<!tpu.dma_semaphore, #tpu.memory_space<semaphore_mem>>) src(%dma_wait3A_1696 : memref<32x128xf32, #tpu.memory_space<hbm>>) dst(%dma_wait3A_1693 : memref<32x128xf32, #tpu.memory_space<vmem>>)
      %slice3A_1697 = vector.extract_strided_slice %scan3A_364 {offsets = [14], sizes = [1], strides = [1]} : vector<16xi32> to vector<1xi32>
      %squeeze3A_1698 = vector.extract %slice3A_1697[0] : i32 from vector<1xi32>
      %slice3A_1699 = vector.extract_strided_slice %scan3A_365 {offsets = [14], sizes = [1], strides = [1]} : vector<16xi32> to vector<1xi32>
      %squeeze3A_1700 = vector.extract %slice3A_1699[0] : i32 from vector<1xi32>
      %mul3A_1701 = arith.constant 16 : i32
      %mul3A_1702 = arith.muli %scan3A_363, %mul3A_1701 : i32
      %add3A_1703 = arith.constant 14 : i32
      %add3A_1704 = arith.addi %mul3A_1702, %add3A_1703 : i32
      %and3A_1705 = arith.constant 127 : i32
      %and3A_1706 = arith.andi %squeeze3A_1698, %and3A_1705 : i32
      %broadcast_in_dim3A_1707 = vector.broadcast %and3A_1706 : i32 to vector<16xi32>
      %and3A_1708 = arith.constant 127 : i32
      %and3A_1709 = arith.andi %squeeze3A_1700, %and3A_1708 : i32
      %broadcast_in_dim3A_1710 = vector.broadcast %and3A_1709 : i32 to vector<16xi32>
      %broadcast_in_dim3A_1711 = vector.broadcast %rem3A_1664 : i32 to vector<16xi32>
      %gather3A_1712 = tpu.vector_load_idx %arg9[%broadcast_in_dim3A_1711, %iota3A, %broadcast_in_dim3A_1707] : memref<7x32x129xf32, #tpu.memory_space<vmem>>[vector<16xi32>, vector<16xi32>, vector<16xi32>], vector<16xf32>,
      %gather3A_1713 = tpu.vector_load_idx %arg9[%broadcast_in_dim3A_1711, %add3A_28, %broadcast_in_dim3A_1707] : memref<7x32x129xf32, #tpu.memory_space<vmem>>[vector<16xi32>, vector<16xi32>, vector<16xi32>], vector<16xf32>,
      %gather3A_1714 = tpu.vector_load_idx %arg10[%broadcast_in_dim3A_1711, %iota3A, %broadcast_in_dim3A_1710] : memref<7x32x129xf32, #tpu.memory_space<vmem>>[vector<16xi32>, vector<16xi32>, vector<16xi32>], vector<16xf32>,
      %gather3A_1715 = tpu.vector_load_idx %arg10[%broadcast_in_dim3A_1711, %add3A_28, %broadcast_in_dim3A_1710] : memref<7x32x129xf32, #tpu.memory_space<vmem>>[vector<16xi32>, vector<16xi32>, vector<16xi32>], vector<16xf32>,
      %mul3A_1716 = arith.mulf %gather3A_1712, %gather3A_1714 : vector<16xf32>
      %mul3A_1717 = arith.mulf %gather3A_1713, %gather3A_1715 : vector<16xf32>
      %add3A_1718 = arith.addf %mul3A_1716, %mul3A_1717 : vector<16xf32>
      %broadcast_in_dim3A_1719 = vector.broadcast %add3A_1704 : i32 to vector<16xi32>
      tpu.vector_store_idx %arg11[%iota3A, %broadcast_in_dim3A_1719], %add3A_1718 : memref<16x513xf32, #tpu.memory_space<vmem>>[vector<16xi32>, vector<16xi32>], vector<16xf32>,
      %lt3A_1720 = arith.constant 31 : i32
      %lt3A_1721 = arith.cmpi slt, %scan3A_363, %lt3A_1720 : i32
      %convert_element_type3A_1722 = arith.extui %lt3A_1721 : i1 to i32
      %cond3A_1723 = arith.constant 0 : i32
      %cond3A_1724 = arith.cmpi ne, %convert_element_type3A_1722, %cond3A_1723 : i32
      scf.if %cond3A_1724 {
        %slice3A_1791 = vector.extract_strided_slice %get3A_403 {offsets = [5], sizes = [1], strides = [1]} : vector<16xi32> to vector<1xi32>
        %squeeze3A_1792 = vector.extract %slice3A_1791[0] : i32 from vector<1xi32>
        %slice3A_1793 = vector.extract_strided_slice %get3A_406 {offsets = [5], sizes = [1], strides = [1]} : vector<16xi32> to vector<1xi32>
        %squeeze3A_1794 = vector.extract %slice3A_1793[0] : i32 from vector<1xi32>
        %shift_right_arithmetic3A_1795 = arith.constant 7 : i32
        %shift_right_arithmetic3A_1796 = arith.shrsi %squeeze3A_1792, %shift_right_arithmetic3A_1795 : i32
        %shift_left3A_1797 = arith.constant 7 : i32
        %shift_left3A_1798 = arith.shli %shift_right_arithmetic3A_1796, %shift_left3A_1797 : i32
        %multiple_of3A_1799 = tpu.assume_multiple %shift_left3A_1798, 128 : i32
        %shift_right_arithmetic3A_1800 = arith.constant 7 : i32
        %shift_right_arithmetic3A_1801 = arith.shrsi %squeeze3A_1794, %shift_right_arithmetic3A_1800 : i32
        %shift_left3A_1802 = arith.constant 7 : i32
        %shift_left3A_1803 = arith.shli %shift_right_arithmetic3A_1801, %shift_left3A_1802 : i32
        %multiple_of3A_1804 = tpu.assume_multiple %shift_left3A_1803, 128 : i32
        %dma_start3A_1805 = arith.constant 0 : i32
        %dma_start3A_1806 = arith.constant 0 : i32
        %dma_start3A_1807 = tpu.memref_slice %arg9[%rem3A_1664, %dma_start3A_1805, %dma_start3A_1806] : memref<7x32x129xf32, #tpu.memory_space<vmem>> -> memref<1x32x128xf32, #tpu.memory_space<vmem>>
        %dma_start3A_1808 = tpu.memref_squeeze %dma_start3A_1807 : memref<1x32x128xf32, #tpu.memory_space<vmem>> -> memref<32x128xf32, #tpu.memory_space<vmem>>
        %dma_start3A_1809 = arith.constant 0 : i32
        %dma_start3A_1810 = tpu.memref_slice %arg4[%dma_start3A_1809, %multiple_of3A_1799] : memref<32x1000000xf32, #tpu.memory_space<hbm>> -> memref<32x128xf32, #tpu.memory_space<hbm>>
        %dma_start3A_1811 = tpu.memref_slice %arg13[%rem3A_1664] : memref<7x!tpu.dma_semaphore, #tpu.memory_space<semaphore_mem>> -> memref<1x!tpu.dma_semaphore, #tpu.memory_space<semaphore_mem>>
        %dma_start3A_1812 = tpu.memref_squeeze %dma_start3A_1811 : memref<1x!tpu.dma_semaphore, #tpu.memory_space<semaphore_mem>> -> memref<!tpu.dma_semaphore, #tpu.memory_space<semaphore_mem>>
        %dma_start3A_1813 = arith.constant 0 : i32
        %dma_start3A_1814 = arith.constant 0 : i32
        %dma_start3A_1815 = tpu.memref_slice %arg9[%rem3A_1664, %dma_start3A_1813, %dma_start3A_1814] : memref<7x32x129xf32, #tpu.memory_space<vmem>> -> memref<1x32x128xf32, #tpu.memory_space<vmem>>
        %dma_start3A_1816 = tpu.memref_squeeze %dma_start3A_1815 : memref<1x32x128xf32, #tpu.memory_space<vmem>> -> memref<32x128xf32, #tpu.memory_space<vmem>>
        %dma_start3A_1817 = arith.constant 0 : i32
        %dma_start3A_1818 = tpu.memref_slice %arg4[%dma_start3A_1817, %multiple_of3A_1799] : memref<32x1000000xf32, #tpu.memory_space<hbm>> -> memref<32x128xf32, #tpu.memory_space<hbm>>
        tpu.enqueue_dma source(%dma_start3A_1818 : memref<32x128xf32, #tpu.memory_space<hbm>>) target(%dma_start3A_1816 : memref<32x128xf32, #tpu.memory_space<vmem>>) target_semaphore(%dma_start3A_1812 : memref<!tpu.dma_semaphore, #tpu.memory_space<semaphore_mem>>)
        %dma_start3A_1819 = arith.constant 0 : i32
        %dma_start3A_1820 = arith.constant 0 : i32
        %dma_start3A_1821 = tpu.memref_slice %arg10[%rem3A_1664, %dma_start3A_1819, %dma_start3A_1820] : memref<7x32x129xf32, #tpu.memory_space<vmem>> -> memref<1x32x128xf32, #tpu.memory_space<vmem>>
        %dma_start3A_1822 = tpu.memref_squeeze %dma_start3A_1821 : memref<1x32x128xf32, #tpu.memory_space<vmem>> -> memref<32x128xf32, #tpu.memory_space<vmem>>
        %dma_start3A_1823 = arith.constant 0 : i32
        %dma_start3A_1824 = tpu.memref_slice %arg5[%dma_start3A_1823, %multiple_of3A_1804] : memref<32x1000000xf32, #tpu.memory_space<hbm>> -> memref<32x128xf32, #tpu.memory_space<hbm>>
        %dma_start3A_1825 = tpu.memref_slice %arg13[%rem3A_1664] : memref<7x!tpu.dma_semaphore, #tpu.memory_space<semaphore_mem>> -> memref<1x!tpu.dma_semaphore, #tpu.memory_space<semaphore_mem>>
        %dma_start3A_1826 = tpu.memref_squeeze %dma_start3A_1825 : memref<1x!tpu.dma_semaphore, #tpu.memory_space<semaphore_mem>> -> memref<!tpu.dma_semaphore, #tpu.memory_space<semaphore_mem>>
        %dma_start3A_1827 = arith.constant 0 : i32
        %dma_start3A_1828 = arith.constant 0 : i32
        %dma_start3A_1829 = tpu.memref_slice %arg10[%rem3A_1664, %dma_start3A_1827, %dma_start3A_1828] : memref<7x32x129xf32, #tpu.memory_space<vmem>> -> memref<1x32x128xf32, #tpu.memory_space<vmem>>
        %dma_start3A_1830 = tpu.memref_squeeze %dma_start3A_1829 : memref<1x32x128xf32, #tpu.memory_space<vmem>> -> memref<32x128xf32, #tpu.memory_space<vmem>>
        %dma_start3A_1831 = arith.constant 0 : i32
        %dma_start3A_1832 = tpu.memref_slice %arg5[%dma_start3A_1831, %multiple_of3A_1804] : memref<32x1000000xf32, #tpu.memory_space<hbm>> -> memref<32x128xf32, #tpu.memory_space<hbm>>
        tpu.enqueue_dma source(%dma_start3A_1832 : memref<32x128xf32, #tpu.memory_space<hbm>>) target(%dma_start3A_1830 : memref<32x128xf32, #tpu.memory_space<vmem>>) target_semaphore(%dma_start3A_1826 : memref<!tpu.dma_semaphore, #tpu.memory_space<semaphore_mem>>)
      } else {
      }
      %mul3A_1725 = arith.constant 2 : i32
      %mul3A_1726 = arith.muli %mul3A_1725, %scan3A_363 : i32
      %add3A_1727 = arith.constant 15 : i32
      %add3A_1728 = arith.addi %mul3A_1726, %add3A_1727 : i32
      %rem3A_1729 = arith.constant 7 : i32
      %rem3A_1730 = arith.remsi %add3A_1728, %rem3A_1729 : i32
      %dma_wait3A_1731 = arith.constant 0 : i32
      %dma_wait3A_1732 = arith.constant 0 : i32
      %dma_wait3A_1733 = tpu.memref_slice %arg9[%rem3A_1730, %dma_wait3A_1731, %dma_wait3A_1732] : memref<7x32x129xf32, #tpu.memory_space<vmem>> -> memref<1x32x128xf32, #tpu.memory_space<vmem>>
      %dma_wait3A_1734 = tpu.memref_squeeze %dma_wait3A_1733 : memref<1x32x128xf32, #tpu.memory_space<vmem>> -> memref<32x128xf32, #tpu.memory_space<vmem>>
      %dma_wait3A_1735 = arith.constant 0 : i32
      %dma_wait3A_1736 = arith.constant 0 : i32
      %dma_wait3A_1737 = tpu.memref_slice %arg4[%dma_wait3A_1735, %dma_wait3A_1736] : memref<32x1000000xf32, #tpu.memory_space<hbm>> -> memref<32x128xf32, #tpu.memory_space<hbm>>
      %dma_wait3A_1738 = tpu.memref_slice %arg13[%rem3A_1730] : memref<7x!tpu.dma_semaphore, #tpu.memory_space<semaphore_mem>> -> memref<1x!tpu.dma_semaphore, #tpu.memory_space<semaphore_mem>>
      %dma_wait3A_1739 = tpu.memref_squeeze %dma_wait3A_1738 : memref<1x!tpu.dma_semaphore, #tpu.memory_space<semaphore_mem>> -> memref<!tpu.dma_semaphore, #tpu.memory_space<semaphore_mem>>
      %dma_wait3A_1740 = arith.constant 0 : i32
      %dma_wait3A_1741 = arith.constant 0 : i32
      %dma_wait3A_1742 = tpu.memref_slice %arg9[%rem3A_1730, %dma_wait3A_1740, %dma_wait3A_1741] : memref<7x32x129xf32, #tpu.memory_space<vmem>> -> memref<1x32x128xf32, #tpu.memory_space<vmem>>
      %dma_wait3A_1743 = tpu.memref_squeeze %dma_wait3A_1742 : memref<1x32x128xf32, #tpu.memory_space<vmem>> -> memref<32x128xf32, #tpu.memory_space<vmem>>
      %dma_wait3A_1744 = arith.constant 0 : i32
      %dma_wait3A_1745 = arith.constant 0 : i32
      %dma_wait3A_1746 = tpu.memref_slice %arg4[%dma_wait3A_1744, %dma_wait3A_1745] : memref<32x1000000xf32, #tpu.memory_space<hbm>> -> memref<32x128xf32, #tpu.memory_space<hbm>>
      tpu.wait_dma2 semaphore(%dma_wait3A_1739 : memref<!tpu.dma_semaphore, #tpu.memory_space<semaphore_mem>>) src(%dma_wait3A_1746 : memref<32x128xf32, #tpu.memory_space<hbm>>) dst(%dma_wait3A_1743 : memref<32x128xf32, #tpu.memory_space<vmem>>)
      %dma_wait3A_1747 = arith.constant 0 : i32
      %dma_wait3A_1748 = arith.constant 0 : i32
      %dma_wait3A_1749 = tpu.memref_slice %arg10[%rem3A_1730, %dma_wait3A_1747, %dma_wait3A_1748] : memref<7x32x129xf32, #tpu.memory_space<vmem>> -> memref<1x32x128xf32, #tpu.memory_space<vmem>>
      %dma_wait3A_1750 = tpu.memref_squeeze %dma_wait3A_1749 : memref<1x32x128xf32, #tpu.memory_space<vmem>> -> memref<32x128xf32, #tpu.memory_space<vmem>>
      %dma_wait3A_1751 = arith.constant 0 : i32
      %dma_wait3A_1752 = arith.constant 0 : i32
      %dma_wait3A_1753 = tpu.memref_slice %arg5[%dma_wait3A_1751, %dma_wait3A_1752] : memref<32x1000000xf32, #tpu.memory_space<hbm>> -> memref<32x128xf32, #tpu.memory_space<hbm>>
      %dma_wait3A_1754 = tpu.memref_slice %arg13[%rem3A_1730] : memref<7x!tpu.dma_semaphore, #tpu.memory_space<semaphore_mem>> -> memref<1x!tpu.dma_semaphore, #tpu.memory_space<semaphore_mem>>
      %dma_wait3A_1755 = tpu.memref_squeeze %dma_wait3A_1754 : memref<1x!tpu.dma_semaphore, #tpu.memory_space<semaphore_mem>> -> memref<!tpu.dma_semaphore, #tpu.memory_space<semaphore_mem>>
      %dma_wait3A_1756 = arith.constant 0 : i32
      %dma_wait3A_1757 = arith.constant 0 : i32
      %dma_wait3A_1758 = tpu.memref_slice %arg10[%rem3A_1730, %dma_wait3A_1756, %dma_wait3A_1757] : memref<7x32x129xf32, #tpu.memory_space<vmem>> -> memref<1x32x128xf32, #tpu.memory_space<vmem>>
      %dma_wait3A_1759 = tpu.memref_squeeze %dma_wait3A_1758 : memref<1x32x128xf32, #tpu.memory_space<vmem>> -> memref<32x128xf32, #tpu.memory_space<vmem>>
      %dma_wait3A_1760 = arith.constant 0 : i32
      %dma_wait3A_1761 = arith.constant 0 : i32
      %dma_wait3A_1762 = tpu.memref_slice %arg5[%dma_wait3A_1760, %dma_wait3A_1761] : memref<32x1000000xf32, #tpu.memory_space<hbm>> -> memref<32x128xf32, #tpu.memory_space<hbm>>
      tpu.wait_dma2 semaphore(%dma_wait3A_1755 : memref<!tpu.dma_semaphore, #tpu.memory_space<semaphore_mem>>) src(%dma_wait3A_1762 : memref<32x128xf32, #tpu.memory_space<hbm>>) dst(%dma_wait3A_1759 : memref<32x128xf32, #tpu.memory_space<vmem>>)
      %slice3A_1763 = vector.extract_strided_slice %scan3A_364 {offsets = [15], sizes = [1], strides = [1]} : vector<16xi32> to vector<1xi32>
      %squeeze3A_1764 = vector.extract %slice3A_1763[0] : i32 from vector<1xi32>
      %slice3A_1765 = vector.extract_strided_slice %scan3A_365 {offsets = [15], sizes = [1], strides = [1]} : vector<16xi32> to vector<1xi32>
      %squeeze3A_1766 = vector.extract %slice3A_1765[0] : i32 from vector<1xi32>
      %mul3A_1767 = arith.constant 16 : i32
      %mul3A_1768 = arith.muli %scan3A_363, %mul3A_1767 : i32
      %add3A_1769 = arith.constant 15 : i32
      %add3A_1770 = arith.addi %mul3A_1768, %add3A_1769 : i32
      %and3A_1771 = arith.constant 127 : i32
      %and3A_1772 = arith.andi %squeeze3A_1764, %and3A_1771 : i32
      %broadcast_in_dim3A_1773 = vector.broadcast %and3A_1772 : i32 to vector<16xi32>
      %and3A_1774 = arith.constant 127 : i32
      %and3A_1775 = arith.andi %squeeze3A_1766, %and3A_1774 : i32
      %broadcast_in_dim3A_1776 = vector.broadcast %and3A_1775 : i32 to vector<16xi32>
      %broadcast_in_dim3A_1777 = vector.broadcast %rem3A_1730 : i32 to vector<16xi32>
      %gather3A_1778 = tpu.vector_load_idx %arg9[%broadcast_in_dim3A_1777, %iota3A, %broadcast_in_dim3A_1773] : memref<7x32x129xf32, #tpu.memory_space<vmem>>[vector<16xi32>, vector<16xi32>, vector<16xi32>], vector<16xf32>,
      %gather3A_1779 = tpu.vector_load_idx %arg9[%broadcast_in_dim3A_1777, %add3A_28, %broadcast_in_dim3A_1773] : memref<7x32x129xf32, #tpu.memory_space<vmem>>[vector<16xi32>, vector<16xi32>, vector<16xi32>], vector<16xf32>,
      %gather3A_1780 = tpu.vector_load_idx %arg10[%broadcast_in_dim3A_1777, %iota3A, %broadcast_in_dim3A_1776] : memref<7x32x129xf32, #tpu.memory_space<vmem>>[vector<16xi32>, vector<16xi32>, vector<16xi32>], vector<16xf32>,
      %gather3A_1781 = tpu.vector_load_idx %arg10[%broadcast_in_dim3A_1777, %add3A_28, %broadcast_in_dim3A_1776] : memref<7x32x129xf32, #tpu.memory_space<vmem>>[vector<16xi32>, vector<16xi32>, vector<16xi32>], vector<16xf32>,
      %mul3A_1782 = arith.mulf %gather3A_1778, %gather3A_1780 : vector<16xf32>
      %mul3A_1783 = arith.mulf %gather3A_1779, %gather3A_1781 : vector<16xf32>
      %add3A_1784 = arith.addf %mul3A_1782, %mul3A_1783 : vector<16xf32>
      %broadcast_in_dim3A_1785 = vector.broadcast %add3A_1770 : i32 to vector<16xi32>
      tpu.vector_store_idx %arg11[%iota3A, %broadcast_in_dim3A_1785], %add3A_1784 : memref<16x513xf32, #tpu.memory_space<vmem>>[vector<16xi32>, vector<16xi32>], vector<16xf32>,
      %lt3A_1786 = arith.constant 31 : i32
      %lt3A_1787 = arith.cmpi slt, %scan3A_363, %lt3A_1786 : i32
      %convert_element_type3A_1788 = arith.extui %lt3A_1787 : i1 to i32
      %cond3A_1789 = arith.constant 0 : i32
      %cond3A_1790 = arith.cmpi ne, %convert_element_type3A_1788, %cond3A_1789 : i32
      scf.if %cond3A_1790 {
        %slice3A_1791 = vector.extract_strided_slice %get3A_403 {offsets = [6], sizes = [1], strides = [1]} : vector<16xi32> to vector<1xi32>
        %squeeze3A_1792 = vector.extract %slice3A_1791[0] : i32 from vector<1xi32>
        %slice3A_1793 = vector.extract_strided_slice %get3A_406 {offsets = [6], sizes = [1], strides = [1]} : vector<16xi32> to vector<1xi32>
        %squeeze3A_1794 = vector.extract %slice3A_1793[0] : i32 from vector<1xi32>
        %shift_right_arithmetic3A_1795 = arith.constant 7 : i32
        %shift_right_arithmetic3A_1796 = arith.shrsi %squeeze3A_1792, %shift_right_arithmetic3A_1795 : i32
        %shift_left3A_1797 = arith.constant 7 : i32
        %shift_left3A_1798 = arith.shli %shift_right_arithmetic3A_1796, %shift_left3A_1797 : i32
        %multiple_of3A_1799 = tpu.assume_multiple %shift_left3A_1798, 128 : i32
        %shift_right_arithmetic3A_1800 = arith.constant 7 : i32
        %shift_right_arithmetic3A_1801 = arith.shrsi %squeeze3A_1794, %shift_right_arithmetic3A_1800 : i32
        %shift_left3A_1802 = arith.constant 7 : i32
        %shift_left3A_1803 = arith.shli %shift_right_arithmetic3A_1801, %shift_left3A_1802 : i32
        %multiple_of3A_1804 = tpu.assume_multiple %shift_left3A_1803, 128 : i32
        %dma_start3A_1805 = arith.constant 0 : i32
        %dma_start3A_1806 = arith.constant 0 : i32
        %dma_start3A_1807 = tpu.memref_slice %arg9[%rem3A_1730, %dma_start3A_1805, %dma_start3A_1806] : memref<7x32x129xf32, #tpu.memory_space<vmem>> -> memref<1x32x128xf32, #tpu.memory_space<vmem>>
        %dma_start3A_1808 = tpu.memref_squeeze %dma_start3A_1807 : memref<1x32x128xf32, #tpu.memory_space<vmem>> -> memref<32x128xf32, #tpu.memory_space<vmem>>
        %dma_start3A_1809 = arith.constant 0 : i32
        %dma_start3A_1810 = tpu.memref_slice %arg4[%dma_start3A_1809, %multiple_of3A_1799] : memref<32x1000000xf32, #tpu.memory_space<hbm>> -> memref<32x128xf32, #tpu.memory_space<hbm>>
        %dma_start3A_1811 = tpu.memref_slice %arg13[%rem3A_1730] : memref<7x!tpu.dma_semaphore, #tpu.memory_space<semaphore_mem>> -> memref<1x!tpu.dma_semaphore, #tpu.memory_space<semaphore_mem>>
        %dma_start3A_1812 = tpu.memref_squeeze %dma_start3A_1811 : memref<1x!tpu.dma_semaphore, #tpu.memory_space<semaphore_mem>> -> memref<!tpu.dma_semaphore, #tpu.memory_space<semaphore_mem>>
        %dma_start3A_1813 = arith.constant 0 : i32
        %dma_start3A_1814 = arith.constant 0 : i32
        %dma_start3A_1815 = tpu.memref_slice %arg9[%rem3A_1730, %dma_start3A_1813, %dma_start3A_1814] : memref<7x32x129xf32, #tpu.memory_space<vmem>> -> memref<1x32x128xf32, #tpu.memory_space<vmem>>
        %dma_start3A_1816 = tpu.memref_squeeze %dma_start3A_1815 : memref<1x32x128xf32, #tpu.memory_space<vmem>> -> memref<32x128xf32, #tpu.memory_space<vmem>>
        %dma_start3A_1817 = arith.constant 0 : i32
        %dma_start3A_1818 = tpu.memref_slice %arg4[%dma_start3A_1817, %multiple_of3A_1799] : memref<32x1000000xf32, #tpu.memory_space<hbm>> -> memref<32x128xf32, #tpu.memory_space<hbm>>
        tpu.enqueue_dma source(%dma_start3A_1818 : memref<32x128xf32, #tpu.memory_space<hbm>>) target(%dma_start3A_1816 : memref<32x128xf32, #tpu.memory_space<vmem>>) target_semaphore(%dma_start3A_1812 : memref<!tpu.dma_semaphore, #tpu.memory_space<semaphore_mem>>)
        %dma_start3A_1819 = arith.constant 0 : i32
        %dma_start3A_1820 = arith.constant 0 : i32
        %dma_start3A_1821 = tpu.memref_slice %arg10[%rem3A_1730, %dma_start3A_1819, %dma_start3A_1820] : memref<7x32x129xf32, #tpu.memory_space<vmem>> -> memref<1x32x128xf32, #tpu.memory_space<vmem>>
        %dma_start3A_1822 = tpu.memref_squeeze %dma_start3A_1821 : memref<1x32x128xf32, #tpu.memory_space<vmem>> -> memref<32x128xf32, #tpu.memory_space<vmem>>
        %dma_start3A_1823 = arith.constant 0 : i32
        %dma_start3A_1824 = tpu.memref_slice %arg5[%dma_start3A_1823, %multiple_of3A_1804] : memref<32x1000000xf32, #tpu.memory_space<hbm>> -> memref<32x128xf32, #tpu.memory_space<hbm>>
        %dma_start3A_1825 = tpu.memref_slice %arg13[%rem3A_1730] : memref<7x!tpu.dma_semaphore, #tpu.memory_space<semaphore_mem>> -> memref<1x!tpu.dma_semaphore, #tpu.memory_space<semaphore_mem>>
        %dma_start3A_1826 = tpu.memref_squeeze %dma_start3A_1825 : memref<1x!tpu.dma_semaphore, #tpu.memory_space<semaphore_mem>> -> memref<!tpu.dma_semaphore, #tpu.memory_space<semaphore_mem>>
        %dma_start3A_1827 = arith.constant 0 : i32
        %dma_start3A_1828 = arith.constant 0 : i32
        %dma_start3A_1829 = tpu.memref_slice %arg10[%rem3A_1730, %dma_start3A_1827, %dma_start3A_1828] : memref<7x32x129xf32, #tpu.memory_space<vmem>> -> memref<1x32x128xf32, #tpu.memory_space<vmem>>
        %dma_start3A_1830 = tpu.memref_squeeze %dma_start3A_1829 : memref<1x32x128xf32, #tpu.memory_space<vmem>> -> memref<32x128xf32, #tpu.memory_space<vmem>>
        %dma_start3A_1831 = arith.constant 0 : i32
        %dma_start3A_1832 = tpu.memref_slice %arg5[%dma_start3A_1831, %multiple_of3A_1804] : memref<32x1000000xf32, #tpu.memory_space<hbm>> -> memref<32x128xf32, #tpu.memory_space<hbm>>
        tpu.enqueue_dma source(%dma_start3A_1832 : memref<32x128xf32, #tpu.memory_space<hbm>>) target(%dma_start3A_1830 : memref<32x128xf32, #tpu.memory_space<vmem>>) target_semaphore(%dma_start3A_1826 : memref<!tpu.dma_semaphore, #tpu.memory_space<semaphore_mem>>)
      } else {
      }
      scf.yield %get3A_403, %get3A_406 : vector<16xi32>, vector<16xi32>
    }
    %scan3A_356 = arith.constant 32 : i32
    %scan3A_357 = arith.constant 0 : i32
    %scan3A_358 = arith.constant 0 : i32
    %scan3A_359 = arith.constant 32 : i32
    %scan3A_360 = arith.addi %scan3A_358, %scan3A_359 : i32
    %scan3A_361 = arith.constant 1 : i32
    scf.for %scan3A_363 = %scan3A_358 to %scan3A_360 step %scan3A_361  : i32 {
      %mul3A_364 = arith.constant 16 : i32
      %mul3A_365 = arith.muli %scan3A_363, %mul3A_364 : i32
      %get3A_366 = arith.constant 0 : i32
      %get3A_367 = arith.index_cast %get3A_366 : i32 to index
      %get3A_368 = arith.index_cast %mul3A_365 : i32 to index
      %get3A_369 = tpu.vector_load %arg11[%get3A_367, %get3A_368] {strides = array<i32>} : memref<16x513xf32, #tpu.memory_space<vmem>>, vector<16xf32>,
      %get3A_370 = arith.constant 1 : i32
      %get3A_371 = arith.index_cast %get3A_370 : i32 to index
      %get3A_372 = arith.index_cast %mul3A_365 : i32 to index
      %get3A_373 = tpu.vector_load %arg11[%get3A_371, %get3A_372] {strides = array<i32>} : memref<16x513xf32, #tpu.memory_space<vmem>>, vector<16xf32>,
      %add3A_374 = arith.addf %get3A_369, %get3A_373 : vector<16xf32>
      %get3A_375 = arith.constant 2 : i32
      %get3A_376 = arith.index_cast %get3A_375 : i32 to index
      %get3A_377 = arith.index_cast %mul3A_365 : i32 to index
      %get3A_378 = tpu.vector_load %arg11[%get3A_376, %get3A_377] {strides = array<i32>} : memref<16x513xf32, #tpu.memory_space<vmem>>, vector<16xf32>,
      %add3A_379 = arith.addf %add3A_374, %get3A_378 : vector<16xf32>
      %get3A_380 = arith.constant 3 : i32
      %get3A_381 = arith.index_cast %get3A_380 : i32 to index
      %get3A_382 = arith.index_cast %mul3A_365 : i32 to index
      %get3A_383 = tpu.vector_load %arg11[%get3A_381, %get3A_382] {strides = array<i32>} : memref<16x513xf32, #tpu.memory_space<vmem>>, vector<16xf32>,
      %add3A_384 = arith.addf %add3A_379, %get3A_383 : vector<16xf32>
      %get3A_385 = arith.constant 4 : i32
      %get3A_386 = arith.index_cast %get3A_385 : i32 to index
      %get3A_387 = arith.index_cast %mul3A_365 : i32 to index
      %get3A_388 = tpu.vector_load %arg11[%get3A_386, %get3A_387] {strides = array<i32>} : memref<16x513xf32, #tpu.memory_space<vmem>>, vector<16xf32>,
      %add3A_389 = arith.addf %add3A_384, %get3A_388 : vector<16xf32>
      %get3A_390 = arith.constant 5 : i32
      %get3A_391 = arith.index_cast %get3A_390 : i32 to index
      %get3A_392 = arith.index_cast %mul3A_365 : i32 to index
      %get3A_393 = tpu.vector_load %arg11[%get3A_391, %get3A_392] {strides = array<i32>} : memref<16x513xf32, #tpu.memory_space<vmem>>, vector<16xf32>,
      %add3A_394 = arith.addf %add3A_389, %get3A_393 : vector<16xf32>
      %get3A_395 = arith.constant 6 : i32
      %get3A_396 = arith.index_cast %get3A_395 : i32 to index
      %get3A_397 = arith.index_cast %mul3A_365 : i32 to index
      %get3A_398 = tpu.vector_load %arg11[%get3A_396, %get3A_397] {strides = array<i32>} : memref<16x513xf32, #tpu.memory_space<vmem>>, vector<16xf32>,
      %add3A_399 = arith.addf %add3A_394, %get3A_398 : vector<16xf32>
      %get3A_400 = arith.constant 7 : i32
      %get3A_401 = arith.index_cast %get3A_400 : i32 to index
      %get3A_402 = arith.index_cast %mul3A_365 : i32 to index
      %get3A_403 = tpu.vector_load %arg11[%get3A_401, %get3A_402] {strides = array<i32>} : memref<16x513xf32, #tpu.memory_space<vmem>>, vector<16xf32>,
      %add3A_404 = arith.addf %add3A_399, %get3A_403 : vector<16xf32>
      %get3A_405 = arith.constant 8 : i32
      %get3A_406 = arith.index_cast %get3A_405 : i32 to index
      %get3A_407 = arith.index_cast %mul3A_365 : i32 to index
      %get3A_408 = tpu.vector_load %arg11[%get3A_406, %get3A_407] {strides = array<i32>} : memref<16x513xf32, #tpu.memory_space<vmem>>, vector<16xf32>,
      %add3A_409 = arith.addf %add3A_404, %get3A_408 : vector<16xf32>
      %get3A_410 = arith.constant 9 : i32
      %get3A_411 = arith.index_cast %get3A_410 : i32 to index
      %get3A_412 = arith.index_cast %mul3A_365 : i32 to index
      %get3A_413 = tpu.vector_load %arg11[%get3A_411, %get3A_412] {strides = array<i32>} : memref<16x513xf32, #tpu.memory_space<vmem>>, vector<16xf32>,
      %add3A_414 = arith.addf %add3A_409, %get3A_413 : vector<16xf32>
      %get3A_415 = arith.constant 10 : i32
      %get3A_416 = arith.index_cast %get3A_415 : i32 to index
      %get3A_417 = arith.index_cast %mul3A_365 : i32 to index
      %get3A_418 = tpu.vector_load %arg11[%get3A_416, %get3A_417] {strides = array<i32>} : memref<16x513xf32, #tpu.memory_space<vmem>>, vector<16xf32>,
      %add3A_419 = arith.addf %add3A_414, %get3A_418 : vector<16xf32>
      %get3A_420 = arith.constant 11 : i32
      %get3A_421 = arith.index_cast %get3A_420 : i32 to index
      %get3A_422 = arith.index_cast %mul3A_365 : i32 to index
      %get3A_423 = tpu.vector_load %arg11[%get3A_421, %get3A_422] {strides = array<i32>} : memref<16x513xf32, #tpu.memory_space<vmem>>, vector<16xf32>,
      %add3A_424 = arith.addf %add3A_419, %get3A_423 : vector<16xf32>
      %get3A_425 = arith.constant 12 : i32
      %get3A_426 = arith.index_cast %get3A_425 : i32 to index
      %get3A_427 = arith.index_cast %mul3A_365 : i32 to index
      %get3A_428 = tpu.vector_load %arg11[%get3A_426, %get3A_427] {strides = array<i32>} : memref<16x513xf32, #tpu.memory_space<vmem>>, vector<16xf32>,
      %add3A_429 = arith.addf %add3A_424, %get3A_428 : vector<16xf32>
      %get3A_430 = arith.constant 13 : i32
      %get3A_431 = arith.index_cast %get3A_430 : i32 to index
      %get3A_432 = arith.index_cast %mul3A_365 : i32 to index
      %get3A_433 = tpu.vector_load %arg11[%get3A_431, %get3A_432] {strides = array<i32>} : memref<16x513xf32, #tpu.memory_space<vmem>>, vector<16xf32>,
      %add3A_434 = arith.addf %add3A_429, %get3A_433 : vector<16xf32>
      %get3A_435 = arith.constant 14 : i32
      %get3A_436 = arith.index_cast %get3A_435 : i32 to index
      %get3A_437 = arith.index_cast %mul3A_365 : i32 to index
      %get3A_438 = tpu.vector_load %arg11[%get3A_436, %get3A_437] {strides = array<i32>} : memref<16x513xf32, #tpu.memory_space<vmem>>, vector<16xf32>,
      %add3A_439 = arith.addf %add3A_434, %get3A_438 : vector<16xf32>
      %get3A_440 = arith.constant 15 : i32
      %get3A_441 = arith.index_cast %get3A_440 : i32 to index
      %get3A_442 = arith.index_cast %mul3A_365 : i32 to index
      %get3A_443 = tpu.vector_load %arg11[%get3A_441, %get3A_442] {strides = array<i32>} : memref<16x513xf32, #tpu.memory_space<vmem>>, vector<16xf32>,
      %add3A_444 = arith.addf %add3A_439, %get3A_443 : vector<16xf32>
      %neg3A = arith.constant 0.000000e+00 : f32
      %neg3A_445 = vector.broadcast %neg3A : f32 to vector<16xf32>
      %neg3A_446 = arith.subf %neg3A_445, %add3A_444 : vector<16xf32>
      %exp3A = math.exp %neg3A_446 : vector<16xf32>
      %add3A_447 = arith.constant 1.000000e+00 : f32
      %add3A_448 = vector.broadcast %add3A_447 : f32 to vector<16xf32>
      %add3A_449 = arith.addf %add3A_448, %exp3A : vector<16xf32>
      %div3A = arith.constant 1.000000e+00 : f32
      %div3A_450 = vector.broadcast %div3A : f32 to vector<16xf32>
      %div3A_451 = arith.divf %div3A_450, %add3A_449 : vector<16xf32>
      %swap3A = arith.index_cast %mul3A_365 : i32 to index
      %swap3A_452 = tpu.vector_load %arg12[%swap3A] {strides = array<i32>} : memref<512xf32, #tpu.memory_space<vmem>>, vector<16xf32>,
      tpu.vector_store %arg12[%swap3A], %div3A_451 {strides = array<i32>} : memref<512xf32, #tpu.memory_space<vmem>>, vector<16xf32>,
    }
    %scan3A_362 = arith.constant 32 : i32
    "tpu.region"() ({
      %run_scoped3A_363 = tpu.sem_alloc : memref<!tpu.dma_semaphore, #tpu.memory_space<semaphore_mem>>
      %dma_start3A_364 = tpu.memref_slice %arg6[%mul3A_2] : memref<16384xf32, #tpu.memory_space<hbm>> -> memref<512xf32, #tpu.memory_space<hbm>>
      %dma_start3A_365 = tpu.memref_slice %arg6[%mul3A_2] : memref<16384xf32, #tpu.memory_space<hbm>> -> memref<512xf32, #tpu.memory_space<hbm>>
      tpu.enqueue_dma source(%arg12 : memref<512xf32, #tpu.memory_space<vmem>>) target(%dma_start3A_365 : memref<512xf32, #tpu.memory_space<hbm>>) target_semaphore(%run_scoped3A_363 : memref<!tpu.dma_semaphore, #tpu.memory_space<semaphore_mem>>)
      %dma_wait3A = tpu.memref_slice %arg6[%mul3A_2] : memref<16384xf32, #tpu.memory_space<hbm>> -> memref<512xf32, #tpu.memory_space<hbm>>
      %dma_wait3A_366 = tpu.memref_slice %arg6[%mul3A_2] : memref<16384xf32, #tpu.memory_space<hbm>> -> memref<512xf32, #tpu.memory_space<hbm>>
      tpu.wait_dma2 semaphore(%run_scoped3A_363 : memref<!tpu.dma_semaphore, #tpu.memory_space<semaphore_mem>>) src(%arg12 : memref<512xf32, #tpu.memory_space<vmem>>) dst(%dma_wait3A_366 : memref<512xf32, #tpu.memory_space<hbm>>)
      tpu.yield
    }) : () -> ()
    return
  }
}

</mosaic_0001>

<sc_bundles>
// kernel: kernel.3.cloned.1.call-start
scs
__scs_entry_jumppad:
0x0: {  	(pc) =	sbr.rel $0x88, $3  }
0x1: {  	(tag) =	ssettag $0x0;
	lr =	simm.s32 $0x1  }
0x2: {  	[smem:$0x3F9E] =	sst lr;
	_ =	strace $0xD0000000  }
0x3: {  	_ = 	snop  }
0x4: {  	_ = 	snop  }
0x5: {  	_ = 	snop  }
0x6: {  	_ = 	snop  }
0x7: {  	_ = 	snop  }
__scs_overlays_trampoline_lowered:
0x8: {  	[smem:$0x3FAD] =	sst s0  }
0x9: {  	[smem:$0x3FAE] =	sst s1  }
0xa: {  	[smem:$0x3FAF] =	sst s2  }
0xb: {  	[smem:$0x3FB0] =	sst s3  }
0xc: {  	[smem:$0x3FB1] =	sst s4  }
0xd: {  	[smem:$0x3FB2] =	sst s5  }
0xe: {  	[smem:$0x3FB3] =	sst s6  }
0xf: {  	[smem:$0x3FB4] =	sst s7  }
0x10: {  	[smem:$0x3FB5] =	sst s8  }
0x11: {  	[smem:$0x3FB6] =	sst s9;
	s0 =	simm.s32 @!p0 $0x0  }
0x12: {  	s1 =	sld [smem:$0x3F9C];
	s0 =	simm.s32 @p0 $0x1  }
0x13: {  	[smem:$0x3FB7] =	sst s0;
	s0 =	simm.s32 @!p1 $0x0  }
0x14: {  	s2 =	sld [smem:$0x3F9B];
	s0 =	simm.s32 @p1 $0x1  }
0x15: {  	[smem:$0x3FB8] =	sst s0;
	s0 =	simm.s32 @!p2 $0x0  }
0x16: {  	s3 =	sld [smem:$0x3FDB];
	s0 =	simm.s32 @p2 $0x1  }
0x17: {  	s4 =	simm.s32 $0x1BF5;
	[smem:$0x3FBA] =	sst s0  }
0x18: {  	s0 =	sld [smem:$0x3F9D];
	_ =	swait.ge [sflag:s4], $0x0  }
0x19: {  	s7 =	sld [smem:$0x3F9E]  }
0x1a: {  	s8 =	sadd.s32 $0xFFFFE003, lr  }
0x1b: {  	s9 =	sadd.s32 $0xFFFFFEF7, lr;
	s5 =	simm.s32 $0xFFFFFFFF;
	p2 =	slt.u32 s8, $0xFFFFF086  }
0x1c: {  	p1 =	slt.u32 s9, $0xF7A;
	s5 =	simm.s32 @!p2 $0x0  }
0x1d: {  	s5 =	simm.s32 @p1 $0x1;
	p0 =	seq.s32 s7, s2  }
0x1e: {  	s7 =	smul.u32 @!p0 $0xF7A, s2;
	p2 =	seq.s32 @!p0 s5, $0x0  }
0x1f: {  	s9 =	smul.u32 $0xF7A, s1;
	s8 =	simm.s32 @!p0 $0x1BF5;
	p2 =	por !p2, p0  }
0x20: {  	[sflag:s8] =	ssyncset.s32 @!p0 $0xFFFFF086;
	s6 =	sadd.s32 @!p0 s3, s7;
	s7 =	simm.s32 @!p0 $0x108  }
0x21: {  	s3 =	sadd.s32 s3, s9;
	s6 =	sadd.s32 @!p0 $0x88, s6;
	s7 =	simm.s32 @p2 $0x1082  }
0x22: {  	[simem:s7], [sflag:s8] =	dma.local @!p0 [hbm:s6], $0xF7A  }
0x23: {  	s9 =	sor.u32 $0xD0000000, s2;
	s6 =	simm.s32 $0x108;
	_ =	swait.ge @!p0 [sflag:s8], $0x0  }
0x24: {  	s3 =	sadd.s32 $0x88, s3;
	s6 =	simm.s32 @!p1 $0x1082;
	[sflag:s4] =	ssyncset.s32 $0xFFFFF086  }
0x25: {  	[simem:s6], [sflag:s4] =	dma.local [hbm:s3], $0xF7A  }
0x26: {  	[smem:$0x3F9E] =	sst s1;
	(tag) =	ssettag s2;
	_ =	strace s9  }
0x27: {  	s1 =	sld [smem:$0x3FAE]  }
0x28: {  	s2 =	sld [smem:$0x3FAF]  }
0x29: {  	s4 =	sld [smem:$0x3FB1]  }
0x2a: {  	p0 =	seq.s32 s5, $0x0;
	s5 =	sld [smem:$0x3FB2]  }
0x2b: {  	s6 =	sld [smem:$0x3FB3]  }
0x2c: {  	s7 =	sld [smem:$0x3FB4]  }
0x2d: {  	s3 =	simm.s32 $0x108;
	s8 =	sld [smem:$0x3FB5]  }
0x2e: {  	s3 =	simm.s32 @!p0 $0x1082;
	s9 =	sld [smem:$0x3FB6]  }
0x2f: {  	lr =	sadd.s32 s0, s3;
	s0 =	sld [smem:$0x3FAD]  }
0x30: {  	s3 =	sld [smem:$0x3FB0]  }
0x31: {  	[smem:$0x3FB9] =	sst s10  }
0x32: {  	s10 =	sld [smem:$0x3FB7];
	_ =	sdelay $0x3  }
0x33: {  	p0 =	seq.s32 s10, $0x1;
	s10 =	sld [smem:$0x3FB9];
	_ =	sdelay $0x3  }
0x34: {  	[smem:$0x3FB9] =	sst s10  }
0x35: {  	s10 =	sld [smem:$0x3FB8];
	_ =	sdelay $0x3  }
0x36: {  	p1 =	seq.s32 s10, $0x1;
	s10 =	sld [smem:$0x3FB9];
	_ =	sdelay $0x3  }
0x37: {  	[smem:$0x3FB9] =	sst s10  }
0x38: {  	s10 =	sld [smem:$0x3FBA]  }
0x39: {  	_ = 	snop;
	(pc) =	sbr.ind lr, $3  }
0x3a: {  	_ = 	snop  }
0x3b: {  	_ = 	snop  }
0x3c: {  	p2 =	seq.s32 s10, $0x1;
	s10 =	sld [smem:$0x3FB9]  }
0x3d: {  	_ =	shalt  }
0x3e: {  	_ =	shalt  }
0x3f: {  	_ =	shalt  }
0x40: {  	_ =	shalt  }
0x41: {  	_ =	shalt  }
0x42: {  	_ =	shalt  }
0x43: {  	_ =	shalt  }
0x44: {  	_ =	shalt  }
0x45: {  	_ =	shalt  }
0x46: {  	_ =	shalt  }
0x47: {  	_ =	shalt  }
0x48: {  	_ =	shalt  }
0x49: {  	_ =	shalt  }
0x4a: {  	_ =	shalt  }
0x4b: {  	_ =	shalt  }
0x4c: {  	_ =	shalt  }
0x4d: {  	_ =	shalt  }
0x4e: {  	_ =	shalt  }
0x4f: {  	_ =	shalt  }
0x50: {  	_ =	shalt  }
0x51: {  	_ =	shalt  }
0x52: {  	_ =	shalt  }
0x53: {  	_ =	shalt  }
0x54: {  	_ =	shalt  }
0x55: {  	_ =	shalt  }
0x56: {  	_ =	shalt  }
0x57: {  	_ =	shalt  }
0x58: {  	_ =	shalt  }
0x59: {  	_ =	shalt  }
0x5a: {  	_ =	shalt  }
0x5b: {  	_ =	shalt  }
0x5c: {  	_ =	shalt  }
0x5d: {  	_ =	shalt  }
0x5e: {  	_ =	shalt  }
0x5f: {  	_ =	shalt  }
0x60: {  	_ =	shalt  }
0x61: {  	_ =	shalt  }
0x62: {  	_ =	shalt  }
0x63: {  	_ =	shalt  }
0x64: {  	_ =	shalt  }
0x65: {  	_ =	shalt  }
0x66: {  	_ =	shalt  }
0x67: {  	_ =	shalt  }
0x68: {  	_ =	shalt  }
0x69: {  	_ =	shalt  }
0x6a: {  	_ =	shalt  }
0x6b: {  	_ =	shalt  }
0x6c: {  	_ =	shalt  }
0x6d: {  	_ =	shalt  }
0x6e: {  	_ =	shalt  }
0x6f: {  	_ =	shalt  }
0x70: {  	_ =	shalt  }
0x71: {  	_ =	shalt  }
0x72: {  	_ =	shalt  }
0x73: {  	_ =	shalt  }
0x74: {  	_ =	shalt  }
0x75: {  	_ =	shalt  }
0x76: {  	_ =	shalt  }
0x77: {  	_ =	shalt  }
0x78: {  	_ =	shalt  }
0x79: {  	_ =	shalt  }
0x7a: {  	_ =	shalt  }
0x7b: {  	_ =	shalt  }
0x7c: {  	_ =	shalt  }
0x7d: {  	_ =	shalt  }
0x7e: {  	_ =	shalt  }
0x7f: {  	_ =	shalt  }
0x80: {  	_ =	shalt  }
0x81: {  	_ =	shalt  }
0x82: {  	_ =	shalt  }
0x83: {  	_ =	shalt  }
0x84: {  	_ =	shalt  }
0x85: {  	_ =	shalt  }
0x86: {  	_ =	shalt  }
0x87: {  	_ =	shalt  }
.Lfunc_end0:
.L_simem_size_0:
called_computation_lowered:
.L_overlay_start_0:
0x88: {  	s2 =	sld [smem:$0x3FD9]  }
0x89: {  	s3 =	sld [smem:$0x3FFE];
	_ =	sdelay $0x1  }
0x8a: {  	s1 =	srdreg.scid  }
0x8b: {  	s0 =	sand.u32 $0x1, s1  }
0x8c: {  	s17 =	sshll.u32 s0, $0xA;
	s2 =	sadd.s32 s3, s2  }
0x8d: {  	s2 =	sadd.s32 s2, s17  }
0x8e: {  	[smem:$0x3FC5] =	sst s2  }
0x8f: {  	_ = 	snop  }
0x90: {  	s2 =	sld [smem:$0x3FC8]  }
0x91: {  	s18 =	sld [smem:$0x3FC7]  }
0x92: {  	s4 =	sld [smem:$0x3FD0];
	(tm) =	ssettm $0x1  }
0x93: {  	s5 =	sld [smem:$0x3FFB];
	_ =	sdelay $0x3  }
0x94: {  	_ =	strace s5  }
0x95: {  	s5 =	sld [smem:$0x3FFC];
	_ =	sdelay $0x3  }
0x96: {  	_ =	strace s5  }
0x97: {  	s5 =	sld [smem:$0x3FFD];
	_ =	sdelay $0x3  }
0x98: {  	_ =	strace s5  }
0x99: {  	_ =	strace $0x8FFFFFFF  }
0x9a: {  	s19 =	sld [smem:$0x3FDB];
	_ =	sdelay $0x1  }
0x9b: {  	s6 =	simm.s32 $_scs_section_size  }
0x9c: {  	s7 =	simm.s32 $_size__tile_overlayer_lowered;
	s8 =	simm.s32 $_tile_overlayer_lowered  }
0x9d: {  	s22 =	simm.s32 $0x1BFF;
	s21 =	sshll.u32 s8, $0x1;
	s5 =	sadd.s32 s6, s19  }
0x9e: {  	s9 =	simm.s32 $0x0;
	s20 =	sshll.u32 s7, $0x1;
	s7 =	sadd.s32 s21, s5  }
0x9f: {  	[timem:s9], [sflag:s22] =	dma.local [hbm:s7], s20  }
0xa0: {  	_ =	swait.ge [sflag:s22], s20  }
0xa1: {  	s6 =	ssub.s32 $0x0, s20;
	[sflag:s22] =	ssyncset.done $0x0  }
0xa2: {  	[sflag:s22] =	ssyncadd.s32 s6;
	_ =	sdelay $0x1  }
0xa3: {  	s23 =	simm.s32 $0x1B8B  }
0xa4: {  	_ =	swait.ge [sflag:s23], $0x1  }
0xa5: {  	[sflag:s23] =	ssyncset.done $0x0  }
0xa6: {  	s25 =	simm.s32 $0x1B8E;
	s24 =	sld [smem:$0x3FFE];
	[sflag:s23] =	ssyncadd.s32 $0xFFFFFFFF  }
0xa7: {  	s26 =	simm.s32 $execute0_lowered;
	[smem:$0x3FD2] =	sst s25  }
0xa8: {  	s7 =	sshll.u32 s26, $0x1;
	_ =	strace $0x80000046;
	[dreg:$0x1] =	wrdreg $0xFFFFFFFF  }
0xa9: {  	s28 =	simm.s32 $_size_execute0_lowered;
	s5 =	sadd.s32 s5, s7;
	[dreg:$0x0] =	wrdreg $0x0  }
0xaa: {  	s7 =	sshll.u32 s28, $0x1;
	[dreg:$0x2] =	wrdreg s5  }
0xab: {  	[dreg:$0x3] =	wrdreg s7  }
0xac: {  	[dreg:$0x4] =	wrdreg $0xC0  }
0xad: {  	_ =	task [dreg:s9], $0x5FFFF  }
0xae: {  	[dreg:$0x1] =	wrdreg $0xFFFFFFFF  }
0xaf: {  	[dreg:$0x0] =	wrdreg $0x60  }
0xb0: {  	[dreg:$0x2] =	wrdreg s24  }
0xb1: {  	[dreg:$0x3] =	wrdreg s2  }
0xb2: {  	[dreg:$0x4] =	wrdreg s18  }
0xb3: {  	[dreg:$0x5] =	wrdreg s4  }
0xb4: {  	[dreg:$0x6] =	wrdreg $0x9  }
0xb5: {  	_ =	task.clear_ibuf [dreg:s9], $0x7FFFF;
	_ =	strace $0x90000046  }
0xb6: {  	s29 =	simm.s32 $0x9;
	_ =	strace $0x80000048  }
0xb7: {  	_ =	swait.ge [sflag:s29], $0x1  }
0xb8: {  	[sflag:s29] =	ssyncadd.s32 $0xFFFFFFFF  }
0xb9: {  	_ =	strace $0x90000048  }
0xba: {  	_ =	sfence  }
0xbb: {  	s30 =	sld [smem:$0x0];
	_ =	sdelay $0x2  }
0xbc: {  	s31 =	sshll.u32 s1, $0xD;
	s1 =	sshrl.u32 s1, $0x2  }
0xbd: {  	s3 =	sand.u32 $0x4000, s31;
	s1 =	sadd.s32 s1, s30  }
0xbe: {  	s0 =	sor.u32 s3, s0;
	s1 =	sshll.u32 s1, $0x11  }
0xbf: {  	s0 =	sor.u32 s1, s0  }
0xc0: {  	s0 =	sadd.s32 $0x8F2B, s0  }
0xc1: {  	[sflag:s0] =	ssyncadd.remote.s32 $0x1  }
0xc2: {  	_ =	sfence.sel $0xFFFF  }
0xc3: {  	[dreg:$0x0] =	wrdreg $0xFFFFFFFF;
	(pc) =	sbr.abs _section_cstart, $3  }
0xc4: {  	[dreg:$0x1] =	wrdreg $0xFFFFFFFF  }
0xc5: {  	_ =	task.clear_ibuf [dreg:s9], $0x2FFFF;
	_ =	strace $0x9FFFFFFF  }
0xc6: {  	(tm) =	ssettm $0x7FFFFFFF  }
0xc7: {  	_ =	shalt  }
tec
execute0_lowered:
.L_overlay_start_1:
0x0: {  	(tag) =	ssettag $0x1  }
0x1: {  	v0 =	vimm.s32 $0xB80;
	vm7 =	vcmask $0x300;
	vm6 =	vcmask $0x704  }
0x2: {  	vm5 =	vcmask $0xB08;
	vm4 =	vcmask $0xF0C;
	vm3 =	vcmask $0x1310  }
0x3: {  	vm1 =	vcmask $0x1714;
	vm0 =	vcmask $0x1B18;
	vm2 =	vcmask $0x1F1C  }
0x4: {  	v1 =	vimm.s32 $0x1B80;
	v2 =	vimm.s32 $0x1780;
	vm9 =	vcmask $0x2320  }
0x5: {  	s0 =	rddreg [dreg:$0x0];
	vm10 =	vcmask $0x2724;
	vm11 =	vcmask $0x2B28;
	vm12 =	vcmask $0x2F2C  }
0x6: {  	s1 =	rddreg [dreg:$0x1];
	vm13 =	vcmask $0x3330;
	vm14 =	vcmask $0x3734;
	vm15 =	vcmask $0x3B38  }
0x7: {  	s2 =	rddreg [dreg:$0x2];
	s5 =	srdreg.scid;
	v0 =	vsel vm7, $0x0, v0;
	v1 =	vsel vm7, $0x1000, v1;
	v2 =	vsel vm7, $0x0, v2  }
0x8: {  	s4 =	rddreg [dreg:$0x3];
	s8 =	stileid.u32;
	s5 =	sand.u32 $0x1, s5;
	v0 =	vsel vm6, $0x80, v0;
	v1 =	vsel vm6, $0x1080, v1;
	v2 =	vsel vm6, $0x80, v2  }
0x9: {  	s8 =	sshll.u32 s8, $0x7;
	s7 =	ssub.s32 $0x2, s5;
	s5 =	sshll.u32 s5, $0x6;
	v0 =	vsel vm5, $0x100, v0;
	v1 =	vsel vm5, $0x1100, v1;
	v2 =	vsel vm5, $0x100, v2  }
0xa: {  	s3 =	simm.s32 $0x0;
	s6 =	sadd.s32 $0xE00, s0;
	s5 =	sor.u32 s5, s8;
	v0 =	vsel vm4, $0x180, v0;
	v1 =	vsel vm4, $0x1180, v1;
	v2 =	vsel vm4, $0x180, v2  }
0xb: {  	[smem:$0x7FF] =	sst s3;
	s0 =	sadd.s32 $0x600, s0;
	s8 =	sadd.s32 s6, s5;
	v0 =	vsel vm3, $0x200, v0;
	v1 =	vsel vm3, $0x1200, v1;
	v2 =	vsel vm3, $0x200, v2  }
0xc: {  	_ =	strace $0x80000047;
	s23 =	sadd.s32 s0, s5;
	[dreg:$0x5] =	wrdreg s8;
	v0 =	vsel vm1, $0x280, v0;
	v1 =	vsel vm1, $0x1280, v1;
	v2 =	vsel vm1, $0x280, v2  }
0xd: {  	s22 =	sor.u32 $0x10, s5;
	s30 =	sadd.s32 s4, s5;
	[dreg:$0x6] =	wrdreg s23;
	v0 =	vsel vm0, $0x300, v0;
	v1 =	vsel vm0, $0x1300, v1;
	v2 =	vsel vm0, $0x300, v2  }
0xe: {  	s9 =	sshrl.u32 s7, $0x1;
	s24 =	sadd.s32 s6, s22;
	[dreg:$0xd] =	wrdreg s30;
	v0 =	vsel vm2, $0x380, v0;
	v1 =	vsel vm2, $0x1380, v1;
	v2 =	vsel vm2, $0x380, v2  }
0xf: {  	s25 =	sor.u32 $0x20, s5;
	s8 =	sadd.s32 s0, s22;
	[dreg:$0x7] =	wrdreg s24;
	v0 =	vsel vm9, $0x800, v0;
	v1 =	vsel vm9, $0x1800, v1;
	v2 =	vsel vm9, $0x1400, v2  }
0x10: {  	s7 =	ssub.s32 s7, s9;
	s26 =	sadd.s32 s6, s25;
	[dreg:$0x8] =	wrdreg s8;
	v0 =	vsel vm10, $0x880, v0;
	v1 =	vsel vm10, $0x1880, v1;
	v2 =	vsel vm10, $0x1480, v2  }
0x11: {  	s29 =	sor.u32 $0x30, s5;
	s9 =	sadd.s32 s0, s25;
	[dreg:$0x9] =	wrdreg s26;
	v0 =	vsel vm11, $0x900, v0;
	v1 =	vsel vm11, $0x1900, v1;
	v2 =	vsel vm11, $0x1500, v2  }
0x12: {  	s28 =	simm.s32 $0xE400;
	s6 =	sadd.s32 s6, s29;
	[dreg:$0xa] =	wrdreg s9;
	v0 =	vsel vm12, $0x980, v0;
	v1 =	vsel vm12, $0x1980, v1;
	v2 =	vsel vm12, $0x1580, v2  }
0x13: {  	s17 =	simm.s32 $0x1C400;
	s0 =	sadd.s32 s0, s29;
	[dreg:$0xb] =	wrdreg s6;
	v0 =	vsel vm13, $0xA00, v0;
	v1 =	vsel vm13, $0x1A00, v1;
	v2 =	vsel vm13, $0x1600, v2  }
0x14: {  	s4 =	simm.s32 $0x8;
	s31 =	smax.u32 s7, $0x1;
	[dreg:$0xc] =	wrdreg s0;
	v0 =	vsel vm14, $0xA80, v0;
	v1 =	vsel vm14, $0x1A80, v1;
	v2 =	vsel vm14, $0x1680, v2  }
0x15: {  	s5 =	simm.s32 $0x0;
	s23 =	simm.s32 $0x400;
	[dreg:$0xe] =	wrdreg s31;
	v0 =	vsel vm15, $0xB00, v0;
	v1 =	vsel vm15, $0x1B00, v1;
	v2 =	vsel vm15, $0x1700, v2  }
.LBB2_1:
0x16: {  	[dreg:$0xf] =	wrdreg s5  }
0x17: {  	s0 =	rddreg [dreg:$0x5]  }
0x18: {  	[tilespmem:s3], [sflag:$0x8] =	stream.linear.gather [hbm4b:s0+s3], $0x80, $0x38;
	[tilespmem:$0x1EE00] =	vst v63  }
0x19: {  	_ =	swait.ge [sflag:s4], $0x80  }
0x1a: {  	[sflag:s4] =	ssyncset.done $0x0  }
0x1b: {  	s10 =	simm.s32 $0x200;
	s9 =	rddreg [dreg:$0x6];
	[sflag:s4] =	ssyncadd.s32 $0xFFFFFF80  }
0x1c: {  	[tilespmem:s10], [sflag:$0x8] =	stream.linear.gather [hbm4b:s9+s3], $0x80, $0x38;
	[tilespmem:$0x1EE00] =	vst v63  }
0x1d: {  	_ =	swait.ge [sflag:s4], $0x80  }
0x1e: {  	[sflag:s4] =	ssyncset.done $0x0  }
0x1f: {  	s12 =	simm.s32 $0x80;
	s11 =	rddreg [dreg:$0x7];
	[sflag:s4] =	ssyncadd.s32 $0xFFFFFF80  }
0x20: {  	[tilespmem:s12], [sflag:$0x8] =	stream.linear.gather [hbm4b:s11+s3], $0x80, $0x38;
	[tilespmem:$0x1EE00] =	vst v63  }
0x21: {  	_ =	swait.ge [sflag:s4], $0x80  }
0x22: {  	[sflag:s4] =	ssyncset.done $0x0  }
0x23: {  	s14 =	simm.s32 $0x280;
	s13 =	rddreg [dreg:$0x8];
	[sflag:s4] =	ssyncadd.s32 $0xFFFFFF80  }
0x24: {  	[tilespmem:s14], [sflag:$0x8] =	stream.linear.gather [hbm4b:s13+s3], $0x80, $0x38;
	[tilespmem:$0x1EE00] =	vst v63  }
0x25: {  	_ =	swait.ge [sflag:s4], $0x80  }
0x26: {  	[sflag:s4] =	ssyncset.done $0x0  }
0x27: {  	s16 =	simm.s32 $0x100;
	s15 =	rddreg [dreg:$0x9];
	[sflag:s4] =	ssyncadd.s32 $0xFFFFFF80  }
0x28: {  	[tilespmem:s16], [sflag:$0x8] =	stream.linear.gather [hbm4b:s15+s3], $0x80, $0x38;
	[tilespmem:$0x1EE00] =	vst v63  }
0x29: {  	_ =	swait.ge [sflag:s4], $0x80  }
0x2a: {  	[sflag:s4] =	ssyncset.done $0x0  }
0x2b: {  	s19 =	simm.s32 $0x300;
	s18 =	rddreg [dreg:$0xa];
	[sflag:s4] =	ssyncadd.s32 $0xFFFFFF80  }
0x2c: {  	[tilespmem:s19], [sflag:$0x8] =	stream.linear.gather [hbm4b:s18+s3], $0x80, $0x38;
	[tilespmem:$0x1EE00] =	vst v63  }
0x2d: {  	_ =	swait.ge [sflag:s4], $0x80  }
0x2e: {  	[sflag:s4] =	ssyncset.done $0x0  }
0x2f: {  	s21 =	simm.s32 $0x180;
	s20 =	rddreg [dreg:$0xb];
	[sflag:s4] =	ssyncadd.s32 $0xFFFFFF80  }
0x30: {  	[tilespmem:s21], [sflag:$0x8] =	stream.linear.gather [hbm4b:s20+s3], $0x80, $0x38;
	[tilespmem:$0x1EE00] =	vst v63  }
0x31: {  	_ =	swait.ge [sflag:s4], $0x80  }
0x32: {  	[sflag:s4] =	ssyncset.done $0x0  }
0x33: {  	s24 =	simm.s32 $0x380;
	s22 =	rddreg [dreg:$0xc];
	[sflag:s4] =	ssyncadd.s32 $0xFFFFFF80  }
0x34: {  	[tilespmem:s24], [sflag:$0x8] =	stream.linear.gather [hbm4b:s22+s3], $0x80, $0x38;
	[tilespmem:$0x1EE00] =	vst v63  }
0x35: {  	_ =	swait.ge [sflag:s4], $0x80  }
0x36: {  	[sflag:s4] =	ssyncset.done $0x0  }
0x37: {  	[sflag:s4] =	ssyncadd.s32 $0xFFFFFF80  }
0x38: {  	v6 =	vld [tilespmem:$0x0];
	_ =	sdelay $0x4  }
0x39: {  	(v2sf) =	vpush v6, $0x0;
	_ =	sdelay $0x2  }
0x3a: {  	v5 =	vld [tilespmem:$0x200];
	_ =	sdelay $0x4  }
0x3b: {  	(v2sf) =	vpush v5, $0x0;
	_ =	sdelay $0x6  }
0x3c: {  	s25 =	spop (v2sf)  }
0x3d: {  	s0 =	sand.u32 $0xFFFFF80, s25  }
0x3e: {  	(v2sf) =	vpush v6, $0x1;
	s0 =	sadd.s32 s1, s0  }
0x3f: {  	[tilespmem:s23], [sflag:$0x1] =	stream.linear.gather [hbm4b:s0+s3], $0x400, $0x38;
	[tilespmem:$0x1EE00] =	vst v63  }
0x40: {  	s29 =	simm.s32 $0xC00;
	s26 =	sadd.s32 $0xF4280, s0  }
0x41: {  	[tilespmem:s29], [sflag:$0x1] =	stream.linear.gather [hbm4b:s26+s3], $0x400, $0x38;
	[tilespmem:$0x1EE00] =	vst v63  }
0x42: {  	s31 =	simm.s32 $0x1400;
	s30 =	sadd.s32 $0x1E8500, s0  }
0x43: {  	[tilespmem:s31], [sflag:$0x1] =	stream.linear.gather [hbm4b:s30+s3], $0x400, $0x38;
	[tilespmem:$0x1EE00] =	vst v63  }
0x44: {  	s5 =	simm.s32 $0x1C00;
	s6 =	spop (v2sf);
	s0 =	sadd.s32 $0x2DC780, s0  }
0x45: {  	[tilespmem:s5], [sflag:$0x1] =	stream.linear.gather [hbm4b:s0+s3], $0x400, $0x38;
	[tilespmem:$0x1EE00] =	vst v63  }
0x46: {  	s0 =	sand.u32 $0xFFFFF80, s6  }
0x47: {  	(v2sf) =	vpush v5, $0x1;
	s0 =	sadd.s32 s2, s0  }
0x48: {  	[tilespmem:s28], [sflag:$0x1] =	stream.linear.gather [hbm4b:s0+s3], $0x400, $0x38;
	[tilespmem:$0x1EE00] =	vst v63  }
0x49: {  	s8 =	simm.s32 $0xEC00;
	s7 =	sadd.s32 $0xF4280, s0  }
0x4a: {  	[tilespmem:s8], [sflag:$0x1] =	stream.linear.gather [hbm4b:s7+s3], $0x400, $0x38;
	[tilespmem:$0x1EE00] =	vst v63  }
0x4b: {  	s10 =	simm.s32 $0xF400;
	s9 =	sadd.s32 $0x1E8500, s0  }
0x4c: {  	[tilespmem:s10], [sflag:$0x1] =	stream.linear.gather [hbm4b:s9+s3], $0x400, $0x38;
	[tilespmem:$0x1EE00] =	vst v63  }
0x4d: {  	s11 =	simm.s32 $0xFC00;
	s0 =	sadd.s32 $0x2DC780, s0;
	s12 =	spop (v2sf)  }
0x4e: {  	[tilespmem:s11], [sflag:$0x1] =	stream.linear.gather [hbm4b:s0+s3], $0x400, $0x38;
	[tilespmem:$0x1EE00] =	vst v63  }
0x4f: {  	s0 =	sand.u32 $0xFFFFF80, s12  }
0x50: {  	s13 =	simm.s32 $0x2400;
	(v2sf) =	vpush v6, $0x2;
	s0 =	sadd.s32 s1, s0  }
0x51: {  	[tilespmem:s13], [sflag:$0x2] =	stream.linear.gather [hbm4b:s0+s3], $0x400, $0x38;
	[tilespmem:$0x1EE00] =	vst v63  }
0x52: {  	s15 =	simm.s32 $0x2C00;
	s14 =	sadd.s32 $0xF4280, s0  }
0x53: {  	[tilespmem:s15], [sflag:$0x2] =	stream.linear.gather [hbm4b:s14+s3], $0x400, $0x38;
	[tilespmem:$0x1EE00] =	vst v63  }
0x54: {  	s18 =	simm.s32 $0x3400;
	s16 =	sadd.s32 $0x1E8500, s0  }
0x55: {  	[tilespmem:s18], [sflag:$0x2] =	stream.linear.gather [hbm4b:s16+s3], $0x400, $0x38;
	[tilespmem:$0x1EE00] =	vst v63  }
0x56: {  	s19 =	simm.s32 $0x3C00;
	s20 =	spop (v2sf);
	s0 =	sadd.s32 $0x2DC780, s0  }
0x57: {  	[tilespmem:s19], [sflag:$0x2] =	stream.linear.gather [hbm4b:s0+s3], $0x400, $0x38;
	[tilespmem:$0x1EE00] =	vst v63  }
0x58: {  	s0 =	sand.u32 $0xFFFFF80, s20  }
0x59: {  	s21 =	simm.s32 $0x10400;
	(v2sf) =	vpush v5, $0x2;
	s0 =	sadd.s32 s2, s0  }
0x5a: {  	[tilespmem:s21], [sflag:$0x2] =	stream.linear.gather [hbm4b:s0+s3], $0x400, $0x38;
	[tilespmem:$0x1EE00] =	vst v63  }
0x5b: {  	s24 =	simm.s32 $0x10C00;
	s22 =	sadd.s32 $0xF4280, s0  }
0x5c: {  	[tilespmem:s24], [sflag:$0x2] =	stream.linear.gather [hbm4b:s22+s3], $0x400, $0x38;
	[tilespmem:$0x1EE00] =	vst v63  }
0x5d: {  	s26 =	simm.s32 $0x11400;
	s25 =	sadd.s32 $0x1E8500, s0  }
0x5e: {  	[tilespmem:s26], [sflag:$0x2] =	stream.linear.gather [hbm4b:s25+s3], $0x400, $0x38;
	[tilespmem:$0x1EE00] =	vst v63  }
0x5f: {  	s29 =	simm.s32 $0x11C00;
	s0 =	sadd.s32 $0x2DC780, s0;
	s30 =	spop (v2sf)  }
0x60: {  	[tilespmem:s29], [sflag:$0x2] =	stream.linear.gather [hbm4b:s0+s3], $0x400, $0x38;
	[tilespmem:$0x1EE00] =	vst v63  }
0x61: {  	s0 =	sand.u32 $0xFFFFF80, s30  }
0x62: {  	s31 =	simm.s32 $0x4400;
	(v2sf) =	vpush v6, $0x3;
	s0 =	sadd.s32 s1, s0  }
0x63: {  	[tilespmem:s31], [sflag:$0x3] =	stream.linear.gather [hbm4b:s0+s3], $0x400, $0x38;
	[tilespmem:$0x1EE00] =	vst v63  }
0x64: {  	s6 =	simm.s32 $0x4C00;
	s5 =	sadd.s32 $0xF4280, s0  }
0x65: {  	[tilespmem:s6], [sflag:$0x3] =	stream.linear.gather [hbm4b:s5+s3], $0x400, $0x38;
	[tilespmem:$0x1EE00] =	vst v63  }
0x66: {  	s8 =	simm.s32 $0x5400;
	s7 =	sadd.s32 $0x1E8500, s0  }
0x67: {  	[tilespmem:s8], [sflag:$0x3] =	stream.linear.gather [hbm4b:s7+s3], $0x400, $0x38;
	[tilespmem:$0x1EE00] =	vst v63  }
0x68: {  	s9 =	simm.s32 $0x5C00;
	s10 =	spop (v2sf);
	s0 =	sadd.s32 $0x2DC780, s0  }
0x69: {  	[tilespmem:s9], [sflag:$0x3] =	stream.linear.gather [hbm4b:s0+s3], $0x400, $0x38;
	[tilespmem:$0x1EE00] =	vst v63  }
0x6a: {  	s0 =	sand.u32 $0xFFFFF80, s10  }
0x6b: {  	s11 =	simm.s32 $0x12400;
	(v2sf) =	vpush v5, $0x3;
	s0 =	sadd.s32 s2, s0  }
0x6c: {  	[tilespmem:s11], [sflag:$0x3] =	stream.linear.gather [hbm4b:s0+s3], $0x400, $0x38;
	[tilespmem:$0x1EE00] =	vst v63  }
0x6d: {  	s13 =	simm.s32 $0x12C00;
	s12 =	sadd.s32 $0xF4280, s0  }
0x6e: {  	[tilespmem:s13], [sflag:$0x3] =	stream.linear.gather [hbm4b:s12+s3], $0x400, $0x38;
	[tilespmem:$0x1EE00] =	vst v63  }
0x6f: {  	s15 =	simm.s32 $0x13400;
	s14 =	sadd.s32 $0x1E8500, s0  }
0x70: {  	[tilespmem:s15], [sflag:$0x3] =	stream.linear.gather [hbm4b:s14+s3], $0x400, $0x38;
	[tilespmem:$0x1EE00] =	vst v63  }
0x71: {  	s16 =	simm.s32 $0x13C00;
	s0 =	sadd.s32 $0x2DC780, s0;
	s18 =	spop (v2sf)  }
0x72: {  	[tilespmem:s16], [sflag:$0x3] =	stream.linear.gather [hbm4b:s0+s3], $0x400, $0x38;
	[tilespmem:$0x1EE00] =	vst v63  }
0x73: {  	s0 =	sand.u32 $0xFFFFF80, s18  }
0x74: {  	s19 =	simm.s32 $0x6400;
	(v2sf) =	vpush v6, $0x4;
	s0 =	sadd.s32 s1, s0  }
0x75: {  	[tilespmem:s19], [sflag:$0x4] =	stream.linear.gather [hbm4b:s0+s3], $0x400, $0x38;
	[tilespmem:$0x1EE00] =	vst v63  }
0x76: {  	s21 =	simm.s32 $0x6C00;
	s20 =	sadd.s32 $0xF4280, s0  }
0x77: {  	[tilespmem:s21], [sflag:$0x4] =	stream.linear.gather [hbm4b:s20+s3], $0x400, $0x38;
	[tilespmem:$0x1EE00] =	vst v63  }
0x78: {  	s24 =	simm.s32 $0x7400;
	s22 =	sadd.s32 $0x1E8500, s0  }
0x79: {  	[tilespmem:s24], [sflag:$0x4] =	stream.linear.gather [hbm4b:s22+s3], $0x400, $0x38;
	[tilespmem:$0x1EE00] =	vst v63  }
0x7a: {  	s25 =	simm.s32 $0x7C00;
	s26 =	spop (v2sf);
	s0 =	sadd.s32 $0x2DC780, s0  }
0x7b: {  	[tilespmem:s25], [sflag:$0x4] =	stream.linear.gather [hbm4b:s0+s3], $0x400, $0x38;
	[tilespmem:$0x1EE00] =	vst v63  }
0x7c: {  	s0 =	sand.u32 $0xFFFFF80, s26  }
0x7d: {  	s29 =	simm.s32 $0x14400;
	(v2sf) =	vpush v5, $0x4;
	s0 =	sadd.s32 s2, s0  }
0x7e: {  	[tilespmem:s29], [sflag:$0x4] =	stream.linear.gather [hbm4b:s0+s3], $0x400, $0x38;
	[tilespmem:$0x1EE00] =	vst v63  }
0x7f: {  	s31 =	simm.s32 $0x14C00;
	s30 =	sadd.s32 $0xF4280, s0  }
0x80: {  	[tilespmem:s31], [sflag:$0x4] =	stream.linear.gather [hbm4b:s30+s3], $0x400, $0x38;
	[tilespmem:$0x1EE00] =	vst v63  }
0x81: {  	s6 =	simm.s32 $0x15400;
	s5 =	sadd.s32 $0x1E8500, s0  }
0x82: {  	[tilespmem:s6], [sflag:$0x4] =	stream.linear.gather [hbm4b:s5+s3], $0x400, $0x38;
	[tilespmem:$0x1EE00] =	vst v63  }
0x83: {  	s7 =	simm.s32 $0x15C00;
	s0 =	sadd.s32 $0x2DC780, s0;
	s8 =	spop (v2sf)  }
0x84: {  	[tilespmem:s7], [sflag:$0x4] =	stream.linear.gather [hbm4b:s0+s3], $0x400, $0x38;
	[tilespmem:$0x1EE00] =	vst v63  }
0x85: {  	s0 =	sand.u32 $0xFFFFF80, s8  }
0x86: {  	s9 =	simm.s32 $0x8400;
	(v2sf) =	vpush v6, $0x5;
	s0 =	sadd.s32 s1, s0  }
0x87: {  	[tilespmem:s9], [sflag:$0x5] =	stream.linear.gather [hbm4b:s0+s3], $0x400, $0x38;
	[tilespmem:$0x1EE00] =	vst v63  }
0x88: {  	s11 =	simm.s32 $0x8C00;
	s10 =	sadd.s32 $0xF4280, s0  }
0x89: {  	[tilespmem:s11], [sflag:$0x5] =	stream.linear.gather [hbm4b:s10+s3], $0x400, $0x38;
	[tilespmem:$0x1EE00] =	vst v63  }
0x8a: {  	s13 =	simm.s32 $0x9400;
	s12 =	sadd.s32 $0x1E8500, s0  }
0x8b: {  	[tilespmem:s13], [sflag:$0x5] =	stream.linear.gather [hbm4b:s12+s3], $0x400, $0x38;
	[tilespmem:$0x1EE00] =	vst v63  }
0x8c: {  	s14 =	simm.s32 $0x9C00;
	s15 =	spop (v2sf);
	s0 =	sadd.s32 $0x2DC780, s0  }
0x8d: {  	[tilespmem:s14], [sflag:$0x5] =	stream.linear.gather [hbm4b:s0+s3], $0x400, $0x38;
	[tilespmem:$0x1EE00] =	vst v63  }
0x8e: {  	s0 =	sand.u32 $0xFFFFF80, s15  }
0x8f: {  	s16 =	simm.s32 $0x16400;
	(v2sf) =	vpush v5, $0x5;
	s0 =	sadd.s32 s2, s0  }
0x90: {  	[tilespmem:s16], [sflag:$0x5] =	stream.linear.gather [hbm4b:s0+s3], $0x400, $0x38;
	[tilespmem:$0x1EE00] =	vst v63  }
0x91: {  	s19 =	simm.s32 $0x16C00;
	s18 =	sadd.s32 $0xF4280, s0  }
0x92: {  	[tilespmem:s19], [sflag:$0x5] =	stream.linear.gather [hbm4b:s18+s3], $0x400, $0x38;
	[tilespmem:$0x1EE00] =	vst v63  }
0x93: {  	s21 =	simm.s32 $0x17400;
	s20 =	sadd.s32 $0x1E8500, s0  }
0x94: {  	[tilespmem:s21], [sflag:$0x5] =	stream.linear.gather [hbm4b:s20+s3], $0x400, $0x38;
	[tilespmem:$0x1EE00] =	vst v63  }
0x95: {  	s22 =	simm.s32 $0x17C00;
	s0 =	sadd.s32 $0x2DC780, s0;
	s24 =	spop (v2sf)  }
0x96: {  	(v2sf) =	vpush v6, $0x6;
	[tilespmem:s22], [sflag:$0x5] =	stream.linear.gather [hbm4b:s0+s3], $0x400, $0x38;
	[tilespmem:$0x1EE00] =	vst v63  }
0x97: {  	s0 =	sand.u32 $0xFFFFF80, s24  }
0x98: {  	s25 =	simm.s32 $0xA400;
	s0 =	sadd.s32 s1, s0  }
0x99: {  	[tilespmem:s25], [sflag:$0x6] =	stream.linear.gather [hbm4b:s0+s3], $0x400, $0x38;
	[tilespmem:$0x1EE00] =	vst v63  }
0x9a: {  	s29 =	simm.s32 $0xAC00;
	s26 =	sadd.s32 $0xF4280, s0  }
0x9b: {  	[tilespmem:s29], [sflag:$0x6] =	stream.linear.gather [hbm4b:s26+s3], $0x400, $0x38;
	[tilespmem:$0x1EE00] =	vst v63  }
0x9c: {  	s31 =	simm.s32 $0xB400;
	s30 =	sadd.s32 $0x1E8500, s0  }
0x9d: {  	[tilespmem:s31], [sflag:$0x6] =	stream.linear.gather [hbm4b:s30+s3], $0x400, $0x38;
	[tilespmem:$0x1EE00] =	vst v63  }
0x9e: {  	s5 =	simm.s32 $0xBC00;
	s6 =	spop (v2sf);
	s0 =	sadd.s32 $0x2DC780, s0  }
0x9f: {  	[tilespmem:s5], [sflag:$0x6] =	stream.linear.gather [hbm4b:s0+s3], $0x400, $0x38;
	[tilespmem:$0x1EE00] =	vst v63  }
0xa0: {  	(v2sf) =	vpush v5, $0x6;
	s0 =	sand.u32 $0xFFFFF80, s6  }
0xa1: {  	s7 =	simm.s32 $0x18400;
	s0 =	sadd.s32 s2, s0  }
0xa2: {  	[tilespmem:s7], [sflag:$0x6] =	stream.linear.gather [hbm4b:s0+s3], $0x400, $0x38;
	[tilespmem:$0x1EE00] =	vst v63  }
0xa3: {  	s9 =	simm.s32 $0x18C00;
	s11 =	simm.s32 $0x19400;
	s8 =	sadd.s32 $0xF4280, s0  }
0xa4: {  	[tilespmem:s9], [sflag:$0x6] =	stream.linear.gather [hbm4b:s8+s3], $0x400, $0x38;
	[tilespmem:$0x1EE00] =	vst v63  }
0xa5: {  	s13 =	simm.s32 $0x19C00;
	s12 =	spop (v2sf);
	s10 =	sadd.s32 $0x1E8500, s0  }
0xa6: {  	[tilespmem:s11], [sflag:$0x6] =	stream.linear.gather [hbm4b:s10+s3], $0x400, $0x38;
	[tilespmem:$0x1EE00] =	vst v63  }
0xa7: {  	s0 =	sadd.s32 $0x2DC780, s0;
	s14 =	sand.u32 $0xFFFFF80, s12  }
0xa8: {  	[tilespmem:s13], [sflag:$0x6] =	stream.linear.gather [hbm4b:s0+s3], $0x400, $0x38;
	[tilespmem:$0x1EE00] =	vst v63  }
0xa9: {  	s15 =	simm.s32 $0xC400;
	s0 =	sadd.s32 s1, s14  }
0xaa: {  	[tilespmem:s15], [sflag:$0x7] =	stream.linear.gather [hbm4b:s0+s3], $0x400, $0x38;
	[tilespmem:$0x1EE00] =	vst v63  }
0xab: {  	s18 =	simm.s32 $0xCC00;
	s16 =	sadd.s32 $0xF4280, s0  }
0xac: {  	[tilespmem:s18], [sflag:$0x7] =	stream.linear.gather [hbm4b:s16+s3], $0x400, $0x38;
	[tilespmem:$0x1EE00] =	vst v63  }
0xad: {  	s20 =	simm.s32 $0xD400;
	s19 =	sadd.s32 $0x1E8500, s0  }
0xae: {  	[tilespmem:s20], [sflag:$0x7] =	stream.linear.gather [hbm4b:s19+s3], $0x400, $0x38;
	[tilespmem:$0x1EE00] =	vst v63  }
0xaf: {  	s21 =	simm.s32 $0xDC00;
	s22 =	spop (v2sf);
	s0 =	sadd.s32 $0x2DC780, s0  }
0xb0: {  	[tilespmem:s21], [sflag:$0x7] =	stream.linear.gather [hbm4b:s0+s3], $0x400, $0x38;
	[tilespmem:$0x1EE00] =	vst v63  }
0xb1: {  	s0 =	sand.u32 $0xFFFFF80, s22  }
0xb2: {  	s24 =	simm.s32 $0x1A400;
	s0 =	sadd.s32 s2, s0  }
0xb3: {  	[tilespmem:s24], [sflag:$0x7] =	stream.linear.gather [hbm4b:s0+s3], $0x400, $0x38;
	[tilespmem:$0x1EE00] =	vst v63  }
0xb4: {  	s26 =	simm.s32 $0x1AC00;
	s25 =	sadd.s32 $0xF4280, s0  }
0xb5: {  	[tilespmem:s26], [sflag:$0x7] =	stream.linear.gather [hbm4b:s25+s3], $0x400, $0x38;
	[tilespmem:$0x1EE00] =	vst v63  }
0xb6: {  	s30 =	simm.s32 $0x1B400;
	s29 =	sadd.s32 $0x1E8500, s0  }
0xb7: {  	[tilespmem:s30], [sflag:$0x7] =	stream.linear.gather [hbm4b:s29+s3], $0x400, $0x38;
	[tilespmem:$0x1EE00] =	vst v63  }
0xb8: {  	s31 =	simm.s32 $0x1BC00;
	s20 =	simm.s32 $0x0;
	s0 =	sadd.s32 $0x2DC780, s0  }
0xb9: {  	[tilespmem:s31], [sflag:$0x7] =	stream.linear.gather [hbm4b:s0+s3], $0x400, $0x38;
	[tilespmem:$0x1EE00] =	vst v63  }
.LBB2_2:
0xba: {  	s0 =	smul.u32 $0x4A, s20;
	_ =	sdelay $0x1  }
0xbb: {  	s21 =	sshll.u32 s20, $0x1;
	s0 =	sshrl.u32 s0, $0x8  }
0xbc: {  	s4 =	ssub.s32 s21, s0  }
0xbd: {  	s4 =	sand.u32 $0xFE, s4  }
0xbe: {  	s4 =	sshrl.u32 s4, $0x1  }
0xbf: {  	s0 =	sadd.s32 s0, s4  }
0xc0: {  	s0 =	sand.u32 $0xFC, s0  }
0xc1: {  	s0 =	sshrl.u32 s0, $0x2  }
0xc2: {  	s0 =	smul.u32 $0x7, s0  }
0xc3: {  	s24 =	sadd.s32 $0x1, s20  }
0xc4: {  	s29 =	smin.u32 s24, $0x1F;
	s0 =	ssub.s32 s21, s0  }
0xc5: {  	s4 =	sshll.u32 s29, $0x4;
	s5 =	sand.u32 $0xFF, s0  }
0xc6: {  	v3 =	vld [tilespmem:s4+$0x0];
	s0 =	sadd.s32 $0x1, s5  }
0xc7: {  	v4 =	vld [tilespmem:s4+$0x200];
	_ =	swait.ge [sflag:s0], $0x1000  }
0xc8: {  	[sflag:s0] =	ssyncset.done $0x0  }
0xc9: {  	[sflag:s0] =	ssyncadd.s32 $0xFFFFF000  }
0xca: {  	_ =	swait.ge [sflag:s0], $0x1000  }
0xcb: {  	(v2sf) =	vpush v6, $0x0;
	_ =	sdelay $0x1  }
0xcc: {  	(v2sf) =	vpush v5, $0x0;
	_ =	sdelay $0xc  }
0xcd: {  	s30 =	sshll.u32 s5, $0xD;
	s31 =	spop (v2sf)  }
0xce: {  	v7 =	vor.u32 s30, v0;
	s5 =	sand.u32 $0x7F, s31  }
0xcf: {  	v9 =	vor.u32 s30, v1;
	(v2sf) =	vpush v6, $0x7;
	s6 =	spop (v2sf);
	v8 =	vor.u32 s5, v7  }
0xd0: {  	s6 =	sand.u32 $0x7F, s6;
	v10 =	vor.u32 s5, v9  }
0xd1: {  	v7 =	vor.u32 s6, v7  }
0xd2: {  	[sflag:s0] =	ssyncset.done $0x0;
	v9 =	vor.u32 s6, v9  }
0xd3: {  	[sflag:s0] =	ssyncadd.s32 $0xFFFFF000  }
0xd4: {  	v8 =	vld.idx.msk [tilespmem:v8+s23+$0x0], $0xffff  }
0xd5: {  	(v2sf) =	vpush v5, $0x7;
	v10 =	vld.idx.msk [tilespmem:v10+s23+$0x0], $0xffff  }
0xd6: {  	s22 =	sshll.u32 s20, $0x4;
	v7 =	vld.idx.msk [tilespmem:v7+s28+$0x0], $0xffff  }
0xd7: {  	v11 =	vmov s22;
	v9 =	vld.idx.msk [tilespmem:v9+s28+$0x0], $0xffff  }
0xd8: {  	v12 =	vshll.u32 v11, $0x3  }
0xd9: {  	v11 =	vand.u32 $0x70, v11;
	v12 =	vand.u32 $0xC00, v12  }
0xda: {  	v11 =	vor.u32 v11, v12  }
0xdb: {  	v11 =	vadd.s32 v2, v11  }
0xdc: {  	v7 =	vmul.f32 v7, v8;
	v8 =	vmul.f32 v9, v10;
	_ =	sdelay $0x1  }
0xdd: {  	v7 =	vadd.f32 v8, v7;
	s25 =	spop (v2sf)  }
0xde: {  	s6 =	sand.u32 $0xFFFFF80, s25  }
0xdf: {  	s7 =	sor.u32 $0x400, s30;
	[tilespmem:v11+s17+$0x0] =	vst.idx.msk $0xffff, v7;
	s5 =	sadd.s32 s1, s6  }
0xe0: {  	[tilespmem:s7], [sflag:s0] =	stream.linear.gather [hbm4b:s5+s3], $0x400, $0x38;
	[tilespmem:$0x1EE00] =	vst v63  }
0xe1: {  	s10 =	sor.u32 $0x1400, s30;
	s8 =	sadd.s32 $0xF4280, s5;
	s7 =	sor.u32 $0xC00, s30  }
0xe2: {  	[tilespmem:s7], [sflag:s0] =	stream.linear.gather [hbm4b:s8+s3], $0x400, $0x38;
	[tilespmem:$0x1EE00] =	vst v63  }
0xe3: {  	s11 =	sor.u32 $0x1C00, s30;
	s31 =	spop (v2sf);
	s9 =	sadd.s32 $0x1E8500, s5  }
0xe4: {  	[tilespmem:s10], [sflag:s0] =	stream.linear.gather [hbm4b:s9+s3], $0x400, $0x38;
	[tilespmem:$0x1EE00] =	vst v63  }
0xe5: {  	s18 =	sshllo.u32 s20, $0x1;
	s12 =	sand.u32 $0xFFFFF80, s31;
	s5 =	sadd.s32 $0x2DC780, s5  }
0xe6: {  	[tilespmem:s11], [sflag:s0] =	stream.linear.gather [hbm4b:s5+s3], $0x400, $0x38;
	[tilespmem:$0x1EE00] =	vst v63  }
0xe7: {  	s13 =	sadd.s32 $0xE400, s30;
	s9 =	smulhi.u32 $0x92492493, s18;
	s5 =	sadd.s32 s2, s12  }
0xe8: {  	[tilespmem:s13], [sflag:s0] =	stream.linear.gather [hbm4b:s5+s3], $0x400, $0x38;
	[tilespmem:$0x1EE00] =	vst v63  }
0xe9: {  	s15 =	sadd.s32 $0xEC00, s30;
	s19 =	sshrl.u32 s9, $0x2;
	s14 =	sadd.s32 $0xF4280, s5  }
0xea: {  	[tilespmem:s15], [sflag:s0] =	stream.linear.gather [hbm4b:s14+s3], $0x400, $0x38;
	[tilespmem:$0x1EE00] =	vst v63  }
0xeb: {  	s8 =	sadd.s32 $0xF400, s30;
	s16 =	sadd.s32 $0x1E8500, s5;
	s6 =	smul.u32 $0x7, s19  }
0xec: {  	[tilespmem:s8], [sflag:s0] =	stream.linear.gather [hbm4b:s16+s3], $0x400, $0x38;
	[tilespmem:$0x1EE00] =	vst v63  }
0xed: {  	s4 =	sadd.s32 $0xFC00, s30;
	s5 =	sadd.s32 $0x2DC780, s5;
	s26 =	ssub.s32 s18, s6  }
0xee: {  	[tilespmem:s4], [sflag:s0] =	stream.linear.gather [hbm4b:s5+s3], $0x400, $0x38;
	[tilespmem:$0x1EE00] =	vst v63  }
0xef: {  	s0 =	sadd.s32 $0x1, s26  }
0xf0: {  	_ =	swait.ge [sflag:s0], $0x1000  }
0xf1: {  	[sflag:s0] =	ssyncset.done $0x0  }
0xf2: {  	[sflag:s0] =	ssyncadd.s32 $0xFFFFF000  }
0xf3: {  	_ =	swait.ge [sflag:s0], $0x1000  }
0xf4: {  	(v2sf) =	vpush v6, $0x1;
	_ =	sdelay $0x1  }
0xf5: {  	(v2sf) =	vpush v5, $0x1;
	_ =	sdelay $0xc  }
0xf6: {  	s5 =	sshll.u32 s26, $0xD;
	s29 =	spop (v2sf)  }
0xf7: {  	v7 =	vor.u32 s5, v0;
	s4 =	sand.u32 $0x7F, s29  }
0xf8: {  	v18 =	vor.u32 s5, v1;
	(v2sf) =	vpush v6, $0x8;
	s30 =	spop (v2sf);
	v8 =	vor.u32 s4, v7  }
0xf9: {  	s6 =	sand.u32 $0x7F, s30;
	v19 =	vor.u32 s4, v18  }
0xfa: {  	v7 =	vor.u32 s6, v7  }
0xfb: {  	[sflag:s0] =	ssyncset.done $0x0;
	v9 =	vor.u32 s6, v18  }
0xfc: {  	[sflag:s0] =	ssyncadd.s32 $0xFFFFF000  }
0xfd: {  	v8 =	vld.idx.msk [tilespmem:v8+s23+$0x0], $0xffff  }
0xfe: {  	v10 =	vld.idx.msk [tilespmem:v19+s23+$0x0], $0xffff  }
0xff: {  	s6 =	sor.u32 $0x1, s22;
	v7 =	vld.idx.msk [tilespmem:v7+s28+$0x0], $0xffff  }
0x100: {  	v20 =	vmov s6;
	v9 =	vld.idx.msk [tilespmem:v9+s28+$0x0], $0xffff  }
0x101: {  	v21 =	vshll.u32 v20, $0x3  }
0x102: {  	(v2sf) =	vpush v5, $0x8;
	v11 =	vand.u32 $0x71, v20;
	v12 =	vand.u32 $0xC00, v21  }
0x103: {  	v11 =	vor.u32 v11, v12  }
0x104: {  	v11 =	vadd.s32 v2, v11  }
0x105: {  	v7 =	vmul.f32 v7, v8;
	v8 =	vmul.f32 v9, v10;
	_ =	sdelay $0x1  }
0x106: {  	v7 =	vadd.f32 v8, v7;
	s26 =	spop (v2sf)  }
0x107: {  	s7 =	sand.u32 $0xFFFFF80, s26  }
0x108: {  	s8 =	sor.u32 $0x400, s5;
	[tilespmem:v11+s17+$0x0] =	vst.idx.msk $0xffff, v7;
	s4 =	sadd.s32 s1, s7  }
0x109: {  	[tilespmem:s8], [sflag:s0] =	stream.linear.gather [hbm4b:s4+s3], $0x400, $0x38;
	[tilespmem:$0x1EE00] =	vst v63  }
0x10a: {  	s10 =	sor.u32 $0xC00, s5;
	s9 =	sadd.s32 $0xF4280, s4  }
0x10b: {  	[tilespmem:s10], [sflag:s0] =	stream.linear.gather [hbm4b:s9+s3], $0x400, $0x38;
	[tilespmem:$0x1EE00] =	vst v63  }
0x10c: {  	s12 =	sor.u32 $0x1400, s5;
	s11 =	sadd.s32 $0x1E8500, s4  }
0x10d: {  	[tilespmem:s12], [sflag:s0] =	stream.linear.gather [hbm4b:s11+s3], $0x400, $0x38;
	[tilespmem:$0x1EE00] =	vst v63  }
0x10e: {  	s13 =	sor.u32 $0x1C00, s5;
	s4 =	sadd.s32 $0x2DC780, s4  }
0x10f: {  	[tilespmem:s13], [sflag:s0] =	stream.linear.gather [hbm4b:s4+s3], $0x400, $0x38;
	[tilespmem:$0x1EE00] =	vst v63  }
0x110: {  	s4 =	spop (v2sf)  }
0x111: {  	s29 =	sadd.s32 $0x2, s21;
	s14 =	sand.u32 $0xFFFFF80, s4  }
0x112: {  	s15 =	sadd.s32 $0xE400, s5;
	s10 =	smulhi.u32 $0x92492493, s29;
	s6 =	sadd.s32 s2, s14  }
0x113: {  	[tilespmem:s15], [sflag:s0] =	stream.linear.gather [hbm4b:s6+s3], $0x400, $0x38;
	[tilespmem:$0x1EE00] =	vst v63  }
0x114: {  	s18 =	sadd.s32 $0xEC00, s5;
	s9 =	sshrl.u32 s10, $0x2;
	s16 =	sadd.s32 $0xF4280, s6  }
0x115: {  	[tilespmem:s18], [sflag:s0] =	stream.linear.gather [hbm4b:s16+s3], $0x400, $0x38;
	[tilespmem:$0x1EE00] =	vst v63  }
0x116: {  	s30 =	sadd.s32 $0xF400, s5;
	s7 =	smul.u32 $0x7, s9;
	s19 =	sadd.s32 $0x1E8500, s6  }
0x117: {  	[tilespmem:s30], [sflag:s0] =	stream.linear.gather [hbm4b:s19+s3], $0x400, $0x38;
	[tilespmem:$0x1EE00] =	vst v63  }
0x118: {  	s5 =	sadd.s32 $0xFC00, s5;
	s10 =	ssub.s32 s29, s7;
	s6 =	sadd.s32 $0x2DC780, s6  }
0x119: {  	[tilespmem:s5], [sflag:s0] =	stream.linear.gather [hbm4b:s6+s3], $0x400, $0x38;
	[tilespmem:$0x1EE00] =	vst v63  }
0x11a: {  	s0 =	sadd.s32 $0x1, s10  }
0x11b: {  	_ =	swait.ge [sflag:s0], $0x1000  }
0x11c: {  	[sflag:s0] =	ssyncset.done $0x0  }
0x11d: {  	[sflag:s0] =	ssyncadd.s32 $0xFFFFF000  }
0x11e: {  	_ =	swait.ge [sflag:s0], $0x1000  }
0x11f: {  	(v2sf) =	vpush v6, $0x2;
	_ =	sdelay $0x1  }
0x120: {  	(v2sf) =	vpush v5, $0x2;
	_ =	sdelay $0xc  }
0x121: {  	s5 =	sshll.u32 s10, $0xD;
	s11 =	spop (v2sf)  }
0x122: {  	v7 =	vor.u32 s5, v0;
	s6 =	sand.u32 $0x7F, s11  }
0x123: {  	v22 =	vor.u32 s5, v1;
	(v2sf) =	vpush v6, $0x9;
	s12 =	spop (v2sf);
	v8 =	vor.u32 s6, v7  }
0x124: {  	s7 =	sand.u32 $0x7F, s12;
	v23 =	vor.u32 s6, v22  }
0x125: {  	v7 =	vor.u32 s7, v7  }
0x126: {  	[sflag:s0] =	ssyncset.done $0x0;
	v9 =	vor.u32 s7, v22  }
0x127: {  	[sflag:s0] =	ssyncadd.s32 $0xFFFFF000  }
0x128: {  	v8 =	vld.idx.msk [tilespmem:v8+s23+$0x0], $0xffff  }
0x129: {  	(v2sf) =	vpush v5, $0x9;
	v10 =	vld.idx.msk [tilespmem:v23+s23+$0x0], $0xffff  }
0x12a: {  	s13 =	sor.u32 $0x2, s22;
	v7 =	vld.idx.msk [tilespmem:v7+s28+$0x0], $0xffff  }
0x12b: {  	v24 =	vmov s13;
	v9 =	vld.idx.msk [tilespmem:v9+s28+$0x0], $0xffff  }
0x12c: {  	v25 =	vshll.u32 v24, $0x3  }
0x12d: {  	v11 =	vand.u32 $0x72, v24;
	v12 =	vand.u32 $0xC00, v25  }
0x12e: {  	v11 =	vor.u32 v11, v12  }
0x12f: {  	v11 =	vadd.s32 v2, v11  }
0x130: {  	v7 =	vmul.f32 v7, v8;
	v8 =	vmul.f32 v9, v10;
	_ =	sdelay $0x1  }
0x131: {  	v7 =	vadd.f32 v8, v7;
	s29 =	spop (v2sf)  }
0x132: {  	s14 =	sand.u32 $0xFFFFF80, s29  }
0x133: {  	s15 =	sor.u32 $0x400, s5;
	[tilespmem:v11+s17+$0x0] =	vst.idx.msk $0xffff, v7;
	s6 =	sadd.s32 s1, s14  }
0x134: {  	[tilespmem:s15], [sflag:s0] =	stream.linear.gather [hbm4b:s6+s3], $0x400, $0x38;
	[tilespmem:$0x1EE00] =	vst v63  }
0x135: {  	s18 =	sor.u32 $0xC00, s5;
	s30 =	sor.u32 $0x1400, s5;
	s16 =	sadd.s32 $0xF4280, s6  }
0x136: {  	[tilespmem:s18], [sflag:s0] =	stream.linear.gather [hbm4b:s16+s3], $0x400, $0x38;
	[tilespmem:$0x1EE00] =	vst v63  }
0x137: {  	s9 =	sor.u32 $0x1C00, s5;
	s19 =	sadd.s32 $0x1E8500, s6;
	s18 =	spop (v2sf)  }
0x138: {  	[tilespmem:s30], [sflag:s0] =	stream.linear.gather [hbm4b:s19+s3], $0x400, $0x38;
	[tilespmem:$0x1EE00] =	vst v63  }
0x139: {  	s6 =	sadd.s32 $0x2DC780, s6;
	s15 =	sadd.s32 $0x3, s21;
	s10 =	sand.u32 $0xFFFFF80, s18  }
0x13a: {  	[tilespmem:s9], [sflag:s0] =	stream.linear.gather [hbm4b:s6+s3], $0x400, $0x38;
	[tilespmem:$0x1EE00] =	vst v63  }
0x13b: {  	s11 =	sadd.s32 $0xE400, s5;
	s19 =	smulhi.u32 $0x92492493, s15;
	s6 =	sadd.s32 s2, s10  }
0x13c: {  	[tilespmem:s11], [sflag:s0] =	stream.linear.gather [hbm4b:s6+s3], $0x400, $0x38;
	[tilespmem:$0x1EE00] =	vst v63  }
0x13d: {  	s13 =	sadd.s32 $0xEC00, s5;
	s30 =	sshrl.u32 s19, $0x2;
	s12 =	sadd.s32 $0xF4280, s6  }
0x13e: {  	[tilespmem:s13], [sflag:s0] =	stream.linear.gather [hbm4b:s12+s3], $0x400, $0x38;
	[tilespmem:$0x1EE00] =	vst v63  }
0x13f: {  	s16 =	sadd.s32 $0xF400, s5;
	s14 =	sadd.s32 $0x1E8500, s6;
	s7 =	smul.u32 $0x7, s30  }
0x140: {  	[tilespmem:s16], [sflag:s0] =	stream.linear.gather [hbm4b:s14+s3], $0x400, $0x38;
	[tilespmem:$0x1EE00] =	vst v63  }
0x141: {  	s5 =	sadd.s32 $0xFC00, s5;
	s6 =	sadd.s32 $0x2DC780, s6;
	s8 =	ssub.s32 s15, s7  }
0x142: {  	[tilespmem:s5], [sflag:s0] =	stream.linear.gather [hbm4b:s6+s3], $0x400, $0x38;
	[tilespmem:$0x1EE00] =	vst v63  }
0x143: {  	s0 =	sadd.s32 $0x1, s8  }
0x144: {  	_ =	swait.ge [sflag:s0], $0x1000  }
0x145: {  	[sflag:s0] =	ssyncset.done $0x0  }
0x146: {  	[sflag:s0] =	ssyncadd.s32 $0xFFFFF000  }
0x147: {  	_ =	swait.ge [sflag:s0], $0x1000  }
0x148: {  	(v2sf) =	vpush v6, $0x3;
	_ =	sdelay $0x1  }
0x149: {  	(v2sf) =	vpush v5, $0x3;
	_ =	sdelay $0xc  }
0x14a: {  	s5 =	sshll.u32 s8, $0xD;
	s9 =	spop (v2sf)  }
0x14b: {  	v7 =	vor.u32 s5, v0;
	s6 =	sand.u32 $0x7F, s9  }
0x14c: {  	v26 =	vor.u32 s5, v1;
	(v2sf) =	vpush v6, $0xA;
	s10 =	spop (v2sf);
	v8 =	vor.u32 s6, v7  }
0x14d: {  	s7 =	sand.u32 $0x7F, s10;
	v27 =	vor.u32 s6, v26  }
0x14e: {  	v7 =	vor.u32 s7, v7  }
0x14f: {  	[sflag:s0] =	ssyncset.done $0x0;
	v9 =	vor.u32 s7, v26  }
0x150: {  	[sflag:s0] =	ssyncadd.s32 $0xFFFFF000  }
0x151: {  	v8 =	vld.idx.msk [tilespmem:v8+s23+$0x0], $0xffff  }
0x152: {  	v10 =	vld.idx.msk [tilespmem:v27+s23+$0x0], $0xffff  }
0x153: {  	s11 =	sor.u32 $0x3, s22;
	v7 =	vld.idx.msk [tilespmem:v7+s28+$0x0], $0xffff  }
0x154: {  	v28 =	vmov s11;
	v9 =	vld.idx.msk [tilespmem:v9+s28+$0x0], $0xffff  }
0x155: {  	v29 =	vshll.u32 v28, $0x3  }
0x156: {  	v11 =	vand.u32 $0x73, v28;
	v12 =	vand.u32 $0xC00, v29;
	(v2sf) =	vpush v5, $0xA  }
0x157: {  	v11 =	vor.u32 v11, v12  }
0x158: {  	v11 =	vadd.s32 v2, v11  }
0x159: {  	v7 =	vmul.f32 v7, v8;
	v8 =	vmul.f32 v9, v10;
	_ =	sdelay $0x1  }
0x15a: {  	v7 =	vadd.f32 v8, v7;
	s30 =	spop (v2sf)  }
0x15b: {  	s12 =	sand.u32 $0xFFFFF80, s30  }
0x15c: {  	s13 =	sor.u32 $0x400, s5;
	[tilespmem:v11+s17+$0x0] =	vst.idx.msk $0xffff, v7;
	s6 =	sadd.s32 s1, s12  }
0x15d: {  	[tilespmem:s13], [sflag:s0] =	stream.linear.gather [hbm4b:s6+s3], $0x400, $0x38;
	[tilespmem:$0x1EE00] =	vst v63  }
0x15e: {  	s15 =	sor.u32 $0xC00, s5;
	s14 =	sadd.s32 $0xF4280, s6  }
0x15f: {  	[tilespmem:s15], [sflag:s0] =	stream.linear.gather [hbm4b:s14+s3], $0x400, $0x38;
	[tilespmem:$0x1EE00] =	vst v63  }
0x160: {  	s19 =	sor.u32 $0x1400, s5;
	s16 =	sadd.s32 $0x1E8500, s6  }
0x161: {  	[tilespmem:s19], [sflag:s0] =	stream.linear.gather [hbm4b:s16+s3], $0x400, $0x38;
	[tilespmem:$0x1EE00] =	vst v63  }
0x162: {  	s8 =	sor.u32 $0x1C00, s5;
	s6 =	sadd.s32 $0x2DC780, s6  }
0x163: {  	[tilespmem:s8], [sflag:s0] =	stream.linear.gather [hbm4b:s6+s3], $0x400, $0x38;
	[tilespmem:$0x1EE00] =	vst v63  }
0x164: {  	s6 =	spop (v2sf)  }
0x165: {  	s14 =	sadd.s32 $0x4, s21;
	s9 =	sand.u32 $0xFFFFF80, s6  }
0x166: {  	s10 =	sadd.s32 $0xE400, s5;
	s16 =	smulhi.u32 $0x92492493, s14;
	s7 =	sadd.s32 s2, s9  }
0x167: {  	[tilespmem:s10], [sflag:s0] =	stream.linear.gather [hbm4b:s7+s3], $0x400, $0x38;
	[tilespmem:$0x1EE00] =	vst v63  }
0x168: {  	s12 =	sadd.s32 $0xEC00, s5;
	s19 =	sshrl.u32 s16, $0x2;
	s11 =	sadd.s32 $0xF4280, s7  }
0x169: {  	[tilespmem:s12], [sflag:s0] =	stream.linear.gather [hbm4b:s11+s3], $0x400, $0x38;
	[tilespmem:$0x1EE00] =	vst v63  }
0x16a: {  	s15 =	sadd.s32 $0xF400, s5;
	s8 =	smul.u32 $0x7, s19;
	s13 =	sadd.s32 $0x1E8500, s7  }
0x16b: {  	[tilespmem:s15], [sflag:s0] =	stream.linear.gather [hbm4b:s13+s3], $0x400, $0x38;
	[tilespmem:$0x1EE00] =	vst v63  }
0x16c: {  	s5 =	sadd.s32 $0xFC00, s5;
	s7 =	sadd.s32 $0x2DC780, s7;
	s8 =	ssub.s32 s14, s8  }
0x16d: {  	[tilespmem:s5], [sflag:s0] =	stream.linear.gather [hbm4b:s7+s3], $0x400, $0x38;
	[tilespmem:$0x1EE00] =	vst v63  }
0x16e: {  	s5 =	sadd.s32 $0x1, s8  }
0x16f: {  	_ =	swait.ge [sflag:s5], $0x1000  }
0x170: {  	[sflag:s5] =	ssyncset.done $0x0  }
0x171: {  	[sflag:s5] =	ssyncadd.s32 $0xFFFFF000  }
0x172: {  	_ =	swait.ge [sflag:s5], $0x1000  }
0x173: {  	(v2sf) =	vpush v6, $0x4;
	_ =	sdelay $0x1  }
0x174: {  	(v2sf) =	vpush v5, $0x4;
	_ =	sdelay $0xc  }
0x175: {  	s8 =	sshll.u32 s8, $0xD;
	s9 =	spop (v2sf)  }
0x176: {  	v7 =	vor.u32 s8, v0;
	s0 =	sand.u32 $0x7F, s9  }
0x177: {  	v30 =	vor.u32 s8, v1;
	(v2sf) =	vpush v6, $0xB;
	s10 =	spop (v2sf);
	v8 =	vor.u32 s0, v7  }
0x178: {  	s7 =	sand.u32 $0x7F, s10;
	v31 =	vor.u32 s0, v30  }
0x179: {  	v7 =	vor.u32 s7, v7  }
0x17a: {  	[sflag:s5] =	ssyncset.done $0x0;
	v9 =	vor.u32 s7, v30  }
0x17b: {  	[sflag:s5] =	ssyncadd.s32 $0xFFFFF000  }
0x17c: {  	v8 =	vld.idx.msk [tilespmem:v8+s23+$0x0], $0xffff  }
0x17d: {  	v10 =	vld.idx.msk [tilespmem:v31+s23+$0x0], $0xffff  }
0x17e: {  	s11 =	sor.u32 $0x4, s22;
	v7 =	vld.idx.msk [tilespmem:v7+s28+$0x0], $0xffff  }
0x17f: {  	v32 =	vmov s11;
	v9 =	vld.idx.msk [tilespmem:v9+s28+$0x0], $0xffff  }
0x180: {  	v33 =	vshll.u32 v32, $0x3  }
0x181: {  	v11 =	vand.u32 $0x74, v32;
	v12 =	vand.u32 $0xC00, v33;
	(v2sf) =	vpush v5, $0xB  }
0x182: {  	v11 =	vor.u32 v11, v12  }
0x183: {  	v11 =	vadd.s32 v2, v11  }
0x184: {  	v7 =	vmul.f32 v7, v8;
	v8 =	vmul.f32 v9, v10;
	_ =	sdelay $0x1  }
0x185: {  	v7 =	vadd.f32 v8, v7;
	s0 =	spop (v2sf)  }
0x186: {  	s12 =	sand.u32 $0xFFFFF80, s0  }
0x187: {  	s13 =	sor.u32 $0x400, s8;
	[tilespmem:v11+s17+$0x0] =	vst.idx.msk $0xffff, v7;
	s7 =	sadd.s32 s1, s12  }
0x188: {  	[tilespmem:s13], [sflag:s5] =	stream.linear.gather [hbm4b:s7+s3], $0x400, $0x38;
	[tilespmem:$0x1EE00] =	vst v63  }
0x189: {  	s15 =	sor.u32 $0xC00, s8;
	s14 =	sadd.s32 $0xF4280, s7  }
0x18a: {  	[tilespmem:s15], [sflag:s5] =	stream.linear.gather [hbm4b:s14+s3], $0x400, $0x38;
	[tilespmem:$0x1EE00] =	vst v63  }
0x18b: {  	s19 =	sor.u32 $0x1400, s8;
	s16 =	sadd.s32 $0x1E8500, s7  }
0x18c: {  	[tilespmem:s19], [sflag:s5] =	stream.linear.gather [hbm4b:s16+s3], $0x400, $0x38;
	[tilespmem:$0x1EE00] =	vst v63  }
0x18d: {  	s11 =	sor.u32 $0x1C00, s8;
	s7 =	sadd.s32 $0x2DC780, s7  }
0x18e: {  	[tilespmem:s11], [sflag:s5] =	stream.linear.gather [hbm4b:s7+s3], $0x400, $0x38;
	[tilespmem:$0x1EE00] =	vst v63  }
0x18f: {  	s7 =	spop (v2sf)  }
0x190: {  	s12 =	sand.u32 $0xFFFFF80, s7  }
0x191: {  	s13 =	sadd.s32 $0xE400, s8;
	s9 =	sadd.s32 s2, s12  }
0x192: {  	[tilespmem:s13], [sflag:s5] =	stream.linear.gather [hbm4b:s9+s3], $0x400, $0x38;
	[tilespmem:$0x1EE00] =	vst v63  }
0x193: {  	s13 =	sadd.s32 $0x5, s21  }
0x194: {  	s15 =	sadd.s32 $0xEC00, s8;
	s14 =	sadd.s32 $0xF4280, s9;
	s12 =	smulhi.u32 $0x92492493, s13  }
0x195: {  	[tilespmem:s15], [sflag:s5] =	stream.linear.gather [hbm4b:s14+s3], $0x400, $0x38;
	[tilespmem:$0x1EE00] =	vst v63  }
0x196: {  	s11 =	sadd.s32 $0xF400, s8;
	s19 =	sadd.s32 $0x1E8500, s9;
	s14 =	sshrl.u32 s12, $0x2  }
0x197: {  	[tilespmem:s11], [sflag:s5] =	stream.linear.gather [hbm4b:s19+s3], $0x400, $0x38;
	[tilespmem:$0x1EE00] =	vst v63  }
0x198: {  	s8 =	sadd.s32 $0xFC00, s8;
	s9 =	sadd.s32 $0x2DC780, s9;
	s10 =	smul.u32 $0x7, s14  }
0x199: {  	[tilespmem:s8], [sflag:s5] =	stream.linear.gather [hbm4b:s9+s3], $0x400, $0x38;
	[tilespmem:$0x1EE00] =	vst v63  }
0x19a: {  	s15 =	ssub.s32 s13, s10  }
0x19b: {  	s5 =	sadd.s32 $0x1, s15  }
0x19c: {  	_ =	swait.ge [sflag:s5], $0x1000  }
0x19d: {  	[sflag:s5] =	ssyncset.done $0x0  }
0x19e: {  	[sflag:s5] =	ssyncadd.s32 $0xFFFFF000  }
0x19f: {  	_ =	swait.ge [sflag:s5], $0x1000  }
0x1a0: {  	(v2sf) =	vpush v6, $0x5;
	_ =	sdelay $0x1  }
0x1a1: {  	(v2sf) =	vpush v5, $0x5;
	_ =	sdelay $0xc  }
0x1a2: {  	s9 =	sshll.u32 s15, $0xD;
	s16 =	spop (v2sf)  }
0x1a3: {  	v7 =	vor.u32 s9, v0;
	s8 =	sand.u32 $0x7F, s16  }
0x1a4: {  	v34 =	vor.u32 s9, v1;
	(v2sf) =	vpush v6, $0xC;
	s19 =	spop (v2sf);
	v8 =	vor.u32 s8, v7  }
0x1a5: {  	s10 =	sand.u32 $0x7F, s19;
	v35 =	vor.u32 s8, v34  }
0x1a6: {  	v7 =	vor.u32 s10, v7  }
0x1a7: {  	[sflag:s5] =	ssyncset.done $0x0;
	v9 =	vor.u32 s10, v34  }
0x1a8: {  	[sflag:s5] =	ssyncadd.s32 $0xFFFFF000  }
0x1a9: {  	v8 =	vld.idx.msk [tilespmem:v8+s23+$0x0], $0xffff  }
0x1aa: {  	v10 =	vld.idx.msk [tilespmem:v35+s23+$0x0], $0xffff  }
0x1ab: {  	s10 =	sor.u32 $0x5, s22;
	v7 =	vld.idx.msk [tilespmem:v7+s28+$0x0], $0xffff  }
0x1ac: {  	v36 =	vmov s10;
	v9 =	vld.idx.msk [tilespmem:v9+s28+$0x0], $0xffff  }
0x1ad: {  	v37 =	vshll.u32 v36, $0x3  }
0x1ae: {  	(v2sf) =	vpush v5, $0xC;
	v11 =	vand.u32 $0x75, v36;
	v12 =	vand.u32 $0xC00, v37  }
0x1af: {  	v11 =	vor.u32 v11, v12  }
0x1b0: {  	v11 =	vadd.s32 v2, v11  }
0x1b1: {  	v7 =	vmul.f32 v7, v8;
	v8 =	vmul.f32 v9, v10;
	_ =	sdelay $0x1  }
0x1b2: {  	v7 =	vadd.f32 v8, v7;
	s16 =	spop (v2sf)  }
0x1b3: {  	s11 =	sand.u32 $0xFFFFF80, s16  }
0x1b4: {  	s12 =	sor.u32 $0x400, s9;
	[tilespmem:v11+s17+$0x0] =	vst.idx.msk $0xffff, v7;
	s8 =	sadd.s32 s1, s11  }
0x1b5: {  	[tilespmem:s12], [sflag:s5] =	stream.linear.gather [hbm4b:s8+s3], $0x400, $0x38;
	[tilespmem:$0x1EE00] =	vst v63  }
0x1b6: {  	s14 =	sor.u32 $0xC00, s9;
	s13 =	sadd.s32 $0xF4280, s8  }
0x1b7: {  	[tilespmem:s14], [sflag:s5] =	stream.linear.gather [hbm4b:s13+s3], $0x400, $0x38;
	[tilespmem:$0x1EE00] =	vst v63  }
0x1b8: {  	s19 =	sor.u32 $0x1400, s9;
	s15 =	sadd.s32 $0x1E8500, s8  }
0x1b9: {  	[tilespmem:s19], [sflag:s5] =	stream.linear.gather [hbm4b:s15+s3], $0x400, $0x38;
	[tilespmem:$0x1EE00] =	vst v63  }
0x1ba: {  	s8 =	sadd.s32 $0x2DC780, s8;
	s12 =	sor.u32 $0x1C00, s9  }
0x1bb: {  	[tilespmem:s12], [sflag:s5] =	stream.linear.gather [hbm4b:s8+s3], $0x400, $0x38;
	[tilespmem:$0x1EE00] =	vst v63  }
0x1bc: {  	s8 =	spop (v2sf)  }
0x1bd: {  	s13 =	sand.u32 $0xFFFFF80, s8  }
0x1be: {  	s14 =	sadd.s32 $0xE400, s9;
	s10 =	sadd.s32 s2, s13  }
0x1bf: {  	[tilespmem:s14], [sflag:s5] =	stream.linear.gather [hbm4b:s10+s3], $0x400, $0x38;
	[tilespmem:$0x1EE00] =	vst v63  }
0x1c0: {  	s19 =	sadd.s32 $0xEC00, s9;
	s15 =	sadd.s32 $0xF4280, s10  }
0x1c1: {  	[tilespmem:s19], [sflag:s5] =	stream.linear.gather [hbm4b:s15+s3], $0x400, $0x38;
	[tilespmem:$0x1EE00] =	vst v63  }
0x1c2: {  	s13 =	sadd.s32 $0xF400, s9;
	s15 =	sadd.s32 $0x6, s21  }
0x1c3: {  	s12 =	sadd.s32 $0x1E8500, s10;
	s14 =	smulhi.u32 $0x92492493, s15  }
0x1c4: {  	[tilespmem:s13], [sflag:s5] =	stream.linear.gather [hbm4b:s12+s3], $0x400, $0x38;
	[tilespmem:$0x1EE00] =	vst v63  }
0x1c5: {  	s19 =	sshrl.u32 s14, $0x2  }
0x1c6: {  	s9 =	sadd.s32 $0xFC00, s9;
	s10 =	sadd.s32 $0x2DC780, s10;
	s11 =	smul.u32 $0x7, s19  }
0x1c7: {  	[tilespmem:s9], [sflag:s5] =	stream.linear.gather [hbm4b:s10+s3], $0x400, $0x38;
	[tilespmem:$0x1EE00] =	vst v63  }
0x1c8: {  	s11 =	ssub.s32 s15, s11  }
0x1c9: {  	s10 =	sadd.s32 $0x1, s11  }
0x1ca: {  	_ =	swait.ge [sflag:s10], $0x1000  }
0x1cb: {  	[sflag:s10] =	ssyncset.done $0x0  }
0x1cc: {  	[sflag:s10] =	ssyncadd.s32 $0xFFFFF000  }
0x1cd: {  	_ =	swait.ge [sflag:s10], $0x1000  }
0x1ce: {  	(v2sf) =	vpush v6, $0x6;
	_ =	sdelay $0x1  }
0x1cf: {  	(v2sf) =	vpush v5, $0x6;
	_ =	sdelay $0xc  }
0x1d0: {  	s11 =	sshll.u32 s11, $0xD;
	s12 =	spop (v2sf)  }
0x1d1: {  	v7 =	vor.u32 s11, v0;
	s5 =	sand.u32 $0x7F, s12  }
0x1d2: {  	v38 =	vor.u32 s11, v1;
	(v2sf) =	vpush v6, $0xD;
	s13 =	spop (v2sf);
	v8 =	vor.u32 s5, v7  }
0x1d3: {  	s9 =	sand.u32 $0x7F, s13;
	v39 =	vor.u32 s5, v38  }
0x1d4: {  	v7 =	vor.u32 s9, v7  }
0x1d5: {  	[sflag:s10] =	ssyncset.done $0x0;
	v9 =	vor.u32 s9, v38  }
0x1d6: {  	[sflag:s10] =	ssyncadd.s32 $0xFFFFF000  }
0x1d7: {  	v8 =	vld.idx.msk [tilespmem:v8+s23+$0x0], $0xffff  }
0x1d8: {  	v10 =	vld.idx.msk [tilespmem:v39+s23+$0x0], $0xffff  }
0x1d9: {  	s14 =	sor.u32 $0x6, s22;
	v7 =	vld.idx.msk [tilespmem:v7+s28+$0x0], $0xffff  }
0x1da: {  	v40 =	vmov s14;
	v9 =	vld.idx.msk [tilespmem:v9+s28+$0x0], $0xffff  }
0x1db: {  	v41 =	vshll.u32 v40, $0x3  }
0x1dc: {  	v11 =	vand.u32 $0x76, v40;
	v12 =	vand.u32 $0xC00, v41;
	(v2sf) =	vpush v5, $0xD  }
0x1dd: {  	v11 =	vor.u32 v11, v12  }
0x1de: {  	v11 =	vadd.s32 v2, v11  }
0x1df: {  	v7 =	vmul.f32 v7, v8;
	v8 =	vmul.f32 v9, v10;
	_ =	sdelay $0x1  }
0x1e0: {  	v7 =	vadd.f32 v8, v7;
	s5 =	spop (v2sf)  }
0x1e1: {  	s15 =	sand.u32 $0xFFFFF80, s5  }
0x1e2: {  	s19 =	sor.u32 $0x400, s11;
	[tilespmem:v11+s17+$0x0] =	vst.idx.msk $0xffff, v7;
	s9 =	sadd.s32 s1, s15  }
0x1e3: {  	[tilespmem:s19], [sflag:s10] =	stream.linear.gather [hbm4b:s9+s3], $0x400, $0x38;
	[tilespmem:$0x1EE00] =	vst v63  }
0x1e4: {  	s14 =	sor.u32 $0xC00, s11;
	s13 =	sadd.s32 $0xF4280, s9  }
0x1e5: {  	[tilespmem:s14], [sflag:s10] =	stream.linear.gather [hbm4b:s13+s3], $0x400, $0x38;
	[tilespmem:$0x1EE00] =	vst v63  }
0x1e6: {  	s15 =	sadd.s32 $0x1E8500, s9;
	s19 =	sor.u32 $0x1400, s11  }
0x1e7: {  	[tilespmem:s19], [sflag:s10] =	stream.linear.gather [hbm4b:s15+s3], $0x400, $0x38;
	[tilespmem:$0x1EE00] =	vst v63  }
0x1e8: {  	s9 =	sadd.s32 $0x2DC780, s9;
	s14 =	sor.u32 $0x1C00, s11  }
0x1e9: {  	[tilespmem:s14], [sflag:s10] =	stream.linear.gather [hbm4b:s9+s3], $0x400, $0x38;
	[tilespmem:$0x1EE00] =	vst v63  }
0x1ea: {  	s9 =	spop (v2sf)  }
0x1eb: {  	s15 =	sand.u32 $0xFFFFF80, s9  }
0x1ec: {  	s19 =	sadd.s32 $0xE400, s11;
	s12 =	sadd.s32 s2, s15  }
0x1ed: {  	[tilespmem:s19], [sflag:s10] =	stream.linear.gather [hbm4b:s12+s3], $0x400, $0x38;
	[tilespmem:$0x1EE00] =	vst v63  }
0x1ee: {  	s15 =	sadd.s32 $0xEC00, s11;
	s14 =	sadd.s32 $0xF4280, s12  }
0x1ef: {  	[tilespmem:s15], [sflag:s10] =	stream.linear.gather [hbm4b:s14+s3], $0x400, $0x38;
	[tilespmem:$0x1EE00] =	vst v63  }
0x1f0: {  	s13 =	sadd.s32 $0x1E8500, s12;
	s14 =	sadd.s32 $0x7, s21  }
0x1f1: {  	s19 =	sadd.s32 $0xF400, s11;
	s15 =	smulhi.u32 $0x92492493, s14  }
0x1f2: {  	[tilespmem:s19], [sflag:s10] =	stream.linear.gather [hbm4b:s13+s3], $0x400, $0x38;
	[tilespmem:$0x1EE00] =	vst v63  }
0x1f3: {  	s19 =	sshrl.u32 s15, $0x2  }
0x1f4: {  	s12 =	sadd.s32 $0x2DC780, s12;
	s11 =	sadd.s32 $0xFC00, s11;
	s13 =	smul.u32 $0x7, s19  }
0x1f5: {  	[tilespmem:s11], [sflag:s10] =	stream.linear.gather [hbm4b:s12+s3], $0x400, $0x38;
	[tilespmem:$0x1EE00] =	vst v63  }
0x1f6: {  	s12 =	ssub.s32 s14, s13  }
0x1f7: {  	s10 =	sadd.s32 $0x1, s12  }
0x1f8: {  	_ =	swait.ge [sflag:s10], $0x1000  }
0x1f9: {  	[sflag:s10] =	ssyncset.done $0x0  }
0x1fa: {  	s11 =	sshll.u32 s12, $0xD;
	[sflag:s10] =	ssyncadd.s32 $0xFFFFF000  }
0x1fb: {  	s13 =	sand.u32 $0x7F, s25;
	v7 =	vor.u32 s11, v0;
	_ =	swait.ge [sflag:s10], $0x1000  }
0x1fc: {  	v42 =	vor.u32 s11, v1;
	v8 =	vor.u32 s13, v7;
	(v2sf) =	vpush v6, $0xE  }
0x1fd: {  	s14 =	sand.u32 $0x7F, s31;
	v43 =	vor.u32 s13, v42  }
0x1fe: {  	v7 =	vor.u32 s14, v7  }
0x1ff: {  	v9 =	vor.u32 s14, v42;
	[sflag:s10] =	ssyncset.done $0x0  }
0x200: {  	[sflag:s10] =	ssyncadd.s32 $0xFFFFF000  }
0x201: {  	v8 =	vld.idx.msk [tilespmem:v8+s23+$0x0], $0xffff  }
0x202: {  	v10 =	vld.idx.msk [tilespmem:v43+s23+$0x0], $0xffff  }
0x203: {  	s15 =	sor.u32 $0x7, s22;
	v7 =	vld.idx.msk [tilespmem:v7+s28+$0x0], $0xffff  }
0x204: {  	v44 =	vmov s15;
	(v2sf) =	vpush v5, $0xE;
	v9 =	vld.idx.msk [tilespmem:v9+s28+$0x0], $0xffff  }
0x205: {  	v45 =	vshll.u32 v44, $0x3  }
0x206: {  	v11 =	vand.u32 $0x77, v44;
	v12 =	vand.u32 $0xC00, v45  }
0x207: {  	v11 =	vor.u32 v11, v12  }
0x208: {  	v11 =	vadd.s32 v2, v11  }
0x209: {  	v7 =	vmul.f32 v7, v8;
	v8 =	vmul.f32 v9, v10;
	_ =	sdelay $0x1  }
0x20a: {  	v7 =	vadd.f32 v8, v7;
	s25 =	spop (v2sf)  }
0x20b: {  	s19 =	sand.u32 $0xFFFFF80, s25  }
0x20c: {  	s31 =	sor.u32 $0x400, s11;
	[tilespmem:v11+s17+$0x0] =	vst.idx.msk $0xffff, v7;
	s12 =	sadd.s32 s1, s19  }
0x20d: {  	[tilespmem:s31], [sflag:s10] =	stream.linear.gather [hbm4b:s12+s3], $0x400, $0x38;
	[tilespmem:$0x1EE00] =	vst v63  }
0x20e: {  	s15 =	sor.u32 $0xC00, s11;
	s14 =	sadd.s32 $0xF4280, s12  }
0x20f: {  	[tilespmem:s15], [sflag:s10] =	stream.linear.gather [hbm4b:s14+s3], $0x400, $0x38;
	[tilespmem:$0x1EE00] =	vst v63  }
0x210: {  	s19 =	sadd.s32 $0x1E8500, s12;
	s31 =	sor.u32 $0x1400, s11  }
0x211: {  	[tilespmem:s31], [sflag:s10] =	stream.linear.gather [hbm4b:s19+s3], $0x400, $0x38;
	[tilespmem:$0x1EE00] =	vst v63  }
0x212: {  	s12 =	sadd.s32 $0x2DC780, s12;
	s31 =	spop (v2sf)  }
0x213: {  	s14 =	sor.u32 $0x1C00, s11;
	s15 =	sand.u32 $0xFFFFF80, s31  }
0x214: {  	[tilespmem:s14], [sflag:s10] =	stream.linear.gather [hbm4b:s12+s3], $0x400, $0x38;
	[tilespmem:$0x1EE00] =	vst v63  }
0x215: {  	s19 =	sadd.s32 $0xE400, s11;
	s12 =	sadd.s32 s2, s15  }
0x216: {  	[tilespmem:s19], [sflag:s10] =	stream.linear.gather [hbm4b:s12+s3], $0x400, $0x38;
	[tilespmem:$0x1EE00] =	vst v63  }
0x217: {  	s15 =	sadd.s32 $0xEC00, s11;
	s14 =	sadd.s32 $0xF4280, s12  }
0x218: {  	[tilespmem:s15], [sflag:s10] =	stream.linear.gather [hbm4b:s14+s3], $0x400, $0x38;
	[tilespmem:$0x1EE00] =	vst v63  }
0x219: {  	s13 =	sadd.s32 $0x1E8500, s12;
	s14 =	sadd.s32 $0x8, s21  }
0x21a: {  	s15 =	sadd.s32 $0xF400, s11;
	s19 =	smulhi.u32 $0x92492493, s14  }
0x21b: {  	[tilespmem:s15], [sflag:s10] =	stream.linear.gather [hbm4b:s13+s3], $0x400, $0x38;
	[tilespmem:$0x1EE00] =	vst v63  }
0x21c: {  	s19 =	sshrl.u32 s19, $0x2  }
0x21d: {  	s12 =	sadd.s32 $0x2DC780, s12;
	s11 =	sadd.s32 $0xFC00, s11;
	s13 =	smul.u32 $0x7, s19  }
0x21e: {  	[tilespmem:s11], [sflag:s10] =	stream.linear.gather [hbm4b:s12+s3], $0x400, $0x38;
	[tilespmem:$0x1EE00] =	vst v63  }
0x21f: {  	s13 =	ssub.s32 s14, s13  }
0x220: {  	s10 =	sadd.s32 $0x1, s13  }
0x221: {  	_ =	swait.ge [sflag:s10], $0x1000  }
0x222: {  	[sflag:s10] =	ssyncset.done $0x0  }
0x223: {  	s11 =	sshll.u32 s13, $0xD;
	[sflag:s10] =	ssyncadd.s32 $0xFFFFF000  }
0x224: {  	s14 =	sand.u32 $0x7F, s26;
	v7 =	vor.u32 s11, v0;
	_ =	swait.ge [sflag:s10], $0x1000  }
0x225: {  	s4 =	sand.u32 $0x7F, s4;
	v8 =	vor.u32 s14, v7;
	(v2sf) =	vpush v6, $0xF  }
0x226: {  	v46 =	vor.u32 s11, v1;
	v7 =	vor.u32 s4, v7  }
0x227: {  	v9 =	vor.u32 s4, v46  }
0x228: {  	v6 =	vor.u32 s14, v46;
	[sflag:s10] =	ssyncset.done $0x0  }
0x229: {  	[sflag:s10] =	ssyncadd.s32 $0xFFFFF000  }
0x22a: {  	v8 =	vld.idx.msk [tilespmem:v8+s23+$0x0], $0xffff  }
0x22b: {  	v7 =	vld.idx.msk [tilespmem:v7+s28+$0x0], $0xffff  }
0x22c: {  	s15 =	sor.u32 $0x8, s22;
	v9 =	vld.idx.msk [tilespmem:v9+s28+$0x0], $0xffff  }
0x22d: {  	v47 =	vmov s15;
	(v2sf) =	vpush v5, $0xF;
	v6 =	vld.idx.msk [tilespmem:v6+s23+$0x0], $0xffff  }
0x22e: {  	v48 =	vshll.u32 v47, $0x3  }
0x22f: {  	v49 =	vand.u32 $0xC00, v48;
	v5 =	vand.u32 $0x78, v47  }
0x230: {  	v5 =	vor.u32 v5, v49  }
0x231: {  	v5 =	vadd.s32 v2, v5  }
0x232: {  	v7 =	vmul.f32 v7, v8;
	v6 =	vmul.f32 v9, v6;
	_ =	sdelay $0x1  }
0x233: {  	v6 =	vadd.f32 v6, v7;
	s4 =	spop (v2sf)  }
0x234: {  	s19 =	sand.u32 $0xFFFFF80, s4  }
0x235: {  	s26 =	sor.u32 $0x400, s11;
	[tilespmem:v5+s17+$0x0] =	vst.idx.msk $0xffff, v6;
	s12 =	sadd.s32 s1, s19  }
0x236: {  	[tilespmem:s26], [sflag:s10] =	stream.linear.gather [hbm4b:s12+s3], $0x400, $0x38;
	[tilespmem:$0x1EE00] =	vst v63  }
0x237: {  	s15 =	sor.u32 $0xC00, s11;
	s14 =	sadd.s32 $0xF4280, s12  }
0x238: {  	[tilespmem:s15], [sflag:s10] =	stream.linear.gather [hbm4b:s14+s3], $0x400, $0x38;
	[tilespmem:$0x1EE00] =	vst v63  }
0x239: {  	s19 =	sadd.s32 $0x1E8500, s12;
	s26 =	sor.u32 $0x1400, s11  }
0x23a: {  	[tilespmem:s26], [sflag:s10] =	stream.linear.gather [hbm4b:s19+s3], $0x400, $0x38;
	[tilespmem:$0x1EE00] =	vst v63  }
0x23b: {  	s12 =	sadd.s32 $0x2DC780, s12;
	s26 =	spop (v2sf)  }
0x23c: {  	s14 =	sor.u32 $0x1C00, s11;
	s15 =	sand.u32 $0xFFFFF80, s26  }
0x23d: {  	[tilespmem:s14], [sflag:s10] =	stream.linear.gather [hbm4b:s12+s3], $0x400, $0x38;
	[tilespmem:$0x1EE00] =	vst v63  }
0x23e: {  	s19 =	sadd.s32 $0xE400, s11;
	s12 =	sadd.s32 s2, s15  }
0x23f: {  	[tilespmem:s19], [sflag:s10] =	stream.linear.gather [hbm4b:s12+s3], $0x400, $0x38;
	[tilespmem:$0x1EE00] =	vst v63  }
0x240: {  	s15 =	sadd.s32 $0xEC00, s11;
	s14 =	sadd.s32 $0xF4280, s12  }
0x241: {  	[tilespmem:s15], [sflag:s10] =	stream.linear.gather [hbm4b:s14+s3], $0x400, $0x38;
	[tilespmem:$0x1EE00] =	vst v63  }
0x242: {  	s13 =	sadd.s32 $0x1E8500, s12;
	s14 =	sadd.s32 $0x9, s21  }
0x243: {  	s15 =	sadd.s32 $0xF400, s11;
	s19 =	smulhi.u32 $0x92492493, s14  }
0x244: {  	[tilespmem:s15], [sflag:s10] =	stream.linear.gather [hbm4b:s13+s3], $0x400, $0x38;
	[tilespmem:$0x1EE00] =	vst v63  }
0x245: {  	s19 =	sshrl.u32 s19, $0x2  }
0x246: {  	s12 =	sadd.s32 $0x2DC780, s12;
	s11 =	sadd.s32 $0xFC00, s11;
	s13 =	smul.u32 $0x7, s19  }
0x247: {  	[tilespmem:s11], [sflag:s10] =	stream.linear.gather [hbm4b:s12+s3], $0x400, $0x38;
	[tilespmem:$0x1EE00] =	vst v63  }
0x248: {  	s11 =	ssub.s32 s14, s13  }
0x249: {  	s10 =	sadd.s32 $0x1, s11  }
0x24a: {  	_ =	swait.ge [sflag:s10], $0x1000  }
0x24b: {  	[sflag:s10] =	ssyncset.done $0x0  }
0x24c: {  	s14 =	sshll.u32 s11, $0xD;
	[sflag:s10] =	ssyncadd.s32 $0xFFFFF000  }
0x24d: {  	p0 =	seq.s32 s20, $0x1F;
	s15 =	sand.u32 $0x7F, s29;
	v5 =	vor.u32 s14, v0;
	_ =	swait.ge [sflag:s10], $0x1000  }
0x24e: {  	v7 =	vor.u32 s14, v1;
	v6 =	vor.u32 s15, v5;
	(v2sf) =	vpush @!p0 v3, $0x0  }
0x24f: {  	s18 =	sand.u32 $0x7F, s18;
	v8 =	vor.u32 s15, v7  }
0x250: {  	v5 =	vor.u32 s18, v5  }
0x251: {  	v7 =	vor.u32 s18, v7;
	[sflag:s10] =	ssyncset.done $0x0  }
0x252: {  	[sflag:s10] =	ssyncadd.s32 $0xFFFFF000  }
0x253: {  	v6 =	vld.idx.msk [tilespmem:v6+s23+$0x0], $0xffff  }
0x254: {  	v8 =	vld.idx.msk [tilespmem:v8+s23+$0x0], $0xffff  }
0x255: {  	s19 =	sor.u32 $0x9, s22;
	v5 =	vld.idx.msk [tilespmem:v5+s28+$0x0], $0xffff  }
0x256: {  	v50 =	vmov s19;
	v7 =	vld.idx.msk [tilespmem:v7+s28+$0x0], $0xffff  }
0x257: {  	v51 =	vshll.u32 v50, $0x3  }
0x258: {  	v9 =	vand.u32 $0x79, v50;
	v10 =	vand.u32 $0xC00, v51;
	(v2sf) =	vpush @!p0 v4, $0x0  }
0x259: {  	v9 =	vor.u32 v9, v10  }
0x25a: {  	v9 =	vadd.s32 v2, v9  }
0x25b: {  	v5 =	vmul.f32 v5, v6;
	v6 =	vmul.f32 v7, v8;
	_ =	sdelay $0x1  }
0x25c: {  	v5 =	vadd.f32 v6, v5;
	s12 =	spop @!p0 (v2sf)  }
0x25d: {  	s11 =	sshll.u32 @!p0 s11, $0xD;
	s12 =	sand.u32 @!p0 $0xFFFFF80, s12  }
0x25e: {  	s13 =	sor.u32 @!p0 $0x400, s11;
	s18 =	simm.s32 @!p0 $0x0;
	[tilespmem:v9+s17+$0x0] =	vst.idx.msk $0xffff, v5;
	s12 =	sadd.s32 @!p0 s1, s12  }
0x25f: {  	[tilespmem:s13], [sflag:s10] =	stream.linear.gather @!p0 [hbm4b:s12+s18], $0x400, $0x38;
	[tilespmem:$0x1EE00] =	vst v63  }
0x260: {  	s14 =	sor.u32 @!p0 $0xC00, s11;
	s13 =	sadd.s32 @!p0 $0xF4280, s12  }
0x261: {  	[tilespmem:s14], [sflag:s10] =	stream.linear.gather @!p0 [hbm4b:s13+s18], $0x400, $0x38;
	[tilespmem:$0x1EE00] =	vst v63  }
0x262: {  	s13 =	sadd.s32 @!p0 $0x1E8500, s12;
	s14 =	sor.u32 @!p0 $0x1400, s11  }
0x263: {  	[tilespmem:s14], [sflag:s10] =	stream.linear.gather @!p0 [hbm4b:s13+s18], $0x400, $0x38;
	[tilespmem:$0x1EE00] =	vst v63  }
0x264: {  	s12 =	sadd.s32 @!p0 $0x2DC780, s12;
	s13 =	sor.u32 @!p0 $0x1C00, s11  }
0x265: {  	[tilespmem:s13], [sflag:s10] =	stream.linear.gather @!p0 [hbm4b:s12+s18], $0x400, $0x38;
	[tilespmem:$0x1EE00] =	vst v63  }
0x266: {  	s12 =	spop @!p0 (v2sf)  }
0x267: {  	s12 =	sand.u32 @!p0 $0xFFFFF80, s12  }
0x268: {  	s13 =	sadd.s32 @!p0 $0xE400, s11;
	s12 =	sadd.s32 @!p0 s2, s12  }
0x269: {  	[tilespmem:s13], [sflag:s10] =	stream.linear.gather @!p0 [hbm4b:s12+s18], $0x400, $0x38;
	[tilespmem:$0x1EE00] =	vst v63  }
0x26a: {  	s14 =	sadd.s32 @!p0 $0xEC00, s11;
	s13 =	sadd.s32 @!p0 $0xF4280, s12  }
0x26b: {  	[tilespmem:s14], [sflag:s10] =	stream.linear.gather @!p0 [hbm4b:s13+s18], $0x400, $0x38;
	[tilespmem:$0x1EE00] =	vst v63  }
0x26c: {  	s15 =	sadd.s32 @!p0 $0xF400, s11;
	s14 =	sadd.s32 $0xA, s21  }
0x26d: {  	s13 =	sadd.s32 @!p0 $0x1E8500, s12;
	s20 =	smulhi.u32 $0x92492493, s14  }
0x26e: {  	[tilespmem:s15], [sflag:s10] =	stream.linear.gather @!p0 [hbm4b:s13+s18], $0x400, $0x38;
	[tilespmem:$0x1EE00] =	vst v63  }
0x26f: {  	s29 =	sshrl.u32 s20, $0x2  }
0x270: {  	s11 =	sadd.s32 @!p0 $0xFC00, s11;
	s12 =	sadd.s32 @!p0 $0x2DC780, s12;
	s13 =	smul.u32 $0x7, s29  }
0x271: {  	[tilespmem:s11], [sflag:s10] =	stream.linear.gather @!p0 [hbm4b:s12+s18], $0x400, $0x38;
	[tilespmem:$0x1EE00] =	vst v63  }
0x272: {  	s11 =	ssub.s32 s14, s13  }
0x273: {  	s10 =	sadd.s32 $0x1, s11  }
0x274: {  	_ =	swait.ge [sflag:s10], $0x1000  }
0x275: {  	[sflag:s10] =	ssyncset.done $0x0  }
0x276: {  	s15 =	sshll.u32 s11, $0xD;
	[sflag:s10] =	ssyncadd.s32 $0xFFFFF000  }
0x277: {  	s19 =	sand.u32 $0x7F, s30;
	v5 =	vor.u32 s15, v0;
	_ =	swait.ge [sflag:s10], $0x1000  }
0x278: {  	v7 =	vor.u32 s15, v1;
	v6 =	vor.u32 s19, v5;
	(v2sf) =	vpush @!p0 v3, $0x1  }
0x279: {  	s6 =	sand.u32 $0x7F, s6;
	v8 =	vor.u32 s19, v7  }
0x27a: {  	v5 =	vor.u32 s6, v5  }
0x27b: {  	v7 =	vor.u32 s6, v7;
	[sflag:s10] =	ssyncset.done $0x0  }
0x27c: {  	[sflag:s10] =	ssyncadd.s32 $0xFFFFF000  }
0x27d: {  	v6 =	vld.idx.msk [tilespmem:v6+s23+$0x0], $0xffff  }
0x27e: {  	v8 =	vld.idx.msk [tilespmem:v8+s23+$0x0], $0xffff  }
0x27f: {  	s20 =	sor.u32 $0xA, s22;
	v5 =	vld.idx.msk [tilespmem:v5+s28+$0x0], $0xffff  }
0x280: {  	v52 =	vmov s20;
	v7 =	vld.idx.msk [tilespmem:v7+s28+$0x0], $0xffff  }
0x281: {  	v53 =	vshll.u32 v52, $0x3  }
0x282: {  	v9 =	vand.u32 $0x7A, v52;
	v10 =	vand.u32 $0xC00, v53;
	(v2sf) =	vpush @!p0 v4, $0x1  }
0x283: {  	v9 =	vor.u32 v9, v10  }
0x284: {  	v9 =	vadd.s32 v2, v9  }
0x285: {  	v5 =	vmul.f32 v5, v6;
	v6 =	vmul.f32 v7, v8;
	_ =	sdelay $0x1  }
0x286: {  	v5 =	vadd.f32 v6, v5;
	s6 =	spop @!p0 (v2sf)  }
0x287: {  	s11 =	sshll.u32 @!p0 s11, $0xD;
	s6 =	sand.u32 @!p0 $0xFFFFF80, s6  }
0x288: {  	s12 =	sor.u32 @!p0 $0x400, s11;
	[tilespmem:v9+s17+$0x0] =	vst.idx.msk $0xffff, v5;
	s6 =	sadd.s32 @!p0 s1, s6  }
0x289: {  	[tilespmem:s12], [sflag:s10] =	stream.linear.gather @!p0 [hbm4b:s6+s18], $0x400, $0x38;
	[tilespmem:$0x1EE00] =	vst v63  }
0x28a: {  	s13 =	sor.u32 @!p0 $0xC00, s11;
	s12 =	sadd.s32 @!p0 $0xF4280, s6  }
0x28b: {  	[tilespmem:s13], [sflag:s10] =	stream.linear.gather @!p0 [hbm4b:s12+s18], $0x400, $0x38;
	[tilespmem:$0x1EE00] =	vst v63  }
0x28c: {  	s12 =	sadd.s32 @!p0 $0x1E8500, s6;
	s13 =	sor.u32 @!p0 $0x1400, s11  }
0x28d: {  	[tilespmem:s13], [sflag:s10] =	stream.linear.gather @!p0 [hbm4b:s12+s18], $0x400, $0x38;
	[tilespmem:$0x1EE00] =	vst v63  }
0x28e: {  	s6 =	sadd.s32 @!p0 $0x2DC780, s6;
	s12 =	sor.u32 @!p0 $0x1C00, s11  }
0x28f: {  	[tilespmem:s12], [sflag:s10] =	stream.linear.gather @!p0 [hbm4b:s6+s18], $0x400, $0x38;
	[tilespmem:$0x1EE00] =	vst v63  }
0x290: {  	s6 =	spop @!p0 (v2sf)  }
0x291: {  	s6 =	sand.u32 @!p0 $0xFFFFF80, s6  }
0x292: {  	s29 =	sadd.s32 $0xB, s21;
	s12 =	sadd.s32 @!p0 $0xE400, s11;
	s6 =	sadd.s32 @!p0 s2, s6  }
0x293: {  	[tilespmem:s12], [sflag:s10] =	stream.linear.gather @!p0 [hbm4b:s6+s18], $0x400, $0x38;
	[tilespmem:$0x1EE00] =	vst v63  }
0x294: {  	s30 =	smulhi.u32 $0x92492493, s29;
	s13 =	sadd.s32 @!p0 $0xEC00, s11;
	s12 =	sadd.s32 @!p0 $0xF4280, s6  }
0x295: {  	[tilespmem:s13], [sflag:s10] =	stream.linear.gather @!p0 [hbm4b:s12+s18], $0x400, $0x38;
	[tilespmem:$0x1EE00] =	vst v63  }
0x296: {  	s14 =	sadd.s32 @!p0 $0xF400, s11;
	s15 =	sshrl.u32 s30, $0x2;
	s12 =	sadd.s32 @!p0 $0x1E8500, s6  }
0x297: {  	[tilespmem:s14], [sflag:s10] =	stream.linear.gather @!p0 [hbm4b:s12+s18], $0x400, $0x38;
	[tilespmem:$0x1EE00] =	vst v63  }
0x298: {  	s11 =	sadd.s32 @!p0 $0xFC00, s11;
	s6 =	sadd.s32 @!p0 $0x2DC780, s6;
	s12 =	smul.u32 $0x7, s15  }
0x299: {  	[tilespmem:s11], [sflag:s10] =	stream.linear.gather @!p0 [hbm4b:s6+s18], $0x400, $0x38;
	[tilespmem:$0x1EE00] =	vst v63  }
0x29a: {  	s10 =	ssub.s32 s29, s12  }
0x29b: {  	s6 =	sadd.s32 $0x1, s10  }
0x29c: {  	_ =	swait.ge [sflag:s6], $0x1000  }
0x29d: {  	[sflag:s6] =	ssyncset.done $0x0  }
0x29e: {  	s19 =	sshll.u32 s10, $0xD;
	[sflag:s6] =	ssyncadd.s32 $0xFFFFF000  }
0x29f: {  	s0 =	sand.u32 $0x7F, s0;
	v5 =	vor.u32 s19, v0;
	_ =	swait.ge [sflag:s6], $0x1000  }
0x2a0: {  	v7 =	vor.u32 s19, v1;
	v6 =	vor.u32 s0, v5;
	(v2sf) =	vpush @!p0 v3, $0x2  }
0x2a1: {  	s7 =	sand.u32 $0x7F, s7;
	v8 =	vor.u32 s0, v7  }
0x2a2: {  	v5 =	vor.u32 s7, v5  }
0x2a3: {  	v7 =	vor.u32 s7, v7;
	[sflag:s6] =	ssyncset.done $0x0  }
0x2a4: {  	[sflag:s6] =	ssyncadd.s32 $0xFFFFF000  }
0x2a5: {  	v6 =	vld.idx.msk [tilespmem:v6+s23+$0x0], $0xffff  }
0x2a6: {  	v8 =	vld.idx.msk [tilespmem:v8+s23+$0x0], $0xffff  }
0x2a7: {  	s20 =	sor.u32 $0xB, s22;
	v5 =	vld.idx.msk [tilespmem:v5+s28+$0x0], $0xffff  }
0x2a8: {  	v54 =	vmov s20;
	v7 =	vld.idx.msk [tilespmem:v7+s28+$0x0], $0xffff  }
0x2a9: {  	v55 =	vshll.u32 v54, $0x3  }
0x2aa: {  	v10 =	vand.u32 $0xC00, v55;
	v9 =	vand.u32 $0x7B, v54;
	(v2sf) =	vpush @!p0 v4, $0x2  }
0x2ab: {  	v9 =	vor.u32 v9, v10  }
0x2ac: {  	v9 =	vadd.s32 v2, v9  }
0x2ad: {  	v5 =	vmul.f32 v5, v6;
	v6 =	vmul.f32 v7, v8;
	_ =	sdelay $0x1  }
0x2ae: {  	v5 =	vadd.f32 v6, v5;
	s0 =	spop @!p0 (v2sf)  }
0x2af: {  	s7 =	sshll.u32 @!p0 s10, $0xD;
	s0 =	sand.u32 @!p0 $0xFFFFF80, s0  }
0x2b0: {  	s10 =	sor.u32 @!p0 $0x400, s7;
	[tilespmem:v9+s17+$0x0] =	vst.idx.msk $0xffff, v5;
	s0 =	sadd.s32 @!p0 s1, s0  }
0x2b1: {  	[tilespmem:s10], [sflag:s6] =	stream.linear.gather @!p0 [hbm4b:s0+s18], $0x400, $0x38;
	[tilespmem:$0x1EE00] =	vst v63  }
0x2b2: {  	s11 =	sor.u32 @!p0 $0xC00, s7;
	s10 =	sadd.s32 @!p0 $0xF4280, s0  }
0x2b3: {  	[tilespmem:s11], [sflag:s6] =	stream.linear.gather @!p0 [hbm4b:s10+s18], $0x400, $0x38;
	[tilespmem:$0x1EE00] =	vst v63  }
0x2b4: {  	s10 =	sadd.s32 @!p0 $0x1E8500, s0;
	s11 =	sor.u32 @!p0 $0x1400, s7  }
0x2b5: {  	[tilespmem:s11], [sflag:s6] =	stream.linear.gather @!p0 [hbm4b:s10+s18], $0x400, $0x38;
	[tilespmem:$0x1EE00] =	vst v63  }
0x2b6: {  	s0 =	sadd.s32 @!p0 $0x2DC780, s0;
	s10 =	sor.u32 @!p0 $0x1C00, s7  }
0x2b7: {  	[tilespmem:s10], [sflag:s6] =	stream.linear.gather @!p0 [hbm4b:s0+s18], $0x400, $0x38;
	[tilespmem:$0x1EE00] =	vst v63  }
0x2b8: {  	s0 =	spop @!p0 (v2sf)  }
0x2b9: {  	s0 =	sand.u32 @!p0 $0xFFFFF80, s0  }
0x2ba: {  	s29 =	sadd.s32 $0xC, s21;
	s10 =	sadd.s32 @!p0 $0xE400, s7;
	s0 =	sadd.s32 @!p0 s2, s0  }
0x2bb: {  	[tilespmem:s10], [sflag:s6] =	stream.linear.gather @!p0 [hbm4b:s0+s18], $0x400, $0x38;
	[tilespmem:$0x1EE00] =	vst v63  }
0x2bc: {  	s30 =	smulhi.u32 $0x92492493, s29;
	s11 =	sadd.s32 @!p0 $0xEC00, s7;
	s10 =	sadd.s32 @!p0 $0xF4280, s0  }
0x2bd: {  	[tilespmem:s11], [sflag:s6] =	stream.linear.gather @!p0 [hbm4b:s10+s18], $0x400, $0x38;
	[tilespmem:$0x1EE00] =	vst v63  }
0x2be: {  	s13 =	sshrl.u32 s30, $0x2;
	s12 =	sadd.s32 @!p0 $0xF400, s7;
	s10 =	sadd.s32 @!p0 $0x1E8500, s0  }
0x2bf: {  	[tilespmem:s12], [sflag:s6] =	stream.linear.gather @!p0 [hbm4b:s10+s18], $0x400, $0x38;
	[tilespmem:$0x1EE00] =	vst v63  }
0x2c0: {  	s7 =	sadd.s32 @!p0 $0xFC00, s7;
	s0 =	sadd.s32 @!p0 $0x2DC780, s0;
	s10 =	smul.u32 $0x7, s13  }
0x2c1: {  	[tilespmem:s7], [sflag:s6] =	stream.linear.gather @!p0 [hbm4b:s0+s18], $0x400, $0x38;
	[tilespmem:$0x1EE00] =	vst v63  }
0x2c2: {  	s6 =	ssub.s32 s29, s10  }
0x2c3: {  	s0 =	sadd.s32 $0x1, s6  }
0x2c4: {  	_ =	swait.ge [sflag:s0], $0x1000  }
0x2c5: {  	[sflag:s0] =	ssyncset.done $0x0  }
0x2c6: {  	s14 =	sshll.u32 s6, $0xD;
	[sflag:s0] =	ssyncadd.s32 $0xFFFFF000  }
0x2c7: {  	s15 =	sand.u32 $0x7F, s16;
	v5 =	vor.u32 s14, v0;
	_ =	swait.ge [sflag:s0], $0x1000  }
0x2c8: {  	v7 =	vor.u32 s14, v1;
	v6 =	vor.u32 s15, v5;
	(v2sf) =	vpush @!p0 v3, $0x3  }
0x2c9: {  	s16 =	sand.u32 $0x7F, s8;
	v8 =	vor.u32 s15, v7  }
0x2ca: {  	v5 =	vor.u32 s16, v5  }
0x2cb: {  	v7 =	vor.u32 s16, v7;
	[sflag:s0] =	ssyncset.done $0x0  }
0x2cc: {  	[sflag:s0] =	ssyncadd.s32 $0xFFFFF000  }
0x2cd: {  	v6 =	vld.idx.msk [tilespmem:v6+s23+$0x0], $0xffff  }
0x2ce: {  	v8 =	vld.idx.msk [tilespmem:v8+s23+$0x0], $0xffff  }
0x2cf: {  	s19 =	sor.u32 $0xC, s22;
	v5 =	vld.idx.msk [tilespmem:v5+s28+$0x0], $0xffff  }
0x2d0: {  	v56 =	vmov s19;
	v7 =	vld.idx.msk [tilespmem:v7+s28+$0x0], $0xffff  }
0x2d1: {  	v57 =	vshll.u32 v56, $0x3  }
0x2d2: {  	v10 =	vand.u32 $0xC00, v57;
	v9 =	vand.u32 $0x7C, v56;
	(v2sf) =	vpush @!p0 v4, $0x3  }
0x2d3: {  	v9 =	vor.u32 v9, v10  }
0x2d4: {  	v9 =	vadd.s32 v2, v9  }
0x2d5: {  	v5 =	vmul.f32 v5, v6;
	v6 =	vmul.f32 v7, v8;
	_ =	sdelay $0x1  }
0x2d6: {  	v5 =	vadd.f32 v6, v5;
	s7 =	spop @!p0 (v2sf)  }
0x2d7: {  	s6 =	sshll.u32 @!p0 s6, $0xD;
	s7 =	sand.u32 @!p0 $0xFFFFF80, s7  }
0x2d8: {  	s8 =	sor.u32 @!p0 $0x400, s6;
	[tilespmem:v9+s17+$0x0] =	vst.idx.msk $0xffff, v5;
	s7 =	sadd.s32 @!p0 s1, s7  }
0x2d9: {  	[tilespmem:s8], [sflag:s0] =	stream.linear.gather @!p0 [hbm4b:s7+s18], $0x400, $0x38;
	[tilespmem:$0x1EE00] =	vst v63  }
0x2da: {  	s10 =	sor.u32 @!p0 $0xC00, s6;
	s8 =	sadd.s32 @!p0 $0xF4280, s7  }
0x2db: {  	[tilespmem:s10], [sflag:s0] =	stream.linear.gather @!p0 [hbm4b:s8+s18], $0x400, $0x38;
	[tilespmem:$0x1EE00] =	vst v63  }
0x2dc: {  	s8 =	sadd.s32 @!p0 $0x1E8500, s7;
	s10 =	sor.u32 @!p0 $0x1400, s6  }
0x2dd: {  	[tilespmem:s10], [sflag:s0] =	stream.linear.gather @!p0 [hbm4b:s8+s18], $0x400, $0x38;
	[tilespmem:$0x1EE00] =	vst v63  }
0x2de: {  	s7 =	sadd.s32 @!p0 $0x2DC780, s7;
	s8 =	sor.u32 @!p0 $0x1C00, s6  }
0x2df: {  	[tilespmem:s8], [sflag:s0] =	stream.linear.gather @!p0 [hbm4b:s7+s18], $0x400, $0x38;
	[tilespmem:$0x1EE00] =	vst v63  }
0x2e0: {  	s7 =	spop @!p0 (v2sf)  }
0x2e1: {  	s7 =	sand.u32 @!p0 $0xFFFFF80, s7  }
0x2e2: {  	s20 =	sadd.s32 $0xD, s21;
	s8 =	sadd.s32 @!p0 $0xE400, s6;
	s7 =	sadd.s32 @!p0 s2, s7  }
0x2e3: {  	[tilespmem:s8], [sflag:s0] =	stream.linear.gather @!p0 [hbm4b:s7+s18], $0x400, $0x38;
	[tilespmem:$0x1EE00] =	vst v63  }
0x2e4: {  	s29 =	smulhi.u32 $0x92492493, s20;
	s10 =	sadd.s32 @!p0 $0xEC00, s6;
	s8 =	sadd.s32 @!p0 $0xF4280, s7  }
0x2e5: {  	[tilespmem:s10], [sflag:s0] =	stream.linear.gather @!p0 [hbm4b:s8+s18], $0x400, $0x38;
	[tilespmem:$0x1EE00] =	vst v63  }
0x2e6: {  	s11 =	sadd.s32 @!p0 $0xF400, s6;
	s30 =	sshrl.u32 s29, $0x2;
	s8 =	sadd.s32 @!p0 $0x1E8500, s7  }
0x2e7: {  	[tilespmem:s11], [sflag:s0] =	stream.linear.gather @!p0 [hbm4b:s8+s18], $0x400, $0x38;
	[tilespmem:$0x1EE00] =	vst v63  }
0x2e8: {  	s6 =	sadd.s32 @!p0 $0xFC00, s6;
	s7 =	sadd.s32 @!p0 $0x2DC780, s7;
	s8 =	smul.u32 $0x7, s30  }
0x2e9: {  	[tilespmem:s6], [sflag:s0] =	stream.linear.gather @!p0 [hbm4b:s7+s18], $0x400, $0x38;
	[tilespmem:$0x1EE00] =	vst v63  }
0x2ea: {  	s6 =	ssub.s32 s20, s8  }
0x2eb: {  	s0 =	sadd.s32 $0x1, s6  }
0x2ec: {  	_ =	swait.ge [sflag:s0], $0x1000  }
0x2ed: {  	[sflag:s0] =	ssyncset.done $0x0  }
0x2ee: {  	s8 =	sshll.u32 s6, $0xD;
	[sflag:s0] =	ssyncadd.s32 $0xFFFFF000  }
0x2ef: {  	s5 =	sand.u32 $0x7F, s5;
	v5 =	vor.u32 s8, v0;
	_ =	swait.ge [sflag:s0], $0x1000  }
0x2f0: {  	v7 =	vor.u32 s8, v1;
	v6 =	vor.u32 s5, v5;
	(v2sf) =	vpush @!p0 v3, $0x4  }
0x2f1: {  	s9 =	sand.u32 $0x7F, s9;
	v8 =	vor.u32 s5, v7  }
0x2f2: {  	v5 =	vor.u32 s9, v5  }
0x2f3: {  	v7 =	vor.u32 s9, v7;
	[sflag:s0] =	ssyncset.done $0x0  }
0x2f4: {  	[sflag:s0] =	ssyncadd.s32 $0xFFFFF000  }
0x2f5: {  	v6 =	vld.idx.msk [tilespmem:v6+s23+$0x0], $0xffff  }
0x2f6: {  	v8 =	vld.idx.msk [tilespmem:v8+s23+$0x0], $0xffff  }
0x2f7: {  	s10 =	sor.u32 $0xD, s22;
	v5 =	vld.idx.msk [tilespmem:v5+s28+$0x0], $0xffff  }
0x2f8: {  	v58 =	vmov s10;
	v7 =	vld.idx.msk [tilespmem:v7+s28+$0x0], $0xffff  }
0x2f9: {  	v59 =	vshll.u32 v58, $0x3  }
0x2fa: {  	v9 =	vand.u32 $0x7D, v58;
	v10 =	vand.u32 $0xC00, v59;
	(v2sf) =	vpush @!p0 v4, $0x4  }
0x2fb: {  	v9 =	vor.u32 v9, v10  }
0x2fc: {  	v9 =	vadd.s32 v2, v9  }
0x2fd: {  	v5 =	vmul.f32 v5, v6;
	v6 =	vmul.f32 v7, v8;
	_ =	sdelay $0x1  }
0x2fe: {  	v5 =	vadd.f32 v6, v5;
	s5 =	spop @!p0 (v2sf)  }
0x2ff: {  	s6 =	sshll.u32 @!p0 s6, $0xD;
	s5 =	sand.u32 @!p0 $0xFFFFF80, s5  }
0x300: {  	s7 =	sor.u32 @!p0 $0x400, s6;
	[tilespmem:v9+s17+$0x0] =	vst.idx.msk $0xffff, v5;
	s5 =	sadd.s32 @!p0 s1, s5  }
0x301: {  	[tilespmem:s7], [sflag:s0] =	stream.linear.gather @!p0 [hbm4b:s5+s18], $0x400, $0x38;
	[tilespmem:$0x1EE00] =	vst v63  }
0x302: {  	s8 =	sor.u32 @!p0 $0xC00, s6;
	s7 =	sadd.s32 @!p0 $0xF4280, s5  }
0x303: {  	[tilespmem:s8], [sflag:s0] =	stream.linear.gather @!p0 [hbm4b:s7+s18], $0x400, $0x38;
	[tilespmem:$0x1EE00] =	vst v63  }
0x304: {  	s7 =	sadd.s32 @!p0 $0x1E8500, s5;
	s8 =	sor.u32 @!p0 $0x1400, s6  }
0x305: {  	[tilespmem:s8], [sflag:s0] =	stream.linear.gather @!p0 [hbm4b:s7+s18], $0x400, $0x38;
	[tilespmem:$0x1EE00] =	vst v63  }
0x306: {  	s5 =	sadd.s32 @!p0 $0x2DC780, s5;
	s7 =	sor.u32 @!p0 $0x1C00, s6  }
0x307: {  	[tilespmem:s7], [sflag:s0] =	stream.linear.gather @!p0 [hbm4b:s5+s18], $0x400, $0x38;
	[tilespmem:$0x1EE00] =	vst v63  }
0x308: {  	s5 =	spop @!p0 (v2sf)  }
0x309: {  	s5 =	sand.u32 @!p0 $0xFFFFF80, s5  }
0x30a: {  	s11 =	sadd.s32 $0xE, s21;
	s7 =	sadd.s32 @!p0 $0xE400, s6;
	s5 =	sadd.s32 @!p0 s2, s5  }
0x30b: {  	[tilespmem:s7], [sflag:s0] =	stream.linear.gather @!p0 [hbm4b:s5+s18], $0x400, $0x38;
	[tilespmem:$0x1EE00] =	vst v63  }
0x30c: {  	s12 =	smulhi.u32 $0x92492493, s11;
	s8 =	sadd.s32 @!p0 $0xEC00, s6;
	s7 =	sadd.s32 @!p0 $0xF4280, s5  }
0x30d: {  	[tilespmem:s8], [sflag:s0] =	stream.linear.gather @!p0 [hbm4b:s7+s18], $0x400, $0x38;
	[tilespmem:$0x1EE00] =	vst v63  }
0x30e: {  	s13 =	sshrl.u32 s12, $0x2;
	s9 =	sadd.s32 @!p0 $0xF400, s6;
	s7 =	sadd.s32 @!p0 $0x1E8500, s5  }
0x30f: {  	[tilespmem:s9], [sflag:s0] =	stream.linear.gather @!p0 [hbm4b:s7+s18], $0x400, $0x38;
	[tilespmem:$0x1EE00] =	vst v63  }
0x310: {  	s6 =	sadd.s32 @!p0 $0xFC00, s6;
	s5 =	sadd.s32 @!p0 $0x2DC780, s5;
	s7 =	smul.u32 $0x7, s13  }
0x311: {  	[tilespmem:s6], [sflag:s0] =	stream.linear.gather @!p0 [hbm4b:s5+s18], $0x400, $0x38;
	[tilespmem:$0x1EE00] =	vst v63  }
0x312: {  	s5 =	ssub.s32 s11, s7  }
0x313: {  	s0 =	sadd.s32 $0x1, s5  }
0x314: {  	_ =	swait.ge [sflag:s0], $0x1000  }
0x315: {  	[sflag:s0] =	ssyncset.done $0x0  }
0x316: {  	s14 =	sshll.u32 s5, $0xD;
	[sflag:s0] =	ssyncadd.s32 $0xFFFFF000  }
0x317: {  	s15 =	sand.u32 $0x7F, s25;
	v5 =	vor.u32 s14, v0;
	_ =	swait.ge [sflag:s0], $0x1000  }
0x318: {  	v7 =	vor.u32 s14, v1;
	v6 =	vor.u32 s15, v5;
	(v2sf) =	vpush @!p0 v3, $0x5  }
0x319: {  	s16 =	sand.u32 $0x7F, s31;
	v8 =	vor.u32 s15, v7  }
0x31a: {  	v5 =	vor.u32 s16, v5  }
0x31b: {  	v7 =	vor.u32 s16, v7;
	[sflag:s0] =	ssyncset.done $0x0  }
0x31c: {  	[sflag:s0] =	ssyncadd.s32 $0xFFFFF000  }
0x31d: {  	v6 =	vld.idx.msk [tilespmem:v6+s23+$0x0], $0xffff  }
0x31e: {  	v8 =	vld.idx.msk [tilespmem:v8+s23+$0x0], $0xffff  }
0x31f: {  	s19 =	sor.u32 $0xE, s22;
	v5 =	vld.idx.msk [tilespmem:v5+s28+$0x0], $0xffff  }
0x320: {  	v60 =	vmov s19;
	v7 =	vld.idx.msk [tilespmem:v7+s28+$0x0], $0xffff  }
0x321: {  	v61 =	vshll.u32 v60, $0x3  }
0x322: {  	v10 =	vand.u32 $0xC00, v61;
	v9 =	vand.u32 $0x7E, v60;
	(v2sf) =	vpush @!p0 v4, $0x5  }
0x323: {  	v9 =	vor.u32 v9, v10  }
0x324: {  	v9 =	vadd.s32 v2, v9  }
0x325: {  	v5 =	vmul.f32 v5, v6;
	v6 =	vmul.f32 v7, v8;
	_ =	sdelay $0x1  }
0x326: {  	v5 =	vadd.f32 v6, v5;
	s6 =	spop @!p0 (v2sf)  }
0x327: {  	s5 =	sshll.u32 @!p0 s5, $0xD;
	s6 =	sand.u32 @!p0 $0xFFFFF80, s6  }
0x328: {  	s7 =	sor.u32 @!p0 $0x400, s5;
	[tilespmem:v9+s17+$0x0] =	vst.idx.msk $0xffff, v5;
	s6 =	sadd.s32 @!p0 s1, s6  }
0x329: {  	[tilespmem:s7], [sflag:s0] =	stream.linear.gather @!p0 [hbm4b:s6+s18], $0x400, $0x38;
	[tilespmem:$0x1EE00] =	vst v63  }
0x32a: {  	s8 =	sor.u32 @!p0 $0xC00, s5;
	s7 =	sadd.s32 @!p0 $0xF4280, s6  }
0x32b: {  	[tilespmem:s8], [sflag:s0] =	stream.linear.gather @!p0 [hbm4b:s7+s18], $0x400, $0x38;
	[tilespmem:$0x1EE00] =	vst v63  }
0x32c: {  	s7 =	sadd.s32 @!p0 $0x1E8500, s6;
	s8 =	sor.u32 @!p0 $0x1400, s5  }
0x32d: {  	[tilespmem:s8], [sflag:s0] =	stream.linear.gather @!p0 [hbm4b:s7+s18], $0x400, $0x38;
	[tilespmem:$0x1EE00] =	vst v63  }
0x32e: {  	s6 =	sadd.s32 @!p0 $0x2DC780, s6;
	s7 =	sor.u32 @!p0 $0x1C00, s5  }
0x32f: {  	[tilespmem:s7], [sflag:s0] =	stream.linear.gather @!p0 [hbm4b:s6+s18], $0x400, $0x38;
	[tilespmem:$0x1EE00] =	vst v63  }
0x330: {  	s6 =	spop @!p0 (v2sf)  }
0x331: {  	s6 =	sand.u32 @!p0 $0xFFFFF80, s6  }
0x332: {  	s20 =	sadd.s32 $0xF, s21;
	s7 =	sadd.s32 @!p0 $0xE400, s5;
	s6 =	sadd.s32 @!p0 s2, s6  }
0x333: {  	[tilespmem:s7], [sflag:s0] =	stream.linear.gather @!p0 [hbm4b:s6+s18], $0x400, $0x38;
	[tilespmem:$0x1EE00] =	vst v63  }
0x334: {  	s21 =	smulhi.u32 $0x92492493, s20;
	s8 =	sadd.s32 @!p0 $0xEC00, s5;
	s7 =	sadd.s32 @!p0 $0xF4280, s6  }
0x335: {  	[tilespmem:s8], [sflag:s0] =	stream.linear.gather @!p0 [hbm4b:s7+s18], $0x400, $0x38;
	[tilespmem:$0x1EE00] =	vst v63  }
0x336: {  	s25 =	sshrl.u32 s21, $0x2;
	s9 =	sadd.s32 @!p0 $0xF400, s5;
	s7 =	sadd.s32 @!p0 $0x1E8500, s6  }
0x337: {  	[tilespmem:s9], [sflag:s0] =	stream.linear.gather @!p0 [hbm4b:s7+s18], $0x400, $0x38;
	[tilespmem:$0x1EE00] =	vst v63  }
0x338: {  	s5 =	sadd.s32 @!p0 $0xFC00, s5;
	s6 =	sadd.s32 @!p0 $0x2DC780, s6;
	s7 =	smul.u32 $0x7, s25  }
0x339: {  	[tilespmem:s5], [sflag:s0] =	stream.linear.gather @!p0 [hbm4b:s6+s18], $0x400, $0x38;
	[tilespmem:$0x1EE00] =	vst v63  }
0x33a: {  	s0 =	ssub.s32 s20, s7  }
0x33b: {  	s5 =	sadd.s32 $0x1, s0  }
0x33c: {  	_ =	swait.ge [sflag:s5], $0x1000  }
0x33d: {  	[sflag:s5] =	ssyncset.done $0x0  }
0x33e: {  	s29 =	sshll.u32 s0, $0xD;
	[sflag:s5] =	ssyncadd.s32 $0xFFFFF000  }
0x33f: {  	s4 =	sand.u32 $0x7F, s4;
	v5 =	vor.u32 s29, v0;
	_ =	swait.ge [sflag:s5], $0x1000  }
0x340: {  	v6 =	vor.u32 s29, v1;
	v7 =	vor.u32 s4, v5;
	(v2sf) =	vpush @!p0 v3, $0x6  }
0x341: {  	s30 =	sand.u32 $0x7F, s26;
	v8 =	vor.u32 s4, v6  }
0x342: {  	v5 =	vor.u32 s30, v5  }
0x343: {  	v6 =	vor.u32 s30, v6;
	[sflag:s5] =	ssyncset.done $0x0  }
0x344: {  	[sflag:s5] =	ssyncadd.s32 $0xFFFFF000  }
0x345: {  	v7 =	vld.idx.msk [tilespmem:v7+s23+$0x0], $0xffff  }
0x346: {  	v8 =	vld.idx.msk [tilespmem:v8+s23+$0x0], $0xffff  }
0x347: {  	s31 =	sor.u32 $0xF, s22;
	v5 =	vld.idx.msk [tilespmem:v5+s28+$0x0], $0xffff  }
0x348: {  	v62 =	vmov s31;
	v6 =	vld.idx.msk [tilespmem:v6+s28+$0x0], $0xffff  }
0x349: {  	v63 =	vshll.u32 v62, $0x3  }
0x34a: {  	v10 =	vand.u32 $0xC00, v63;
	v9 =	vand.u32 $0x7F, v62;
	(v2sf) =	vpush @!p0 v4, $0x6  }
0x34b: {  	v9 =	vor.u32 v9, v10  }
0x34c: {  	v9 =	vadd.s32 v2, v9  }
0x34d: {  	v5 =	vmul.f32 v5, v7;
	v6 =	vmul.f32 v6, v8;
	_ =	sdelay $0x1  }
0x34e: {  	v5 =	vadd.f32 v6, v5;
	s4 =	spop @!p0 (v2sf)  }
0x34f: {  	s0 =	sshll.u32 @!p0 s0, $0xD;
	s4 =	sand.u32 @!p0 $0xFFFFF80, s4  }
0x350: {  	s6 =	sor.u32 @!p0 $0x400, s0;
	[tilespmem:v9+s17+$0x0] =	vst.idx.msk $0xffff, v5;
	s4 =	sadd.s32 @!p0 s1, s4  }
0x351: {  	[tilespmem:s6], [sflag:s5] =	stream.linear.gather @!p0 [hbm4b:s4+s18], $0x400, $0x38;
	[tilespmem:$0x1EE00] =	vst v63  }
0x352: {  	s7 =	sor.u32 @!p0 $0xC00, s0;
	s6 =	sadd.s32 @!p0 $0xF4280, s4  }
0x353: {  	[tilespmem:s7], [sflag:s5] =	stream.linear.gather @!p0 [hbm4b:s6+s18], $0x400, $0x38;
	[tilespmem:$0x1EE00] =	vst v63  }
0x354: {  	s6 =	sadd.s32 @!p0 $0x1E8500, s4;
	s7 =	sor.u32 @!p0 $0x1400, s0  }
0x355: {  	[tilespmem:s7], [sflag:s5] =	stream.linear.gather @!p0 [hbm4b:s6+s18], $0x400, $0x38;
	[tilespmem:$0x1EE00] =	vst v63  }
0x356: {  	s4 =	sadd.s32 @!p0 $0x2DC780, s4;
	s6 =	sor.u32 @!p0 $0x1C00, s0  }
0x357: {  	[tilespmem:s6], [sflag:s5] =	stream.linear.gather @!p0 [hbm4b:s4+s18], $0x400, $0x38;
	[tilespmem:$0x1EE00] =	vst v63  }
0x358: {  	s4 =	spop @!p0 (v2sf)  }
0x359: {  	s4 =	sand.u32 @!p0 $0xFFFFF80, s4  }
0x35a: {  	s6 =	sadd.s32 @!p0 $0xE400, s0;
	s4 =	sadd.s32 @!p0 s2, s4  }
0x35b: {  	[tilespmem:s6], [sflag:s5] =	stream.linear.gather @!p0 [hbm4b:s4+s18], $0x400, $0x38;
	[tilespmem:$0x1EE00] =	vst v63  }
0x35c: {  	s7 =	sadd.s32 @!p0 $0xEC00, s0;
	s6 =	sadd.s32 @!p0 $0xF4280, s4  }
0x35d: {  	[tilespmem:s7], [sflag:s5] =	stream.linear.gather @!p0 [hbm4b:s6+s18], $0x400, $0x38;
	[tilespmem:$0x1EE00] =	vst v63  }
0x35e: {  	s6 =	sadd.s32 @!p0 $0x1E8500, s4;
	s7 =	sadd.s32 @!p0 $0xF400, s0  }
0x35f: {  	[tilespmem:s7], [sflag:s5] =	stream.linear.gather @!p0 [hbm4b:s6+s18], $0x400, $0x38;
	[tilespmem:$0x1EE00] =	vst v63  }
0x360: {  	p1 =	sne.s32 @!p0 s24, $0x20;
	s4 =	sadd.s32 @!p0 $0x2DC780, s4;
	s0 =	sadd.s32 @!p0 $0xFC00, s0  }
0x361: {  	[tilespmem:s0], [sflag:s5] =	stream.linear.gather @!p0 [hbm4b:s4+s18], $0x400, $0x38;
	[tilespmem:$0x1EE00] =	vst v63  }
0x362: {  	p0 =	por p0, !p1  }
.Ltmp0:
0x363: {  	_ = 	snop;
	(pc) =	sbr.rel @!p0 .LBB2_2-.Ltmp0, $2  }
0x364: {  	_ =	sdelay $0x2  }
0x365: {  	s20 =	smov.u32 s24;
	v6 =	vmov v3;
	v5 =	vmov v4  }
0x366: {  	s0 =	simm.s32 $0x0  }
0x367: {  	s4 =	sand.u32 $0x70, s0;
	s0 =	sand.u32 $0xC00, s0  }
0x368: {  	s0 =	sor.u32 s4, s0  }
0x369: {  	s4 =	sadd.s32 $0x1C400, s0;
	v4 =	vld [tilespmem:s0+$0x1C400]  }
0x36a: {  	v3 =	vld [tilespmem:s4+$0x80];
	_ =	sdelay $0x1  }
0x36b: {  	v5 =	vld [tilespmem:s4+$0x100];
	_ =	sdelay $0x1  }
0x36c: {  	v6 =	vld [tilespmem:s4+$0x180]  }
0x36d: {  	v3 =	vadd.f32 v3, v4  }
0x36e: {  	v4 =	vld [tilespmem:s4+$0x200]  }
0x36f: {  	v3 =	vadd.f32 v5, v3  }
0x370: {  	v5 =	vld [tilespmem:s4+$0x280]  }
0x371: {  	v3 =	vadd.f32 v6, v3  }
0x372: {  	v60 =	vld [tilespmem:s4+$0x300]  }
0x373: {  	v3 =	vadd.f32 v4, v3  }
0x374: {  	v4 =	vld [tilespmem:s4+$0x380]  }
0x375: {  	v3 =	vadd.f32 v5, v3  }
0x376: {  	v5 =	vld [tilespmem:s0+$0x1D800]  }
0x377: {  	v3 =	vadd.f32 v60, v3  }
0x378: {  	v61 =	vld [tilespmem:s0+$0x1D880]  }
0x379: {  	v3 =	vadd.f32 v4, v3  }
0x37a: {  	v4 =	vld [tilespmem:s0+$0x1D900]  }
0x37b: {  	v3 =	vadd.f32 v5, v3  }
0x37c: {  	v5 =	vld [tilespmem:s0+$0x1D980]  }
0x37d: {  	v3 =	vadd.f32 v61, v3  }
0x37e: {  	v62 =	vld [tilespmem:s0+$0x1DA00]  }
0x37f: {  	v3 =	vadd.f32 v4, v3  }
0x380: {  	v4 =	vld [tilespmem:s0+$0x1DA80]  }
0x381: {  	v3 =	vadd.f32 v5, v3  }
0x382: {  	v5 =	vld [tilespmem:s0+$0x1DB00]  }
0x383: {  	v3 =	vadd.f32 v62, v3  }
0x384: {  	v63 =	vld [tilespmem:s0+$0x1DB80]  }
0x385: {  	v3 =	vadd.f32 v4, v3;
	_ =	sdelay $0x1  }
0x386: {  	v3 =	vadd.f32 v5, v3;
	_ =	sdelay $0x1  }
0x387: {  	v3 =	vadd.f32 v63, v3;
	_ =	sdelay $0x1  }
0x388: {  	v3 =	vsub.f32 $0.0e+00, v3;
	_ =	sdelay $0x1  }
0x389: {  	v3 =	vmul.f32 $1.442695020e+00, v3;
	_ =	sdelay $0x1  }
0x38a: {  	(erf) = vpow2.f32 v3;
	_ =	sdelay $0x8  }
0x38b: {  	v3 =	vpop (erf)  }
0x38c: {  	v3 =	vadd.f32 $1.000000000e+00, v3;
	_ =	sdelay $0x1  }
0x38d: {  	(erf) = vrcp.f32 v3;
	_ =	sdelay $0x6  }
0x38e: {  	s31 =	simm.s32 $0x10;
	s4 =	simm.s32 $0x80  }
0x38f: {  	s5 =	sand.u32 $0x70, s31;
	s6 =	sand.u32 $0xC00, s4  }
0x390: {  	s6 =	sor.u32 s5, s6;
	s5 =	simm.s32 $0x20;
	s0 =	simm.s32 $0x1EC00;
	v3 =	vpop (erf)  }
.LBB2_4:
0x391: {  	p0 =	sne.s32 s5, $0x1F0;
	s7 =	sadd.s32 $0x1C400, s6;
	[tilespmem:s0+$0x0] =	vst v3  }
0x392: {  	v3 =	vld [tilespmem:s7+$0x80]  }
0x393: {  	v4 =	vld [tilespmem:s6+$0x1C400];
	_ =	sdelay $0x1  }
0x394: {  	v5 =	vld [tilespmem:s7+$0x100];
	_ =	sdelay $0x1  }
0x395: {  	v6 =	vld [tilespmem:s7+$0x180]  }
0x396: {  	v3 =	vadd.f32 v3, v4  }
0x397: {  	v4 =	vld [tilespmem:s7+$0x200]  }
0x398: {  	v3 =	vadd.f32 v5, v3  }
0x399: {  	v5 =	vld [tilespmem:s7+$0x280]  }
0x39a: {  	v3 =	vadd.f32 v6, v3  }
0x39b: {  	v6 =	vld [tilespmem:s7+$0x300]  }
0x39c: {  	v3 =	vadd.f32 v4, v3  }
0x39d: {  	v4 =	vld [tilespmem:s7+$0x380]  }
0x39e: {  	v3 =	vadd.f32 v5, v3  }
0x39f: {  	v5 =	vld [tilespmem:s6+$0x1D800]  }
0x3a0: {  	v3 =	vadd.f32 v6, v3  }
0x3a1: {  	v6 =	vld [tilespmem:s6+$0x1D880]  }
0x3a2: {  	v3 =	vadd.f32 v4, v3  }
0x3a3: {  	v4 =	vld [tilespmem:s6+$0x1D900]  }
0x3a4: {  	v3 =	vadd.f32 v5, v3  }
0x3a5: {  	v5 =	vld [tilespmem:s6+$0x1D980]  }
0x3a6: {  	v3 =	vadd.f32 v6, v3  }
0x3a7: {  	v6 =	vld [tilespmem:s6+$0x1DA00]  }
0x3a8: {  	v3 =	vadd.f32 v4, v3  }
0x3a9: {  	v4 =	vld [tilespmem:s6+$0x1DA80]  }
0x3aa: {  	v3 =	vadd.f32 v5, v3  }
0x3ab: {  	v5 =	vld [tilespmem:s6+$0x1DB00]  }
0x3ac: {  	v3 =	vadd.f32 v6, v3  }
0x3ad: {  	v6 =	vld [tilespmem:s6+$0x1DB80]  }
0x3ae: {  	v3 =	vadd.f32 v4, v3;
	_ =	sdelay $0x1  }
0x3af: {  	v3 =	vadd.f32 v5, v3;
	_ =	sdelay $0x1  }
0x3b0: {  	v3 =	vadd.f32 v6, v3;
	_ =	sdelay $0x1  }
0x3b1: {  	v3 =	vsub.f32 $0.0e+00, v3;
	_ =	sdelay $0x1  }
0x3b2: {  	v3 =	vmul.f32 $1.442695020e+00, v3;
	_ =	sdelay $0x1  }
0x3b3: {  	(erf) = vpow2.f32 v3;
	_ =	sdelay $0x8  }
0x3b4: {  	v3 =	vpop (erf)  }
0x3b5: {  	v3 =	vadd.f32 $1.000000000e+00, v3;
	_ =	sdelay $0x1  }
0x3b6: {  	(erf) = vrcp.f32 v3;
	_ =	sdelay $0x4  }
.Ltmp1:
0x3b7: {  	(pc) =	sbr.rel @p0 .LBB2_4-.Ltmp1, $4  }
0x3b8: {  	_ = 	snop  }
0x3b9: {  	s4 =	sadd.s32 $0x80, s4  }
0x3ba: {  	s7 =	sand.u32 $0xC00, s4;
	s6 =	sand.u32 $0x70, s5  }
0x3bb: {  	s0 =	sadd.s32 $0x10, s0;
	s5 =	sadd.s32 $0x10, s5;
	s6 =	sor.u32 s6, s7;
	v3 =	vpop (erf)  }
0x3bc: {  	s4 =	sadd.s32 $0x1C400, s6;
	[tilespmem:s0+$0x0] =	vst v3  }
0x3bd: {  	v3 =	vld [tilespmem:s4+$0x80]  }
0x3be: {  	v4 =	vld [tilespmem:s6+$0x1C400];
	_ =	sdelay $0x1  }
0x3bf: {  	v5 =	vld [tilespmem:s4+$0x100];
	_ =	sdelay $0x1  }
0x3c0: {  	v6 =	vld [tilespmem:s4+$0x180]  }
0x3c1: {  	v3 =	vadd.f32 v3, v4  }
0x3c2: {  	v52 =	vld [tilespmem:s4+$0x200]  }
0x3c3: {  	v3 =	vadd.f32 v5, v3  }
0x3c4: {  	v53 =	vld [tilespmem:s4+$0x280]  }
0x3c5: {  	v3 =	vadd.f32 v6, v3  }
0x3c6: {  	v54 =	vld [tilespmem:s4+$0x300]  }
0x3c7: {  	v3 =	vadd.f32 v52, v3  }
0x3c8: {  	v55 =	vld [tilespmem:s4+$0x380]  }
0x3c9: {  	v3 =	vadd.f32 v53, v3  }
0x3ca: {  	v56 =	vld [tilespmem:s6+$0x1D800]  }
0x3cb: {  	v3 =	vadd.f32 v54, v3  }
0x3cc: {  	v57 =	vld [tilespmem:s6+$0x1D880]  }
0x3cd: {  	v3 =	vadd.f32 v55, v3  }
0x3ce: {  	v58 =	vld [tilespmem:s6+$0x1D900]  }
0x3cf: {  	v3 =	vadd.f32 v56, v3  }
0x3d0: {  	v59 =	vld [tilespmem:s6+$0x1D980]  }
0x3d1: {  	v3 =	vadd.f32 v57, v3  }
0x3d2: {  	v60 =	vld [tilespmem:s6+$0x1DA00]  }
0x3d3: {  	v3 =	vadd.f32 v58, v3  }
0x3d4: {  	v61 =	vld [tilespmem:s6+$0x1DA80]  }
0x3d5: {  	v3 =	vadd.f32 v59, v3  }
0x3d6: {  	v62 =	vld [tilespmem:s6+$0x1DB00]  }
0x3d7: {  	v3 =	vadd.f32 v60, v3  }
0x3d8: {  	v63 =	vld [tilespmem:s6+$0x1DB80]  }
0x3d9: {  	v3 =	vadd.f32 v61, v3;
	_ =	sdelay $0x1  }
0x3da: {  	v3 =	vadd.f32 v62, v3;
	_ =	sdelay $0x1  }
0x3db: {  	v3 =	vadd.f32 v63, v3;
	_ =	sdelay $0x1  }
0x3dc: {  	v3 =	vsub.f32 $0.0e+00, v3;
	_ =	sdelay $0x1  }
0x3dd: {  	v3 =	vmul.f32 $1.442695020e+00, v3;
	_ =	sdelay $0x1  }
0x3de: {  	(erf) = vpow2.f32 v3;
	_ =	sdelay $0x8  }
0x3df: {  	v3 =	vpop (erf)  }
0x3e0: {  	v3 =	vadd.f32 $1.000000000e+00, v3;
	_ =	sdelay $0x1  }
0x3e1: {  	(erf) = vrcp.f32 v3;
	_ =	sdelay $0x8  }
0x3e2: {  	s26 =	sadd.s32 $0x10, s0;
	v3 =	vpop (erf)  }
0x3e3: {  	s29 =	rddreg [dreg:$0xd];
	s30 =	simm.s32 $0x1EC00;
	s4 =	simm.s32 $0x8;
	[tilespmem:s26+$0x0] =	vst v3  }
0x3e4: {  	[hbm4b:s29+s3] =	stream.linear.scatter [tilespmem:s30], [sflag:$0x8], $0x200, $0x38;
	[tilespmem:$0x1EE00] =	vst v63  }
0x3e5: {  	_ =	swait.ge [sflag:s4], $0x200  }
0x3e6: {  	s5 =	rddreg [dreg:$0xf]  }
0x3e7: {  	s31 =	rddreg [dreg:$0xe];
	s5 =	sadd.s32 $0x1, s5  }
0x3e8: {  	p0 =	sne.s32 s5, s31  }
.Ltmp2:
0x3e9: {  	_ = 	snop;
	(pc) =	sbr.rel @p0 .LBB2_1-.Ltmp2, $3  }
0x3ea: {  	_ =	sdelay $0x1  }
0x3eb: {  	[sflag:s4] =	ssyncset.done $0x0  }
0x3ec: {  	[sflag:s4] =	ssyncadd.s32 $0xFFFFFE00  }
0x3ed: {  	_ =	sfence.sel $0x180000  }
0x3ee: {  	[bflag:$0x0] =	sbarrier.arrive $0xFFFF  }
0x3ef: {  	_ =	strace $0x90000047  }
0x3f0: {  	s0 =	stileid.u32;
	[bflag:$0x2] =	sbarrier.arrive $0xFFFF  }
0x3f1: {  	p0 =	sne.s32 s0, $0x0;
	s0 =	rddreg [dreg:$0x4]  }
0x3f2: {  	s0 =	sadd.s32 @!p0 $0x100000, s0  }
0x3f3: {  	[sflag:s0] =	ssyncadd.tile.s32 @!p0 $0x1;
	_ =	shalt  }
.Lfunc_end2:
_tile_overlayer_lowered:
.L_overlay_start_2:
0x3f4: {  	(tag) =	ssettag $0x2  }
0x3f5: {  	s0 =	rddreg [dreg:$0x0];
	s2 =	stileid.u32  }
0x3f6: {  	s1 =	rddreg [dreg:$0x1];
	p0 =	sne.s32 s2, $0x0  }
0x3f7: {  	s3 =	rddreg [dreg:$0x2];
	[bflag:$0x3] =	sbarrier.arrive $0xFFFF;
	s2 =	simm.s32 @!p0 $0x1C08  }
0x3f8: {  	[timem:s3], [sflag:s2] =	dma.local @!p0 [hbm:s0], s1  }
0x3f9: {  	s0 =	simm.s32 @!p0 $0x8  }
0x3fa: {  	_ =	swait.ge @!p0 [sflag:s0], s1  }
0x3fb: {  	s1 =	ssub.s32 @!p0 $0x0, s1;
	[sflag:s0] =	ssyncset.done @!p0 $0x0  }
0x3fc: {  	[sflag:s0] =	ssyncadd.s32 @!p0 s1  }
0x3fd: {  	[bflag:$0x3] =	sbarrier.arrive $0xFFFF  }
0x3fe: {  	_ =	shalt  }

</sc_bundles>
